<compile_context>
chip_gen: v7x
topology: tpu7x:2x2x1
jax: 0.10.2.dev20260603
libtpu: 0.0.44.dev20260713+nightly
codegen_flags: <defaults>
</compile_context>

<pallas_src>
import functools

import jax
import jax.numpy as jnp
from jax import lax
from jax.experimental import pallas as pl
from jax.experimental.pallas import tpu as pltpu
from jax.experimental.pallas import tpu_sc as plsc

N = 10000
E = 320000
F = 128
D = 256
C = 10
G = 128

NPAD = 10240
HALF = 128
E_PAD = 327680
R = 64
TR_E = 160
TR_F = 320
CH_F = 64
NCH_F = TR_F // CH_F
CH_E = 32
NCH_E = TR_E // CH_E
ROWS_PER_TILE = NPAD // 16
NBUF = 4
DUMP = N

def _make_sc_body(ch, nch, r, acc_rows, nbuf):
    rows_per_tile = acc_rows // 16
    zchunks = rows_per_tile // r
    assert ch % nbuf == 0

    def body(tab_hbm, src_hbm, dst_hbm, z_hbm, out_hbm, *scratch):
        src_v, dst_v = scratch[0], scratch[1]
        bufs = list(scratch[2:2 + nbuf])
        acc = scratch[2 + nbuf]
        sgs = list(scratch[3 + nbuf:3 + 2 * nbuf])
        sss = list(scratch[3 + 2 * nbuf:3 + 3 * nbuf])
        c = lax.axis_index("c")
        s = lax.axis_index("s")
        wid = c * 16 + s

        def wait(sem, buf):
            pltpu.make_async_copy(z_hbm, buf, sem).wait()

        pltpu.sync_copy(z_hbm, bufs[0])
        for k in range(zchunks):
            pltpu.sync_copy(bufs[0], acc.at[pl.ds((s * zchunks + k) * r, r)])
        plsc.subcore_barrier()

        def chunk(ci, carry):
            pltpu.sync_copy(src_hbm.at[wid, pl.ds(ci * ch, ch)], src_v)
            pltpu.sync_copy(dst_hbm.at[wid, pl.ds(ci * ch, ch)], dst_v)
            for k in range(nbuf - 1):
                pltpu.async_copy(tab_hbm.at[src_v.at[k]], bufs[k], sgs[k])

            def group(jq, carry2):
                for k in range(nbuf):
                    j = nbuf * jq + k
                    km = (k + nbuf - 1) % nbuf
                    wait(sgs[k], bufs[k])
                    pltpu.async_copy(bufs[k], acc.at[dst_v.at[j]],
                                     sss[k], add=True)

                    @pl.when(jnp.logical_and(j >= 1, j + nbuf - 1 < ch))
                    def _():
                        wait(sss[km], bufs[km])

                    @pl.when(j + nbuf - 1 < ch)
                    def _():
                        pltpu.async_copy(tab_hbm.at[src_v.at[j + nbuf - 1]],
                                         bufs[km], sgs[km])

                return carry2

            lax.fori_loop(0, ch // nbuf, group, carry, unroll=False)
            for k in range(nbuf):
                wait(sss[k], bufs[k])
            return carry

        lax.fori_loop(0, nch, chunk, 0, unroll=False)
        plsc.subcore_barrier()
        pltpu.sync_copy(acc.at[pl.ds(s * rows_per_tile, rows_per_tile)],
                        out_hbm.at[c, pl.ds(s * rows_per_tile, rows_per_tile)])

    return body


def _build_sc(mesh, ch, nch, r, w, acc_rows, nbuf):
    return pl.kernel(
        _make_sc_body(ch, nch, r, acc_rows, nbuf),
        out_type=jax.ShapeDtypeStruct((2, acc_rows, w), jnp.float32),
        mesh=mesh,
        scratch_types=(
            [pltpu.VMEM((ch, r), jnp.int32),
             pltpu.VMEM((ch, r), jnp.int32)]
            + [pltpu.VMEM((r, w), jnp.float32)] * nbuf
            + [pltpu.VMEM_SHARED((acc_rows, w), jnp.float32)]
            + [pltpu.SemaphoreType.DMA] * (2 * nbuf)
        ),
    )


@functools.lru_cache(maxsize=1)
def _get_sc_kernels():
    mesh = plsc.VectorSubcoreMesh(core_axis_name="c", subcore_axis_name="s",
                                  num_cores=2, num_subcores=16)
    return (_build_sc(mesh, CH_E, NCH_E, R, HALF, NPAD, NBUF),
            _build_sc(mesh, CH_F, NCH_F, R, HALF, NPAD, NBUF))


BN = 1024
NB = NPAD // BN


def _mlp1_body(x_ref, p_ref, A_ref, c_ref, W2_ref, b2_ref, o_ref):
    u = x_ref[...] + p_ref[0] + p_ref[1]
    y = jnp.dot(u, A_ref[...], preferred_element_type=jnp.float32) + c_ref[...]
    y = jnp.maximum(y, 0.0)
    z = jnp.dot(y, W2_ref[...], preferred_element_type=jnp.float32) + b2_ref[...]
    z = jnp.maximum(z, 0.0)
    o_ref[0] = z[:, :HALF]
    o_ref[1] = z[:, HALF:]


def _mlpN_body(h_ref, a_ref, A_ref, c_ref, W2_ref, b2_ref, o_ref):
    u = jnp.concatenate([h_ref[0] + a_ref[0], h_ref[1] + a_ref[1]], axis=1)
    y = jnp.dot(u, A_ref[...], preferred_element_type=jnp.float32) + c_ref[...]
    y = jnp.maximum(y, 0.0)
    z = jnp.dot(y, W2_ref[...], preferred_element_type=jnp.float32) + b2_ref[...]
    z = jnp.maximum(z, 0.0)
    o_ref[0] = z[:, :HALF]
    o_ref[1] = z[:, HALF:]


_full = lambda i: (0, 0)
_rows1 = pl.BlockSpec((BN, HALF), lambda i: (i, 0))
_rows2 = pl.BlockSpec((2, BN, HALF), lambda i: (0, i, 0))
_wspec = pl.BlockSpec((D, D), _full)
_w1spec = pl.BlockSpec((F, D), _full)
_bspec = pl.BlockSpec((1, D), _full)

_mlp1 = pl.pallas_call(
    _mlp1_body,
    grid=(NB,),
    in_specs=[_rows1, _rows2, _w1spec, _bspec, _wspec, _bspec],
    out_specs=_rows2,
    out_shape=jax.ShapeDtypeStruct((2, NPAD, HALF), jnp.float32),
    compiler_params=pltpu.CompilerParams(
        dimension_semantics=("parallel",)),
)

_mlpN = pl.pallas_call(
    _mlpN_body,
    grid=(NB,),
    in_specs=[_rows2, _rows2, _wspec, _bspec, _wspec, _bspec],
    out_specs=_rows2,
    out_shape=jax.ShapeDtypeStruct((2, NPAD, HALF), jnp.float32),
    compiler_params=pltpu.CompilerParams(
        dimension_semantics=("parallel",)),
)


def _pool_body(h_ref, b_ref, L1_ref, lb1_ref, L2_ref, lb2_ref, o_ref, hg_acc):
    i = pl.program_id(0)

    @pl.when(i == 0)
    def _():
        hg_acc[...] = jnp.zeros_like(hg_acc)

    b = b_ref[0, 0, :]
    oneh = (b[None, :] == lax.broadcasted_iota(jnp.int32, (G, BN), 0)
            ).astype(jnp.float32)
    hrow = jnp.concatenate([h_ref[0], h_ref[1]], axis=1)
    hg_acc[...] += jnp.dot(oneh, hrow, preferred_element_type=jnp.float32)

    @pl.when(i == NB - 1)
    def _():
        hg = hg_acc[...]
        t = jnp.dot(hg, L1_ref[...], preferred_element_type=jnp.float32)
        t = jnp.maximum(t + lb1_ref[...], 0.0)
        z = jnp.dot(t, L2_ref[...], preferred_element_type=jnp.float32)
        z = z + lb2_ref[...]
        m = jnp.max(z, axis=1, keepdims=True)
        lse = jnp.log(jnp.sum(jnp.exp(z - m), axis=1, keepdims=True)) + m
        o_ref[...] = z - lse


_pool = pl.pallas_call(
    _pool_body,
    grid=(NB,),
    in_specs=[_rows2,
              pl.BlockSpec((1, 1, BN), lambda i: (i, 0, 0)),
              _wspec, _bspec,
              pl.BlockSpec((D, 128), _full),
              pl.BlockSpec((1, 128), _full)],
    out_specs=pl.BlockSpec((G, 128), _full),
    out_shape=jax.ShapeDtypeStruct((G, 128), jnp.float32),
    scratch_shapes=[pltpu.VMEM((G, D), jnp.float32)],
    compiler_params=pltpu.CompilerParams(
        dimension_semantics=("arbitrary",)),
)


def kernel(x, edge_index, batch,
           conv1_W1, conv1_b1, conv1_g, conv1_bb, conv1_W2, conv1_b2,
           conv2_W1, conv2_b1, conv2_g, conv2_bb, conv2_W2, conv2_b2,
           conv3_W1, conv3_b1, conv3_g, conv3_bb, conv3_W2, conv3_b2,
           conv4_W1, conv4_b1, conv4_g, conv4_bb, conv4_W2, conv4_b2,
           conv5_W1, conv5_b1, conv5_g, conv5_bb, conv5_W2, conv5_b2,
           lin1_W, lin1_b, lin2_W, lin2_b):
    f32 = jnp.float32
    x_pad = jnp.concatenate(
        [x, jnp.zeros((NPAD - N, F), f32)], axis=0)

    src = edge_index[0]
    dst = edge_index[1]
    pad = E_PAD - E
    src_p = jnp.concatenate([src, jnp.zeros((pad,), jnp.int32)])
    dst_p = jnp.concatenate([dst, jnp.full((pad,), DUMP, jnp.int32)])
    assert E_PAD == 32 * TR_E * R == 16 * TR_F * R
    src_e = src_p.reshape(32, TR_E, R)
    dst_e = dst_p.reshape(32, TR_E, R)
    src16 = src_p.reshape(16, TR_F, R)
    dst16 = dst_p.reshape(16, TR_F, R)
    src_f = jnp.concatenate([src16, src16 + NPAD], axis=0)
    dst_f = jnp.concatenate([dst16, dst16], axis=0)
    zeros128 = jnp.zeros((R, HALF), f32)

    inv = 1.0 / jnp.sqrt(jnp.float32(1.0 + 1e-5))

    def fold(W1, b1, g, bb):
        gs = g * inv
        return W1 * gs[None, :], (b1 * gs + bb)[None, :]

    params = [
        fold(conv1_W1, conv1_b1, conv1_g, conv1_bb) + (conv1_W2, conv1_b2[None, :]),
        fold(conv2_W1, conv2_b1, conv2_g, conv2_bb) + (conv2_W2, conv2_b2[None, :]),
        fold(conv3_W1, conv3_b1, conv3_g, conv3_bb) + (conv3_W2, conv3_b2[None, :]),
        fold(conv4_W1, conv4_b1, conv4_g, conv4_bb) + (conv4_W2, conv4_b2[None, :]),
        fold(conv5_W1, conv5_b1, conv5_g, conv5_bb) + (conv5_W2, conv5_b2[None, :]),
    ]

    sc_layer1, sc_layerN = _get_sc_kernels()

    p1 = sc_layer1(x_pad, src_e, dst_e, zeros128)
    A, cvec, W2, b2 = params[0]
    h = _mlp1(x_pad, p1, A, cvec, W2, b2)

    for li in range(1, 5):
        a = sc_layerN(h.reshape(2 * NPAD, HALF), src_f, dst_f, zeros128)
        A, cvec, W2, b2 = params[li]
        h = _mlpN(h, a, A, cvec, W2, b2)

    batch_p = jnp.concatenate(
        [batch, jnp.full((NPAD - N,), G, jnp.int32)]).reshape(NB, 1, BN)
    L2p = jnp.concatenate(
        [lin2_W, jnp.zeros((D, 128 - C), f32)], axis=1)
    lb2p = jnp.concatenate(
        [lin2_b, jnp.full((128 - C,), -1e30, f32)])[None, :]
    out = _pool(h, batch_p, lin1_W, lin1_b[None, :], L2p, lb2p)
    return out[:, :C]

# --- scband reference (transcript-rebuilt; emitter-appended) ---
"""Pipeline reference for scband-cat-gnn-gin-1-17523466567801 (READ-ONLY COPY).

The authoritative reference and input builder live on the scoring server;
editing this copy changes nothing except your own understanding.
"""

import jax, jax.numpy as jnp
import numpy as np

N = 10000
E = 320000
F = 128
D = 256
C = 10
G = 128

def _mk_layer(key, din, dout):
    k1, k2, k3, k4 = jax.random.split(key, 4)
    s1 = 1.0 / np.sqrt(din)
    s2 = 1.0 / np.sqrt(dout)
    return (jax.random.uniform(k1, (din, dout), jnp.float32, -s1, s1),
            jax.random.uniform(k2, (dout,), jnp.float32, -s1, s1),
            jnp.ones((dout,), jnp.float32),
            jnp.zeros((dout,), jnp.float32),
            jax.random.uniform(k3, (dout, dout), jnp.float32, -s2, s2),
            jax.random.uniform(k4, (dout,), jnp.float32, -s2, s2))

def setup_inputs(seed: int = 0):
    key = jax.random.key(seed)
    ks = jax.random.split(key, 16)
    inp = {}
    inp["x"] = jax.random.normal(ks[0], (N, F), dtype=jnp.float32)
    inp["edge_index"] = jax.random.randint(ks[1], (2, E), 0, N, dtype=jnp.int32)
    inp["batch"] = jnp.sort(jax.random.randint(ks[2], (N,), 0, G, dtype=jnp.int32))
    dims = [F, D, D, D, D]
    for i in range(5):
        W1, b1, g, bb, W2, b2 = _mk_layer(ks[3 + i], dims[i], D)
        inp[f"conv{i+1}_W1"] = W1
        inp[f"conv{i+1}_b1"] = b1
        inp[f"conv{i+1}_g"] = g
        inp[f"conv{i+1}_bb"] = bb
        inp[f"conv{i+1}_W2"] = W2
        inp[f"conv{i+1}_b2"] = b2
    s = 1.0 / np.sqrt(D)
    inp["lin1_W"] = jax.random.uniform(ks[8], (D, D), jnp.float32, -s, s)
    inp["lin1_b"] = jax.random.uniform(ks[9], (D,), jnp.float32, -s, s)
    inp["lin2_W"] = jax.random.uniform(ks[10], (D, C), jnp.float32, -s, s)
    inp["lin2_b"] = jax.random.uniform(ks[11], (C,), jnp.float32, -s, s)
    return inp

def _gin(x, edge_index, W1, b1, g, bb, W2, b2):
    src = edge_index[0]
    dst = edge_index[1]
    aggr = jax.ops.segment_sum(x[src], dst, num_segments=x.shape[0])
    h = x + aggr  # GIN with eps = 0: (1 + eps) * x + sum_j x_j
    h = h @ W1 + b1
    h = h * (g / jnp.sqrt(1.0 + 1e-5)) + bb  # BatchNorm1d, eval mode (running_mean=0, running_var=1)
    h = jax.nn.relu(h)
    h = h @ W2 + b2
    return jax.nn.relu(h)

def reference(x, edge_index, batch,
              conv1_W1, conv1_b1, conv1_g, conv1_bb, conv1_W2, conv1_b2,
              conv2_W1, conv2_b1, conv2_g, conv2_bb, conv2_W2, conv2_b2,
              conv3_W1, conv3_b1, conv3_g, conv3_bb, conv3_W2, conv3_b2,
              conv4_W1, conv4_b1, conv4_g, conv4_bb, conv4_W2, conv4_b2,
              conv5_W1, conv5_b1, conv5_g, conv5_bb, conv5_W2, conv5_b2,
              lin1_W, lin1_b, lin2_W, lin2_b):
    p = {
        "conv1_W1": conv1_W1, "conv1_b1": conv1_b1, "conv1_g": conv1_g,
        "conv1_bb": conv1_bb, "conv1_W2": conv1_W2, "conv1_b2": conv1_b2,
        "conv2_W1": conv2_W1, "conv2_b1": conv2_b1, "conv2_g": conv2_g,
        "conv2_bb": conv2_bb, "conv2_W2": conv2_W2, "conv2_b2": conv2_b2,
        "conv3_W1": conv3_W1, "conv3_b1": conv3_b1, "conv3_g": conv3_g,
        "conv3_bb": conv3_bb, "conv3_W2": conv3_W2, "conv3_b2": conv3_b2,
        "conv4_W1": conv4_W1, "conv4_b1": conv4_b1, "conv4_g": conv4_g,
        "conv4_bb": conv4_bb, "conv4_W2": conv4_W2, "conv4_b2": conv4_b2,
        "conv5_W1": conv5_W1, "conv5_b1": conv5_b1, "conv5_g": conv5_g,
        "conv5_bb": conv5_bb, "conv5_W2": conv5_W2, "conv5_b2": conv5_b2,
        "lin1_W": lin1_W, "lin1_b": lin1_b, "lin2_W": lin2_W, "lin2_b": lin2_b,
    }
    h = x
    for i in range(5):
        h = _gin(h, edge_index,
                 p[f"conv{i+1}_W1"], p[f"conv{i+1}_b1"],
                 p[f"conv{i+1}_g"], p[f"conv{i+1}_bb"],
                 p[f"conv{i+1}_W2"], p[f"conv{i+1}_b2"])
    hg = jax.ops.segment_sum(h, batch, num_segments=G)  # global_add_pool
    z = jax.nn.relu(hg @ p["lin1_W"] + p["lin1_b"])
    # dropout is identity in eval mode
    z = z @ p["lin2_W"] + p["lin2_b"]
    return jax.nn.log_softmax(z, axis=-1)

if __name__ == "__main__":
    import jax
    _d = setup_inputs()
    print(jax.jit(kernel)(*tuple(_d.values())))

</pallas_src>

<mosaic_0001>
#map = affine_map<(d0, d1) -> (0, 0)>
#map1 = affine_map<(d0, d1) -> (0, 0, 0)>
module attributes {stable_mosaic.version = 14 : i64} {
  func.func @body(%arg0: i32, %arg1: i32, %arg2: memref<10240x128xf32, #tpu.memory_space<hbm>>, %arg3: memref<32x160x64xi32, #tpu.memory_space<hbm>>, %arg4: memref<32x160x64xi32, #tpu.memory_space<hbm>>, %arg5: memref<64x128xf32, #tpu.memory_space<hbm>>, %arg6: memref<2x10240x128xf32, #tpu.memory_space<hbm>>, %arg7: memref<32x64xi32, #tpu.memory_space<vmem>>, %arg8: memref<32x64xi32, #tpu.memory_space<vmem>>, %arg9: memref<64x128xf32, #tpu.memory_space<vmem>>, %arg10: memref<64x128xf32, #tpu.memory_space<vmem>>, %arg11: memref<64x128xf32, #tpu.memory_space<vmem>>, %arg12: memref<64x128xf32, #tpu.memory_space<vmem>>, %arg13: memref<10240x128xf32, #tpu.memory_space<vmem_shared>>, %arg14: memref<!tpu.dma_semaphore, #tpu.memory_space<semaphore_mem>>, %arg15: memref<!tpu.dma_semaphore, #tpu.memory_space<semaphore_mem>>, %arg16: memref<!tpu.dma_semaphore, #tpu.memory_space<semaphore_mem>>, %arg17: memref<!tpu.dma_semaphore, #tpu.memory_space<semaphore_mem>>, %arg18: memref<!tpu.dma_semaphore, #tpu.memory_space<semaphore_mem>>, %arg19: memref<!tpu.dma_semaphore, #tpu.memory_space<semaphore_mem>>, %arg20: memref<!tpu.dma_semaphore, #tpu.memory_space<semaphore_mem>>, %arg21: memref<!tpu.dma_semaphore, #tpu.memory_space<semaphore_mem>>) attributes {dimension_semantics = [#tpu.dimension_semantics<core_parallel>, #tpu.dimension_semantics<subcore_parallel>], iteration_bounds = array<i64: 2, 16>, scalar_prefetch = 0 : i64, scratch_operands = 15 : i64, tpu.core_type = #tpu.core_type<sc_vector_subcore>, window_params = [{transform_indices = #map}, {transform_indices = #map1}, {transform_indices = #map1}, {transform_indices = #map}, {transform_indices = #map1}]} {
    %mul3A = arith.constant 16 : i32
    %mul3A_0 = arith.muli %arg0, %mul3A : i32
    %add3A = arith.addi %mul3A_0, %arg1 : i32
    "tpu.region"() ({
      %run_scoped3A = tpu.sem_alloc : memref<!tpu.dma_semaphore, #tpu.memory_space<semaphore_mem>>
      tpu.enqueue_dma source(%arg5 : memref<64x128xf32, #tpu.memory_space<hbm>>) target(%arg9 : memref<64x128xf32, #tpu.memory_space<vmem>>) target_semaphore(%run_scoped3A : memref<!tpu.dma_semaphore, #tpu.memory_space<semaphore_mem>>)
      tpu.wait_dma2 semaphore(%run_scoped3A : memref<!tpu.dma_semaphore, #tpu.memory_space<semaphore_mem>>) src(%arg5 : memref<64x128xf32, #tpu.memory_space<hbm>>) dst(%arg9 : memref<64x128xf32, #tpu.memory_space<vmem>>)
      tpu.yield
    }) : () -> ()
    %mul3A_1 = arith.constant 10 : i32
    %mul3A_2 = arith.muli %arg1, %mul3A_1 : i32
    %add3A_3 = arith.constant 0 : i32
    %add3A_4 = arith.addi %mul3A_2, %add3A_3 : i32
    %mul3A_5 = arith.constant 64 : i32
    %mul3A_6 = arith.muli %add3A_4, %mul3A_5 : i32
    "tpu.region"() ({
      %run_scoped3A = tpu.sem_alloc : memref<!tpu.dma_semaphore, #tpu.memory_space<semaphore_mem>>
      %dma_start3A = arith.constant 0 : i32
      %dma_start3A_71 = tpu.memref_slice %arg13[%mul3A_6, %dma_start3A] : memref<10240x128xf32, #tpu.memory_space<vmem_shared>> -> memref<64x128xf32, #tpu.memory_space<vmem_shared>>
      %dma_start3A_72 = arith.constant 0 : i32
      %dma_start3A_73 = tpu.memref_slice %arg13[%mul3A_6, %dma_start3A_72] : memref<10240x128xf32, #tpu.memory_space<vmem_shared>> -> memref<64x128xf32, #tpu.memory_space<vmem_shared>>
      tpu.enqueue_dma source(%arg9 : memref<64x128xf32, #tpu.memory_space<vmem>>) target(%dma_start3A_73 : memref<64x128xf32, #tpu.memory_space<vmem_shared>>) target_semaphore(%run_scoped3A : memref<!tpu.dma_semaphore, #tpu.memory_space<semaphore_mem>>)
      %dma_wait3A = arith.constant 0 : i32
      %dma_wait3A_74 = tpu.memref_slice %arg13[%mul3A_6, %dma_wait3A] : memref<10240x128xf32, #tpu.memory_space<vmem_shared>> -> memref<64x128xf32, #tpu.memory_space<vmem_shared>>
      %dma_wait3A_75 = arith.constant 0 : i32
      %dma_wait3A_76 = tpu.memref_slice %arg13[%mul3A_6, %dma_wait3A_75] : memref<10240x128xf32, #tpu.memory_space<vmem_shared>> -> memref<64x128xf32, #tpu.memory_space<vmem_shared>>
      tpu.wait_dma2 semaphore(%run_scoped3A : memref<!tpu.dma_semaphore, #tpu.memory_space<semaphore_mem>>) src(%arg9 : memref<64x128xf32, #tpu.memory_space<vmem>>) dst(%dma_wait3A_76 : memref<64x128xf32, #tpu.memory_space<vmem_shared>>)
      tpu.yield
    }) : () -> ()
    %mul3A_7 = arith.constant 10 : i32
    %mul3A_8 = arith.muli %arg1, %mul3A_7 : i32
    %add3A_9 = arith.constant 1 : i32
    %add3A_10 = arith.addi %mul3A_8, %add3A_9 : i32
    %mul3A_11 = arith.constant 64 : i32
    %mul3A_12 = arith.muli %add3A_10, %mul3A_11 : i32
    "tpu.region"() ({
      %run_scoped3A = tpu.sem_alloc : memref<!tpu.dma_semaphore, #tpu.memory_space<semaphore_mem>>
      %dma_start3A = arith.constant 0 : i32
      %dma_start3A_71 = tpu.memref_slice %arg13[%mul3A_12, %dma_start3A] : memref<10240x128xf32, #tpu.memory_space<vmem_shared>> -> memref<64x128xf32, #tpu.memory_space<vmem_shared>>
      %dma_start3A_72 = arith.constant 0 : i32
      %dma_start3A_73 = tpu.memref_slice %arg13[%mul3A_12, %dma_start3A_72] : memref<10240x128xf32, #tpu.memory_space<vmem_shared>> -> memref<64x128xf32, #tpu.memory_space<vmem_shared>>
      tpu.enqueue_dma source(%arg9 : memref<64x128xf32, #tpu.memory_space<vmem>>) target(%dma_start3A_73 : memref<64x128xf32, #tpu.memory_space<vmem_shared>>) target_semaphore(%run_scoped3A : memref<!tpu.dma_semaphore, #tpu.memory_space<semaphore_mem>>)
      %dma_wait3A = arith.constant 0 : i32
      %dma_wait3A_74 = tpu.memref_slice %arg13[%mul3A_12, %dma_wait3A] : memref<10240x128xf32, #tpu.memory_space<vmem_shared>> -> memref<64x128xf32, #tpu.memory_space<vmem_shared>>
      %dma_wait3A_75 = arith.constant 0 : i32
      %dma_wait3A_76 = tpu.memref_slice %arg13[%mul3A_12, %dma_wait3A_75] : memref<10240x128xf32, #tpu.memory_space<vmem_shared>> -> memref<64x128xf32, #tpu.memory_space<vmem_shared>>
      tpu.wait_dma2 semaphore(%run_scoped3A : memref<!tpu.dma_semaphore, #tpu.memory_space<semaphore_mem>>) src(%arg9 : memref<64x128xf32, #tpu.memory_space<vmem>>) dst(%dma_wait3A_76 : memref<64x128xf32, #tpu.memory_space<vmem_shared>>)
      tpu.yield
    }) : () -> ()
    %mul3A_13 = arith.constant 10 : i32
    %mul3A_14 = arith.muli %arg1, %mul3A_13 : i32
    %add3A_15 = arith.constant 2 : i32
    %add3A_16 = arith.addi %mul3A_14, %add3A_15 : i32
    %mul3A_17 = arith.constant 64 : i32
    %mul3A_18 = arith.muli %add3A_16, %mul3A_17 : i32
    "tpu.region"() ({
      %run_scoped3A = tpu.sem_alloc : memref<!tpu.dma_semaphore, #tpu.memory_space<semaphore_mem>>
      %dma_start3A = arith.constant 0 : i32
      %dma_start3A_71 = tpu.memref_slice %arg13[%mul3A_18, %dma_start3A] : memref<10240x128xf32, #tpu.memory_space<vmem_shared>> -> memref<64x128xf32, #tpu.memory_space<vmem_shared>>
      %dma_start3A_72 = arith.constant 0 : i32
      %dma_start3A_73 = tpu.memref_slice %arg13[%mul3A_18, %dma_start3A_72] : memref<10240x128xf32, #tpu.memory_space<vmem_shared>> -> memref<64x128xf32, #tpu.memory_space<vmem_shared>>
      tpu.enqueue_dma source(%arg9 : memref<64x128xf32, #tpu.memory_space<vmem>>) target(%dma_start3A_73 : memref<64x128xf32, #tpu.memory_space<vmem_shared>>) target_semaphore(%run_scoped3A : memref<!tpu.dma_semaphore, #tpu.memory_space<semaphore_mem>>)
      %dma_wait3A = arith.constant 0 : i32
      %dma_wait3A_74 = tpu.memref_slice %arg13[%mul3A_18, %dma_wait3A] : memref<10240x128xf32, #tpu.memory_space<vmem_shared>> -> memref<64x128xf32, #tpu.memory_space<vmem_shared>>
      %dma_wait3A_75 = arith.constant 0 : i32
      %dma_wait3A_76 = tpu.memref_slice %arg13[%mul3A_18, %dma_wait3A_75] : memref<10240x128xf32, #tpu.memory_space<vmem_shared>> -> memref<64x128xf32, #tpu.memory_space<vmem_shared>>
      tpu.wait_dma2 semaphore(%run_scoped3A : memref<!tpu.dma_semaphore, #tpu.memory_space<semaphore_mem>>) src(%arg9 : memref<64x128xf32, #tpu.memory_space<vmem>>) dst(%dma_wait3A_76 : memref<64x128xf32, #tpu.memory_space<vmem_shared>>)
      tpu.yield
    }) : () -> ()
    %mul3A_19 = arith.constant 10 : i32
    %mul3A_20 = arith.muli %arg1, %mul3A_19 : i32
    %add3A_21 = arith.constant 3 : i32
    %add3A_22 = arith.addi %mul3A_20, %add3A_21 : i32
    %mul3A_23 = arith.constant 64 : i32
    %mul3A_24 = arith.muli %add3A_22, %mul3A_23 : i32
    "tpu.region"() ({
      %run_scoped3A = tpu.sem_alloc : memref<!tpu.dma_semaphore, #tpu.memory_space<semaphore_mem>>
      %dma_start3A = arith.constant 0 : i32
      %dma_start3A_71 = tpu.memref_slice %arg13[%mul3A_24, %dma_start3A] : memref<10240x128xf32, #tpu.memory_space<vmem_shared>> -> memref<64x128xf32, #tpu.memory_space<vmem_shared>>
      %dma_start3A_72 = arith.constant 0 : i32
      %dma_start3A_73 = tpu.memref_slice %arg13[%mul3A_24, %dma_start3A_72] : memref<10240x128xf32, #tpu.memory_space<vmem_shared>> -> memref<64x128xf32, #tpu.memory_space<vmem_shared>>
      tpu.enqueue_dma source(%arg9 : memref<64x128xf32, #tpu.memory_space<vmem>>) target(%dma_start3A_73 : memref<64x128xf32, #tpu.memory_space<vmem_shared>>) target_semaphore(%run_scoped3A : memref<!tpu.dma_semaphore, #tpu.memory_space<semaphore_mem>>)
      %dma_wait3A = arith.constant 0 : i32
      %dma_wait3A_74 = tpu.memref_slice %arg13[%mul3A_24, %dma_wait3A] : memref<10240x128xf32, #tpu.memory_space<vmem_shared>> -> memref<64x128xf32, #tpu.memory_space<vmem_shared>>
      %dma_wait3A_75 = arith.constant 0 : i32
      %dma_wait3A_76 = tpu.memref_slice %arg13[%mul3A_24, %dma_wait3A_75] : memref<10240x128xf32, #tpu.memory_space<vmem_shared>> -> memref<64x128xf32, #tpu.memory_space<vmem_shared>>
      tpu.wait_dma2 semaphore(%run_scoped3A : memref<!tpu.dma_semaphore, #tpu.memory_space<semaphore_mem>>) src(%arg9 : memref<64x128xf32, #tpu.memory_space<vmem>>) dst(%dma_wait3A_76 : memref<64x128xf32, #tpu.memory_space<vmem_shared>>)
      tpu.yield
    }) : () -> ()
    %mul3A_25 = arith.constant 10 : i32
    %mul3A_26 = arith.muli %arg1, %mul3A_25 : i32
    %add3A_27 = arith.constant 4 : i32
    %add3A_28 = arith.addi %mul3A_26, %add3A_27 : i32
    %mul3A_29 = arith.constant 64 : i32
    %mul3A_30 = arith.muli %add3A_28, %mul3A_29 : i32
    "tpu.region"() ({
      %run_scoped3A = tpu.sem_alloc : memref<!tpu.dma_semaphore, #tpu.memory_space<semaphore_mem>>
      %dma_start3A = arith.constant 0 : i32
      %dma_start3A_71 = tpu.memref_slice %arg13[%mul3A_30, %dma_start3A] : memref<10240x128xf32, #tpu.memory_space<vmem_shared>> -> memref<64x128xf32, #tpu.memory_space<vmem_shared>>
      %dma_start3A_72 = arith.constant 0 : i32
      %dma_start3A_73 = tpu.memref_slice %arg13[%mul3A_30, %dma_start3A_72] : memref<10240x128xf32, #tpu.memory_space<vmem_shared>> -> memref<64x128xf32, #tpu.memory_space<vmem_shared>>
      tpu.enqueue_dma source(%arg9 : memref<64x128xf32, #tpu.memory_space<vmem>>) target(%dma_start3A_73 : memref<64x128xf32, #tpu.memory_space<vmem_shared>>) target_semaphore(%run_scoped3A : memref<!tpu.dma_semaphore, #tpu.memory_space<semaphore_mem>>)
      %dma_wait3A = arith.constant 0 : i32
      %dma_wait3A_74 = tpu.memref_slice %arg13[%mul3A_30, %dma_wait3A] : memref<10240x128xf32, #tpu.memory_space<vmem_shared>> -> memref<64x128xf32, #tpu.memory_space<vmem_shared>>
      %dma_wait3A_75 = arith.constant 0 : i32
      %dma_wait3A_76 = tpu.memref_slice %arg13[%mul3A_30, %dma_wait3A_75] : memref<10240x128xf32, #tpu.memory_space<vmem_shared>> -> memref<64x128xf32, #tpu.memory_space<vmem_shared>>
      tpu.wait_dma2 semaphore(%run_scoped3A : memref<!tpu.dma_semaphore, #tpu.memory_space<semaphore_mem>>) src(%arg9 : memref<64x128xf32, #tpu.memory_space<vmem>>) dst(%dma_wait3A_76 : memref<64x128xf32, #tpu.memory_space<vmem_shared>>)
      tpu.yield
    }) : () -> ()
    %mul3A_31 = arith.constant 10 : i32
    %mul3A_32 = arith.muli %arg1, %mul3A_31 : i32
    %add3A_33 = arith.constant 5 : i32
    %add3A_34 = arith.addi %mul3A_32, %add3A_33 : i32
    %mul3A_35 = arith.constant 64 : i32
    %mul3A_36 = arith.muli %add3A_34, %mul3A_35 : i32
    "tpu.region"() ({
      %run_scoped3A = tpu.sem_alloc : memref<!tpu.dma_semaphore, #tpu.memory_space<semaphore_mem>>
      %dma_start3A = arith.constant 0 : i32
      %dma_start3A_71 = tpu.memref_slice %arg13[%mul3A_36, %dma_start3A] : memref<10240x128xf32, #tpu.memory_space<vmem_shared>> -> memref<64x128xf32, #tpu.memory_space<vmem_shared>>
      %dma_start3A_72 = arith.constant 0 : i32
      %dma_start3A_73 = tpu.memref_slice %arg13[%mul3A_36, %dma_start3A_72] : memref<10240x128xf32, #tpu.memory_space<vmem_shared>> -> memref<64x128xf32, #tpu.memory_space<vmem_shared>>
      tpu.enqueue_dma source(%arg9 : memref<64x128xf32, #tpu.memory_space<vmem>>) target(%dma_start3A_73 : memref<64x128xf32, #tpu.memory_space<vmem_shared>>) target_semaphore(%run_scoped3A : memref<!tpu.dma_semaphore, #tpu.memory_space<semaphore_mem>>)
      %dma_wait3A = arith.constant 0 : i32
      %dma_wait3A_74 = tpu.memref_slice %arg13[%mul3A_36, %dma_wait3A] : memref<10240x128xf32, #tpu.memory_space<vmem_shared>> -> memref<64x128xf32, #tpu.memory_space<vmem_shared>>
      %dma_wait3A_75 = arith.constant 0 : i32
      %dma_wait3A_76 = tpu.memref_slice %arg13[%mul3A_36, %dma_wait3A_75] : memref<10240x128xf32, #tpu.memory_space<vmem_shared>> -> memref<64x128xf32, #tpu.memory_space<vmem_shared>>
      tpu.wait_dma2 semaphore(%run_scoped3A : memref<!tpu.dma_semaphore, #tpu.memory_space<semaphore_mem>>) src(%arg9 : memref<64x128xf32, #tpu.memory_space<vmem>>) dst(%dma_wait3A_76 : memref<64x128xf32, #tpu.memory_space<vmem_shared>>)
      tpu.yield
    }) : () -> ()
    %mul3A_37 = arith.constant 10 : i32
    %mul3A_38 = arith.muli %arg1, %mul3A_37 : i32
    %add3A_39 = arith.constant 6 : i32
    %add3A_40 = arith.addi %mul3A_38, %add3A_39 : i32
    %mul3A_41 = arith.constant 64 : i32
    %mul3A_42 = arith.muli %add3A_40, %mul3A_41 : i32
    "tpu.region"() ({
      %run_scoped3A = tpu.sem_alloc : memref<!tpu.dma_semaphore, #tpu.memory_space<semaphore_mem>>
      %dma_start3A = arith.constant 0 : i32
      %dma_start3A_71 = tpu.memref_slice %arg13[%mul3A_42, %dma_start3A] : memref<10240x128xf32, #tpu.memory_space<vmem_shared>> -> memref<64x128xf32, #tpu.memory_space<vmem_shared>>
      %dma_start3A_72 = arith.constant 0 : i32
      %dma_start3A_73 = tpu.memref_slice %arg13[%mul3A_42, %dma_start3A_72] : memref<10240x128xf32, #tpu.memory_space<vmem_shared>> -> memref<64x128xf32, #tpu.memory_space<vmem_shared>>
      tpu.enqueue_dma source(%arg9 : memref<64x128xf32, #tpu.memory_space<vmem>>) target(%dma_start3A_73 : memref<64x128xf32, #tpu.memory_space<vmem_shared>>) target_semaphore(%run_scoped3A : memref<!tpu.dma_semaphore, #tpu.memory_space<semaphore_mem>>)
      %dma_wait3A = arith.constant 0 : i32
      %dma_wait3A_74 = tpu.memref_slice %arg13[%mul3A_42, %dma_wait3A] : memref<10240x128xf32, #tpu.memory_space<vmem_shared>> -> memref<64x128xf32, #tpu.memory_space<vmem_shared>>
      %dma_wait3A_75 = arith.constant 0 : i32
      %dma_wait3A_76 = tpu.memref_slice %arg13[%mul3A_42, %dma_wait3A_75] : memref<10240x128xf32, #tpu.memory_space<vmem_shared>> -> memref<64x128xf32, #tpu.memory_space<vmem_shared>>
      tpu.wait_dma2 semaphore(%run_scoped3A : memref<!tpu.dma_semaphore, #tpu.memory_space<semaphore_mem>>) src(%arg9 : memref<64x128xf32, #tpu.memory_space<vmem>>) dst(%dma_wait3A_76 : memref<64x128xf32, #tpu.memory_space<vmem_shared>>)
      tpu.yield
    }) : () -> ()
    %mul3A_43 = arith.constant 10 : i32
    %mul3A_44 = arith.muli %arg1, %mul3A_43 : i32
    %add3A_45 = arith.constant 7 : i32
    %add3A_46 = arith.addi %mul3A_44, %add3A_45 : i32
    %mul3A_47 = arith.constant 64 : i32
    %mul3A_48 = arith.muli %add3A_46, %mul3A_47 : i32
    "tpu.region"() ({
      %run_scoped3A = tpu.sem_alloc : memref<!tpu.dma_semaphore, #tpu.memory_space<semaphore_mem>>
      %dma_start3A = arith.constant 0 : i32
      %dma_start3A_71 = tpu.memref_slice %arg13[%mul3A_48, %dma_start3A] : memref<10240x128xf32, #tpu.memory_space<vmem_shared>> -> memref<64x128xf32, #tpu.memory_space<vmem_shared>>
      %dma_start3A_72 = arith.constant 0 : i32
      %dma_start3A_73 = tpu.memref_slice %arg13[%mul3A_48, %dma_start3A_72] : memref<10240x128xf32, #tpu.memory_space<vmem_shared>> -> memref<64x128xf32, #tpu.memory_space<vmem_shared>>
      tpu.enqueue_dma source(%arg9 : memref<64x128xf32, #tpu.memory_space<vmem>>) target(%dma_start3A_73 : memref<64x128xf32, #tpu.memory_space<vmem_shared>>) target_semaphore(%run_scoped3A : memref<!tpu.dma_semaphore, #tpu.memory_space<semaphore_mem>>)
      %dma_wait3A = arith.constant 0 : i32
      %dma_wait3A_74 = tpu.memref_slice %arg13[%mul3A_48, %dma_wait3A] : memref<10240x128xf32, #tpu.memory_space<vmem_shared>> -> memref<64x128xf32, #tpu.memory_space<vmem_shared>>
      %dma_wait3A_75 = arith.constant 0 : i32
      %dma_wait3A_76 = tpu.memref_slice %arg13[%mul3A_48, %dma_wait3A_75] : memref<10240x128xf32, #tpu.memory_space<vmem_shared>> -> memref<64x128xf32, #tpu.memory_space<vmem_shared>>
      tpu.wait_dma2 semaphore(%run_scoped3A : memref<!tpu.dma_semaphore, #tpu.memory_space<semaphore_mem>>) src(%arg9 : memref<64x128xf32, #tpu.memory_space<vmem>>) dst(%dma_wait3A_76 : memref<64x128xf32, #tpu.memory_space<vmem_shared>>)
      tpu.yield
    }) : () -> ()
    %mul3A_49 = arith.constant 10 : i32
    %mul3A_50 = arith.muli %arg1, %mul3A_49 : i32
    %add3A_51 = arith.constant 8 : i32
    %add3A_52 = arith.addi %mul3A_50, %add3A_51 : i32
    %mul3A_53 = arith.constant 64 : i32
    %mul3A_54 = arith.muli %add3A_52, %mul3A_53 : i32
    "tpu.region"() ({
      %run_scoped3A = tpu.sem_alloc : memref<!tpu.dma_semaphore, #tpu.memory_space<semaphore_mem>>
      %dma_start3A = arith.constant 0 : i32
      %dma_start3A_71 = tpu.memref_slice %arg13[%mul3A_54, %dma_start3A] : memref<10240x128xf32, #tpu.memory_space<vmem_shared>> -> memref<64x128xf32, #tpu.memory_space<vmem_shared>>
      %dma_start3A_72 = arith.constant 0 : i32
      %dma_start3A_73 = tpu.memref_slice %arg13[%mul3A_54, %dma_start3A_72] : memref<10240x128xf32, #tpu.memory_space<vmem_shared>> -> memref<64x128xf32, #tpu.memory_space<vmem_shared>>
      tpu.enqueue_dma source(%arg9 : memref<64x128xf32, #tpu.memory_space<vmem>>) target(%dma_start3A_73 : memref<64x128xf32, #tpu.memory_space<vmem_shared>>) target_semaphore(%run_scoped3A : memref<!tpu.dma_semaphore, #tpu.memory_space<semaphore_mem>>)
      %dma_wait3A = arith.constant 0 : i32
      %dma_wait3A_74 = tpu.memref_slice %arg13[%mul3A_54, %dma_wait3A] : memref<10240x128xf32, #tpu.memory_space<vmem_shared>> -> memref<64x128xf32, #tpu.memory_space<vmem_shared>>
      %dma_wait3A_75 = arith.constant 0 : i32
      %dma_wait3A_76 = tpu.memref_slice %arg13[%mul3A_54, %dma_wait3A_75] : memref<10240x128xf32, #tpu.memory_space<vmem_shared>> -> memref<64x128xf32, #tpu.memory_space<vmem_shared>>
      tpu.wait_dma2 semaphore(%run_scoped3A : memref<!tpu.dma_semaphore, #tpu.memory_space<semaphore_mem>>) src(%arg9 : memref<64x128xf32, #tpu.memory_space<vmem>>) dst(%dma_wait3A_76 : memref<64x128xf32, #tpu.memory_space<vmem_shared>>)
      tpu.yield
    }) : () -> ()
    %mul3A_55 = arith.constant 10 : i32
    %mul3A_56 = arith.muli %arg1, %mul3A_55 : i32
    %add3A_57 = arith.constant 9 : i32
    %add3A_58 = arith.addi %mul3A_56, %add3A_57 : i32
    %mul3A_59 = arith.constant 64 : i32
    %mul3A_60 = arith.muli %add3A_58, %mul3A_59 : i32
    "tpu.region"() ({
      %run_scoped3A = tpu.sem_alloc : memref<!tpu.dma_semaphore, #tpu.memory_space<semaphore_mem>>
      %dma_start3A = arith.constant 0 : i32
      %dma_start3A_71 = tpu.memref_slice %arg13[%mul3A_60, %dma_start3A] : memref<10240x128xf32, #tpu.memory_space<vmem_shared>> -> memref<64x128xf32, #tpu.memory_space<vmem_shared>>
      %dma_start3A_72 = arith.constant 0 : i32
      %dma_start3A_73 = tpu.memref_slice %arg13[%mul3A_60, %dma_start3A_72] : memref<10240x128xf32, #tpu.memory_space<vmem_shared>> -> memref<64x128xf32, #tpu.memory_space<vmem_shared>>
      tpu.enqueue_dma source(%arg9 : memref<64x128xf32, #tpu.memory_space<vmem>>) target(%dma_start3A_73 : memref<64x128xf32, #tpu.memory_space<vmem_shared>>) target_semaphore(%run_scoped3A : memref<!tpu.dma_semaphore, #tpu.memory_space<semaphore_mem>>)
      %dma_wait3A = arith.constant 0 : i32
      %dma_wait3A_74 = tpu.memref_slice %arg13[%mul3A_60, %dma_wait3A] : memref<10240x128xf32, #tpu.memory_space<vmem_shared>> -> memref<64x128xf32, #tpu.memory_space<vmem_shared>>
      %dma_wait3A_75 = arith.constant 0 : i32
      %dma_wait3A_76 = tpu.memref_slice %arg13[%mul3A_60, %dma_wait3A_75] : memref<10240x128xf32, #tpu.memory_space<vmem_shared>> -> memref<64x128xf32, #tpu.memory_space<vmem_shared>>
      tpu.wait_dma2 semaphore(%run_scoped3A : memref<!tpu.dma_semaphore, #tpu.memory_space<semaphore_mem>>) src(%arg9 : memref<64x128xf32, #tpu.memory_space<vmem>>) dst(%dma_wait3A_76 : memref<64x128xf32, #tpu.memory_space<vmem_shared>>)
      tpu.yield
    }) : () -> ()
    %barrier3A = arith.constant 0 : index
    tpu.barrier barrier_id(%barrier3A)
    %scan3A = arith.constant 0 : i32
    %scan3A_61 = arith.constant 0 : i32
    %scan3A_62 = arith.constant 5 : i32
    %scan3A_63 = arith.addi %scan3A_61, %scan3A_62 : i32
    %scan3A_64 = arith.constant 1 : i32
    scf.for %scan3A_71 = %scan3A_61 to %scan3A_63 step %scan3A_64  : i32 {
      %mul3A_72 = arith.constant 32 : i32
      %mul3A_73 = arith.muli %scan3A_71, %mul3A_72 : i32
      "tpu.region"() ({
        %run_scoped3A = tpu.sem_alloc : memref<!tpu.dma_semaphore, #tpu.memory_space<semaphore_mem>>
        %dma_start3A_101 = arith.constant 0 : i32
        %dma_start3A_102 = tpu.memref_slice %arg3[%add3A, %mul3A_73, %dma_start3A_101] : memref<32x160x64xi32, #tpu.memory_space<hbm>> -> memref<1x32x64xi32, #tpu.memory_space<hbm>>
        %dma_start3A_103 = tpu.memref_squeeze %dma_start3A_102 : memref<1x32x64xi32, #tpu.memory_space<hbm>> -> memref<32x64xi32, #tpu.memory_space<hbm>>
        %dma_start3A_104 = arith.constant 0 : i32
        %dma_start3A_105 = tpu.memref_slice %arg3[%add3A, %mul3A_73, %dma_start3A_104] : memref<32x160x64xi32, #tpu.memory_space<hbm>> -> memref<1x32x64xi32, #tpu.memory_space<hbm>>
        %dma_start3A_106 = tpu.memref_squeeze %dma_start3A_105 : memref<1x32x64xi32, #tpu.memory_space<hbm>> -> memref<32x64xi32, #tpu.memory_space<hbm>>
        tpu.enqueue_dma source(%dma_start3A_106 : memref<32x64xi32, #tpu.memory_space<hbm>>) target(%arg7 : memref<32x64xi32, #tpu.memory_space<vmem>>) target_semaphore(%run_scoped3A : memref<!tpu.dma_semaphore, #tpu.memory_space<semaphore_mem>>)
        %dma_wait3A = arith.constant 0 : i32
        %dma_wait3A_107 = tpu.memref_slice %arg3[%add3A, %mul3A_73, %dma_wait3A] : memref<32x160x64xi32, #tpu.memory_space<hbm>> -> memref<1x32x64xi32, #tpu.memory_space<hbm>>
        %dma_wait3A_108 = tpu.memref_squeeze %dma_wait3A_107 : memref<1x32x64xi32, #tpu.memory_space<hbm>> -> memref<32x64xi32, #tpu.memory_space<hbm>>
        %dma_wait3A_109 = arith.constant 0 : i32
        %dma_wait3A_110 = tpu.memref_slice %arg3[%add3A, %mul3A_73, %dma_wait3A_109] : memref<32x160x64xi32, #tpu.memory_space<hbm>> -> memref<1x32x64xi32, #tpu.memory_space<hbm>>
        %dma_wait3A_111 = tpu.memref_squeeze %dma_wait3A_110 : memref<1x32x64xi32, #tpu.memory_space<hbm>> -> memref<32x64xi32, #tpu.memory_space<hbm>>
        tpu.wait_dma2 semaphore(%run_scoped3A : memref<!tpu.dma_semaphore, #tpu.memory_space<semaphore_mem>>) src(%dma_wait3A_111 : memref<32x64xi32, #tpu.memory_space<hbm>>) dst(%arg7 : memref<32x64xi32, #tpu.memory_space<vmem>>)
        tpu.yield
      }) : () -> ()
      %mul3A_74 = arith.constant 32 : i32
      %mul3A_75 = arith.muli %scan3A_71, %mul3A_74 : i32
      "tpu.region"() ({
        %run_scoped3A = tpu.sem_alloc : memref<!tpu.dma_semaphore, #tpu.memory_space<semaphore_mem>>
        %dma_start3A_101 = arith.constant 0 : i32
        %dma_start3A_102 = tpu.memref_slice %arg4[%add3A, %mul3A_75, %dma_start3A_101] : memref<32x160x64xi32, #tpu.memory_space<hbm>> -> memref<1x32x64xi32, #tpu.memory_space<hbm>>
        %dma_start3A_103 = tpu.memref_squeeze %dma_start3A_102 : memref<1x32x64xi32, #tpu.memory_space<hbm>> -> memref<32x64xi32, #tpu.memory_space<hbm>>
        %dma_start3A_104 = arith.constant 0 : i32
        %dma_start3A_105 = tpu.memref_slice %arg4[%add3A, %mul3A_75, %dma_start3A_104] : memref<32x160x64xi32, #tpu.memory_space<hbm>> -> memref<1x32x64xi32, #tpu.memory_space<hbm>>
        %dma_start3A_106 = tpu.memref_squeeze %dma_start3A_105 : memref<1x32x64xi32, #tpu.memory_space<hbm>> -> memref<32x64xi32, #tpu.memory_space<hbm>>
        tpu.enqueue_dma source(%dma_start3A_106 : memref<32x64xi32, #tpu.memory_space<hbm>>) target(%arg8 : memref<32x64xi32, #tpu.memory_space<vmem>>) target_semaphore(%run_scoped3A : memref<!tpu.dma_semaphore, #tpu.memory_space<semaphore_mem>>)
        %dma_wait3A = arith.constant 0 : i32
        %dma_wait3A_107 = tpu.memref_slice %arg4[%add3A, %mul3A_75, %dma_wait3A] : memref<32x160x64xi32, #tpu.memory_space<hbm>> -> memref<1x32x64xi32, #tpu.memory_space<hbm>>
        %dma_wait3A_108 = tpu.memref_squeeze %dma_wait3A_107 : memref<1x32x64xi32, #tpu.memory_space<hbm>> -> memref<32x64xi32, #tpu.memory_space<hbm>>
        %dma_wait3A_109 = arith.constant 0 : i32
        %dma_wait3A_110 = tpu.memref_slice %arg4[%add3A, %mul3A_75, %dma_wait3A_109] : memref<32x160x64xi32, #tpu.memory_space<hbm>> -> memref<1x32x64xi32, #tpu.memory_space<hbm>>
        %dma_wait3A_111 = tpu.memref_squeeze %dma_wait3A_110 : memref<1x32x64xi32, #tpu.memory_space<hbm>> -> memref<32x64xi32, #tpu.memory_space<hbm>>
        tpu.wait_dma2 semaphore(%run_scoped3A : memref<!tpu.dma_semaphore, #tpu.memory_space<semaphore_mem>>) src(%dma_wait3A_111 : memref<32x64xi32, #tpu.memory_space<hbm>>) dst(%arg8 : memref<32x64xi32, #tpu.memory_space<vmem>>)
        tpu.yield
      }) : () -> ()
      %dma_start3A = arith.constant 0 : i32
      %dma_start3A_76 = arith.constant 0 : i32
      %dma_start3A_77 = tpu.memref_slice %arg7[%dma_start3A, %dma_start3A_76] : memref<32x64xi32, #tpu.memory_space<vmem>> -> memref<1x64xi32, #tpu.memory_space<vmem>>
      %dma_start3A_78 = tpu.memref_squeeze %dma_start3A_77 : memref<1x64xi32, #tpu.memory_space<vmem>> -> memref<64xi32, #tpu.memory_space<vmem>>
      %dma_start3A_79 = arith.constant 0 : i32
      %dma_start3A_80 = arith.constant 0 : i32
      %dma_start3A_81 = tpu.memref_slice %arg2[%dma_start3A_79, %dma_start3A_80] : memref<10240x128xf32, #tpu.memory_space<hbm>> -> memref<10240x128xf32, #tpu.memory_space<hbm>>
      tpu.enqueue_indirect_dma source(%dma_start3A_81 : memref<10240x128xf32, #tpu.memory_space<hbm>>) target(%arg9 : memref<64x128xf32, #tpu.memory_space<vmem>>) offsets(%dma_start3A_78 : memref<64xi32, #tpu.memory_space<vmem>>) semaphore(%arg14 : memref<!tpu.dma_semaphore, #tpu.memory_space<semaphore_mem>>)
      %dma_start3A_82 = arith.constant 1 : i32
      %dma_start3A_83 = arith.constant 0 : i32
      %dma_start3A_84 = tpu.memref_slice %arg7[%dma_start3A_82, %dma_start3A_83] : memref<32x64xi32, #tpu.memory_space<vmem>> -> memref<1x64xi32, #tpu.memory_space<vmem>>
      %dma_start3A_85 = tpu.memref_squeeze %dma_start3A_84 : memref<1x64xi32, #tpu.memory_space<vmem>> -> memref<64xi32, #tpu.memory_space<vmem>>
      %dma_start3A_86 = arith.constant 0 : i32
      %dma_start3A_87 = arith.constant 0 : i32
      %dma_start3A_88 = tpu.memref_slice %arg2[%dma_start3A_86, %dma_start3A_87] : memref<10240x128xf32, #tpu.memory_space<hbm>> -> memref<10240x128xf32, #tpu.memory_space<hbm>>
      tpu.enqueue_indirect_dma source(%dma_start3A_88 : memref<10240x128xf32, #tpu.memory_space<hbm>>) target(%arg10 : memref<64x128xf32, #tpu.memory_space<vmem>>) offsets(%dma_start3A_85 : memref<64xi32, #tpu.memory_space<vmem>>) semaphore(%arg15 : memref<!tpu.dma_semaphore, #tpu.memory_space<semaphore_mem>>)
      %dma_start3A_89 = arith.constant 2 : i32
      %dma_start3A_90 = arith.constant 0 : i32
      %dma_start3A_91 = tpu.memref_slice %arg7[%dma_start3A_89, %dma_start3A_90] : memref<32x64xi32, #tpu.memory_space<vmem>> -> memref<1x64xi32, #tpu.memory_space<vmem>>
      %dma_start3A_92 = tpu.memref_squeeze %dma_start3A_91 : memref<1x64xi32, #tpu.memory_space<vmem>> -> memref<64xi32, #tpu.memory_space<vmem>>
      %dma_start3A_93 = arith.constant 0 : i32
      %dma_start3A_94 = arith.constant 0 : i32
      %dma_start3A_95 = tpu.memref_slice %arg2[%dma_start3A_93, %dma_start3A_94] : memref<10240x128xf32, #tpu.memory_space<hbm>> -> memref<10240x128xf32, #tpu.memory_space<hbm>>
      tpu.enqueue_indirect_dma source(%dma_start3A_95 : memref<10240x128xf32, #tpu.memory_space<hbm>>) target(%arg11 : memref<64x128xf32, #tpu.memory_space<vmem>>) offsets(%dma_start3A_92 : memref<64xi32, #tpu.memory_space<vmem>>) semaphore(%arg16 : memref<!tpu.dma_semaphore, #tpu.memory_space<semaphore_mem>>)
      %scan3A_96 = arith.constant 0 : i32
      %scan3A_97 = arith.constant 8 : i32
      %scan3A_98 = arith.addi %scan3A_96, %scan3A_97 : i32
      %scan3A_99 = arith.constant 1 : i32
      scf.for %scan3A_101 = %scan3A_96 to %scan3A_98 step %scan3A_99  : i32 {
        %mul3A_102 = arith.constant 4 : i32
        %mul3A_103 = arith.muli %mul3A_102, %scan3A_101 : i32
        %add3A_104 = arith.constant 0 : i32
        %add3A_105 = arith.addi %mul3A_103, %add3A_104 : i32
        tpu.wait_dma2 semaphore(%arg14 : memref<!tpu.dma_semaphore, #tpu.memory_space<semaphore_mem>>) src(%arg5 : memref<64x128xf32, #tpu.memory_space<hbm>>) dst(%arg9 : memref<64x128xf32, #tpu.memory_space<vmem>>)
        %dma_start3A_106 = arith.constant 0 : i32
        %dma_start3A_107 = tpu.memref_slice %arg8[%add3A_105, %dma_start3A_106] : memref<32x64xi32, #tpu.memory_space<vmem>> -> memref<1x64xi32, #tpu.memory_space<vmem>>
        %dma_start3A_108 = tpu.memref_squeeze %dma_start3A_107 : memref<1x64xi32, #tpu.memory_space<vmem>> -> memref<64xi32, #tpu.memory_space<vmem>>
        %dma_start3A_109 = arith.constant 0 : i32
        %dma_start3A_110 = arith.constant 0 : i32
        %dma_start3A_111 = tpu.memref_slice %arg13[%dma_start3A_109, %dma_start3A_110] : memref<10240x128xf32, #tpu.memory_space<vmem_shared>> -> memref<10240x128xf32, #tpu.memory_space<vmem_shared>>
        tpu.enqueue_indirect_dma source(%arg9 : memref<64x128xf32, #tpu.memory_space<vmem>>) target(%dma_start3A_111 : memref<10240x128xf32, #tpu.memory_space<vmem_shared>>) offsets(%dma_start3A_108 : memref<64xi32, #tpu.memory_space<vmem>>) semaphore(%arg18 : memref<!tpu.dma_semaphore, #tpu.memory_space<semaphore_mem>>) {add = true}
        %ge3A = arith.constant 1 : i32
        %ge3A_112 = arith.cmpi sge, %add3A_105, %ge3A : i32
        %add3A_113 = arith.constant 4 : i32
        %add3A_114 = arith.addi %add3A_105, %add3A_113 : i32
        %sub3A = arith.constant 1 : i32
        %sub3A_115 = arith.subi %add3A_114, %sub3A : i32
        %lt3A = arith.constant 32 : i32
        %lt3A_116 = arith.cmpi slt, %sub3A_115, %lt3A : i32
        %and3A = arith.andi %ge3A_112, %lt3A_116 : i1
        %convert_element_type3A = arith.extui %and3A : i1 to i32
        %cond3A = arith.constant 0 : i32
        %cond3A_117 = arith.cmpi ne, %convert_element_type3A, %cond3A : i32
        scf.if %cond3A_117 {
          tpu.wait_dma2 semaphore(%arg21 : memref<!tpu.dma_semaphore, #tpu.memory_space<semaphore_mem>>) src(%arg5 : memref<64x128xf32, #tpu.memory_space<hbm>>) dst(%arg12 : memref<64x128xf32, #tpu.memory_space<vmem>>)
        } else {
        }
        %add3A_118 = arith.constant 4 : i32
        %add3A_119 = arith.addi %add3A_105, %add3A_118 : i32
        %sub3A_120 = arith.constant 1 : i32
        %sub3A_121 = arith.subi %add3A_119, %sub3A_120 : i32
        %lt3A_122 = arith.constant 32 : i32
        %lt3A_123 = arith.cmpi slt, %sub3A_121, %lt3A_122 : i32
        %convert_element_type3A_124 = arith.extui %lt3A_123 : i1 to i32
        %cond3A_125 = arith.constant 0 : i32
        %cond3A_126 = arith.cmpi ne, %convert_element_type3A_124, %cond3A_125 : i32
        scf.if %cond3A_126 {
          %add3A_220 = arith.constant 4 : i32
          %add3A_221 = arith.addi %add3A_105, %add3A_220 : i32
          %sub3A_222 = arith.constant 1 : i32
          %sub3A_223 = arith.subi %add3A_221, %sub3A_222 : i32
          %dma_start3A_224 = arith.constant 0 : i32
          %dma_start3A_225 = tpu.memref_slice %arg7[%sub3A_223, %dma_start3A_224] : memref<32x64xi32, #tpu.memory_space<vmem>> -> memref<1x64xi32, #tpu.memory_space<vmem>>
          %dma_start3A_226 = tpu.memref_squeeze %dma_start3A_225 : memref<1x64xi32, #tpu.memory_space<vmem>> -> memref<64xi32, #tpu.memory_space<vmem>>
          %dma_start3A_227 = arith.constant 0 : i32
          %dma_start3A_228 = arith.constant 0 : i32
          %dma_start3A_229 = tpu.memref_slice %arg2[%dma_start3A_227, %dma_start3A_228] : memref<10240x128xf32, #tpu.memory_space<hbm>> -> memref<10240x128xf32, #tpu.memory_space<hbm>>
          tpu.enqueue_indirect_dma source(%dma_start3A_229 : memref<10240x128xf32, #tpu.memory_space<hbm>>) target(%arg12 : memref<64x128xf32, #tpu.memory_space<vmem>>) offsets(%dma_start3A_226 : memref<64xi32, #tpu.memory_space<vmem>>) semaphore(%arg17 : memref<!tpu.dma_semaphore, #tpu.memory_space<semaphore_mem>>)
        } else {
        }
        %mul3A_127 = arith.constant 4 : i32
        %mul3A_128 = arith.muli %mul3A_127, %scan3A_101 : i32
        %add3A_129 = arith.constant 1 : i32
        %add3A_130 = arith.addi %mul3A_128, %add3A_129 : i32
        tpu.wait_dma2 semaphore(%arg15 : memref<!tpu.dma_semaphore, #tpu.memory_space<semaphore_mem>>) src(%arg5 : memref<64x128xf32, #tpu.memory_space<hbm>>) dst(%arg10 : memref<64x128xf32, #tpu.memory_space<vmem>>)
        %dma_start3A_131 = arith.constant 0 : i32
        %dma_start3A_132 = tpu.memref_slice %arg8[%add3A_130, %dma_start3A_131] : memref<32x64xi32, #tpu.memory_space<vmem>> -> memref<1x64xi32, #tpu.memory_space<vmem>>
        %dma_start3A_133 = tpu.memref_squeeze %dma_start3A_132 : memref<1x64xi32, #tpu.memory_space<vmem>> -> memref<64xi32, #tpu.memory_space<vmem>>
        %dma_start3A_134 = arith.constant 0 : i32
        %dma_start3A_135 = arith.constant 0 : i32
        %dma_start3A_136 = tpu.memref_slice %arg13[%dma_start3A_134, %dma_start3A_135] : memref<10240x128xf32, #tpu.memory_space<vmem_shared>> -> memref<10240x128xf32, #tpu.memory_space<vmem_shared>>
        tpu.enqueue_indirect_dma source(%arg10 : memref<64x128xf32, #tpu.memory_space<vmem>>) target(%dma_start3A_136 : memref<10240x128xf32, #tpu.memory_space<vmem_shared>>) offsets(%dma_start3A_133 : memref<64xi32, #tpu.memory_space<vmem>>) semaphore(%arg19 : memref<!tpu.dma_semaphore, #tpu.memory_space<semaphore_mem>>) {add = true}
        %ge3A_137 = arith.constant 1 : i32
        %ge3A_138 = arith.cmpi sge, %add3A_130, %ge3A_137 : i32
        %add3A_139 = arith.constant 4 : i32
        %add3A_140 = arith.addi %add3A_130, %add3A_139 : i32
        %sub3A_141 = arith.constant 1 : i32
        %sub3A_142 = arith.subi %add3A_140, %sub3A_141 : i32
        %lt3A_143 = arith.constant 32 : i32
        %lt3A_144 = arith.cmpi slt, %sub3A_142, %lt3A_143 : i32
        %and3A_145 = arith.andi %ge3A_138, %lt3A_144 : i1
        %convert_element_type3A_146 = arith.extui %and3A_145 : i1 to i32
        %cond3A_147 = arith.constant 0 : i32
        %cond3A_148 = arith.cmpi ne, %convert_element_type3A_146, %cond3A_147 : i32
        scf.if %cond3A_148 {
          tpu.wait_dma2 semaphore(%arg18 : memref<!tpu.dma_semaphore, #tpu.memory_space<semaphore_mem>>) src(%arg5 : memref<64x128xf32, #tpu.memory_space<hbm>>) dst(%arg9 : memref<64x128xf32, #tpu.memory_space<vmem>>)
        } else {
        }
        %add3A_149 = arith.constant 4 : i32
        %add3A_150 = arith.addi %add3A_130, %add3A_149 : i32
        %sub3A_151 = arith.constant 1 : i32
        %sub3A_152 = arith.subi %add3A_150, %sub3A_151 : i32
        %lt3A_153 = arith.constant 32 : i32
        %lt3A_154 = arith.cmpi slt, %sub3A_152, %lt3A_153 : i32
        %convert_element_type3A_155 = arith.extui %lt3A_154 : i1 to i32
        %cond3A_156 = arith.constant 0 : i32
        %cond3A_157 = arith.cmpi ne, %convert_element_type3A_155, %cond3A_156 : i32
        scf.if %cond3A_157 {
          %add3A_220 = arith.constant 4 : i32
          %add3A_221 = arith.addi %add3A_130, %add3A_220 : i32
          %sub3A_222 = arith.constant 1 : i32
          %sub3A_223 = arith.subi %add3A_221, %sub3A_222 : i32
          %dma_start3A_224 = arith.constant 0 : i32
          %dma_start3A_225 = tpu.memref_slice %arg7[%sub3A_223, %dma_start3A_224] : memref<32x64xi32, #tpu.memory_space<vmem>> -> memref<1x64xi32, #tpu.memory_space<vmem>>
          %dma_start3A_226 = tpu.memref_squeeze %dma_start3A_225 : memref<1x64xi32, #tpu.memory_space<vmem>> -> memref<64xi32, #tpu.memory_space<vmem>>
          %dma_start3A_227 = arith.constant 0 : i32
          %dma_start3A_228 = arith.constant 0 : i32
          %dma_start3A_229 = tpu.memref_slice %arg2[%dma_start3A_227, %dma_start3A_228] : memref<10240x128xf32, #tpu.memory_space<hbm>> -> memref<10240x128xf32, #tpu.memory_space<hbm>>
          tpu.enqueue_indirect_dma source(%dma_start3A_229 : memref<10240x128xf32, #tpu.memory_space<hbm>>) target(%arg9 : memref<64x128xf32, #tpu.memory_space<vmem>>) offsets(%dma_start3A_226 : memref<64xi32, #tpu.memory_space<vmem>>) semaphore(%arg14 : memref<!tpu.dma_semaphore, #tpu.memory_space<semaphore_mem>>)
        } else {
        }
        %mul3A_158 = arith.constant 4 : i32
        %mul3A_159 = arith.muli %mul3A_158, %scan3A_101 : i32
        %add3A_160 = arith.constant 2 : i32
        %add3A_161 = arith.addi %mul3A_159, %add3A_160 : i32
        tpu.wait_dma2 semaphore(%arg16 : memref<!tpu.dma_semaphore, #tpu.memory_space<semaphore_mem>>) src(%arg5 : memref<64x128xf32, #tpu.memory_space<hbm>>) dst(%arg11 : memref<64x128xf32, #tpu.memory_space<vmem>>)
        %dma_start3A_162 = arith.constant 0 : i32
        %dma_start3A_163 = tpu.memref_slice %arg8[%add3A_161, %dma_start3A_162] : memref<32x64xi32, #tpu.memory_space<vmem>> -> memref<1x64xi32, #tpu.memory_space<vmem>>
        %dma_start3A_164 = tpu.memref_squeeze %dma_start3A_163 : memref<1x64xi32, #tpu.memory_space<vmem>> -> memref<64xi32, #tpu.memory_space<vmem>>
        %dma_start3A_165 = arith.constant 0 : i32
        %dma_start3A_166 = arith.constant 0 : i32
        %dma_start3A_167 = tpu.memref_slice %arg13[%dma_start3A_165, %dma_start3A_166] : memref<10240x128xf32, #tpu.memory_space<vmem_shared>> -> memref<10240x128xf32, #tpu.memory_space<vmem_shared>>
        tpu.enqueue_indirect_dma source(%arg11 : memref<64x128xf32, #tpu.memory_space<vmem>>) target(%dma_start3A_167 : memref<10240x128xf32, #tpu.memory_space<vmem_shared>>) offsets(%dma_start3A_164 : memref<64xi32, #tpu.memory_space<vmem>>) semaphore(%arg20 : memref<!tpu.dma_semaphore, #tpu.memory_space<semaphore_mem>>) {add = true}
        %ge3A_168 = arith.constant 1 : i32
        %ge3A_169 = arith.cmpi sge, %add3A_161, %ge3A_168 : i32
        %add3A_170 = arith.constant 4 : i32
        %add3A_171 = arith.addi %add3A_161, %add3A_170 : i32
        %sub3A_172 = arith.constant 1 : i32
        %sub3A_173 = arith.subi %add3A_171, %sub3A_172 : i32
        %lt3A_174 = arith.constant 32 : i32
        %lt3A_175 = arith.cmpi slt, %sub3A_173, %lt3A_174 : i32
        %and3A_176 = arith.andi %ge3A_169, %lt3A_175 : i1
        %convert_element_type3A_177 = arith.extui %and3A_176 : i1 to i32
        %cond3A_178 = arith.constant 0 : i32
        %cond3A_179 = arith.cmpi ne, %convert_element_type3A_177, %cond3A_178 : i32
        scf.if %cond3A_179 {
          tpu.wait_dma2 semaphore(%arg19 : memref<!tpu.dma_semaphore, #tpu.memory_space<semaphore_mem>>) src(%arg5 : memref<64x128xf32, #tpu.memory_space<hbm>>) dst(%arg10 : memref<64x128xf32, #tpu.memory_space<vmem>>)
        } else {
        }
        %add3A_180 = arith.constant 4 : i32
        %add3A_181 = arith.addi %add3A_161, %add3A_180 : i32
        %sub3A_182 = arith.constant 1 : i32
        %sub3A_183 = arith.subi %add3A_181, %sub3A_182 : i32
        %lt3A_184 = arith.constant 32 : i32
        %lt3A_185 = arith.cmpi slt, %sub3A_183, %lt3A_184 : i32
        %convert_element_type3A_186 = arith.extui %lt3A_185 : i1 to i32
        %cond3A_187 = arith.constant 0 : i32
        %cond3A_188 = arith.cmpi ne, %convert_element_type3A_186, %cond3A_187 : i32
        scf.if %cond3A_188 {
          %add3A_220 = arith.constant 4 : i32
          %add3A_221 = arith.addi %add3A_161, %add3A_220 : i32
          %sub3A_222 = arith.constant 1 : i32
          %sub3A_223 = arith.subi %add3A_221, %sub3A_222 : i32
          %dma_start3A_224 = arith.constant 0 : i32
          %dma_start3A_225 = tpu.memref_slice %arg7[%sub3A_223, %dma_start3A_224] : memref<32x64xi32, #tpu.memory_space<vmem>> -> memref<1x64xi32, #tpu.memory_space<vmem>>
          %dma_start3A_226 = tpu.memref_squeeze %dma_start3A_225 : memref<1x64xi32, #tpu.memory_space<vmem>> -> memref<64xi32, #tpu.memory_space<vmem>>
          %dma_start3A_227 = arith.constant 0 : i32
          %dma_start3A_228 = arith.constant 0 : i32
          %dma_start3A_229 = tpu.memref_slice %arg2[%dma_start3A_227, %dma_start3A_228] : memref<10240x128xf32, #tpu.memory_space<hbm>> -> memref<10240x128xf32, #tpu.memory_space<hbm>>
          tpu.enqueue_indirect_dma source(%dma_start3A_229 : memref<10240x128xf32, #tpu.memory_space<hbm>>) target(%arg10 : memref<64x128xf32, #tpu.memory_space<vmem>>) offsets(%dma_start3A_226 : memref<64xi32, #tpu.memory_space<vmem>>) semaphore(%arg15 : memref<!tpu.dma_semaphore, #tpu.memory_space<semaphore_mem>>)
        } else {
        }
        %mul3A_189 = arith.constant 4 : i32
        %mul3A_190 = arith.muli %mul3A_189, %scan3A_101 : i32
        %add3A_191 = arith.constant 3 : i32
        %add3A_192 = arith.addi %mul3A_190, %add3A_191 : i32
        tpu.wait_dma2 semaphore(%arg17 : memref<!tpu.dma_semaphore, #tpu.memory_space<semaphore_mem>>) src(%arg5 : memref<64x128xf32, #tpu.memory_space<hbm>>) dst(%arg12 : memref<64x128xf32, #tpu.memory_space<vmem>>)
        %dma_start3A_193 = arith.constant 0 : i32
        %dma_start3A_194 = tpu.memref_slice %arg8[%add3A_192, %dma_start3A_193] : memref<32x64xi32, #tpu.memory_space<vmem>> -> memref<1x64xi32, #tpu.memory_space<vmem>>
        %dma_start3A_195 = tpu.memref_squeeze %dma_start3A_194 : memref<1x64xi32, #tpu.memory_space<vmem>> -> memref<64xi32, #tpu.memory_space<vmem>>
        %dma_start3A_196 = arith.constant 0 : i32
        %dma_start3A_197 = arith.constant 0 : i32
        %dma_start3A_198 = tpu.memref_slice %arg13[%dma_start3A_196, %dma_start3A_197] : memref<10240x128xf32, #tpu.memory_space<vmem_shared>> -> memref<10240x128xf32, #tpu.memory_space<vmem_shared>>
        tpu.enqueue_indirect_dma source(%arg12 : memref<64x128xf32, #tpu.memory_space<vmem>>) target(%dma_start3A_198 : memref<10240x128xf32, #tpu.memory_space<vmem_shared>>) offsets(%dma_start3A_195 : memref<64xi32, #tpu.memory_space<vmem>>) semaphore(%arg21 : memref<!tpu.dma_semaphore, #tpu.memory_space<semaphore_mem>>) {add = true}
        %ge3A_199 = arith.constant 1 : i32
        %ge3A_200 = arith.cmpi sge, %add3A_192, %ge3A_199 : i32
        %add3A_201 = arith.constant 4 : i32
        %add3A_202 = arith.addi %add3A_192, %add3A_201 : i32
        %sub3A_203 = arith.constant 1 : i32
        %sub3A_204 = arith.subi %add3A_202, %sub3A_203 : i32
        %lt3A_205 = arith.constant 32 : i32
        %lt3A_206 = arith.cmpi slt, %sub3A_204, %lt3A_205 : i32
        %and3A_207 = arith.andi %ge3A_200, %lt3A_206 : i1
        %convert_element_type3A_208 = arith.extui %and3A_207 : i1 to i32
        %cond3A_209 = arith.constant 0 : i32
        %cond3A_210 = arith.cmpi ne, %convert_element_type3A_208, %cond3A_209 : i32
        scf.if %cond3A_210 {
          tpu.wait_dma2 semaphore(%arg20 : memref<!tpu.dma_semaphore, #tpu.memory_space<semaphore_mem>>) src(%arg5 : memref<64x128xf32, #tpu.memory_space<hbm>>) dst(%arg11 : memref<64x128xf32, #tpu.memory_space<vmem>>)
        } else {
        }
        %add3A_211 = arith.constant 4 : i32
        %add3A_212 = arith.addi %add3A_192, %add3A_211 : i32
        %sub3A_213 = arith.constant 1 : i32
        %sub3A_214 = arith.subi %add3A_212, %sub3A_213 : i32
        %lt3A_215 = arith.constant 32 : i32
        %lt3A_216 = arith.cmpi slt, %sub3A_214, %lt3A_215 : i32
        %convert_element_type3A_217 = arith.extui %lt3A_216 : i1 to i32
        %cond3A_218 = arith.constant 0 : i32
        %cond3A_219 = arith.cmpi ne, %convert_element_type3A_217, %cond3A_218 : i32
        scf.if %cond3A_219 {
          %add3A_220 = arith.constant 4 : i32
          %add3A_221 = arith.addi %add3A_192, %add3A_220 : i32
          %sub3A_222 = arith.constant 1 : i32
          %sub3A_223 = arith.subi %add3A_221, %sub3A_222 : i32
          %dma_start3A_224 = arith.constant 0 : i32
          %dma_start3A_225 = tpu.memref_slice %arg7[%sub3A_223, %dma_start3A_224] : memref<32x64xi32, #tpu.memory_space<vmem>> -> memref<1x64xi32, #tpu.memory_space<vmem>>
          %dma_start3A_226 = tpu.memref_squeeze %dma_start3A_225 : memref<1x64xi32, #tpu.memory_space<vmem>> -> memref<64xi32, #tpu.memory_space<vmem>>
          %dma_start3A_227 = arith.constant 0 : i32
          %dma_start3A_228 = arith.constant 0 : i32
          %dma_start3A_229 = tpu.memref_slice %arg2[%dma_start3A_227, %dma_start3A_228] : memref<10240x128xf32, #tpu.memory_space<hbm>> -> memref<10240x128xf32, #tpu.memory_space<hbm>>
          tpu.enqueue_indirect_dma source(%dma_start3A_229 : memref<10240x128xf32, #tpu.memory_space<hbm>>) target(%arg11 : memref<64x128xf32, #tpu.memory_space<vmem>>) offsets(%dma_start3A_226 : memref<64xi32, #tpu.memory_space<vmem>>) semaphore(%arg16 : memref<!tpu.dma_semaphore, #tpu.memory_space<semaphore_mem>>)
        } else {
        }
      }
      %scan3A_100 = arith.constant 8 : i32
      tpu.wait_dma2 semaphore(%arg18 : memref<!tpu.dma_semaphore, #tpu.memory_space<semaphore_mem>>) src(%arg5 : memref<64x128xf32, #tpu.memory_space<hbm>>) dst(%arg9 : memref<64x128xf32, #tpu.memory_space<vmem>>)
      tpu.wait_dma2 semaphore(%arg19 : memref<!tpu.dma_semaphore, #tpu.memory_space<semaphore_mem>>) src(%arg5 : memref<64x128xf32, #tpu.memory_space<hbm>>) dst(%arg10 : memref<64x128xf32, #tpu.memory_space<vmem>>)
      tpu.wait_dma2 semaphore(%arg20 : memref<!tpu.dma_semaphore, #tpu.memory_space<semaphore_mem>>) src(%arg5 : memref<64x128xf32, #tpu.memory_space<hbm>>) dst(%arg11 : memref<64x128xf32, #tpu.memory_space<vmem>>)
      tpu.wait_dma2 semaphore(%arg21 : memref<!tpu.dma_semaphore, #tpu.memory_space<semaphore_mem>>) src(%arg5 : memref<64x128xf32, #tpu.memory_space<hbm>>) dst(%arg12 : memref<64x128xf32, #tpu.memory_space<vmem>>)
    }
    %scan3A_65 = arith.constant 5 : i32
    %barrier3A_66 = arith.constant 0 : index
    tpu.barrier barrier_id(%barrier3A_66)
    %mul3A_67 = arith.constant 640 : i32
    %mul3A_68 = arith.muli %arg1, %mul3A_67 : i32
    %mul3A_69 = arith.constant 640 : i32
    %mul3A_70 = arith.muli %arg1, %mul3A_69 : i32
    "tpu.region"() ({
      %run_scoped3A = tpu.sem_alloc : memref<!tpu.dma_semaphore, #tpu.memory_space<semaphore_mem>>
      %dma_start3A = arith.constant 0 : i32
      %dma_start3A_71 = tpu.memref_slice %arg6[%arg0, %mul3A_70, %dma_start3A] : memref<2x10240x128xf32, #tpu.memory_space<hbm>> -> memref<1x640x128xf32, #tpu.memory_space<hbm>>
      %dma_start3A_72 = tpu.memref_squeeze %dma_start3A_71 : memref<1x640x128xf32, #tpu.memory_space<hbm>> -> memref<640x128xf32, #tpu.memory_space<hbm>>
      %dma_start3A_73 = arith.constant 0 : i32
      %dma_start3A_74 = tpu.memref_slice %arg13[%mul3A_68, %dma_start3A_73] : memref<10240x128xf32, #tpu.memory_space<vmem_shared>> -> memref<640x128xf32, #tpu.memory_space<vmem_shared>>
      tpu.enqueue_dma source(%dma_start3A_74 : memref<640x128xf32, #tpu.memory_space<vmem_shared>>) target(%dma_start3A_72 : memref<640x128xf32, #tpu.memory_space<hbm>>) target_semaphore(%run_scoped3A : memref<!tpu.dma_semaphore, #tpu.memory_space<semaphore_mem>>)
      %dma_wait3A = arith.constant 0 : i32
      %dma_wait3A_75 = tpu.memref_slice %arg6[%arg0, %mul3A_70, %dma_wait3A] : memref<2x10240x128xf32, #tpu.memory_space<hbm>> -> memref<1x640x128xf32, #tpu.memory_space<hbm>>
      %dma_wait3A_76 = tpu.memref_squeeze %dma_wait3A_75 : memref<1x640x128xf32, #tpu.memory_space<hbm>> -> memref<640x128xf32, #tpu.memory_space<hbm>>
      %dma_wait3A_77 = arith.constant 0 : i32
      %dma_wait3A_78 = tpu.memref_slice %arg13[%mul3A_68, %dma_wait3A_77] : memref<10240x128xf32, #tpu.memory_space<vmem_shared>> -> memref<640x128xf32, #tpu.memory_space<vmem_shared>>
      tpu.wait_dma2 semaphore(%run_scoped3A : memref<!tpu.dma_semaphore, #tpu.memory_space<semaphore_mem>>) src(%dma_wait3A_78 : memref<640x128xf32, #tpu.memory_space<vmem_shared>>) dst(%dma_wait3A_76 : memref<640x128xf32, #tpu.memory_space<hbm>>)
      tpu.yield
    }) : () -> ()
    return
  }
}

#map = affine_map<(d0, d1) -> (0, 0)>
#map1 = affine_map<(d0, d1) -> (0, 0, 0)>
module attributes {stable_mosaic.version = 14 : i64} {
  func.func @body(%arg0: i32, %arg1: i32, %arg2: memref<20480x128xf32, #tpu.memory_space<hbm>>, %arg3: memref<32x320x64xi32, #tpu.memory_space<hbm>>, %arg4: memref<32x320x64xi32, #tpu.memory_space<hbm>>, %arg5: memref<64x128xf32, #tpu.memory_space<hbm>>, %arg6: memref<2x10240x128xf32, #tpu.memory_space<hbm>>, %arg7: memref<64x64xi32, #tpu.memory_space<vmem>>, %arg8: memref<64x64xi32, #tpu.memory_space<vmem>>, %arg9: memref<64x128xf32, #tpu.memory_space<vmem>>, %arg10: memref<64x128xf32, #tpu.memory_space<vmem>>, %arg11: memref<64x128xf32, #tpu.memory_space<vmem>>, %arg12: memref<64x128xf32, #tpu.memory_space<vmem>>, %arg13: memref<10240x128xf32, #tpu.memory_space<vmem_shared>>, %arg14: memref<!tpu.dma_semaphore, #tpu.memory_space<semaphore_mem>>, %arg15: memref<!tpu.dma_semaphore, #tpu.memory_space<semaphore_mem>>, %arg16: memref<!tpu.dma_semaphore, #tpu.memory_space<semaphore_mem>>, %arg17: memref<!tpu.dma_semaphore, #tpu.memory_space<semaphore_mem>>, %arg18: memref<!tpu.dma_semaphore, #tpu.memory_space<semaphore_mem>>, %arg19: memref<!tpu.dma_semaphore, #tpu.memory_space<semaphore_mem>>, %arg20: memref<!tpu.dma_semaphore, #tpu.memory_space<semaphore_mem>>, %arg21: memref<!tpu.dma_semaphore, #tpu.memory_space<semaphore_mem>>) attributes {dimension_semantics = [#tpu.dimension_semantics<core_parallel>, #tpu.dimension_semantics<subcore_parallel>], iteration_bounds = array<i64: 2, 16>, scalar_prefetch = 0 : i64, scratch_operands = 15 : i64, tpu.core_type = #tpu.core_type<sc_vector_subcore>, window_params = [{transform_indices = #map}, {transform_indices = #map1}, {transform_indices = #map1}, {transform_indices = #map}, {transform_indices = #map1}]} {
    %mul3A = arith.constant 16 : i32
    %mul3A_0 = arith.muli %arg0, %mul3A : i32
    %add3A = arith.addi %mul3A_0, %arg1 : i32
    "tpu.region"() ({
      %run_scoped3A = tpu.sem_alloc : memref<!tpu.dma_semaphore, #tpu.memory_space<semaphore_mem>>
      tpu.enqueue_dma source(%arg5 : memref<64x128xf32, #tpu.memory_space<hbm>>) target(%arg9 : memref<64x128xf32, #tpu.memory_space<vmem>>) target_semaphore(%run_scoped3A : memref<!tpu.dma_semaphore, #tpu.memory_space<semaphore_mem>>)
      tpu.wait_dma2 semaphore(%run_scoped3A : memref<!tpu.dma_semaphore, #tpu.memory_space<semaphore_mem>>) src(%arg5 : memref<64x128xf32, #tpu.memory_space<hbm>>) dst(%arg9 : memref<64x128xf32, #tpu.memory_space<vmem>>)
      tpu.yield
    }) : () -> ()
    %mul3A_1 = arith.constant 10 : i32
    %mul3A_2 = arith.muli %arg1, %mul3A_1 : i32
    %add3A_3 = arith.constant 0 : i32
    %add3A_4 = arith.addi %mul3A_2, %add3A_3 : i32
    %mul3A_5 = arith.constant 64 : i32
    %mul3A_6 = arith.muli %add3A_4, %mul3A_5 : i32
    "tpu.region"() ({
      %run_scoped3A = tpu.sem_alloc : memref<!tpu.dma_semaphore, #tpu.memory_space<semaphore_mem>>
      %dma_start3A = arith.constant 0 : i32
      %dma_start3A_71 = tpu.memref_slice %arg13[%mul3A_6, %dma_start3A] : memref<10240x128xf32, #tpu.memory_space<vmem_shared>> -> memref<64x128xf32, #tpu.memory_space<vmem_shared>>
      %dma_start3A_72 = arith.constant 0 : i32
      %dma_start3A_73 = tpu.memref_slice %arg13[%mul3A_6, %dma_start3A_72] : memref<10240x128xf32, #tpu.memory_space<vmem_shared>> -> memref<64x128xf32, #tpu.memory_space<vmem_shared>>
      tpu.enqueue_dma source(%arg9 : memref<64x128xf32, #tpu.memory_space<vmem>>) target(%dma_start3A_73 : memref<64x128xf32, #tpu.memory_space<vmem_shared>>) target_semaphore(%run_scoped3A : memref<!tpu.dma_semaphore, #tpu.memory_space<semaphore_mem>>)
      %dma_wait3A = arith.constant 0 : i32
      %dma_wait3A_74 = tpu.memref_slice %arg13[%mul3A_6, %dma_wait3A] : memref<10240x128xf32, #tpu.memory_space<vmem_shared>> -> memref<64x128xf32, #tpu.memory_space<vmem_shared>>
      %dma_wait3A_75 = arith.constant 0 : i32
      %dma_wait3A_76 = tpu.memref_slice %arg13[%mul3A_6, %dma_wait3A_75] : memref<10240x128xf32, #tpu.memory_space<vmem_shared>> -> memref<64x128xf32, #tpu.memory_space<vmem_shared>>
      tpu.wait_dma2 semaphore(%run_scoped3A : memref<!tpu.dma_semaphore, #tpu.memory_space<semaphore_mem>>) src(%arg9 : memref<64x128xf32, #tpu.memory_space<vmem>>) dst(%dma_wait3A_76 : memref<64x128xf32, #tpu.memory_space<vmem_shared>>)
      tpu.yield
    }) : () -> ()
    %mul3A_7 = arith.constant 10 : i32
    %mul3A_8 = arith.muli %arg1, %mul3A_7 : i32
    %add3A_9 = arith.constant 1 : i32
    %add3A_10 = arith.addi %mul3A_8, %add3A_9 : i32
    %mul3A_11 = arith.constant 64 : i32
    %mul3A_12 = arith.muli %add3A_10, %mul3A_11 : i32
    "tpu.region"() ({
      %run_scoped3A = tpu.sem_alloc : memref<!tpu.dma_semaphore, #tpu.memory_space<semaphore_mem>>
      %dma_start3A = arith.constant 0 : i32
      %dma_start3A_71 = tpu.memref_slice %arg13[%mul3A_12, %dma_start3A] : memref<10240x128xf32, #tpu.memory_space<vmem_shared>> -> memref<64x128xf32, #tpu.memory_space<vmem_shared>>
      %dma_start3A_72 = arith.constant 0 : i32
      %dma_start3A_73 = tpu.memref_slice %arg13[%mul3A_12, %dma_start3A_72] : memref<10240x128xf32, #tpu.memory_space<vmem_shared>> -> memref<64x128xf32, #tpu.memory_space<vmem_shared>>
      tpu.enqueue_dma source(%arg9 : memref<64x128xf32, #tpu.memory_space<vmem>>) target(%dma_start3A_73 : memref<64x128xf32, #tpu.memory_space<vmem_shared>>) target_semaphore(%run_scoped3A : memref<!tpu.dma_semaphore, #tpu.memory_space<semaphore_mem>>)
      %dma_wait3A = arith.constant 0 : i32
      %dma_wait3A_74 = tpu.memref_slice %arg13[%mul3A_12, %dma_wait3A] : memref<10240x128xf32, #tpu.memory_space<vmem_shared>> -> memref<64x128xf32, #tpu.memory_space<vmem_shared>>
      %dma_wait3A_75 = arith.constant 0 : i32
      %dma_wait3A_76 = tpu.memref_slice %arg13[%mul3A_12, %dma_wait3A_75] : memref<10240x128xf32, #tpu.memory_space<vmem_shared>> -> memref<64x128xf32, #tpu.memory_space<vmem_shared>>
      tpu.wait_dma2 semaphore(%run_scoped3A : memref<!tpu.dma_semaphore, #tpu.memory_space<semaphore_mem>>) src(%arg9 : memref<64x128xf32, #tpu.memory_space<vmem>>) dst(%dma_wait3A_76 : memref<64x128xf32, #tpu.memory_space<vmem_shared>>)
      tpu.yield
    }) : () -> ()
    %mul3A_13 = arith.constant 10 : i32
    %mul3A_14 = arith.muli %arg1, %mul3A_13 : i32
    %add3A_15 = arith.constant 2 : i32
    %add3A_16 = arith.addi %mul3A_14, %add3A_15 : i32
    %mul3A_17 = arith.constant 64 : i32
    %mul3A_18 = arith.muli %add3A_16, %mul3A_17 : i32
    "tpu.region"() ({
      %run_scoped3A = tpu.sem_alloc : memref<!tpu.dma_semaphore, #tpu.memory_space<semaphore_mem>>
      %dma_start3A = arith.constant 0 : i32
      %dma_start3A_71 = tpu.memref_slice %arg13[%mul3A_18, %dma_start3A] : memref<10240x128xf32, #tpu.memory_space<vmem_shared>> -> memref<64x128xf32, #tpu.memory_space<vmem_shared>>
      %dma_start3A_72 = arith.constant 0 : i32
      %dma_start3A_73 = tpu.memref_slice %arg13[%mul3A_18, %dma_start3A_72] : memref<10240x128xf32, #tpu.memory_space<vmem_shared>> -> memref<64x128xf32, #tpu.memory_space<vmem_shared>>
      tpu.enqueue_dma source(%arg9 : memref<64x128xf32, #tpu.memory_space<vmem>>) target(%dma_start3A_73 : memref<64x128xf32, #tpu.memory_space<vmem_shared>>) target_semaphore(%run_scoped3A : memref<!tpu.dma_semaphore, #tpu.memory_space<semaphore_mem>>)
      %dma_wait3A = arith.constant 0 : i32
      %dma_wait3A_74 = tpu.memref_slice %arg13[%mul3A_18, %dma_wait3A] : memref<10240x128xf32, #tpu.memory_space<vmem_shared>> -> memref<64x128xf32, #tpu.memory_space<vmem_shared>>
      %dma_wait3A_75 = arith.constant 0 : i32
      %dma_wait3A_76 = tpu.memref_slice %arg13[%mul3A_18, %dma_wait3A_75] : memref<10240x128xf32, #tpu.memory_space<vmem_shared>> -> memref<64x128xf32, #tpu.memory_space<vmem_shared>>
      tpu.wait_dma2 semaphore(%run_scoped3A : memref<!tpu.dma_semaphore, #tpu.memory_space<semaphore_mem>>) src(%arg9 : memref<64x128xf32, #tpu.memory_space<vmem>>) dst(%dma_wait3A_76 : memref<64x128xf32, #tpu.memory_space<vmem_shared>>)
      tpu.yield
    }) : () -> ()
    %mul3A_19 = arith.constant 10 : i32
    %mul3A_20 = arith.muli %arg1, %mul3A_19 : i32
    %add3A_21 = arith.constant 3 : i32
    %add3A_22 = arith.addi %mul3A_20, %add3A_21 : i32
    %mul3A_23 = arith.constant 64 : i32
    %mul3A_24 = arith.muli %add3A_22, %mul3A_23 : i32
    "tpu.region"() ({
      %run_scoped3A = tpu.sem_alloc : memref<!tpu.dma_semaphore, #tpu.memory_space<semaphore_mem>>
      %dma_start3A = arith.constant 0 : i32
      %dma_start3A_71 = tpu.memref_slice %arg13[%mul3A_24, %dma_start3A] : memref<10240x128xf32, #tpu.memory_space<vmem_shared>> -> memref<64x128xf32, #tpu.memory_space<vmem_shared>>
      %dma_start3A_72 = arith.constant 0 : i32
      %dma_start3A_73 = tpu.memref_slice %arg13[%mul3A_24, %dma_start3A_72] : memref<10240x128xf32, #tpu.memory_space<vmem_shared>> -> memref<64x128xf32, #tpu.memory_space<vmem_shared>>
      tpu.enqueue_dma source(%arg9 : memref<64x128xf32, #tpu.memory_space<vmem>>) target(%dma_start3A_73 : memref<64x128xf32, #tpu.memory_space<vmem_shared>>) target_semaphore(%run_scoped3A : memref<!tpu.dma_semaphore, #tpu.memory_space<semaphore_mem>>)
      %dma_wait3A = arith.constant 0 : i32
      %dma_wait3A_74 = tpu.memref_slice %arg13[%mul3A_24, %dma_wait3A] : memref<10240x128xf32, #tpu.memory_space<vmem_shared>> -> memref<64x128xf32, #tpu.memory_space<vmem_shared>>
      %dma_wait3A_75 = arith.constant 0 : i32
      %dma_wait3A_76 = tpu.memref_slice %arg13[%mul3A_24, %dma_wait3A_75] : memref<10240x128xf32, #tpu.memory_space<vmem_shared>> -> memref<64x128xf32, #tpu.memory_space<vmem_shared>>
      tpu.wait_dma2 semaphore(%run_scoped3A : memref<!tpu.dma_semaphore, #tpu.memory_space<semaphore_mem>>) src(%arg9 : memref<64x128xf32, #tpu.memory_space<vmem>>) dst(%dma_wait3A_76 : memref<64x128xf32, #tpu.memory_space<vmem_shared>>)
      tpu.yield
    }) : () -> ()
    %mul3A_25 = arith.constant 10 : i32
    %mul3A_26 = arith.muli %arg1, %mul3A_25 : i32
    %add3A_27 = arith.constant 4 : i32
    %add3A_28 = arith.addi %mul3A_26, %add3A_27 : i32
    %mul3A_29 = arith.constant 64 : i32
    %mul3A_30 = arith.muli %add3A_28, %mul3A_29 : i32
    "tpu.region"() ({
      %run_scoped3A = tpu.sem_alloc : memref<!tpu.dma_semaphore, #tpu.memory_space<semaphore_mem>>
      %dma_start3A = arith.constant 0 : i32
      %dma_start3A_71 = tpu.memref_slice %arg13[%mul3A_30, %dma_start3A] : memref<10240x128xf32, #tpu.memory_space<vmem_shared>> -> memref<64x128xf32, #tpu.memory_space<vmem_shared>>
      %dma_start3A_72 = arith.constant 0 : i32
      %dma_start3A_73 = tpu.memref_slice %arg13[%mul3A_30, %dma_start3A_72] : memref<10240x128xf32, #tpu.memory_space<vmem_shared>> -> memref<64x128xf32, #tpu.memory_space<vmem_shared>>
      tpu.enqueue_dma source(%arg9 : memref<64x128xf32, #tpu.memory_space<vmem>>) target(%dma_start3A_73 : memref<64x128xf32, #tpu.memory_space<vmem_shared>>) target_semaphore(%run_scoped3A : memref<!tpu.dma_semaphore, #tpu.memory_space<semaphore_mem>>)
      %dma_wait3A = arith.constant 0 : i32
      %dma_wait3A_74 = tpu.memref_slice %arg13[%mul3A_30, %dma_wait3A] : memref<10240x128xf32, #tpu.memory_space<vmem_shared>> -> memref<64x128xf32, #tpu.memory_space<vmem_shared>>
      %dma_wait3A_75 = arith.constant 0 : i32
      %dma_wait3A_76 = tpu.memref_slice %arg13[%mul3A_30, %dma_wait3A_75] : memref<10240x128xf32, #tpu.memory_space<vmem_shared>> -> memref<64x128xf32, #tpu.memory_space<vmem_shared>>
      tpu.wait_dma2 semaphore(%run_scoped3A : memref<!tpu.dma_semaphore, #tpu.memory_space<semaphore_mem>>) src(%arg9 : memref<64x128xf32, #tpu.memory_space<vmem>>) dst(%dma_wait3A_76 : memref<64x128xf32, #tpu.memory_space<vmem_shared>>)
      tpu.yield
    }) : () -> ()
    %mul3A_31 = arith.constant 10 : i32
    %mul3A_32 = arith.muli %arg1, %mul3A_31 : i32
    %add3A_33 = arith.constant 5 : i32
    %add3A_34 = arith.addi %mul3A_32, %add3A_33 : i32
    %mul3A_35 = arith.constant 64 : i32
    %mul3A_36 = arith.muli %add3A_34, %mul3A_35 : i32
    "tpu.region"() ({
      %run_scoped3A = tpu.sem_alloc : memref<!tpu.dma_semaphore, #tpu.memory_space<semaphore_mem>>
      %dma_start3A = arith.constant 0 : i32
      %dma_start3A_71 = tpu.memref_slice %arg13[%mul3A_36, %dma_start3A] : memref<10240x128xf32, #tpu.memory_space<vmem_shared>> -> memref<64x128xf32, #tpu.memory_space<vmem_shared>>
      %dma_start3A_72 = arith.constant 0 : i32
      %dma_start3A_73 = tpu.memref_slice %arg13[%mul3A_36, %dma_start3A_72] : memref<10240x128xf32, #tpu.memory_space<vmem_shared>> -> memref<64x128xf32, #tpu.memory_space<vmem_shared>>
      tpu.enqueue_dma source(%arg9 : memref<64x128xf32, #tpu.memory_space<vmem>>) target(%dma_start3A_73 : memref<64x128xf32, #tpu.memory_space<vmem_shared>>) target_semaphore(%run_scoped3A : memref<!tpu.dma_semaphore, #tpu.memory_space<semaphore_mem>>)
      %dma_wait3A = arith.constant 0 : i32
      %dma_wait3A_74 = tpu.memref_slice %arg13[%mul3A_36, %dma_wait3A] : memref<10240x128xf32, #tpu.memory_space<vmem_shared>> -> memref<64x128xf32, #tpu.memory_space<vmem_shared>>
      %dma_wait3A_75 = arith.constant 0 : i32
      %dma_wait3A_76 = tpu.memref_slice %arg13[%mul3A_36, %dma_wait3A_75] : memref<10240x128xf32, #tpu.memory_space<vmem_shared>> -> memref<64x128xf32, #tpu.memory_space<vmem_shared>>
      tpu.wait_dma2 semaphore(%run_scoped3A : memref<!tpu.dma_semaphore, #tpu.memory_space<semaphore_mem>>) src(%arg9 : memref<64x128xf32, #tpu.memory_space<vmem>>) dst(%dma_wait3A_76 : memref<64x128xf32, #tpu.memory_space<vmem_shared>>)
      tpu.yield
    }) : () -> ()
    %mul3A_37 = arith.constant 10 : i32
    %mul3A_38 = arith.muli %arg1, %mul3A_37 : i32
    %add3A_39 = arith.constant 6 : i32
    %add3A_40 = arith.addi %mul3A_38, %add3A_39 : i32
    %mul3A_41 = arith.constant 64 : i32
    %mul3A_42 = arith.muli %add3A_40, %mul3A_41 : i32
    "tpu.region"() ({
      %run_scoped3A = tpu.sem_alloc : memref<!tpu.dma_semaphore, #tpu.memory_space<semaphore_mem>>
      %dma_start3A = arith.constant 0 : i32
      %dma_start3A_71 = tpu.memref_slice %arg13[%mul3A_42, %dma_start3A] : memref<10240x128xf32, #tpu.memory_space<vmem_shared>> -> memref<64x128xf32, #tpu.memory_space<vmem_shared>>
      %dma_start3A_72 = arith.constant 0 : i32
      %dma_start3A_73 = tpu.memref_slice %arg13[%mul3A_42, %dma_start3A_72] : memref<10240x128xf32, #tpu.memory_space<vmem_shared>> -> memref<64x128xf32, #tpu.memory_space<vmem_shared>>
      tpu.enqueue_dma source(%arg9 : memref<64x128xf32, #tpu.memory_space<vmem>>) target(%dma_start3A_73 : memref<64x128xf32, #tpu.memory_space<vmem_shared>>) target_semaphore(%run_scoped3A : memref<!tpu.dma_semaphore, #tpu.memory_space<semaphore_mem>>)
      %dma_wait3A = arith.constant 0 : i32
      %dma_wait3A_74 = tpu.memref_slice %arg13[%mul3A_42, %dma_wait3A] : memref<10240x128xf32, #tpu.memory_space<vmem_shared>> -> memref<64x128xf32, #tpu.memory_space<vmem_shared>>
      %dma_wait3A_75 = arith.constant 0 : i32
      %dma_wait3A_76 = tpu.memref_slice %arg13[%mul3A_42, %dma_wait3A_75] : memref<10240x128xf32, #tpu.memory_space<vmem_shared>> -> memref<64x128xf32, #tpu.memory_space<vmem_shared>>
      tpu.wait_dma2 semaphore(%run_scoped3A : memref<!tpu.dma_semaphore, #tpu.memory_space<semaphore_mem>>) src(%arg9 : memref<64x128xf32, #tpu.memory_space<vmem>>) dst(%dma_wait3A_76 : memref<64x128xf32, #tpu.memory_space<vmem_shared>>)
      tpu.yield
    }) : () -> ()
    %mul3A_43 = arith.constant 10 : i32
    %mul3A_44 = arith.muli %arg1, %mul3A_43 : i32
    %add3A_45 = arith.constant 7 : i32
    %add3A_46 = arith.addi %mul3A_44, %add3A_45 : i32
    %mul3A_47 = arith.constant 64 : i32
    %mul3A_48 = arith.muli %add3A_46, %mul3A_47 : i32
    "tpu.region"() ({
      %run_scoped3A = tpu.sem_alloc : memref<!tpu.dma_semaphore, #tpu.memory_space<semaphore_mem>>
      %dma_start3A = arith.constant 0 : i32
      %dma_start3A_71 = tpu.memref_slice %arg13[%mul3A_48, %dma_start3A] : memref<10240x128xf32, #tpu.memory_space<vmem_shared>> -> memref<64x128xf32, #tpu.memory_space<vmem_shared>>
      %dma_start3A_72 = arith.constant 0 : i32
      %dma_start3A_73 = tpu.memref_slice %arg13[%mul3A_48, %dma_start3A_72] : memref<10240x128xf32, #tpu.memory_space<vmem_shared>> -> memref<64x128xf32, #tpu.memory_space<vmem_shared>>
      tpu.enqueue_dma source(%arg9 : memref<64x128xf32, #tpu.memory_space<vmem>>) target(%dma_start3A_73 : memref<64x128xf32, #tpu.memory_space<vmem_shared>>) target_semaphore(%run_scoped3A : memref<!tpu.dma_semaphore, #tpu.memory_space<semaphore_mem>>)
      %dma_wait3A = arith.constant 0 : i32
      %dma_wait3A_74 = tpu.memref_slice %arg13[%mul3A_48, %dma_wait3A] : memref<10240x128xf32, #tpu.memory_space<vmem_shared>> -> memref<64x128xf32, #tpu.memory_space<vmem_shared>>
      %dma_wait3A_75 = arith.constant 0 : i32
      %dma_wait3A_76 = tpu.memref_slice %arg13[%mul3A_48, %dma_wait3A_75] : memref<10240x128xf32, #tpu.memory_space<vmem_shared>> -> memref<64x128xf32, #tpu.memory_space<vmem_shared>>
      tpu.wait_dma2 semaphore(%run_scoped3A : memref<!tpu.dma_semaphore, #tpu.memory_space<semaphore_mem>>) src(%arg9 : memref<64x128xf32, #tpu.memory_space<vmem>>) dst(%dma_wait3A_76 : memref<64x128xf32, #tpu.memory_space<vmem_shared>>)
      tpu.yield
    }) : () -> ()
    %mul3A_49 = arith.constant 10 : i32
    %mul3A_50 = arith.muli %arg1, %mul3A_49 : i32
    %add3A_51 = arith.constant 8 : i32
    %add3A_52 = arith.addi %mul3A_50, %add3A_51 : i32
    %mul3A_53 = arith.constant 64 : i32
    %mul3A_54 = arith.muli %add3A_52, %mul3A_53 : i32
    "tpu.region"() ({
      %run_scoped3A = tpu.sem_alloc : memref<!tpu.dma_semaphore, #tpu.memory_space<semaphore_mem>>
      %dma_start3A = arith.constant 0 : i32
      %dma_start3A_71 = tpu.memref_slice %arg13[%mul3A_54, %dma_start3A] : memref<10240x128xf32, #tpu.memory_space<vmem_shared>> -> memref<64x128xf32, #tpu.memory_space<vmem_shared>>
      %dma_start3A_72 = arith.constant 0 : i32
      %dma_start3A_73 = tpu.memref_slice %arg13[%mul3A_54, %dma_start3A_72] : memref<10240x128xf32, #tpu.memory_space<vmem_shared>> -> memref<64x128xf32, #tpu.memory_space<vmem_shared>>
      tpu.enqueue_dma source(%arg9 : memref<64x128xf32, #tpu.memory_space<vmem>>) target(%dma_start3A_73 : memref<64x128xf32, #tpu.memory_space<vmem_shared>>) target_semaphore(%run_scoped3A : memref<!tpu.dma_semaphore, #tpu.memory_space<semaphore_mem>>)
      %dma_wait3A = arith.constant 0 : i32
      %dma_wait3A_74 = tpu.memref_slice %arg13[%mul3A_54, %dma_wait3A] : memref<10240x128xf32, #tpu.memory_space<vmem_shared>> -> memref<64x128xf32, #tpu.memory_space<vmem_shared>>
      %dma_wait3A_75 = arith.constant 0 : i32
      %dma_wait3A_76 = tpu.memref_slice %arg13[%mul3A_54, %dma_wait3A_75] : memref<10240x128xf32, #tpu.memory_space<vmem_shared>> -> memref<64x128xf32, #tpu.memory_space<vmem_shared>>
      tpu.wait_dma2 semaphore(%run_scoped3A : memref<!tpu.dma_semaphore, #tpu.memory_space<semaphore_mem>>) src(%arg9 : memref<64x128xf32, #tpu.memory_space<vmem>>) dst(%dma_wait3A_76 : memref<64x128xf32, #tpu.memory_space<vmem_shared>>)
      tpu.yield
    }) : () -> ()
    %mul3A_55 = arith.constant 10 : i32
    %mul3A_56 = arith.muli %arg1, %mul3A_55 : i32
    %add3A_57 = arith.constant 9 : i32
    %add3A_58 = arith.addi %mul3A_56, %add3A_57 : i32
    %mul3A_59 = arith.constant 64 : i32
    %mul3A_60 = arith.muli %add3A_58, %mul3A_59 : i32
    "tpu.region"() ({
      %run_scoped3A = tpu.sem_alloc : memref<!tpu.dma_semaphore, #tpu.memory_space<semaphore_mem>>
      %dma_start3A = arith.constant 0 : i32
      %dma_start3A_71 = tpu.memref_slice %arg13[%mul3A_60, %dma_start3A] : memref<10240x128xf32, #tpu.memory_space<vmem_shared>> -> memref<64x128xf32, #tpu.memory_space<vmem_shared>>
      %dma_start3A_72 = arith.constant 0 : i32
      %dma_start3A_73 = tpu.memref_slice %arg13[%mul3A_60, %dma_start3A_72] : memref<10240x128xf32, #tpu.memory_space<vmem_shared>> -> memref<64x128xf32, #tpu.memory_space<vmem_shared>>
      tpu.enqueue_dma source(%arg9 : memref<64x128xf32, #tpu.memory_space<vmem>>) target(%dma_start3A_73 : memref<64x128xf32, #tpu.memory_space<vmem_shared>>) target_semaphore(%run_scoped3A : memref<!tpu.dma_semaphore, #tpu.memory_space<semaphore_mem>>)
      %dma_wait3A = arith.constant 0 : i32
      %dma_wait3A_74 = tpu.memref_slice %arg13[%mul3A_60, %dma_wait3A] : memref<10240x128xf32, #tpu.memory_space<vmem_shared>> -> memref<64x128xf32, #tpu.memory_space<vmem_shared>>
      %dma_wait3A_75 = arith.constant 0 : i32
      %dma_wait3A_76 = tpu.memref_slice %arg13[%mul3A_60, %dma_wait3A_75] : memref<10240x128xf32, #tpu.memory_space<vmem_shared>> -> memref<64x128xf32, #tpu.memory_space<vmem_shared>>
      tpu.wait_dma2 semaphore(%run_scoped3A : memref<!tpu.dma_semaphore, #tpu.memory_space<semaphore_mem>>) src(%arg9 : memref<64x128xf32, #tpu.memory_space<vmem>>) dst(%dma_wait3A_76 : memref<64x128xf32, #tpu.memory_space<vmem_shared>>)
      tpu.yield
    }) : () -> ()
    %barrier3A = arith.constant 0 : index
    tpu.barrier barrier_id(%barrier3A)
    %scan3A = arith.constant 0 : i32
    %scan3A_61 = arith.constant 0 : i32
    %scan3A_62 = arith.constant 5 : i32
    %scan3A_63 = arith.addi %scan3A_61, %scan3A_62 : i32
    %scan3A_64 = arith.constant 1 : i32
    scf.for %scan3A_71 = %scan3A_61 to %scan3A_63 step %scan3A_64  : i32 {
      %mul3A_72 = arith.constant 64 : i32
      %mul3A_73 = arith.muli %scan3A_71, %mul3A_72 : i32
      "tpu.region"() ({
        %run_scoped3A = tpu.sem_alloc : memref<!tpu.dma_semaphore, #tpu.memory_space<semaphore_mem>>
        %dma_start3A_101 = arith.constant 0 : i32
        %dma_start3A_102 = tpu.memref_slice %arg3[%add3A, %mul3A_73, %dma_start3A_101] : memref<32x320x64xi32, #tpu.memory_space<hbm>> -> memref<1x64x64xi32, #tpu.memory_space<hbm>>
        %dma_start3A_103 = tpu.memref_squeeze %dma_start3A_102 : memref<1x64x64xi32, #tpu.memory_space<hbm>> -> memref<64x64xi32, #tpu.memory_space<hbm>>
        %dma_start3A_104 = arith.constant 0 : i32
        %dma_start3A_105 = tpu.memref_slice %arg3[%add3A, %mul3A_73, %dma_start3A_104] : memref<32x320x64xi32, #tpu.memory_space<hbm>> -> memref<1x64x64xi32, #tpu.memory_space<hbm>>
        %dma_start3A_106 = tpu.memref_squeeze %dma_start3A_105 : memref<1x64x64xi32, #tpu.memory_space<hbm>> -> memref<64x64xi32, #tpu.memory_space<hbm>>
        tpu.enqueue_dma source(%dma_start3A_106 : memref<64x64xi32, #tpu.memory_space<hbm>>) target(%arg7 : memref<64x64xi32, #tpu.memory_space<vmem>>) target_semaphore(%run_scoped3A : memref<!tpu.dma_semaphore, #tpu.memory_space<semaphore_mem>>)
        %dma_wait3A = arith.constant 0 : i32
        %dma_wait3A_107 = tpu.memref_slice %arg3[%add3A, %mul3A_73, %dma_wait3A] : memref<32x320x64xi32, #tpu.memory_space<hbm>> -> memref<1x64x64xi32, #tpu.memory_space<hbm>>
        %dma_wait3A_108 = tpu.memref_squeeze %dma_wait3A_107 : memref<1x64x64xi32, #tpu.memory_space<hbm>> -> memref<64x64xi32, #tpu.memory_space<hbm>>
        %dma_wait3A_109 = arith.constant 0 : i32
        %dma_wait3A_110 = tpu.memref_slice %arg3[%add3A, %mul3A_73, %dma_wait3A_109] : memref<32x320x64xi32, #tpu.memory_space<hbm>> -> memref<1x64x64xi32, #tpu.memory_space<hbm>>
        %dma_wait3A_111 = tpu.memref_squeeze %dma_wait3A_110 : memref<1x64x64xi32, #tpu.memory_space<hbm>> -> memref<64x64xi32, #tpu.memory_space<hbm>>
        tpu.wait_dma2 semaphore(%run_scoped3A : memref<!tpu.dma_semaphore, #tpu.memory_space<semaphore_mem>>) src(%dma_wait3A_111 : memref<64x64xi32, #tpu.memory_space<hbm>>) dst(%arg7 : memref<64x64xi32, #tpu.memory_space<vmem>>)
        tpu.yield
      }) : () -> ()
      %mul3A_74 = arith.constant 64 : i32
      %mul3A_75 = arith.muli %scan3A_71, %mul3A_74 : i32
      "tpu.region"() ({
        %run_scoped3A = tpu.sem_alloc : memref<!tpu.dma_semaphore, #tpu.memory_space<semaphore_mem>>
        %dma_start3A_101 = arith.constant 0 : i32
        %dma_start3A_102 = tpu.memref_slice %arg4[%add3A, %mul3A_75, %dma_start3A_101] : memref<32x320x64xi32, #tpu.memory_space<hbm>> -> memref<1x64x64xi32, #tpu.memory_space<hbm>>
        %dma_start3A_103 = tpu.memref_squeeze %dma_start3A_102 : memref<1x64x64xi32, #tpu.memory_space<hbm>> -> memref<64x64xi32, #tpu.memory_space<hbm>>
        %dma_start3A_104 = arith.constant 0 : i32
        %dma_start3A_105 = tpu.memref_slice %arg4[%add3A, %mul3A_75, %dma_start3A_104] : memref<32x320x64xi32, #tpu.memory_space<hbm>> -> memref<1x64x64xi32, #tpu.memory_space<hbm>>
        %dma_start3A_106 = tpu.memref_squeeze %dma_start3A_105 : memref<1x64x64xi32, #tpu.memory_space<hbm>> -> memref<64x64xi32, #tpu.memory_space<hbm>>
        tpu.enqueue_dma source(%dma_start3A_106 : memref<64x64xi32, #tpu.memory_space<hbm>>) target(%arg8 : memref<64x64xi32, #tpu.memory_space<vmem>>) target_semaphore(%run_scoped3A : memref<!tpu.dma_semaphore, #tpu.memory_space<semaphore_mem>>)
        %dma_wait3A = arith.constant 0 : i32
        %dma_wait3A_107 = tpu.memref_slice %arg4[%add3A, %mul3A_75, %dma_wait3A] : memref<32x320x64xi32, #tpu.memory_space<hbm>> -> memref<1x64x64xi32, #tpu.memory_space<hbm>>
        %dma_wait3A_108 = tpu.memref_squeeze %dma_wait3A_107 : memref<1x64x64xi32, #tpu.memory_space<hbm>> -> memref<64x64xi32, #tpu.memory_space<hbm>>
        %dma_wait3A_109 = arith.constant 0 : i32
        %dma_wait3A_110 = tpu.memref_slice %arg4[%add3A, %mul3A_75, %dma_wait3A_109] : memref<32x320x64xi32, #tpu.memory_space<hbm>> -> memref<1x64x64xi32, #tpu.memory_space<hbm>>
        %dma_wait3A_111 = tpu.memref_squeeze %dma_wait3A_110 : memref<1x64x64xi32, #tpu.memory_space<hbm>> -> memref<64x64xi32, #tpu.memory_space<hbm>>
        tpu.wait_dma2 semaphore(%run_scoped3A : memref<!tpu.dma_semaphore, #tpu.memory_space<semaphore_mem>>) src(%dma_wait3A_111 : memref<64x64xi32, #tpu.memory_space<hbm>>) dst(%arg8 : memref<64x64xi32, #tpu.memory_space<vmem>>)
        tpu.yield
      }) : () -> ()
      %dma_start3A = arith.constant 0 : i32
      %dma_start3A_76 = arith.constant 0 : i32
      %dma_start3A_77 = tpu.memref_slice %arg7[%dma_start3A, %dma_start3A_76] : memref<64x64xi32, #tpu.memory_space<vmem>> -> memref<1x64xi32, #tpu.memory_space<vmem>>
      %dma_start3A_78 = tpu.memref_squeeze %dma_start3A_77 : memref<1x64xi32, #tpu.memory_space<vmem>> -> memref<64xi32, #tpu.memory_space<vmem>>
      %dma_start3A_79 = arith.constant 0 : i32
      %dma_start3A_80 = arith.constant 0 : i32
      %dma_start3A_81 = tpu.memref_slice %arg2[%dma_start3A_79, %dma_start3A_80] : memref<20480x128xf32, #tpu.memory_space<hbm>> -> memref<20480x128xf32, #tpu.memory_space<hbm>>
      tpu.enqueue_indirect_dma source(%dma_start3A_81 : memref<20480x128xf32, #tpu.memory_space<hbm>>) target(%arg9 : memref<64x128xf32, #tpu.memory_space<vmem>>) offsets(%dma_start3A_78 : memref<64xi32, #tpu.memory_space<vmem>>) semaphore(%arg14 : memref<!tpu.dma_semaphore, #tpu.memory_space<semaphore_mem>>)
      %dma_start3A_82 = arith.constant 1 : i32
      %dma_start3A_83 = arith.constant 0 : i32
      %dma_start3A_84 = tpu.memref_slice %arg7[%dma_start3A_82, %dma_start3A_83] : memref<64x64xi32, #tpu.memory_space<vmem>> -> memref<1x64xi32, #tpu.memory_space<vmem>>
      %dma_start3A_85 = tpu.memref_squeeze %dma_start3A_84 : memref<1x64xi32, #tpu.memory_space<vmem>> -> memref<64xi32, #tpu.memory_space<vmem>>
      %dma_start3A_86 = arith.constant 0 : i32
      %dma_start3A_87 = arith.constant 0 : i32
      %dma_start3A_88 = tpu.memref_slice %arg2[%dma_start3A_86, %dma_start3A_87] : memref<20480x128xf32, #tpu.memory_space<hbm>> -> memref<20480x128xf32, #tpu.memory_space<hbm>>
      tpu.enqueue_indirect_dma source(%dma_start3A_88 : memref<20480x128xf32, #tpu.memory_space<hbm>>) target(%arg10 : memref<64x128xf32, #tpu.memory_space<vmem>>) offsets(%dma_start3A_85 : memref<64xi32, #tpu.memory_space<vmem>>) semaphore(%arg15 : memref<!tpu.dma_semaphore, #tpu.memory_space<semaphore_mem>>)
      %dma_start3A_89 = arith.constant 2 : i32
      %dma_start3A_90 = arith.constant 0 : i32
      %dma_start3A_91 = tpu.memref_slice %arg7[%dma_start3A_89, %dma_start3A_90] : memref<64x64xi32, #tpu.memory_space<vmem>> -> memref<1x64xi32, #tpu.memory_space<vmem>>
      %dma_start3A_92 = tpu.memref_squeeze %dma_start3A_91 : memref<1x64xi32, #tpu.memory_space<vmem>> -> memref<64xi32, #tpu.memory_space<vmem>>
      %dma_start3A_93 = arith.constant 0 : i32
      %dma_start3A_94 = arith.constant 0 : i32
      %dma_start3A_95 = tpu.memref_slice %arg2[%dma_start3A_93, %dma_start3A_94] : memref<20480x128xf32, #tpu.memory_space<hbm>> -> memref<20480x128xf32, #tpu.memory_space<hbm>>
      tpu.enqueue_indirect_dma source(%dma_start3A_95 : memref<20480x128xf32, #tpu.memory_space<hbm>>) target(%arg11 : memref<64x128xf32, #tpu.memory_space<vmem>>) offsets(%dma_start3A_92 : memref<64xi32, #tpu.memory_space<vmem>>) semaphore(%arg16 : memref<!tpu.dma_semaphore, #tpu.memory_space<semaphore_mem>>)
      %scan3A_96 = arith.constant 0 : i32
      %scan3A_97 = arith.constant 16 : i32
      %scan3A_98 = arith.addi %scan3A_96, %scan3A_97 : i32
      %scan3A_99 = arith.constant 1 : i32
      scf.for %scan3A_101 = %scan3A_96 to %scan3A_98 step %scan3A_99  : i32 {
        %mul3A_102 = arith.constant 4 : i32
        %mul3A_103 = arith.muli %mul3A_102, %scan3A_101 : i32
        %add3A_104 = arith.constant 0 : i32
        %add3A_105 = arith.addi %mul3A_103, %add3A_104 : i32
        tpu.wait_dma2 semaphore(%arg14 : memref<!tpu.dma_semaphore, #tpu.memory_space<semaphore_mem>>) src(%arg5 : memref<64x128xf32, #tpu.memory_space<hbm>>) dst(%arg9 : memref<64x128xf32, #tpu.memory_space<vmem>>)
        %dma_start3A_106 = arith.constant 0 : i32
        %dma_start3A_107 = tpu.memref_slice %arg8[%add3A_105, %dma_start3A_106] : memref<64x64xi32, #tpu.memory_space<vmem>> -> memref<1x64xi32, #tpu.memory_space<vmem>>
        %dma_start3A_108 = tpu.memref_squeeze %dma_start3A_107 : memref<1x64xi32, #tpu.memory_space<vmem>> -> memref<64xi32, #tpu.memory_space<vmem>>
        %dma_start3A_109 = arith.constant 0 : i32
        %dma_start3A_110 = arith.constant 0 : i32
        %dma_start3A_111 = tpu.memref_slice %arg13[%dma_start3A_109, %dma_start3A_110] : memref<10240x128xf32, #tpu.memory_space<vmem_shared>> -> memref<10240x128xf32, #tpu.memory_space<vmem_shared>>
        tpu.enqueue_indirect_dma source(%arg9 : memref<64x128xf32, #tpu.memory_space<vmem>>) target(%dma_start3A_111 : memref<10240x128xf32, #tpu.memory_space<vmem_shared>>) offsets(%dma_start3A_108 : memref<64xi32, #tpu.memory_space<vmem>>) semaphore(%arg18 : memref<!tpu.dma_semaphore, #tpu.memory_space<semaphore_mem>>) {add = true}
        %ge3A = arith.constant 1 : i32
        %ge3A_112 = arith.cmpi sge, %add3A_105, %ge3A : i32
        %add3A_113 = arith.constant 4 : i32
        %add3A_114 = arith.addi %add3A_105, %add3A_113 : i32
        %sub3A = arith.constant 1 : i32
        %sub3A_115 = arith.subi %add3A_114, %sub3A : i32
        %lt3A = arith.constant 64 : i32
        %lt3A_116 = arith.cmpi slt, %sub3A_115, %lt3A : i32
        %and3A = arith.andi %ge3A_112, %lt3A_116 : i1
        %convert_element_type3A = arith.extui %and3A : i1 to i32
        %cond3A = arith.constant 0 : i32
        %cond3A_117 = arith.cmpi ne, %convert_element_type3A, %cond3A : i32
        scf.if %cond3A_117 {
          tpu.wait_dma2 semaphore(%arg21 : memref<!tpu.dma_semaphore, #tpu.memory_space<semaphore_mem>>) src(%arg5 : memref<64x128xf32, #tpu.memory_space<hbm>>) dst(%arg12 : memref<64x128xf32, #tpu.memory_space<vmem>>)
        } else {
        }
        %add3A_118 = arith.constant 4 : i32
        %add3A_119 = arith.addi %add3A_105, %add3A_118 : i32
        %sub3A_120 = arith.constant 1 : i32
        %sub3A_121 = arith.subi %add3A_119, %sub3A_120 : i32
        %lt3A_122 = arith.constant 64 : i32
        %lt3A_123 = arith.cmpi slt, %sub3A_121, %lt3A_122 : i32
        %convert_element_type3A_124 = arith.extui %lt3A_123 : i1 to i32
        %cond3A_125 = arith.constant 0 : i32
        %cond3A_126 = arith.cmpi ne, %convert_element_type3A_124, %cond3A_125 : i32
        scf.if %cond3A_126 {
          %add3A_220 = arith.constant 4 : i32
          %add3A_221 = arith.addi %add3A_105, %add3A_220 : i32
          %sub3A_222 = arith.constant 1 : i32
          %sub3A_223 = arith.subi %add3A_221, %sub3A_222 : i32
          %dma_start3A_224 = arith.constant 0 : i32
          %dma_start3A_225 = tpu.memref_slice %arg7[%sub3A_223, %dma_start3A_224] : memref<64x64xi32, #tpu.memory_space<vmem>> -> memref<1x64xi32, #tpu.memory_space<vmem>>
          %dma_start3A_226 = tpu.memref_squeeze %dma_start3A_225 : memref<1x64xi32, #tpu.memory_space<vmem>> -> memref<64xi32, #tpu.memory_space<vmem>>
          %dma_start3A_227 = arith.constant 0 : i32
          %dma_start3A_228 = arith.constant 0 : i32
          %dma_start3A_229 = tpu.memref_slice %arg2[%dma_start3A_227, %dma_start3A_228] : memref<20480x128xf32, #tpu.memory_space<hbm>> -> memref<20480x128xf32, #tpu.memory_space<hbm>>
          tpu.enqueue_indirect_dma source(%dma_start3A_229 : memref<20480x128xf32, #tpu.memory_space<hbm>>) target(%arg12 : memref<64x128xf32, #tpu.memory_space<vmem>>) offsets(%dma_start3A_226 : memref<64xi32, #tpu.memory_space<vmem>>) semaphore(%arg17 : memref<!tpu.dma_semaphore, #tpu.memory_space<semaphore_mem>>)
        } else {
        }
        %mul3A_127 = arith.constant 4 : i32
        %mul3A_128 = arith.muli %mul3A_127, %scan3A_101 : i32
        %add3A_129 = arith.constant 1 : i32
        %add3A_130 = arith.addi %mul3A_128, %add3A_129 : i32
        tpu.wait_dma2 semaphore(%arg15 : memref<!tpu.dma_semaphore, #tpu.memory_space<semaphore_mem>>) src(%arg5 : memref<64x128xf32, #tpu.memory_space<hbm>>) dst(%arg10 : memref<64x128xf32, #tpu.memory_space<vmem>>)
        %dma_start3A_131 = arith.constant 0 : i32
        %dma_start3A_132 = tpu.memref_slice %arg8[%add3A_130, %dma_start3A_131] : memref<64x64xi32, #tpu.memory_space<vmem>> -> memref<1x64xi32, #tpu.memory_space<vmem>>
        %dma_start3A_133 = tpu.memref_squeeze %dma_start3A_132 : memref<1x64xi32, #tpu.memory_space<vmem>> -> memref<64xi32, #tpu.memory_space<vmem>>
        %dma_start3A_134 = arith.constant 0 : i32
        %dma_start3A_135 = arith.constant 0 : i32
        %dma_start3A_136 = tpu.memref_slice %arg13[%dma_start3A_134, %dma_start3A_135] : memref<10240x128xf32, #tpu.memory_space<vmem_shared>> -> memref<10240x128xf32, #tpu.memory_space<vmem_shared>>
        tpu.enqueue_indirect_dma source(%arg10 : memref<64x128xf32, #tpu.memory_space<vmem>>) target(%dma_start3A_136 : memref<10240x128xf32, #tpu.memory_space<vmem_shared>>) offsets(%dma_start3A_133 : memref<64xi32, #tpu.memory_space<vmem>>) semaphore(%arg19 : memref<!tpu.dma_semaphore, #tpu.memory_space<semaphore_mem>>) {add = true}
        %ge3A_137 = arith.constant 1 : i32
        %ge3A_138 = arith.cmpi sge, %add3A_130, %ge3A_137 : i32
        %add3A_139 = arith.constant 4 : i32
        %add3A_140 = arith.addi %add3A_130, %add3A_139 : i32
        %sub3A_141 = arith.constant 1 : i32
        %sub3A_142 = arith.subi %add3A_140, %sub3A_141 : i32
        %lt3A_143 = arith.constant 64 : i32
        %lt3A_144 = arith.cmpi slt, %sub3A_142, %lt3A_143 : i32
        %and3A_145 = arith.andi %ge3A_138, %lt3A_144 : i1
        %convert_element_type3A_146 = arith.extui %and3A_145 : i1 to i32
        %cond3A_147 = arith.constant 0 : i32
        %cond3A_148 = arith.cmpi ne, %convert_element_type3A_146, %cond3A_147 : i32
        scf.if %cond3A_148 {
          tpu.wait_dma2 semaphore(%arg18 : memref<!tpu.dma_semaphore, #tpu.memory_space<semaphore_mem>>) src(%arg5 : memref<64x128xf32, #tpu.memory_space<hbm>>) dst(%arg9 : memref<64x128xf32, #tpu.memory_space<vmem>>)
        } else {
        }
        %add3A_149 = arith.constant 4 : i32
        %add3A_150 = arith.addi %add3A_130, %add3A_149 : i32
        %sub3A_151 = arith.constant 1 : i32
        %sub3A_152 = arith.subi %add3A_150, %sub3A_151 : i32
        %lt3A_153 = arith.constant 64 : i32
        %lt3A_154 = arith.cmpi slt, %sub3A_152, %lt3A_153 : i32
        %convert_element_type3A_155 = arith.extui %lt3A_154 : i1 to i32
        %cond3A_156 = arith.constant 0 : i32
        %cond3A_157 = arith.cmpi ne, %convert_element_type3A_155, %cond3A_156 : i32
        scf.if %cond3A_157 {
          %add3A_220 = arith.constant 4 : i32
          %add3A_221 = arith.addi %add3A_130, %add3A_220 : i32
          %sub3A_222 = arith.constant 1 : i32
          %sub3A_223 = arith.subi %add3A_221, %sub3A_222 : i32
          %dma_start3A_224 = arith.constant 0 : i32
          %dma_start3A_225 = tpu.memref_slice %arg7[%sub3A_223, %dma_start3A_224] : memref<64x64xi32, #tpu.memory_space<vmem>> -> memref<1x64xi32, #tpu.memory_space<vmem>>
          %dma_start3A_226 = tpu.memref_squeeze %dma_start3A_225 : memref<1x64xi32, #tpu.memory_space<vmem>> -> memref<64xi32, #tpu.memory_space<vmem>>
          %dma_start3A_227 = arith.constant 0 : i32
          %dma_start3A_228 = arith.constant 0 : i32
          %dma_start3A_229 = tpu.memref_slice %arg2[%dma_start3A_227, %dma_start3A_228] : memref<20480x128xf32, #tpu.memory_space<hbm>> -> memref<20480x128xf32, #tpu.memory_space<hbm>>
          tpu.enqueue_indirect_dma source(%dma_start3A_229 : memref<20480x128xf32, #tpu.memory_space<hbm>>) target(%arg9 : memref<64x128xf32, #tpu.memory_space<vmem>>) offsets(%dma_start3A_226 : memref<64xi32, #tpu.memory_space<vmem>>) semaphore(%arg14 : memref<!tpu.dma_semaphore, #tpu.memory_space<semaphore_mem>>)
        } else {
        }
        %mul3A_158 = arith.constant 4 : i32
        %mul3A_159 = arith.muli %mul3A_158, %scan3A_101 : i32
        %add3A_160 = arith.constant 2 : i32
        %add3A_161 = arith.addi %mul3A_159, %add3A_160 : i32
        tpu.wait_dma2 semaphore(%arg16 : memref<!tpu.dma_semaphore, #tpu.memory_space<semaphore_mem>>) src(%arg5 : memref<64x128xf32, #tpu.memory_space<hbm>>) dst(%arg11 : memref<64x128xf32, #tpu.memory_space<vmem>>)
        %dma_start3A_162 = arith.constant 0 : i32
        %dma_start3A_163 = tpu.memref_slice %arg8[%add3A_161, %dma_start3A_162] : memref<64x64xi32, #tpu.memory_space<vmem>> -> memref<1x64xi32, #tpu.memory_space<vmem>>
        %dma_start3A_164 = tpu.memref_squeeze %dma_start3A_163 : memref<1x64xi32, #tpu.memory_space<vmem>> -> memref<64xi32, #tpu.memory_space<vmem>>
        %dma_start3A_165 = arith.constant 0 : i32
        %dma_start3A_166 = arith.constant 0 : i32
        %dma_start3A_167 = tpu.memref_slice %arg13[%dma_start3A_165, %dma_start3A_166] : memref<10240x128xf32, #tpu.memory_space<vmem_shared>> -> memref<10240x128xf32, #tpu.memory_space<vmem_shared>>
        tpu.enqueue_indirect_dma source(%arg11 : memref<64x128xf32, #tpu.memory_space<vmem>>) target(%dma_start3A_167 : memref<10240x128xf32, #tpu.memory_space<vmem_shared>>) offsets(%dma_start3A_164 : memref<64xi32, #tpu.memory_space<vmem>>) semaphore(%arg20 : memref<!tpu.dma_semaphore, #tpu.memory_space<semaphore_mem>>) {add = true}
        %ge3A_168 = arith.constant 1 : i32
        %ge3A_169 = arith.cmpi sge, %add3A_161, %ge3A_168 : i32
        %add3A_170 = arith.constant 4 : i32
        %add3A_171 = arith.addi %add3A_161, %add3A_170 : i32
        %sub3A_172 = arith.constant 1 : i32
        %sub3A_173 = arith.subi %add3A_171, %sub3A_172 : i32
        %lt3A_174 = arith.constant 64 : i32
        %lt3A_175 = arith.cmpi slt, %sub3A_173, %lt3A_174 : i32
        %and3A_176 = arith.andi %ge3A_169, %lt3A_175 : i1
        %convert_element_type3A_177 = arith.extui %and3A_176 : i1 to i32
        %cond3A_178 = arith.constant 0 : i32
        %cond3A_179 = arith.cmpi ne, %convert_element_type3A_177, %cond3A_178 : i32
        scf.if %cond3A_179 {
          tpu.wait_dma2 semaphore(%arg19 : memref<!tpu.dma_semaphore, #tpu.memory_space<semaphore_mem>>) src(%arg5 : memref<64x128xf32, #tpu.memory_space<hbm>>) dst(%arg10 : memref<64x128xf32, #tpu.memory_space<vmem>>)
        } else {
        }
        %add3A_180 = arith.constant 4 : i32
        %add3A_181 = arith.addi %add3A_161, %add3A_180 : i32
        %sub3A_182 = arith.constant 1 : i32
        %sub3A_183 = arith.subi %add3A_181, %sub3A_182 : i32
        %lt3A_184 = arith.constant 64 : i32
        %lt3A_185 = arith.cmpi slt, %sub3A_183, %lt3A_184 : i32
        %convert_element_type3A_186 = arith.extui %lt3A_185 : i1 to i32
        %cond3A_187 = arith.constant 0 : i32
        %cond3A_188 = arith.cmpi ne, %convert_element_type3A_186, %cond3A_187 : i32
        scf.if %cond3A_188 {
          %add3A_220 = arith.constant 4 : i32
          %add3A_221 = arith.addi %add3A_161, %add3A_220 : i32
          %sub3A_222 = arith.constant 1 : i32
          %sub3A_223 = arith.subi %add3A_221, %sub3A_222 : i32
          %dma_start3A_224 = arith.constant 0 : i32
          %dma_start3A_225 = tpu.memref_slice %arg7[%sub3A_223, %dma_start3A_224] : memref<64x64xi32, #tpu.memory_space<vmem>> -> memref<1x64xi32, #tpu.memory_space<vmem>>
          %dma_start3A_226 = tpu.memref_squeeze %dma_start3A_225 : memref<1x64xi32, #tpu.memory_space<vmem>> -> memref<64xi32, #tpu.memory_space<vmem>>
          %dma_start3A_227 = arith.constant 0 : i32
          %dma_start3A_228 = arith.constant 0 : i32
          %dma_start3A_229 = tpu.memref_slice %arg2[%dma_start3A_227, %dma_start3A_228] : memref<20480x128xf32, #tpu.memory_space<hbm>> -> memref<20480x128xf32, #tpu.memory_space<hbm>>
          tpu.enqueue_indirect_dma source(%dma_start3A_229 : memref<20480x128xf32, #tpu.memory_space<hbm>>) target(%arg10 : memref<64x128xf32, #tpu.memory_space<vmem>>) offsets(%dma_start3A_226 : memref<64xi32, #tpu.memory_space<vmem>>) semaphore(%arg15 : memref<!tpu.dma_semaphore, #tpu.memory_space<semaphore_mem>>)
        } else {
        }
        %mul3A_189 = arith.constant 4 : i32
        %mul3A_190 = arith.muli %mul3A_189, %scan3A_101 : i32
        %add3A_191 = arith.constant 3 : i32
        %add3A_192 = arith.addi %mul3A_190, %add3A_191 : i32
        tpu.wait_dma2 semaphore(%arg17 : memref<!tpu.dma_semaphore, #tpu.memory_space<semaphore_mem>>) src(%arg5 : memref<64x128xf32, #tpu.memory_space<hbm>>) dst(%arg12 : memref<64x128xf32, #tpu.memory_space<vmem>>)
        %dma_start3A_193 = arith.constant 0 : i32
        %dma_start3A_194 = tpu.memref_slice %arg8[%add3A_192, %dma_start3A_193] : memref<64x64xi32, #tpu.memory_space<vmem>> -> memref<1x64xi32, #tpu.memory_space<vmem>>
        %dma_start3A_195 = tpu.memref_squeeze %dma_start3A_194 : memref<1x64xi32, #tpu.memory_space<vmem>> -> memref<64xi32, #tpu.memory_space<vmem>>
        %dma_start3A_196 = arith.constant 0 : i32
        %dma_start3A_197 = arith.constant 0 : i32
        %dma_start3A_198 = tpu.memref_slice %arg13[%dma_start3A_196, %dma_start3A_197] : memref<10240x128xf32, #tpu.memory_space<vmem_shared>> -> memref<10240x128xf32, #tpu.memory_space<vmem_shared>>
        tpu.enqueue_indirect_dma source(%arg12 : memref<64x128xf32, #tpu.memory_space<vmem>>) target(%dma_start3A_198 : memref<10240x128xf32, #tpu.memory_space<vmem_shared>>) offsets(%dma_start3A_195 : memref<64xi32, #tpu.memory_space<vmem>>) semaphore(%arg21 : memref<!tpu.dma_semaphore, #tpu.memory_space<semaphore_mem>>) {add = true}
        %ge3A_199 = arith.constant 1 : i32
        %ge3A_200 = arith.cmpi sge, %add3A_192, %ge3A_199 : i32
        %add3A_201 = arith.constant 4 : i32
        %add3A_202 = arith.addi %add3A_192, %add3A_201 : i32
        %sub3A_203 = arith.constant 1 : i32
        %sub3A_204 = arith.subi %add3A_202, %sub3A_203 : i32
        %lt3A_205 = arith.constant 64 : i32
        %lt3A_206 = arith.cmpi slt, %sub3A_204, %lt3A_205 : i32
        %and3A_207 = arith.andi %ge3A_200, %lt3A_206 : i1
        %convert_element_type3A_208 = arith.extui %and3A_207 : i1 to i32
        %cond3A_209 = arith.constant 0 : i32
        %cond3A_210 = arith.cmpi ne, %convert_element_type3A_208, %cond3A_209 : i32
        scf.if %cond3A_210 {
          tpu.wait_dma2 semaphore(%arg20 : memref<!tpu.dma_semaphore, #tpu.memory_space<semaphore_mem>>) src(%arg5 : memref<64x128xf32, #tpu.memory_space<hbm>>) dst(%arg11 : memref<64x128xf32, #tpu.memory_space<vmem>>)
        } else {
        }
        %add3A_211 = arith.constant 4 : i32
        %add3A_212 = arith.addi %add3A_192, %add3A_211 : i32
        %sub3A_213 = arith.constant 1 : i32
        %sub3A_214 = arith.subi %add3A_212, %sub3A_213 : i32
        %lt3A_215 = arith.constant 64 : i32
        %lt3A_216 = arith.cmpi slt, %sub3A_214, %lt3A_215 : i32
        %convert_element_type3A_217 = arith.extui %lt3A_216 : i1 to i32
        %cond3A_218 = arith.constant 0 : i32
        %cond3A_219 = arith.cmpi ne, %convert_element_type3A_217, %cond3A_218 : i32
        scf.if %cond3A_219 {
          %add3A_220 = arith.constant 4 : i32
          %add3A_221 = arith.addi %add3A_192, %add3A_220 : i32
          %sub3A_222 = arith.constant 1 : i32
          %sub3A_223 = arith.subi %add3A_221, %sub3A_222 : i32
          %dma_start3A_224 = arith.constant 0 : i32
          %dma_start3A_225 = tpu.memref_slice %arg7[%sub3A_223, %dma_start3A_224] : memref<64x64xi32, #tpu.memory_space<vmem>> -> memref<1x64xi32, #tpu.memory_space<vmem>>
          %dma_start3A_226 = tpu.memref_squeeze %dma_start3A_225 : memref<1x64xi32, #tpu.memory_space<vmem>> -> memref<64xi32, #tpu.memory_space<vmem>>
          %dma_start3A_227 = arith.constant 0 : i32
          %dma_start3A_228 = arith.constant 0 : i32
          %dma_start3A_229 = tpu.memref_slice %arg2[%dma_start3A_227, %dma_start3A_228] : memref<20480x128xf32, #tpu.memory_space<hbm>> -> memref<20480x128xf32, #tpu.memory_space<hbm>>
          tpu.enqueue_indirect_dma source(%dma_start3A_229 : memref<20480x128xf32, #tpu.memory_space<hbm>>) target(%arg11 : memref<64x128xf32, #tpu.memory_space<vmem>>) offsets(%dma_start3A_226 : memref<64xi32, #tpu.memory_space<vmem>>) semaphore(%arg16 : memref<!tpu.dma_semaphore, #tpu.memory_space<semaphore_mem>>)
        } else {
        }
      }
      %scan3A_100 = arith.constant 16 : i32
      tpu.wait_dma2 semaphore(%arg18 : memref<!tpu.dma_semaphore, #tpu.memory_space<semaphore_mem>>) src(%arg5 : memref<64x128xf32, #tpu.memory_space<hbm>>) dst(%arg9 : memref<64x128xf32, #tpu.memory_space<vmem>>)
      tpu.wait_dma2 semaphore(%arg19 : memref<!tpu.dma_semaphore, #tpu.memory_space<semaphore_mem>>) src(%arg5 : memref<64x128xf32, #tpu.memory_space<hbm>>) dst(%arg10 : memref<64x128xf32, #tpu.memory_space<vmem>>)
      tpu.wait_dma2 semaphore(%arg20 : memref<!tpu.dma_semaphore, #tpu.memory_space<semaphore_mem>>) src(%arg5 : memref<64x128xf32, #tpu.memory_space<hbm>>) dst(%arg11 : memref<64x128xf32, #tpu.memory_space<vmem>>)
      tpu.wait_dma2 semaphore(%arg21 : memref<!tpu.dma_semaphore, #tpu.memory_space<semaphore_mem>>) src(%arg5 : memref<64x128xf32, #tpu.memory_space<hbm>>) dst(%arg12 : memref<64x128xf32, #tpu.memory_space<vmem>>)
    }
    %scan3A_65 = arith.constant 5 : i32
    %barrier3A_66 = arith.constant 0 : index
    tpu.barrier barrier_id(%barrier3A_66)
    %mul3A_67 = arith.constant 640 : i32
    %mul3A_68 = arith.muli %arg1, %mul3A_67 : i32
    %mul3A_69 = arith.constant 640 : i32
    %mul3A_70 = arith.muli %arg1, %mul3A_69 : i32
    "tpu.region"() ({
      %run_scoped3A = tpu.sem_alloc : memref<!tpu.dma_semaphore, #tpu.memory_space<semaphore_mem>>
      %dma_start3A = arith.constant 0 : i32
      %dma_start3A_71 = tpu.memref_slice %arg6[%arg0, %mul3A_70, %dma_start3A] : memref<2x10240x128xf32, #tpu.memory_space<hbm>> -> memref<1x640x128xf32, #tpu.memory_space<hbm>>
      %dma_start3A_72 = tpu.memref_squeeze %dma_start3A_71 : memref<1x640x128xf32, #tpu.memory_space<hbm>> -> memref<640x128xf32, #tpu.memory_space<hbm>>
      %dma_start3A_73 = arith.constant 0 : i32
      %dma_start3A_74 = tpu.memref_slice %arg13[%mul3A_68, %dma_start3A_73] : memref<10240x128xf32, #tpu.memory_space<vmem_shared>> -> memref<640x128xf32, #tpu.memory_space<vmem_shared>>
      tpu.enqueue_dma source(%dma_start3A_74 : memref<640x128xf32, #tpu.memory_space<vmem_shared>>) target(%dma_start3A_72 : memref<640x128xf32, #tpu.memory_space<hbm>>) target_semaphore(%run_scoped3A : memref<!tpu.dma_semaphore, #tpu.memory_space<semaphore_mem>>)
      %dma_wait3A = arith.constant 0 : i32
      %dma_wait3A_75 = tpu.memref_slice %arg6[%arg0, %mul3A_70, %dma_wait3A] : memref<2x10240x128xf32, #tpu.memory_space<hbm>> -> memref<1x640x128xf32, #tpu.memory_space<hbm>>
      %dma_wait3A_76 = tpu.memref_squeeze %dma_wait3A_75 : memref<1x640x128xf32, #tpu.memory_space<hbm>> -> memref<640x128xf32, #tpu.memory_space<hbm>>
      %dma_wait3A_77 = arith.constant 0 : i32
      %dma_wait3A_78 = tpu.memref_slice %arg13[%mul3A_68, %dma_wait3A_77] : memref<10240x128xf32, #tpu.memory_space<vmem_shared>> -> memref<640x128xf32, #tpu.memory_space<vmem_shared>>
      tpu.wait_dma2 semaphore(%run_scoped3A : memref<!tpu.dma_semaphore, #tpu.memory_space<semaphore_mem>>) src(%dma_wait3A_78 : memref<640x128xf32, #tpu.memory_space<vmem_shared>>) dst(%dma_wait3A_76 : memref<640x128xf32, #tpu.memory_space<hbm>>)
      tpu.yield
    }) : () -> ()
    return
  }
}

#map = affine_map<(d0, d1) -> (0, 0)>
#map1 = affine_map<(d0, d1) -> (0, 0, 0)>
module attributes {stable_mosaic.version = 14 : i64} {
  func.func @body(%arg0: i32, %arg1: i32, %arg2: memref<20480x128xf32, #tpu.memory_space<hbm>>, %arg3: memref<32x320x64xi32, #tpu.memory_space<hbm>>, %arg4: memref<32x320x64xi32, #tpu.memory_space<hbm>>, %arg5: memref<64x128xf32, #tpu.memory_space<hbm>>, %arg6: memref<2x10240x128xf32, #tpu.memory_space<hbm>>, %arg7: memref<64x64xi32, #tpu.memory_space<vmem>>, %arg8: memref<64x64xi32, #tpu.memory_space<vmem>>, %arg9: memref<64x128xf32, #tpu.memory_space<vmem>>, %arg10: memref<64x128xf32, #tpu.memory_space<vmem>>, %arg11: memref<64x128xf32, #tpu.memory_space<vmem>>, %arg12: memref<64x128xf32, #tpu.memory_space<vmem>>, %arg13: memref<10240x128xf32, #tpu.memory_space<vmem_shared>>, %arg14: memref<!tpu.dma_semaphore, #tpu.memory_space<semaphore_mem>>, %arg15: memref<!tpu.dma_semaphore, #tpu.memory_space<semaphore_mem>>, %arg16: memref<!tpu.dma_semaphore, #tpu.memory_space<semaphore_mem>>, %arg17: memref<!tpu.dma_semaphore, #tpu.memory_space<semaphore_mem>>, %arg18: memref<!tpu.dma_semaphore, #tpu.memory_space<semaphore_mem>>, %arg19: memref<!tpu.dma_semaphore, #tpu.memory_space<semaphore_mem>>, %arg20: memref<!tpu.dma_semaphore, #tpu.memory_space<semaphore_mem>>, %arg21: memref<!tpu.dma_semaphore, #tpu.memory_space<semaphore_mem>>) attributes {dimension_semantics = [#tpu.dimension_semantics<core_parallel>, #tpu.dimension_semantics<subcore_parallel>], iteration_bounds = array<i64: 2, 16>, scalar_prefetch = 0 : i64, scratch_operands = 15 : i64, tpu.core_type = #tpu.core_type<sc_vector_subcore>, window_params = [{transform_indices = #map}, {transform_indices = #map1}, {transform_indices = #map1}, {transform_indices = #map}, {transform_indices = #map1}]} {
    %mul3A = arith.constant 16 : i32
    %mul3A_0 = arith.muli %arg0, %mul3A : i32
    %add3A = arith.addi %mul3A_0, %arg1 : i32
    "tpu.region"() ({
      %run_scoped3A = tpu.sem_alloc : memref<!tpu.dma_semaphore, #tpu.memory_space<semaphore_mem>>
      tpu.enqueue_dma source(%arg5 : memref<64x128xf32, #tpu.memory_space<hbm>>) target(%arg9 : memref<64x128xf32, #tpu.memory_space<vmem>>) target_semaphore(%run_scoped3A : memref<!tpu.dma_semaphore, #tpu.memory_space<semaphore_mem>>)
      tpu.wait_dma2 semaphore(%run_scoped3A : memref<!tpu.dma_semaphore, #tpu.memory_space<semaphore_mem>>) src(%arg5 : memref<64x128xf32, #tpu.memory_space<hbm>>) dst(%arg9 : memref<64x128xf32, #tpu.memory_space<vmem>>)
      tpu.yield
    }) : () -> ()
    %mul3A_1 = arith.constant 10 : i32
    %mul3A_2 = arith.muli %arg1, %mul3A_1 : i32
    %add3A_3 = arith.constant 0 : i32
    %add3A_4 = arith.addi %mul3A_2, %add3A_3 : i32
    %mul3A_5 = arith.constant 64 : i32
    %mul3A_6 = arith.muli %add3A_4, %mul3A_5 : i32
    "tpu.region"() ({
      %run_scoped3A = tpu.sem_alloc : memref<!tpu.dma_semaphore, #tpu.memory_space<semaphore_mem>>
      %dma_start3A = arith.constant 0 : i32
      %dma_start3A_71 = tpu.memref_slice %arg13[%mul3A_6, %dma_start3A] : memref<10240x128xf32, #tpu.memory_space<vmem_shared>> -> memref<64x128xf32, #tpu.memory_space<vmem_shared>>
      %dma_start3A_72 = arith.constant 0 : i32
      %dma_start3A_73 = tpu.memref_slice %arg13[%mul3A_6, %dma_start3A_72] : memref<10240x128xf32, #tpu.memory_space<vmem_shared>> -> memref<64x128xf32, #tpu.memory_space<vmem_shared>>
      tpu.enqueue_dma source(%arg9 : memref<64x128xf32, #tpu.memory_space<vmem>>) target(%dma_start3A_73 : memref<64x128xf32, #tpu.memory_space<vmem_shared>>) target_semaphore(%run_scoped3A : memref<!tpu.dma_semaphore, #tpu.memory_space<semaphore_mem>>)
      %dma_wait3A = arith.constant 0 : i32
      %dma_wait3A_74 = tpu.memref_slice %arg13[%mul3A_6, %dma_wait3A] : memref<10240x128xf32, #tpu.memory_space<vmem_shared>> -> memref<64x128xf32, #tpu.memory_space<vmem_shared>>
      %dma_wait3A_75 = arith.constant 0 : i32
      %dma_wait3A_76 = tpu.memref_slice %arg13[%mul3A_6, %dma_wait3A_75] : memref<10240x128xf32, #tpu.memory_space<vmem_shared>> -> memref<64x128xf32, #tpu.memory_space<vmem_shared>>
      tpu.wait_dma2 semaphore(%run_scoped3A : memref<!tpu.dma_semaphore, #tpu.memory_space<semaphore_mem>>) src(%arg9 : memref<64x128xf32, #tpu.memory_space<vmem>>) dst(%dma_wait3A_76 : memref<64x128xf32, #tpu.memory_space<vmem_shared>>)
      tpu.yield
    }) : () -> ()
    %mul3A_7 = arith.constant 10 : i32
    %mul3A_8 = arith.muli %arg1, %mul3A_7 : i32
    %add3A_9 = arith.constant 1 : i32
    %add3A_10 = arith.addi %mul3A_8, %add3A_9 : i32
    %mul3A_11 = arith.constant 64 : i32
    %mul3A_12 = arith.muli %add3A_10, %mul3A_11 : i32
    "tpu.region"() ({
      %run_scoped3A = tpu.sem_alloc : memref<!tpu.dma_semaphore, #tpu.memory_space<semaphore_mem>>
      %dma_start3A = arith.constant 0 : i32
      %dma_start3A_71 = tpu.memref_slice %arg13[%mul3A_12, %dma_start3A] : memref<10240x128xf32, #tpu.memory_space<vmem_shared>> -> memref<64x128xf32, #tpu.memory_space<vmem_shared>>
      %dma_start3A_72 = arith.constant 0 : i32
      %dma_start3A_73 = tpu.memref_slice %arg13[%mul3A_12, %dma_start3A_72] : memref<10240x128xf32, #tpu.memory_space<vmem_shared>> -> memref<64x128xf32, #tpu.memory_space<vmem_shared>>
      tpu.enqueue_dma source(%arg9 : memref<64x128xf32, #tpu.memory_space<vmem>>) target(%dma_start3A_73 : memref<64x128xf32, #tpu.memory_space<vmem_shared>>) target_semaphore(%run_scoped3A : memref<!tpu.dma_semaphore, #tpu.memory_space<semaphore_mem>>)
      %dma_wait3A = arith.constant 0 : i32
      %dma_wait3A_74 = tpu.memref_slice %arg13[%mul3A_12, %dma_wait3A] : memref<10240x128xf32, #tpu.memory_space<vmem_shared>> -> memref<64x128xf32, #tpu.memory_space<vmem_shared>>
      %dma_wait3A_75 = arith.constant 0 : i32
      %dma_wait3A_76 = tpu.memref_slice %arg13[%mul3A_12, %dma_wait3A_75] : memref<10240x128xf32, #tpu.memory_space<vmem_shared>> -> memref<64x128xf32, #tpu.memory_space<vmem_shared>>
      tpu.wait_dma2 semaphore(%run_scoped3A : memref<!tpu.dma_semaphore, #tpu.memory_space<semaphore_mem>>) src(%arg9 : memref<64x128xf32, #tpu.memory_space<vmem>>) dst(%dma_wait3A_76 : memref<64x128xf32, #tpu.memory_space<vmem_shared>>)
      tpu.yield
    }) : () -> ()
    %mul3A_13 = arith.constant 10 : i32
    %mul3A_14 = arith.muli %arg1, %mul3A_13 : i32
    %add3A_15 = arith.constant 2 : i32
    %add3A_16 = arith.addi %mul3A_14, %add3A_15 : i32
    %mul3A_17 = arith.constant 64 : i32
    %mul3A_18 = arith.muli %add3A_16, %mul3A_17 : i32
    "tpu.region"() ({
      %run_scoped3A = tpu.sem_alloc : memref<!tpu.dma_semaphore, #tpu.memory_space<semaphore_mem>>
      %dma_start3A = arith.constant 0 : i32
      %dma_start3A_71 = tpu.memref_slice %arg13[%mul3A_18, %dma_start3A] : memref<10240x128xf32, #tpu.memory_space<vmem_shared>> -> memref<64x128xf32, #tpu.memory_space<vmem_shared>>
      %dma_start3A_72 = arith.constant 0 : i32
      %dma_start3A_73 = tpu.memref_slice %arg13[%mul3A_18, %dma_start3A_72] : memref<10240x128xf32, #tpu.memory_space<vmem_shared>> -> memref<64x128xf32, #tpu.memory_space<vmem_shared>>
      tpu.enqueue_dma source(%arg9 : memref<64x128xf32, #tpu.memory_space<vmem>>) target(%dma_start3A_73 : memref<64x128xf32, #tpu.memory_space<vmem_shared>>) target_semaphore(%run_scoped3A : memref<!tpu.dma_semaphore, #tpu.memory_space<semaphore_mem>>)
      %dma_wait3A = arith.constant 0 : i32
      %dma_wait3A_74 = tpu.memref_slice %arg13[%mul3A_18, %dma_wait3A] : memref<10240x128xf32, #tpu.memory_space<vmem_shared>> -> memref<64x128xf32, #tpu.memory_space<vmem_shared>>
      %dma_wait3A_75 = arith.constant 0 : i32
      %dma_wait3A_76 = tpu.memref_slice %arg13[%mul3A_18, %dma_wait3A_75] : memref<10240x128xf32, #tpu.memory_space<vmem_shared>> -> memref<64x128xf32, #tpu.memory_space<vmem_shared>>
      tpu.wait_dma2 semaphore(%run_scoped3A : memref<!tpu.dma_semaphore, #tpu.memory_space<semaphore_mem>>) src(%arg9 : memref<64x128xf32, #tpu.memory_space<vmem>>) dst(%dma_wait3A_76 : memref<64x128xf32, #tpu.memory_space<vmem_shared>>)
      tpu.yield
    }) : () -> ()
    %mul3A_19 = arith.constant 10 : i32
    %mul3A_20 = arith.muli %arg1, %mul3A_19 : i32
    %add3A_21 = arith.constant 3 : i32
    %add3A_22 = arith.addi %mul3A_20, %add3A_21 : i32
    %mul3A_23 = arith.constant 64 : i32
    %mul3A_24 = arith.muli %add3A_22, %mul3A_23 : i32
    "tpu.region"() ({
      %run_scoped3A = tpu.sem_alloc : memref<!tpu.dma_semaphore, #tpu.memory_space<semaphore_mem>>
      %dma_start3A = arith.constant 0 : i32
      %dma_start3A_71 = tpu.memref_slice %arg13[%mul3A_24, %dma_start3A] : memref<10240x128xf32, #tpu.memory_space<vmem_shared>> -> memref<64x128xf32, #tpu.memory_space<vmem_shared>>
      %dma_start3A_72 = arith.constant 0 : i32
      %dma_start3A_73 = tpu.memref_slice %arg13[%mul3A_24, %dma_start3A_72] : memref<10240x128xf32, #tpu.memory_space<vmem_shared>> -> memref<64x128xf32, #tpu.memory_space<vmem_shared>>
      tpu.enqueue_dma source(%arg9 : memref<64x128xf32, #tpu.memory_space<vmem>>) target(%dma_start3A_73 : memref<64x128xf32, #tpu.memory_space<vmem_shared>>) target_semaphore(%run_scoped3A : memref<!tpu.dma_semaphore, #tpu.memory_space<semaphore_mem>>)
      %dma_wait3A = arith.constant 0 : i32
      %dma_wait3A_74 = tpu.memref_slice %arg13[%mul3A_24, %dma_wait3A] : memref<10240x128xf32, #tpu.memory_space<vmem_shared>> -> memref<64x128xf32, #tpu.memory_space<vmem_shared>>
      %dma_wait3A_75 = arith.constant 0 : i32
      %dma_wait3A_76 = tpu.memref_slice %arg13[%mul3A_24, %dma_wait3A_75] : memref<10240x128xf32, #tpu.memory_space<vmem_shared>> -> memref<64x128xf32, #tpu.memory_space<vmem_shared>>
      tpu.wait_dma2 semaphore(%run_scoped3A : memref<!tpu.dma_semaphore, #tpu.memory_space<semaphore_mem>>) src(%arg9 : memref<64x128xf32, #tpu.memory_space<vmem>>) dst(%dma_wait3A_76 : memref<64x128xf32, #tpu.memory_space<vmem_shared>>)
      tpu.yield
    }) : () -> ()
    %mul3A_25 = arith.constant 10 : i32
    %mul3A_26 = arith.muli %arg1, %mul3A_25 : i32
    %add3A_27 = arith.constant 4 : i32
    %add3A_28 = arith.addi %mul3A_26, %add3A_27 : i32
    %mul3A_29 = arith.constant 64 : i32
    %mul3A_30 = arith.muli %add3A_28, %mul3A_29 : i32
    "tpu.region"() ({
      %run_scoped3A = tpu.sem_alloc : memref<!tpu.dma_semaphore, #tpu.memory_space<semaphore_mem>>
      %dma_start3A = arith.constant 0 : i32
      %dma_start3A_71 = tpu.memref_slice %arg13[%mul3A_30, %dma_start3A] : memref<10240x128xf32, #tpu.memory_space<vmem_shared>> -> memref<64x128xf32, #tpu.memory_space<vmem_shared>>
      %dma_start3A_72 = arith.constant 0 : i32
      %dma_start3A_73 = tpu.memref_slice %arg13[%mul3A_30, %dma_start3A_72] : memref<10240x128xf32, #tpu.memory_space<vmem_shared>> -> memref<64x128xf32, #tpu.memory_space<vmem_shared>>
      tpu.enqueue_dma source(%arg9 : memref<64x128xf32, #tpu.memory_space<vmem>>) target(%dma_start3A_73 : memref<64x128xf32, #tpu.memory_space<vmem_shared>>) target_semaphore(%run_scoped3A : memref<!tpu.dma_semaphore, #tpu.memory_space<semaphore_mem>>)
      %dma_wait3A = arith.constant 0 : i32
      %dma_wait3A_74 = tpu.memref_slice %arg13[%mul3A_30, %dma_wait3A] : memref<10240x128xf32, #tpu.memory_space<vmem_shared>> -> memref<64x128xf32, #tpu.memory_space<vmem_shared>>
      %dma_wait3A_75 = arith.constant 0 : i32
      %dma_wait3A_76 = tpu.memref_slice %arg13[%mul3A_30, %dma_wait3A_75] : memref<10240x128xf32, #tpu.memory_space<vmem_shared>> -> memref<64x128xf32, #tpu.memory_space<vmem_shared>>
      tpu.wait_dma2 semaphore(%run_scoped3A : memref<!tpu.dma_semaphore, #tpu.memory_space<semaphore_mem>>) src(%arg9 : memref<64x128xf32, #tpu.memory_space<vmem>>) dst(%dma_wait3A_76 : memref<64x128xf32, #tpu.memory_space<vmem_shared>>)
      tpu.yield
    }) : () -> ()
    %mul3A_31 = arith.constant 10 : i32
    %mul3A_32 = arith.muli %arg1, %mul3A_31 : i32
    %add3A_33 = arith.constant 5 : i32
    %add3A_34 = arith.addi %mul3A_32, %add3A_33 : i32
    %mul3A_35 = arith.constant 64 : i32
    %mul3A_36 = arith.muli %add3A_34, %mul3A_35 : i32
    "tpu.region"() ({
      %run_scoped3A = tpu.sem_alloc : memref<!tpu.dma_semaphore, #tpu.memory_space<semaphore_mem>>
      %dma_start3A = arith.constant 0 : i32
      %dma_start3A_71 = tpu.memref_slice %arg13[%mul3A_36, %dma_start3A] : memref<10240x128xf32, #tpu.memory_space<vmem_shared>> -> memref<64x128xf32, #tpu.memory_space<vmem_shared>>
      %dma_start3A_72 = arith.constant 0 : i32
      %dma_start3A_73 = tpu.memref_slice %arg13[%mul3A_36, %dma_start3A_72] : memref<10240x128xf32, #tpu.memory_space<vmem_shared>> -> memref<64x128xf32, #tpu.memory_space<vmem_shared>>
      tpu.enqueue_dma source(%arg9 : memref<64x128xf32, #tpu.memory_space<vmem>>) target(%dma_start3A_73 : memref<64x128xf32, #tpu.memory_space<vmem_shared>>) target_semaphore(%run_scoped3A : memref<!tpu.dma_semaphore, #tpu.memory_space<semaphore_mem>>)
      %dma_wait3A = arith.constant 0 : i32
      %dma_wait3A_74 = tpu.memref_slice %arg13[%mul3A_36, %dma_wait3A] : memref<10240x128xf32, #tpu.memory_space<vmem_shared>> -> memref<64x128xf32, #tpu.memory_space<vmem_shared>>
      %dma_wait3A_75 = arith.constant 0 : i32
      %dma_wait3A_76 = tpu.memref_slice %arg13[%mul3A_36, %dma_wait3A_75] : memref<10240x128xf32, #tpu.memory_space<vmem_shared>> -> memref<64x128xf32, #tpu.memory_space<vmem_shared>>
      tpu.wait_dma2 semaphore(%run_scoped3A : memref<!tpu.dma_semaphore, #tpu.memory_space<semaphore_mem>>) src(%arg9 : memref<64x128xf32, #tpu.memory_space<vmem>>) dst(%dma_wait3A_76 : memref<64x128xf32, #tpu.memory_space<vmem_shared>>)
      tpu.yield
    }) : () -> ()
    %mul3A_37 = arith.constant 10 : i32
    %mul3A_38 = arith.muli %arg1, %mul3A_37 : i32
    %add3A_39 = arith.constant 6 : i32
    %add3A_40 = arith.addi %mul3A_38, %add3A_39 : i32
    %mul3A_41 = arith.constant 64 : i32
    %mul3A_42 = arith.muli %add3A_40, %mul3A_41 : i32
    "tpu.region"() ({
      %run_scoped3A = tpu.sem_alloc : memref<!tpu.dma_semaphore, #tpu.memory_space<semaphore_mem>>
      %dma_start3A = arith.constant 0 : i32
      %dma_start3A_71 = tpu.memref_slice %arg13[%mul3A_42, %dma_start3A] : memref<10240x128xf32, #tpu.memory_space<vmem_shared>> -> memref<64x128xf32, #tpu.memory_space<vmem_shared>>
      %dma_start3A_72 = arith.constant 0 : i32
      %dma_start3A_73 = tpu.memref_slice %arg13[%mul3A_42, %dma_start3A_72] : memref<10240x128xf32, #tpu.memory_space<vmem_shared>> -> memref<64x128xf32, #tpu.memory_space<vmem_shared>>
      tpu.enqueue_dma source(%arg9 : memref<64x128xf32, #tpu.memory_space<vmem>>) target(%dma_start3A_73 : memref<64x128xf32, #tpu.memory_space<vmem_shared>>) target_semaphore(%run_scoped3A : memref<!tpu.dma_semaphore, #tpu.memory_space<semaphore_mem>>)
      %dma_wait3A = arith.constant 0 : i32
      %dma_wait3A_74 = tpu.memref_slice %arg13[%mul3A_42, %dma_wait3A] : memref<10240x128xf32, #tpu.memory_space<vmem_shared>> -> memref<64x128xf32, #tpu.memory_space<vmem_shared>>
      %dma_wait3A_75 = arith.constant 0 : i32
      %dma_wait3A_76 = tpu.memref_slice %arg13[%mul3A_42, %dma_wait3A_75] : memref<10240x128xf32, #tpu.memory_space<vmem_shared>> -> memref<64x128xf32, #tpu.memory_space<vmem_shared>>
      tpu.wait_dma2 semaphore(%run_scoped3A : memref<!tpu.dma_semaphore, #tpu.memory_space<semaphore_mem>>) src(%arg9 : memref<64x128xf32, #tpu.memory_space<vmem>>) dst(%dma_wait3A_76 : memref<64x128xf32, #tpu.memory_space<vmem_shared>>)
      tpu.yield
    }) : () -> ()
    %mul3A_43 = arith.constant 10 : i32
    %mul3A_44 = arith.muli %arg1, %mul3A_43 : i32
    %add3A_45 = arith.constant 7 : i32
    %add3A_46 = arith.addi %mul3A_44, %add3A_45 : i32
    %mul3A_47 = arith.constant 64 : i32
    %mul3A_48 = arith.muli %add3A_46, %mul3A_47 : i32
    "tpu.region"() ({
      %run_scoped3A = tpu.sem_alloc : memref<!tpu.dma_semaphore, #tpu.memory_space<semaphore_mem>>
      %dma_start3A = arith.constant 0 : i32
      %dma_start3A_71 = tpu.memref_slice %arg13[%mul3A_48, %dma_start3A] : memref<10240x128xf32, #tpu.memory_space<vmem_shared>> -> memref<64x128xf32, #tpu.memory_space<vmem_shared>>
      %dma_start3A_72 = arith.constant 0 : i32
      %dma_start3A_73 = tpu.memref_slice %arg13[%mul3A_48, %dma_start3A_72] : memref<10240x128xf32, #tpu.memory_space<vmem_shared>> -> memref<64x128xf32, #tpu.memory_space<vmem_shared>>
      tpu.enqueue_dma source(%arg9 : memref<64x128xf32, #tpu.memory_space<vmem>>) target(%dma_start3A_73 : memref<64x128xf32, #tpu.memory_space<vmem_shared>>) target_semaphore(%run_scoped3A : memref<!tpu.dma_semaphore, #tpu.memory_space<semaphore_mem>>)
      %dma_wait3A = arith.constant 0 : i32
      %dma_wait3A_74 = tpu.memref_slice %arg13[%mul3A_48, %dma_wait3A] : memref<10240x128xf32, #tpu.memory_space<vmem_shared>> -> memref<64x128xf32, #tpu.memory_space<vmem_shared>>
      %dma_wait3A_75 = arith.constant 0 : i32
      %dma_wait3A_76 = tpu.memref_slice %arg13[%mul3A_48, %dma_wait3A_75] : memref<10240x128xf32, #tpu.memory_space<vmem_shared>> -> memref<64x128xf32, #tpu.memory_space<vmem_shared>>
      tpu.wait_dma2 semaphore(%run_scoped3A : memref<!tpu.dma_semaphore, #tpu.memory_space<semaphore_mem>>) src(%arg9 : memref<64x128xf32, #tpu.memory_space<vmem>>) dst(%dma_wait3A_76 : memref<64x128xf32, #tpu.memory_space<vmem_shared>>)
      tpu.yield
    }) : () -> ()
    %mul3A_49 = arith.constant 10 : i32
    %mul3A_50 = arith.muli %arg1, %mul3A_49 : i32
    %add3A_51 = arith.constant 8 : i32
    %add3A_52 = arith.addi %mul3A_50, %add3A_51 : i32
    %mul3A_53 = arith.constant 64 : i32
    %mul3A_54 = arith.muli %add3A_52, %mul3A_53 : i32
    "tpu.region"() ({
      %run_scoped3A = tpu.sem_alloc : memref<!tpu.dma_semaphore, #tpu.memory_space<semaphore_mem>>
      %dma_start3A = arith.constant 0 : i32
      %dma_start3A_71 = tpu.memref_slice %arg13[%mul3A_54, %dma_start3A] : memref<10240x128xf32, #tpu.memory_space<vmem_shared>> -> memref<64x128xf32, #tpu.memory_space<vmem_shared>>
      %dma_start3A_72 = arith.constant 0 : i32
      %dma_start3A_73 = tpu.memref_slice %arg13[%mul3A_54, %dma_start3A_72] : memref<10240x128xf32, #tpu.memory_space<vmem_shared>> -> memref<64x128xf32, #tpu.memory_space<vmem_shared>>
      tpu.enqueue_dma source(%arg9 : memref<64x128xf32, #tpu.memory_space<vmem>>) target(%dma_start3A_73 : memref<64x128xf32, #tpu.memory_space<vmem_shared>>) target_semaphore(%run_scoped3A : memref<!tpu.dma_semaphore, #tpu.memory_space<semaphore_mem>>)
      %dma_wait3A = arith.constant 0 : i32
      %dma_wait3A_74 = tpu.memref_slice %arg13[%mul3A_54, %dma_wait3A] : memref<10240x128xf32, #tpu.memory_space<vmem_shared>> -> memref<64x128xf32, #tpu.memory_space<vmem_shared>>
      %dma_wait3A_75 = arith.constant 0 : i32
      %dma_wait3A_76 = tpu.memref_slice %arg13[%mul3A_54, %dma_wait3A_75] : memref<10240x128xf32, #tpu.memory_space<vmem_shared>> -> memref<64x128xf32, #tpu.memory_space<vmem_shared>>
      tpu.wait_dma2 semaphore(%run_scoped3A : memref<!tpu.dma_semaphore, #tpu.memory_space<semaphore_mem>>) src(%arg9 : memref<64x128xf32, #tpu.memory_space<vmem>>) dst(%dma_wait3A_76 : memref<64x128xf32, #tpu.memory_space<vmem_shared>>)
      tpu.yield
    }) : () -> ()
    %mul3A_55 = arith.constant 10 : i32
    %mul3A_56 = arith.muli %arg1, %mul3A_55 : i32
    %add3A_57 = arith.constant 9 : i32
    %add3A_58 = arith.addi %mul3A_56, %add3A_57 : i32
    %mul3A_59 = arith.constant 64 : i32
    %mul3A_60 = arith.muli %add3A_58, %mul3A_59 : i32
    "tpu.region"() ({
      %run_scoped3A = tpu.sem_alloc : memref<!tpu.dma_semaphore, #tpu.memory_space<semaphore_mem>>
      %dma_start3A = arith.constant 0 : i32
      %dma_start3A_71 = tpu.memref_slice %arg13[%mul3A_60, %dma_start3A] : memref<10240x128xf32, #tpu.memory_space<vmem_shared>> -> memref<64x128xf32, #tpu.memory_space<vmem_shared>>
      %dma_start3A_72 = arith.constant 0 : i32
      %dma_start3A_73 = tpu.memref_slice %arg13[%mul3A_60, %dma_start3A_72] : memref<10240x128xf32, #tpu.memory_space<vmem_shared>> -> memref<64x128xf32, #tpu.memory_space<vmem_shared>>
      tpu.enqueue_dma source(%arg9 : memref<64x128xf32, #tpu.memory_space<vmem>>) target(%dma_start3A_73 : memref<64x128xf32, #tpu.memory_space<vmem_shared>>) target_semaphore(%run_scoped3A : memref<!tpu.dma_semaphore, #tpu.memory_space<semaphore_mem>>)
      %dma_wait3A = arith.constant 0 : i32
      %dma_wait3A_74 = tpu.memref_slice %arg13[%mul3A_60, %dma_wait3A] : memref<10240x128xf32, #tpu.memory_space<vmem_shared>> -> memref<64x128xf32, #tpu.memory_space<vmem_shared>>
      %dma_wait3A_75 = arith.constant 0 : i32
      %dma_wait3A_76 = tpu.memref_slice %arg13[%mul3A_60, %dma_wait3A_75] : memref<10240x128xf32, #tpu.memory_space<vmem_shared>> -> memref<64x128xf32, #tpu.memory_space<vmem_shared>>
      tpu.wait_dma2 semaphore(%run_scoped3A : memref<!tpu.dma_semaphore, #tpu.memory_space<semaphore_mem>>) src(%arg9 : memref<64x128xf32, #tpu.memory_space<vmem>>) dst(%dma_wait3A_76 : memref<64x128xf32, #tpu.memory_space<vmem_shared>>)
      tpu.yield
    }) : () -> ()
    %barrier3A = arith.constant 0 : index
    tpu.barrier barrier_id(%barrier3A)
    %scan3A = arith.constant 0 : i32
    %scan3A_61 = arith.constant 0 : i32
    %scan3A_62 = arith.constant 5 : i32
    %scan3A_63 = arith.addi %scan3A_61, %scan3A_62 : i32
    %scan3A_64 = arith.constant 1 : i32
    scf.for %scan3A_71 = %scan3A_61 to %scan3A_63 step %scan3A_64  : i32 {
      %mul3A_72 = arith.constant 64 : i32
      %mul3A_73 = arith.muli %scan3A_71, %mul3A_72 : i32
      "tpu.region"() ({
        %run_scoped3A = tpu.sem_alloc : memref<!tpu.dma_semaphore, #tpu.memory_space<semaphore_mem>>
        %dma_start3A_101 = arith.constant 0 : i32
        %dma_start3A_102 = tpu.memref_slice %arg3[%add3A, %mul3A_73, %dma_start3A_101] : memref<32x320x64xi32, #tpu.memory_space<hbm>> -> memref<1x64x64xi32, #tpu.memory_space<hbm>>
        %dma_start3A_103 = tpu.memref_squeeze %dma_start3A_102 : memref<1x64x64xi32, #tpu.memory_space<hbm>> -> memref<64x64xi32, #tpu.memory_space<hbm>>
        %dma_start3A_104 = arith.constant 0 : i32
        %dma_start3A_105 = tpu.memref_slice %arg3[%add3A, %mul3A_73, %dma_start3A_104] : memref<32x320x64xi32, #tpu.memory_space<hbm>> -> memref<1x64x64xi32, #tpu.memory_space<hbm>>
        %dma_start3A_106 = tpu.memref_squeeze %dma_start3A_105 : memref<1x64x64xi32, #tpu.memory_space<hbm>> -> memref<64x64xi32, #tpu.memory_space<hbm>>
        tpu.enqueue_dma source(%dma_start3A_106 : memref<64x64xi32, #tpu.memory_space<hbm>>) target(%arg7 : memref<64x64xi32, #tpu.memory_space<vmem>>) target_semaphore(%run_scoped3A : memref<!tpu.dma_semaphore, #tpu.memory_space<semaphore_mem>>)
        %dma_wait3A = arith.constant 0 : i32
        %dma_wait3A_107 = tpu.memref_slice %arg3[%add3A, %mul3A_73, %dma_wait3A] : memref<32x320x64xi32, #tpu.memory_space<hbm>> -> memref<1x64x64xi32, #tpu.memory_space<hbm>>
        %dma_wait3A_108 = tpu.memref_squeeze %dma_wait3A_107 : memref<1x64x64xi32, #tpu.memory_space<hbm>> -> memref<64x64xi32, #tpu.memory_space<hbm>>
        %dma_wait3A_109 = arith.constant 0 : i32
        %dma_wait3A_110 = tpu.memref_slice %arg3[%add3A, %mul3A_73, %dma_wait3A_109] : memref<32x320x64xi32, #tpu.memory_space<hbm>> -> memref<1x64x64xi32, #tpu.memory_space<hbm>>
        %dma_wait3A_111 = tpu.memref_squeeze %dma_wait3A_110 : memref<1x64x64xi32, #tpu.memory_space<hbm>> -> memref<64x64xi32, #tpu.memory_space<hbm>>
        tpu.wait_dma2 semaphore(%run_scoped3A : memref<!tpu.dma_semaphore, #tpu.memory_space<semaphore_mem>>) src(%dma_wait3A_111 : memref<64x64xi32, #tpu.memory_space<hbm>>) dst(%arg7 : memref<64x64xi32, #tpu.memory_space<vmem>>)
        tpu.yield
      }) : () -> ()
      %mul3A_74 = arith.constant 64 : i32
      %mul3A_75 = arith.muli %scan3A_71, %mul3A_74 : i32
      "tpu.region"() ({
        %run_scoped3A = tpu.sem_alloc : memref<!tpu.dma_semaphore, #tpu.memory_space<semaphore_mem>>
        %dma_start3A_101 = arith.constant 0 : i32
        %dma_start3A_102 = tpu.memref_slice %arg4[%add3A, %mul3A_75, %dma_start3A_101] : memref<32x320x64xi32, #tpu.memory_space<hbm>> -> memref<1x64x64xi32, #tpu.memory_space<hbm>>
        %dma_start3A_103 = tpu.memref_squeeze %dma_start3A_102 : memref<1x64x64xi32, #tpu.memory_space<hbm>> -> memref<64x64xi32, #tpu.memory_space<hbm>>
        %dma_start3A_104 = arith.constant 0 : i32
        %dma_start3A_105 = tpu.memref_slice %arg4[%add3A, %mul3A_75, %dma_start3A_104] : memref<32x320x64xi32, #tpu.memory_space<hbm>> -> memref<1x64x64xi32, #tpu.memory_space<hbm>>
        %dma_start3A_106 = tpu.memref_squeeze %dma_start3A_105 : memref<1x64x64xi32, #tpu.memory_space<hbm>> -> memref<64x64xi32, #tpu.memory_space<hbm>>
        tpu.enqueue_dma source(%dma_start3A_106 : memref<64x64xi32, #tpu.memory_space<hbm>>) target(%arg8 : memref<64x64xi32, #tpu.memory_space<vmem>>) target_semaphore(%run_scoped3A : memref<!tpu.dma_semaphore, #tpu.memory_space<semaphore_mem>>)
        %dma_wait3A = arith.constant 0 : i32
        %dma_wait3A_107 = tpu.memref_slice %arg4[%add3A, %mul3A_75, %dma_wait3A] : memref<32x320x64xi32, #tpu.memory_space<hbm>> -> memref<1x64x64xi32, #tpu.memory_space<hbm>>
        %dma_wait3A_108 = tpu.memref_squeeze %dma_wait3A_107 : memref<1x64x64xi32, #tpu.memory_space<hbm>> -> memref<64x64xi32, #tpu.memory_space<hbm>>
        %dma_wait3A_109 = arith.constant 0 : i32
        %dma_wait3A_110 = tpu.memref_slice %arg4[%add3A, %mul3A_75, %dma_wait3A_109] : memref<32x320x64xi32, #tpu.memory_space<hbm>> -> memref<1x64x64xi32, #tpu.memory_space<hbm>>
        %dma_wait3A_111 = tpu.memref_squeeze %dma_wait3A_110 : memref<1x64x64xi32, #tpu.memory_space<hbm>> -> memref<64x64xi32, #tpu.memory_space<hbm>>
        tpu.wait_dma2 semaphore(%run_scoped3A : memref<!tpu.dma_semaphore, #tpu.memory_space<semaphore_mem>>) src(%dma_wait3A_111 : memref<64x64xi32, #tpu.memory_space<hbm>>) dst(%arg8 : memref<64x64xi32, #tpu.memory_space<vmem>>)
        tpu.yield
      }) : () -> ()
      %dma_start3A = arith.constant 0 : i32
      %dma_start3A_76 = arith.constant 0 : i32
      %dma_start3A_77 = tpu.memref_slice %arg7[%dma_start3A, %dma_start3A_76] : memref<64x64xi32, #tpu.memory_space<vmem>> -> memref<1x64xi32, #tpu.memory_space<vmem>>
      %dma_start3A_78 = tpu.memref_squeeze %dma_start3A_77 : memref<1x64xi32, #tpu.memory_space<vmem>> -> memref<64xi32, #tpu.memory_space<vmem>>
      %dma_start3A_79 = arith.constant 0 : i32
      %dma_start3A_80 = arith.constant 0 : i32
      %dma_start3A_81 = tpu.memref_slice %arg2[%dma_start3A_79, %dma_start3A_80] : memref<20480x128xf32, #tpu.memory_space<hbm>> -> memref<20480x128xf32, #tpu.memory_space<hbm>>
      tpu.enqueue_indirect_dma source(%dma_start3A_81 : memref<20480x128xf32, #tpu.memory_space<hbm>>) target(%arg9 : memref<64x128xf32, #tpu.memory_space<vmem>>) offsets(%dma_start3A_78 : memref<64xi32, #tpu.memory_space<vmem>>) semaphore(%arg14 : memref<!tpu.dma_semaphore, #tpu.memory_space<semaphore_mem>>)
      %dma_start3A_82 = arith.constant 1 : i32
      %dma_start3A_83 = arith.constant 0 : i32
      %dma_start3A_84 = tpu.memref_slice %arg7[%dma_start3A_82, %dma_start3A_83] : memref<64x64xi32, #tpu.memory_space<vmem>> -> memref<1x64xi32, #tpu.memory_space<vmem>>
      %dma_start3A_85 = tpu.memref_squeeze %dma_start3A_84 : memref<1x64xi32, #tpu.memory_space<vmem>> -> memref<64xi32, #tpu.memory_space<vmem>>
      %dma_start3A_86 = arith.constant 0 : i32
      %dma_start3A_87 = arith.constant 0 : i32
      %dma_start3A_88 = tpu.memref_slice %arg2[%dma_start3A_86, %dma_start3A_87] : memref<20480x128xf32, #tpu.memory_space<hbm>> -> memref<20480x128xf32, #tpu.memory_space<hbm>>
      tpu.enqueue_indirect_dma source(%dma_start3A_88 : memref<20480x128xf32, #tpu.memory_space<hbm>>) target(%arg10 : memref<64x128xf32, #tpu.memory_space<vmem>>) offsets(%dma_start3A_85 : memref<64xi32, #tpu.memory_space<vmem>>) semaphore(%arg15 : memref<!tpu.dma_semaphore, #tpu.memory_space<semaphore_mem>>)
      %dma_start3A_89 = arith.constant 2 : i32
      %dma_start3A_90 = arith.constant 0 : i32
      %dma_start3A_91 = tpu.memref_slice %arg7[%dma_start3A_89, %dma_start3A_90] : memref<64x64xi32, #tpu.memory_space<vmem>> -> memref<1x64xi32, #tpu.memory_space<vmem>>
      %dma_start3A_92 = tpu.memref_squeeze %dma_start3A_91 : memref<1x64xi32, #tpu.memory_space<vmem>> -> memref<64xi32, #tpu.memory_space<vmem>>
      %dma_start3A_93 = arith.constant 0 : i32
      %dma_start3A_94 = arith.constant 0 : i32
      %dma_start3A_95 = tpu.memref_slice %arg2[%dma_start3A_93, %dma_start3A_94] : memref<20480x128xf32, #tpu.memory_space<hbm>> -> memref<20480x128xf32, #tpu.memory_space<hbm>>
      tpu.enqueue_indirect_dma source(%dma_start3A_95 : memref<20480x128xf32, #tpu.memory_space<hbm>>) target(%arg11 : memref<64x128xf32, #tpu.memory_space<vmem>>) offsets(%dma_start3A_92 : memref<64xi32, #tpu.memory_space<vmem>>) semaphore(%arg16 : memref<!tpu.dma_semaphore, #tpu.memory_space<semaphore_mem>>)
      %scan3A_96 = arith.constant 0 : i32
      %scan3A_97 = arith.constant 16 : i32
      %scan3A_98 = arith.addi %scan3A_96, %scan3A_97 : i32
      %scan3A_99 = arith.constant 1 : i32
      scf.for %scan3A_101 = %scan3A_96 to %scan3A_98 step %scan3A_99  : i32 {
        %mul3A_102 = arith.constant 4 : i32
        %mul3A_103 = arith.muli %mul3A_102, %scan3A_101 : i32
        %add3A_104 = arith.constant 0 : i32
        %add3A_105 = arith.addi %mul3A_103, %add3A_104 : i32
        tpu.wait_dma2 semaphore(%arg14 : memref<!tpu.dma_semaphore, #tpu.memory_space<semaphore_mem>>) src(%arg5 : memref<64x128xf32, #tpu.memory_space<hbm>>) dst(%arg9 : memref<64x128xf32, #tpu.memory_space<vmem>>)
        %dma_start3A_106 = arith.constant 0 : i32
        %dma_start3A_107 = tpu.memref_slice %arg8[%add3A_105, %dma_start3A_106] : memref<64x64xi32, #tpu.memory_space<vmem>> -> memref<1x64xi32, #tpu.memory_space<vmem>>
        %dma_start3A_108 = tpu.memref_squeeze %dma_start3A_107 : memref<1x64xi32, #tpu.memory_space<vmem>> -> memref<64xi32, #tpu.memory_space<vmem>>
        %dma_start3A_109 = arith.constant 0 : i32
        %dma_start3A_110 = arith.constant 0 : i32
        %dma_start3A_111 = tpu.memref_slice %arg13[%dma_start3A_109, %dma_start3A_110] : memref<10240x128xf32, #tpu.memory_space<vmem_shared>> -> memref<10240x128xf32, #tpu.memory_space<vmem_shared>>
        tpu.enqueue_indirect_dma source(%arg9 : memref<64x128xf32, #tpu.memory_space<vmem>>) target(%dma_start3A_111 : memref<10240x128xf32, #tpu.memory_space<vmem_shared>>) offsets(%dma_start3A_108 : memref<64xi32, #tpu.memory_space<vmem>>) semaphore(%arg18 : memref<!tpu.dma_semaphore, #tpu.memory_space<semaphore_mem>>) {add = true}
        %ge3A = arith.constant 1 : i32
        %ge3A_112 = arith.cmpi sge, %add3A_105, %ge3A : i32
        %add3A_113 = arith.constant 4 : i32
        %add3A_114 = arith.addi %add3A_105, %add3A_113 : i32
        %sub3A = arith.constant 1 : i32
        %sub3A_115 = arith.subi %add3A_114, %sub3A : i32
        %lt3A = arith.constant 64 : i32
        %lt3A_116 = arith.cmpi slt, %sub3A_115, %lt3A : i32
        %and3A = arith.andi %ge3A_112, %lt3A_116 : i1
        %convert_element_type3A = arith.extui %and3A : i1 to i32
        %cond3A = arith.constant 0 : i32
        %cond3A_117 = arith.cmpi ne, %convert_element_type3A, %cond3A : i32
        scf.if %cond3A_117 {
          tpu.wait_dma2 semaphore(%arg21 : memref<!tpu.dma_semaphore, #tpu.memory_space<semaphore_mem>>) src(%arg5 : memref<64x128xf32, #tpu.memory_space<hbm>>) dst(%arg12 : memref<64x128xf32, #tpu.memory_space<vmem>>)
        } else {
        }
        %add3A_118 = arith.constant 4 : i32
        %add3A_119 = arith.addi %add3A_105, %add3A_118 : i32
        %sub3A_120 = arith.constant 1 : i32
        %sub3A_121 = arith.subi %add3A_119, %sub3A_120 : i32
        %lt3A_122 = arith.constant 64 : i32
        %lt3A_123 = arith.cmpi slt, %sub3A_121, %lt3A_122 : i32
        %convert_element_type3A_124 = arith.extui %lt3A_123 : i1 to i32
        %cond3A_125 = arith.constant 0 : i32
        %cond3A_126 = arith.cmpi ne, %convert_element_type3A_124, %cond3A_125 : i32
        scf.if %cond3A_126 {
          %add3A_220 = arith.constant 4 : i32
          %add3A_221 = arith.addi %add3A_105, %add3A_220 : i32
          %sub3A_222 = arith.constant 1 : i32
          %sub3A_223 = arith.subi %add3A_221, %sub3A_222 : i32
          %dma_start3A_224 = arith.constant 0 : i32
          %dma_start3A_225 = tpu.memref_slice %arg7[%sub3A_223, %dma_start3A_224] : memref<64x64xi32, #tpu.memory_space<vmem>> -> memref<1x64xi32, #tpu.memory_space<vmem>>
          %dma_start3A_226 = tpu.memref_squeeze %dma_start3A_225 : memref<1x64xi32, #tpu.memory_space<vmem>> -> memref<64xi32, #tpu.memory_space<vmem>>
          %dma_start3A_227 = arith.constant 0 : i32
          %dma_start3A_228 = arith.constant 0 : i32
          %dma_start3A_229 = tpu.memref_slice %arg2[%dma_start3A_227, %dma_start3A_228] : memref<20480x128xf32, #tpu.memory_space<hbm>> -> memref<20480x128xf32, #tpu.memory_space<hbm>>
          tpu.enqueue_indirect_dma source(%dma_start3A_229 : memref<20480x128xf32, #tpu.memory_space<hbm>>) target(%arg12 : memref<64x128xf32, #tpu.memory_space<vmem>>) offsets(%dma_start3A_226 : memref<64xi32, #tpu.memory_space<vmem>>) semaphore(%arg17 : memref<!tpu.dma_semaphore, #tpu.memory_space<semaphore_mem>>)
        } else {
        }
        %mul3A_127 = arith.constant 4 : i32
        %mul3A_128 = arith.muli %mul3A_127, %scan3A_101 : i32
        %add3A_129 = arith.constant 1 : i32
        %add3A_130 = arith.addi %mul3A_128, %add3A_129 : i32
        tpu.wait_dma2 semaphore(%arg15 : memref<!tpu.dma_semaphore, #tpu.memory_space<semaphore_mem>>) src(%arg5 : memref<64x128xf32, #tpu.memory_space<hbm>>) dst(%arg10 : memref<64x128xf32, #tpu.memory_space<vmem>>)
        %dma_start3A_131 = arith.constant 0 : i32
        %dma_start3A_132 = tpu.memref_slice %arg8[%add3A_130, %dma_start3A_131] : memref<64x64xi32, #tpu.memory_space<vmem>> -> memref<1x64xi32, #tpu.memory_space<vmem>>
        %dma_start3A_133 = tpu.memref_squeeze %dma_start3A_132 : memref<1x64xi32, #tpu.memory_space<vmem>> -> memref<64xi32, #tpu.memory_space<vmem>>
        %dma_start3A_134 = arith.constant 0 : i32
        %dma_start3A_135 = arith.constant 0 : i32
        %dma_start3A_136 = tpu.memref_slice %arg13[%dma_start3A_134, %dma_start3A_135] : memref<10240x128xf32, #tpu.memory_space<vmem_shared>> -> memref<10240x128xf32, #tpu.memory_space<vmem_shared>>
        tpu.enqueue_indirect_dma source(%arg10 : memref<64x128xf32, #tpu.memory_space<vmem>>) target(%dma_start3A_136 : memref<10240x128xf32, #tpu.memory_space<vmem_shared>>) offsets(%dma_start3A_133 : memref<64xi32, #tpu.memory_space<vmem>>) semaphore(%arg19 : memref<!tpu.dma_semaphore, #tpu.memory_space<semaphore_mem>>) {add = true}
        %ge3A_137 = arith.constant 1 : i32
        %ge3A_138 = arith.cmpi sge, %add3A_130, %ge3A_137 : i32
        %add3A_139 = arith.constant 4 : i32
        %add3A_140 = arith.addi %add3A_130, %add3A_139 : i32
        %sub3A_141 = arith.constant 1 : i32
        %sub3A_142 = arith.subi %add3A_140, %sub3A_141 : i32
        %lt3A_143 = arith.constant 64 : i32
        %lt3A_144 = arith.cmpi slt, %sub3A_142, %lt3A_143 : i32
        %and3A_145 = arith.andi %ge3A_138, %lt3A_144 : i1
        %convert_element_type3A_146 = arith.extui %and3A_145 : i1 to i32
        %cond3A_147 = arith.constant 0 : i32
        %cond3A_148 = arith.cmpi ne, %convert_element_type3A_146, %cond3A_147 : i32
        scf.if %cond3A_148 {
          tpu.wait_dma2 semaphore(%arg18 : memref<!tpu.dma_semaphore, #tpu.memory_space<semaphore_mem>>) src(%arg5 : memref<64x128xf32, #tpu.memory_space<hbm>>) dst(%arg9 : memref<64x128xf32, #tpu.memory_space<vmem>>)
        } else {
        }
        %add3A_149 = arith.constant 4 : i32
        %add3A_150 = arith.addi %add3A_130, %add3A_149 : i32
        %sub3A_151 = arith.constant 1 : i32
        %sub3A_152 = arith.subi %add3A_150, %sub3A_151 : i32
        %lt3A_153 = arith.constant 64 : i32
        %lt3A_154 = arith.cmpi slt, %sub3A_152, %lt3A_153 : i32
        %convert_element_type3A_155 = arith.extui %lt3A_154 : i1 to i32
        %cond3A_156 = arith.constant 0 : i32
        %cond3A_157 = arith.cmpi ne, %convert_element_type3A_155, %cond3A_156 : i32
        scf.if %cond3A_157 {
          %add3A_220 = arith.constant 4 : i32
          %add3A_221 = arith.addi %add3A_130, %add3A_220 : i32
          %sub3A_222 = arith.constant 1 : i32
          %sub3A_223 = arith.subi %add3A_221, %sub3A_222 : i32
          %dma_start3A_224 = arith.constant 0 : i32
          %dma_start3A_225 = tpu.memref_slice %arg7[%sub3A_223, %dma_start3A_224] : memref<64x64xi32, #tpu.memory_space<vmem>> -> memref<1x64xi32, #tpu.memory_space<vmem>>
          %dma_start3A_226 = tpu.memref_squeeze %dma_start3A_225 : memref<1x64xi32, #tpu.memory_space<vmem>> -> memref<64xi32, #tpu.memory_space<vmem>>
          %dma_start3A_227 = arith.constant 0 : i32
          %dma_start3A_228 = arith.constant 0 : i32
          %dma_start3A_229 = tpu.memref_slice %arg2[%dma_start3A_227, %dma_start3A_228] : memref<20480x128xf32, #tpu.memory_space<hbm>> -> memref<20480x128xf32, #tpu.memory_space<hbm>>
          tpu.enqueue_indirect_dma source(%dma_start3A_229 : memref<20480x128xf32, #tpu.memory_space<hbm>>) target(%arg9 : memref<64x128xf32, #tpu.memory_space<vmem>>) offsets(%dma_start3A_226 : memref<64xi32, #tpu.memory_space<vmem>>) semaphore(%arg14 : memref<!tpu.dma_semaphore, #tpu.memory_space<semaphore_mem>>)
        } else {
        }
        %mul3A_158 = arith.constant 4 : i32
        %mul3A_159 = arith.muli %mul3A_158, %scan3A_101 : i32
        %add3A_160 = arith.constant 2 : i32
        %add3A_161 = arith.addi %mul3A_159, %add3A_160 : i32
        tpu.wait_dma2 semaphore(%arg16 : memref<!tpu.dma_semaphore, #tpu.memory_space<semaphore_mem>>) src(%arg5 : memref<64x128xf32, #tpu.memory_space<hbm>>) dst(%arg11 : memref<64x128xf32, #tpu.memory_space<vmem>>)
        %dma_start3A_162 = arith.constant 0 : i32
        %dma_start3A_163 = tpu.memref_slice %arg8[%add3A_161, %dma_start3A_162] : memref<64x64xi32, #tpu.memory_space<vmem>> -> memref<1x64xi32, #tpu.memory_space<vmem>>
        %dma_start3A_164 = tpu.memref_squeeze %dma_start3A_163 : memref<1x64xi32, #tpu.memory_space<vmem>> -> memref<64xi32, #tpu.memory_space<vmem>>
        %dma_start3A_165 = arith.constant 0 : i32
        %dma_start3A_166 = arith.constant 0 : i32
        %dma_start3A_167 = tpu.memref_slice %arg13[%dma_start3A_165, %dma_start3A_166] : memref<10240x128xf32, #tpu.memory_space<vmem_shared>> -> memref<10240x128xf32, #tpu.memory_space<vmem_shared>>
        tpu.enqueue_indirect_dma source(%arg11 : memref<64x128xf32, #tpu.memory_space<vmem>>) target(%dma_start3A_167 : memref<10240x128xf32, #tpu.memory_space<vmem_shared>>) offsets(%dma_start3A_164 : memref<64xi32, #tpu.memory_space<vmem>>) semaphore(%arg20 : memref<!tpu.dma_semaphore, #tpu.memory_space<semaphore_mem>>) {add = true}
        %ge3A_168 = arith.constant 1 : i32
        %ge3A_169 = arith.cmpi sge, %add3A_161, %ge3A_168 : i32
        %add3A_170 = arith.constant 4 : i32
        %add3A_171 = arith.addi %add3A_161, %add3A_170 : i32
        %sub3A_172 = arith.constant 1 : i32
        %sub3A_173 = arith.subi %add3A_171, %sub3A_172 : i32
        %lt3A_174 = arith.constant 64 : i32
        %lt3A_175 = arith.cmpi slt, %sub3A_173, %lt3A_174 : i32
        %and3A_176 = arith.andi %ge3A_169, %lt3A_175 : i1
        %convert_element_type3A_177 = arith.extui %and3A_176 : i1 to i32
        %cond3A_178 = arith.constant 0 : i32
        %cond3A_179 = arith.cmpi ne, %convert_element_type3A_177, %cond3A_178 : i32
        scf.if %cond3A_179 {
          tpu.wait_dma2 semaphore(%arg19 : memref<!tpu.dma_semaphore, #tpu.memory_space<semaphore_mem>>) src(%arg5 : memref<64x128xf32, #tpu.memory_space<hbm>>) dst(%arg10 : memref<64x128xf32, #tpu.memory_space<vmem>>)
        } else {
        }
        %add3A_180 = arith.constant 4 : i32
        %add3A_181 = arith.addi %add3A_161, %add3A_180 : i32
        %sub3A_182 = arith.constant 1 : i32
        %sub3A_183 = arith.subi %add3A_181, %sub3A_182 : i32
        %lt3A_184 = arith.constant 64 : i32
        %lt3A_185 = arith.cmpi slt, %sub3A_183, %lt3A_184 : i32
        %convert_element_type3A_186 = arith.extui %lt3A_185 : i1 to i32
        %cond3A_187 = arith.constant 0 : i32
        %cond3A_188 = arith.cmpi ne, %convert_element_type3A_186, %cond3A_187 : i32
        scf.if %cond3A_188 {
          %add3A_220 = arith.constant 4 : i32
          %add3A_221 = arith.addi %add3A_161, %add3A_220 : i32
          %sub3A_222 = arith.constant 1 : i32
          %sub3A_223 = arith.subi %add3A_221, %sub3A_222 : i32
          %dma_start3A_224 = arith.constant 0 : i32
          %dma_start3A_225 = tpu.memref_slice %arg7[%sub3A_223, %dma_start3A_224] : memref<64x64xi32, #tpu.memory_space<vmem>> -> memref<1x64xi32, #tpu.memory_space<vmem>>
          %dma_start3A_226 = tpu.memref_squeeze %dma_start3A_225 : memref<1x64xi32, #tpu.memory_space<vmem>> -> memref<64xi32, #tpu.memory_space<vmem>>
          %dma_start3A_227 = arith.constant 0 : i32
          %dma_start3A_228 = arith.constant 0 : i32
          %dma_start3A_229 = tpu.memref_slice %arg2[%dma_start3A_227, %dma_start3A_228] : memref<20480x128xf32, #tpu.memory_space<hbm>> -> memref<20480x128xf32, #tpu.memory_space<hbm>>
          tpu.enqueue_indirect_dma source(%dma_start3A_229 : memref<20480x128xf32, #tpu.memory_space<hbm>>) target(%arg10 : memref<64x128xf32, #tpu.memory_space<vmem>>) offsets(%dma_start3A_226 : memref<64xi32, #tpu.memory_space<vmem>>) semaphore(%arg15 : memref<!tpu.dma_semaphore, #tpu.memory_space<semaphore_mem>>)
        } else {
        }
        %mul3A_189 = arith.constant 4 : i32
        %mul3A_190 = arith.muli %mul3A_189, %scan3A_101 : i32
        %add3A_191 = arith.constant 3 : i32
        %add3A_192 = arith.addi %mul3A_190, %add3A_191 : i32
        tpu.wait_dma2 semaphore(%arg17 : memref<!tpu.dma_semaphore, #tpu.memory_space<semaphore_mem>>) src(%arg5 : memref<64x128xf32, #tpu.memory_space<hbm>>) dst(%arg12 : memref<64x128xf32, #tpu.memory_space<vmem>>)
        %dma_start3A_193 = arith.constant 0 : i32
        %dma_start3A_194 = tpu.memref_slice %arg8[%add3A_192, %dma_start3A_193] : memref<64x64xi32, #tpu.memory_space<vmem>> -> memref<1x64xi32, #tpu.memory_space<vmem>>
        %dma_start3A_195 = tpu.memref_squeeze %dma_start3A_194 : memref<1x64xi32, #tpu.memory_space<vmem>> -> memref<64xi32, #tpu.memory_space<vmem>>
        %dma_start3A_196 = arith.constant 0 : i32
        %dma_start3A_197 = arith.constant 0 : i32
        %dma_start3A_198 = tpu.memref_slice %arg13[%dma_start3A_196, %dma_start3A_197] : memref<10240x128xf32, #tpu.memory_space<vmem_shared>> -> memref<10240x128xf32, #tpu.memory_space<vmem_shared>>
        tpu.enqueue_indirect_dma source(%arg12 : memref<64x128xf32, #tpu.memory_space<vmem>>) target(%dma_start3A_198 : memref<10240x128xf32, #tpu.memory_space<vmem_shared>>) offsets(%dma_start3A_195 : memref<64xi32, #tpu.memory_space<vmem>>) semaphore(%arg21 : memref<!tpu.dma_semaphore, #tpu.memory_space<semaphore_mem>>) {add = true}
        %ge3A_199 = arith.constant 1 : i32
        %ge3A_200 = arith.cmpi sge, %add3A_192, %ge3A_199 : i32
        %add3A_201 = arith.constant 4 : i32
        %add3A_202 = arith.addi %add3A_192, %add3A_201 : i32
        %sub3A_203 = arith.constant 1 : i32
        %sub3A_204 = arith.subi %add3A_202, %sub3A_203 : i32
        %lt3A_205 = arith.constant 64 : i32
        %lt3A_206 = arith.cmpi slt, %sub3A_204, %lt3A_205 : i32
        %and3A_207 = arith.andi %ge3A_200, %lt3A_206 : i1
        %convert_element_type3A_208 = arith.extui %and3A_207 : i1 to i32
        %cond3A_209 = arith.constant 0 : i32
        %cond3A_210 = arith.cmpi ne, %convert_element_type3A_208, %cond3A_209 : i32
        scf.if %cond3A_210 {
          tpu.wait_dma2 semaphore(%arg20 : memref<!tpu.dma_semaphore, #tpu.memory_space<semaphore_mem>>) src(%arg5 : memref<64x128xf32, #tpu.memory_space<hbm>>) dst(%arg11 : memref<64x128xf32, #tpu.memory_space<vmem>>)
        } else {
        }
        %add3A_211 = arith.constant 4 : i32
        %add3A_212 = arith.addi %add3A_192, %add3A_211 : i32
        %sub3A_213 = arith.constant 1 : i32
        %sub3A_214 = arith.subi %add3A_212, %sub3A_213 : i32
        %lt3A_215 = arith.constant 64 : i32
        %lt3A_216 = arith.cmpi slt, %sub3A_214, %lt3A_215 : i32
        %convert_element_type3A_217 = arith.extui %lt3A_216 : i1 to i32
        %cond3A_218 = arith.constant 0 : i32
        %cond3A_219 = arith.cmpi ne, %convert_element_type3A_217, %cond3A_218 : i32
        scf.if %cond3A_219 {
          %add3A_220 = arith.constant 4 : i32
          %add3A_221 = arith.addi %add3A_192, %add3A_220 : i32
          %sub3A_222 = arith.constant 1 : i32
          %sub3A_223 = arith.subi %add3A_221, %sub3A_222 : i32
          %dma_start3A_224 = arith.constant 0 : i32
          %dma_start3A_225 = tpu.memref_slice %arg7[%sub3A_223, %dma_start3A_224] : memref<64x64xi32, #tpu.memory_space<vmem>> -> memref<1x64xi32, #tpu.memory_space<vmem>>
          %dma_start3A_226 = tpu.memref_squeeze %dma_start3A_225 : memref<1x64xi32, #tpu.memory_space<vmem>> -> memref<64xi32, #tpu.memory_space<vmem>>
          %dma_start3A_227 = arith.constant 0 : i32
          %dma_start3A_228 = arith.constant 0 : i32
          %dma_start3A_229 = tpu.memref_slice %arg2[%dma_start3A_227, %dma_start3A_228] : memref<20480x128xf32, #tpu.memory_space<hbm>> -> memref<20480x128xf32, #tpu.memory_space<hbm>>
          tpu.enqueue_indirect_dma source(%dma_start3A_229 : memref<20480x128xf32, #tpu.memory_space<hbm>>) target(%arg11 : memref<64x128xf32, #tpu.memory_space<vmem>>) offsets(%dma_start3A_226 : memref<64xi32, #tpu.memory_space<vmem>>) semaphore(%arg16 : memref<!tpu.dma_semaphore, #tpu.memory_space<semaphore_mem>>)
        } else {
        }
      }
      %scan3A_100 = arith.constant 16 : i32
      tpu.wait_dma2 semaphore(%arg18 : memref<!tpu.dma_semaphore, #tpu.memory_space<semaphore_mem>>) src(%arg5 : memref<64x128xf32, #tpu.memory_space<hbm>>) dst(%arg9 : memref<64x128xf32, #tpu.memory_space<vmem>>)
      tpu.wait_dma2 semaphore(%arg19 : memref<!tpu.dma_semaphore, #tpu.memory_space<semaphore_mem>>) src(%arg5 : memref<64x128xf32, #tpu.memory_space<hbm>>) dst(%arg10 : memref<64x128xf32, #tpu.memory_space<vmem>>)
      tpu.wait_dma2 semaphore(%arg20 : memref<!tpu.dma_semaphore, #tpu.memory_space<semaphore_mem>>) src(%arg5 : memref<64x128xf32, #tpu.memory_space<hbm>>) dst(%arg11 : memref<64x128xf32, #tpu.memory_space<vmem>>)
      tpu.wait_dma2 semaphore(%arg21 : memref<!tpu.dma_semaphore, #tpu.memory_space<semaphore_mem>>) src(%arg5 : memref<64x128xf32, #tpu.memory_space<hbm>>) dst(%arg12 : memref<64x128xf32, #tpu.memory_space<vmem>>)
    }
    %scan3A_65 = arith.constant 5 : i32
    %barrier3A_66 = arith.constant 0 : index
    tpu.barrier barrier_id(%barrier3A_66)
    %mul3A_67 = arith.constant 640 : i32
    %mul3A_68 = arith.muli %arg1, %mul3A_67 : i32
    %mul3A_69 = arith.constant 640 : i32
    %mul3A_70 = arith.muli %arg1, %mul3A_69 : i32
    "tpu.region"() ({
      %run_scoped3A = tpu.sem_alloc : memref<!tpu.dma_semaphore, #tpu.memory_space<semaphore_mem>>
      %dma_start3A = arith.constant 0 : i32
      %dma_start3A_71 = tpu.memref_slice %arg6[%arg0, %mul3A_70, %dma_start3A] : memref<2x10240x128xf32, #tpu.memory_space<hbm>> -> memref<1x640x128xf32, #tpu.memory_space<hbm>>
      %dma_start3A_72 = tpu.memref_squeeze %dma_start3A_71 : memref<1x640x128xf32, #tpu.memory_space<hbm>> -> memref<640x128xf32, #tpu.memory_space<hbm>>
      %dma_start3A_73 = arith.constant 0 : i32
      %dma_start3A_74 = tpu.memref_slice %arg13[%mul3A_68, %dma_start3A_73] : memref<10240x128xf32, #tpu.memory_space<vmem_shared>> -> memref<640x128xf32, #tpu.memory_space<vmem_shared>>
      tpu.enqueue_dma source(%dma_start3A_74 : memref<640x128xf32, #tpu.memory_space<vmem_shared>>) target(%dma_start3A_72 : memref<640x128xf32, #tpu.memory_space<hbm>>) target_semaphore(%run_scoped3A : memref<!tpu.dma_semaphore, #tpu.memory_space<semaphore_mem>>)
      %dma_wait3A = arith.constant 0 : i32
      %dma_wait3A_75 = tpu.memref_slice %arg6[%arg0, %mul3A_70, %dma_wait3A] : memref<2x10240x128xf32, #tpu.memory_space<hbm>> -> memref<1x640x128xf32, #tpu.memory_space<hbm>>
      %dma_wait3A_76 = tpu.memref_squeeze %dma_wait3A_75 : memref<1x640x128xf32, #tpu.memory_space<hbm>> -> memref<640x128xf32, #tpu.memory_space<hbm>>
      %dma_wait3A_77 = arith.constant 0 : i32
      %dma_wait3A_78 = tpu.memref_slice %arg13[%mul3A_68, %dma_wait3A_77] : memref<10240x128xf32, #tpu.memory_space<vmem_shared>> -> memref<640x128xf32, #tpu.memory_space<vmem_shared>>
      tpu.wait_dma2 semaphore(%run_scoped3A : memref<!tpu.dma_semaphore, #tpu.memory_space<semaphore_mem>>) src(%dma_wait3A_78 : memref<640x128xf32, #tpu.memory_space<vmem_shared>>) dst(%dma_wait3A_76 : memref<640x128xf32, #tpu.memory_space<hbm>>)
      tpu.yield
    }) : () -> ()
    return
  }
}

#map = affine_map<(d0, d1) -> (0, 0)>
#map1 = affine_map<(d0, d1) -> (0, 0, 0)>
module attributes {stable_mosaic.version = 14 : i64} {
  func.func @body(%arg0: i32, %arg1: i32, %arg2: memref<20480x128xf32, #tpu.memory_space<hbm>>, %arg3: memref<32x320x64xi32, #tpu.memory_space<hbm>>, %arg4: memref<32x320x64xi32, #tpu.memory_space<hbm>>, %arg5: memref<64x128xf32, #tpu.memory_space<hbm>>, %arg6: memref<2x10240x128xf32, #tpu.memory_space<hbm>>, %arg7: memref<64x64xi32, #tpu.memory_space<vmem>>, %arg8: memref<64x64xi32, #tpu.memory_space<vmem>>, %arg9: memref<64x128xf32, #tpu.memory_space<vmem>>, %arg10: memref<64x128xf32, #tpu.memory_space<vmem>>, %arg11: memref<64x128xf32, #tpu.memory_space<vmem>>, %arg12: memref<64x128xf32, #tpu.memory_space<vmem>>, %arg13: memref<10240x128xf32, #tpu.memory_space<vmem_shared>>, %arg14: memref<!tpu.dma_semaphore, #tpu.memory_space<semaphore_mem>>, %arg15: memref<!tpu.dma_semaphore, #tpu.memory_space<semaphore_mem>>, %arg16: memref<!tpu.dma_semaphore, #tpu.memory_space<semaphore_mem>>, %arg17: memref<!tpu.dma_semaphore, #tpu.memory_space<semaphore_mem>>, %arg18: memref<!tpu.dma_semaphore, #tpu.memory_space<semaphore_mem>>, %arg19: memref<!tpu.dma_semaphore, #tpu.memory_space<semaphore_mem>>, %arg20: memref<!tpu.dma_semaphore, #tpu.memory_space<semaphore_mem>>, %arg21: memref<!tpu.dma_semaphore, #tpu.memory_space<semaphore_mem>>) attributes {dimension_semantics = [#tpu.dimension_semantics<core_parallel>, #tpu.dimension_semantics<subcore_parallel>], iteration_bounds = array<i64: 2, 16>, scalar_prefetch = 0 : i64, scratch_operands = 15 : i64, tpu.core_type = #tpu.core_type<sc_vector_subcore>, window_params = [{transform_indices = #map}, {transform_indices = #map1}, {transform_indices = #map1}, {transform_indices = #map}, {transform_indices = #map1}]} {
    %mul3A = arith.constant 16 : i32
    %mul3A_0 = arith.muli %arg0, %mul3A : i32
    %add3A = arith.addi %mul3A_0, %arg1 : i32
    "tpu.region"() ({
      %run_scoped3A = tpu.sem_alloc : memref<!tpu.dma_semaphore, #tpu.memory_space<semaphore_mem>>
      tpu.enqueue_dma source(%arg5 : memref<64x128xf32, #tpu.memory_space<hbm>>) target(%arg9 : memref<64x128xf32, #tpu.memory_space<vmem>>) target_semaphore(%run_scoped3A : memref<!tpu.dma_semaphore, #tpu.memory_space<semaphore_mem>>)
      tpu.wait_dma2 semaphore(%run_scoped3A : memref<!tpu.dma_semaphore, #tpu.memory_space<semaphore_mem>>) src(%arg5 : memref<64x128xf32, #tpu.memory_space<hbm>>) dst(%arg9 : memref<64x128xf32, #tpu.memory_space<vmem>>)
      tpu.yield
    }) : () -> ()
    %mul3A_1 = arith.constant 10 : i32
    %mul3A_2 = arith.muli %arg1, %mul3A_1 : i32
    %add3A_3 = arith.constant 0 : i32
    %add3A_4 = arith.addi %mul3A_2, %add3A_3 : i32
    %mul3A_5 = arith.constant 64 : i32
    %mul3A_6 = arith.muli %add3A_4, %mul3A_5 : i32
    "tpu.region"() ({
      %run_scoped3A = tpu.sem_alloc : memref<!tpu.dma_semaphore, #tpu.memory_space<semaphore_mem>>
      %dma_start3A = arith.constant 0 : i32
      %dma_start3A_71 = tpu.memref_slice %arg13[%mul3A_6, %dma_start3A] : memref<10240x128xf32, #tpu.memory_space<vmem_shared>> -> memref<64x128xf32, #tpu.memory_space<vmem_shared>>
      %dma_start3A_72 = arith.constant 0 : i32
      %dma_start3A_73 = tpu.memref_slice %arg13[%mul3A_6, %dma_start3A_72] : memref<10240x128xf32, #tpu.memory_space<vmem_shared>> -> memref<64x128xf32, #tpu.memory_space<vmem_shared>>
      tpu.enqueue_dma source(%arg9 : memref<64x128xf32, #tpu.memory_space<vmem>>) target(%dma_start3A_73 : memref<64x128xf32, #tpu.memory_space<vmem_shared>>) target_semaphore(%run_scoped3A : memref<!tpu.dma_semaphore, #tpu.memory_space<semaphore_mem>>)
      %dma_wait3A = arith.constant 0 : i32
      %dma_wait3A_74 = tpu.memref_slice %arg13[%mul3A_6, %dma_wait3A] : memref<10240x128xf32, #tpu.memory_space<vmem_shared>> -> memref<64x128xf32, #tpu.memory_space<vmem_shared>>
      %dma_wait3A_75 = arith.constant 0 : i32
      %dma_wait3A_76 = tpu.memref_slice %arg13[%mul3A_6, %dma_wait3A_75] : memref<10240x128xf32, #tpu.memory_space<vmem_shared>> -> memref<64x128xf32, #tpu.memory_space<vmem_shared>>
      tpu.wait_dma2 semaphore(%run_scoped3A : memref<!tpu.dma_semaphore, #tpu.memory_space<semaphore_mem>>) src(%arg9 : memref<64x128xf32, #tpu.memory_space<vmem>>) dst(%dma_wait3A_76 : memref<64x128xf32, #tpu.memory_space<vmem_shared>>)
      tpu.yield
    }) : () -> ()
    %mul3A_7 = arith.constant 10 : i32
    %mul3A_8 = arith.muli %arg1, %mul3A_7 : i32
    %add3A_9 = arith.constant 1 : i32
    %add3A_10 = arith.addi %mul3A_8, %add3A_9 : i32
    %mul3A_11 = arith.constant 64 : i32
    %mul3A_12 = arith.muli %add3A_10, %mul3A_11 : i32
    "tpu.region"() ({
      %run_scoped3A = tpu.sem_alloc : memref<!tpu.dma_semaphore, #tpu.memory_space<semaphore_mem>>
      %dma_start3A = arith.constant 0 : i32
      %dma_start3A_71 = tpu.memref_slice %arg13[%mul3A_12, %dma_start3A] : memref<10240x128xf32, #tpu.memory_space<vmem_shared>> -> memref<64x128xf32, #tpu.memory_space<vmem_shared>>
      %dma_start3A_72 = arith.constant 0 : i32
      %dma_start3A_73 = tpu.memref_slice %arg13[%mul3A_12, %dma_start3A_72] : memref<10240x128xf32, #tpu.memory_space<vmem_shared>> -> memref<64x128xf32, #tpu.memory_space<vmem_shared>>
      tpu.enqueue_dma source(%arg9 : memref<64x128xf32, #tpu.memory_space<vmem>>) target(%dma_start3A_73 : memref<64x128xf32, #tpu.memory_space<vmem_shared>>) target_semaphore(%run_scoped3A : memref<!tpu.dma_semaphore, #tpu.memory_space<semaphore_mem>>)
      %dma_wait3A = arith.constant 0 : i32
      %dma_wait3A_74 = tpu.memref_slice %arg13[%mul3A_12, %dma_wait3A] : memref<10240x128xf32, #tpu.memory_space<vmem_shared>> -> memref<64x128xf32, #tpu.memory_space<vmem_shared>>
      %dma_wait3A_75 = arith.constant 0 : i32
      %dma_wait3A_76 = tpu.memref_slice %arg13[%mul3A_12, %dma_wait3A_75] : memref<10240x128xf32, #tpu.memory_space<vmem_shared>> -> memref<64x128xf32, #tpu.memory_space<vmem_shared>>
      tpu.wait_dma2 semaphore(%run_scoped3A : memref<!tpu.dma_semaphore, #tpu.memory_space<semaphore_mem>>) src(%arg9 : memref<64x128xf32, #tpu.memory_space<vmem>>) dst(%dma_wait3A_76 : memref<64x128xf32, #tpu.memory_space<vmem_shared>>)
      tpu.yield
    }) : () -> ()
    %mul3A_13 = arith.constant 10 : i32
    %mul3A_14 = arith.muli %arg1, %mul3A_13 : i32
    %add3A_15 = arith.constant 2 : i32
    %add3A_16 = arith.addi %mul3A_14, %add3A_15 : i32
    %mul3A_17 = arith.constant 64 : i32
    %mul3A_18 = arith.muli %add3A_16, %mul3A_17 : i32
    "tpu.region"() ({
      %run_scoped3A = tpu.sem_alloc : memref<!tpu.dma_semaphore, #tpu.memory_space<semaphore_mem>>
      %dma_start3A = arith.constant 0 : i32
      %dma_start3A_71 = tpu.memref_slice %arg13[%mul3A_18, %dma_start3A] : memref<10240x128xf32, #tpu.memory_space<vmem_shared>> -> memref<64x128xf32, #tpu.memory_space<vmem_shared>>
      %dma_start3A_72 = arith.constant 0 : i32
      %dma_start3A_73 = tpu.memref_slice %arg13[%mul3A_18, %dma_start3A_72] : memref<10240x128xf32, #tpu.memory_space<vmem_shared>> -> memref<64x128xf32, #tpu.memory_space<vmem_shared>>
      tpu.enqueue_dma source(%arg9 : memref<64x128xf32, #tpu.memory_space<vmem>>) target(%dma_start3A_73 : memref<64x128xf32, #tpu.memory_space<vmem_shared>>) target_semaphore(%run_scoped3A : memref<!tpu.dma_semaphore, #tpu.memory_space<semaphore_mem>>)
      %dma_wait3A = arith.constant 0 : i32
      %dma_wait3A_74 = tpu.memref_slice %arg13[%mul3A_18, %dma_wait3A] : memref<10240x128xf32, #tpu.memory_space<vmem_shared>> -> memref<64x128xf32, #tpu.memory_space<vmem_shared>>
      %dma_wait3A_75 = arith.constant 0 : i32
      %dma_wait3A_76 = tpu.memref_slice %arg13[%mul3A_18, %dma_wait3A_75] : memref<10240x128xf32, #tpu.memory_space<vmem_shared>> -> memref<64x128xf32, #tpu.memory_space<vmem_shared>>
      tpu.wait_dma2 semaphore(%run_scoped3A : memref<!tpu.dma_semaphore, #tpu.memory_space<semaphore_mem>>) src(%arg9 : memref<64x128xf32, #tpu.memory_space<vmem>>) dst(%dma_wait3A_76 : memref<64x128xf32, #tpu.memory_space<vmem_shared>>)
      tpu.yield
    }) : () -> ()
    %mul3A_19 = arith.constant 10 : i32
    %mul3A_20 = arith.muli %arg1, %mul3A_19 : i32
    %add3A_21 = arith.constant 3 : i32
    %add3A_22 = arith.addi %mul3A_20, %add3A_21 : i32
    %mul3A_23 = arith.constant 64 : i32
    %mul3A_24 = arith.muli %add3A_22, %mul3A_23 : i32
    "tpu.region"() ({
      %run_scoped3A = tpu.sem_alloc : memref<!tpu.dma_semaphore, #tpu.memory_space<semaphore_mem>>
      %dma_start3A = arith.constant 0 : i32
      %dma_start3A_71 = tpu.memref_slice %arg13[%mul3A_24, %dma_start3A] : memref<10240x128xf32, #tpu.memory_space<vmem_shared>> -> memref<64x128xf32, #tpu.memory_space<vmem_shared>>
      %dma_start3A_72 = arith.constant 0 : i32
      %dma_start3A_73 = tpu.memref_slice %arg13[%mul3A_24, %dma_start3A_72] : memref<10240x128xf32, #tpu.memory_space<vmem_shared>> -> memref<64x128xf32, #tpu.memory_space<vmem_shared>>
      tpu.enqueue_dma source(%arg9 : memref<64x128xf32, #tpu.memory_space<vmem>>) target(%dma_start3A_73 : memref<64x128xf32, #tpu.memory_space<vmem_shared>>) target_semaphore(%run_scoped3A : memref<!tpu.dma_semaphore, #tpu.memory_space<semaphore_mem>>)
      %dma_wait3A = arith.constant 0 : i32
      %dma_wait3A_74 = tpu.memref_slice %arg13[%mul3A_24, %dma_wait3A] : memref<10240x128xf32, #tpu.memory_space<vmem_shared>> -> memref<64x128xf32, #tpu.memory_space<vmem_shared>>
      %dma_wait3A_75 = arith.constant 0 : i32
      %dma_wait3A_76 = tpu.memref_slice %arg13[%mul3A_24, %dma_wait3A_75] : memref<10240x128xf32, #tpu.memory_space<vmem_shared>> -> memref<64x128xf32, #tpu.memory_space<vmem_shared>>
      tpu.wait_dma2 semaphore(%run_scoped3A : memref<!tpu.dma_semaphore, #tpu.memory_space<semaphore_mem>>) src(%arg9 : memref<64x128xf32, #tpu.memory_space<vmem>>) dst(%dma_wait3A_76 : memref<64x128xf32, #tpu.memory_space<vmem_shared>>)
      tpu.yield
    }) : () -> ()
    %mul3A_25 = arith.constant 10 : i32
    %mul3A_26 = arith.muli %arg1, %mul3A_25 : i32
    %add3A_27 = arith.constant 4 : i32
    %add3A_28 = arith.addi %mul3A_26, %add3A_27 : i32
    %mul3A_29 = arith.constant 64 : i32
    %mul3A_30 = arith.muli %add3A_28, %mul3A_29 : i32
    "tpu.region"() ({
      %run_scoped3A = tpu.sem_alloc : memref<!tpu.dma_semaphore, #tpu.memory_space<semaphore_mem>>
      %dma_start3A = arith.constant 0 : i32
      %dma_start3A_71 = tpu.memref_slice %arg13[%mul3A_30, %dma_start3A] : memref<10240x128xf32, #tpu.memory_space<vmem_shared>> -> memref<64x128xf32, #tpu.memory_space<vmem_shared>>
      %dma_start3A_72 = arith.constant 0 : i32
      %dma_start3A_73 = tpu.memref_slice %arg13[%mul3A_30, %dma_start3A_72] : memref<10240x128xf32, #tpu.memory_space<vmem_shared>> -> memref<64x128xf32, #tpu.memory_space<vmem_shared>>
      tpu.enqueue_dma source(%arg9 : memref<64x128xf32, #tpu.memory_space<vmem>>) target(%dma_start3A_73 : memref<64x128xf32, #tpu.memory_space<vmem_shared>>) target_semaphore(%run_scoped3A : memref<!tpu.dma_semaphore, #tpu.memory_space<semaphore_mem>>)
      %dma_wait3A = arith.constant 0 : i32
      %dma_wait3A_74 = tpu.memref_slice %arg13[%mul3A_30, %dma_wait3A] : memref<10240x128xf32, #tpu.memory_space<vmem_shared>> -> memref<64x128xf32, #tpu.memory_space<vmem_shared>>
      %dma_wait3A_75 = arith.constant 0 : i32
      %dma_wait3A_76 = tpu.memref_slice %arg13[%mul3A_30, %dma_wait3A_75] : memref<10240x128xf32, #tpu.memory_space<vmem_shared>> -> memref<64x128xf32, #tpu.memory_space<vmem_shared>>
      tpu.wait_dma2 semaphore(%run_scoped3A : memref<!tpu.dma_semaphore, #tpu.memory_space<semaphore_mem>>) src(%arg9 : memref<64x128xf32, #tpu.memory_space<vmem>>) dst(%dma_wait3A_76 : memref<64x128xf32, #tpu.memory_space<vmem_shared>>)
      tpu.yield
    }) : () -> ()
    %mul3A_31 = arith.constant 10 : i32
    %mul3A_32 = arith.muli %arg1, %mul3A_31 : i32
    %add3A_33 = arith.constant 5 : i32
    %add3A_34 = arith.addi %mul3A_32, %add3A_33 : i32
    %mul3A_35 = arith.constant 64 : i32
    %mul3A_36 = arith.muli %add3A_34, %mul3A_35 : i32
    "tpu.region"() ({
      %run_scoped3A = tpu.sem_alloc : memref<!tpu.dma_semaphore, #tpu.memory_space<semaphore_mem>>
      %dma_start3A = arith.constant 0 : i32
      %dma_start3A_71 = tpu.memref_slice %arg13[%mul3A_36, %dma_start3A] : memref<10240x128xf32, #tpu.memory_space<vmem_shared>> -> memref<64x128xf32, #tpu.memory_space<vmem_shared>>
      %dma_start3A_72 = arith.constant 0 : i32
      %dma_start3A_73 = tpu.memref_slice %arg13[%mul3A_36, %dma_start3A_72] : memref<10240x128xf32, #tpu.memory_space<vmem_shared>> -> memref<64x128xf32, #tpu.memory_space<vmem_shared>>
      tpu.enqueue_dma source(%arg9 : memref<64x128xf32, #tpu.memory_space<vmem>>) target(%dma_start3A_73 : memref<64x128xf32, #tpu.memory_space<vmem_shared>>) target_semaphore(%run_scoped3A : memref<!tpu.dma_semaphore, #tpu.memory_space<semaphore_mem>>)
      %dma_wait3A = arith.constant 0 : i32
      %dma_wait3A_74 = tpu.memref_slice %arg13[%mul3A_36, %dma_wait3A] : memref<10240x128xf32, #tpu.memory_space<vmem_shared>> -> memref<64x128xf32, #tpu.memory_space<vmem_shared>>
      %dma_wait3A_75 = arith.constant 0 : i32
      %dma_wait3A_76 = tpu.memref_slice %arg13[%mul3A_36, %dma_wait3A_75] : memref<10240x128xf32, #tpu.memory_space<vmem_shared>> -> memref<64x128xf32, #tpu.memory_space<vmem_shared>>
      tpu.wait_dma2 semaphore(%run_scoped3A : memref<!tpu.dma_semaphore, #tpu.memory_space<semaphore_mem>>) src(%arg9 : memref<64x128xf32, #tpu.memory_space<vmem>>) dst(%dma_wait3A_76 : memref<64x128xf32, #tpu.memory_space<vmem_shared>>)
      tpu.yield
    }) : () -> ()
    %mul3A_37 = arith.constant 10 : i32
    %mul3A_38 = arith.muli %arg1, %mul3A_37 : i32
    %add3A_39 = arith.constant 6 : i32
    %add3A_40 = arith.addi %mul3A_38, %add3A_39 : i32
    %mul3A_41 = arith.constant 64 : i32
    %mul3A_42 = arith.muli %add3A_40, %mul3A_41 : i32
    "tpu.region"() ({
      %run_scoped3A = tpu.sem_alloc : memref<!tpu.dma_semaphore, #tpu.memory_space<semaphore_mem>>
      %dma_start3A = arith.constant 0 : i32
      %dma_start3A_71 = tpu.memref_slice %arg13[%mul3A_42, %dma_start3A] : memref<10240x128xf32, #tpu.memory_space<vmem_shared>> -> memref<64x128xf32, #tpu.memory_space<vmem_shared>>
      %dma_start3A_72 = arith.constant 0 : i32
      %dma_start3A_73 = tpu.memref_slice %arg13[%mul3A_42, %dma_start3A_72] : memref<10240x128xf32, #tpu.memory_space<vmem_shared>> -> memref<64x128xf32, #tpu.memory_space<vmem_shared>>
      tpu.enqueue_dma source(%arg9 : memref<64x128xf32, #tpu.memory_space<vmem>>) target(%dma_start3A_73 : memref<64x128xf32, #tpu.memory_space<vmem_shared>>) target_semaphore(%run_scoped3A : memref<!tpu.dma_semaphore, #tpu.memory_space<semaphore_mem>>)
      %dma_wait3A = arith.constant 0 : i32
      %dma_wait3A_74 = tpu.memref_slice %arg13[%mul3A_42, %dma_wait3A] : memref<10240x128xf32, #tpu.memory_space<vmem_shared>> -> memref<64x128xf32, #tpu.memory_space<vmem_shared>>
      %dma_wait3A_75 = arith.constant 0 : i32
      %dma_wait3A_76 = tpu.memref_slice %arg13[%mul3A_42, %dma_wait3A_75] : memref<10240x128xf32, #tpu.memory_space<vmem_shared>> -> memref<64x128xf32, #tpu.memory_space<vmem_shared>>
      tpu.wait_dma2 semaphore(%run_scoped3A : memref<!tpu.dma_semaphore, #tpu.memory_space<semaphore_mem>>) src(%arg9 : memref<64x128xf32, #tpu.memory_space<vmem>>) dst(%dma_wait3A_76 : memref<64x128xf32, #tpu.memory_space<vmem_shared>>)
      tpu.yield
    }) : () -> ()
    %mul3A_43 = arith.constant 10 : i32
    %mul3A_44 = arith.muli %arg1, %mul3A_43 : i32
    %add3A_45 = arith.constant 7 : i32
    %add3A_46 = arith.addi %mul3A_44, %add3A_45 : i32
    %mul3A_47 = arith.constant 64 : i32
    %mul3A_48 = arith.muli %add3A_46, %mul3A_47 : i32
    "tpu.region"() ({
      %run_scoped3A = tpu.sem_alloc : memref<!tpu.dma_semaphore, #tpu.memory_space<semaphore_mem>>
      %dma_start3A = arith.constant 0 : i32
      %dma_start3A_71 = tpu.memref_slice %arg13[%mul3A_48, %dma_start3A] : memref<10240x128xf32, #tpu.memory_space<vmem_shared>> -> memref<64x128xf32, #tpu.memory_space<vmem_shared>>
      %dma_start3A_72 = arith.constant 0 : i32
      %dma_start3A_73 = tpu.memref_slice %arg13[%mul3A_48, %dma_start3A_72] : memref<10240x128xf32, #tpu.memory_space<vmem_shared>> -> memref<64x128xf32, #tpu.memory_space<vmem_shared>>
      tpu.enqueue_dma source(%arg9 : memref<64x128xf32, #tpu.memory_space<vmem>>) target(%dma_start3A_73 : memref<64x128xf32, #tpu.memory_space<vmem_shared>>) target_semaphore(%run_scoped3A : memref<!tpu.dma_semaphore, #tpu.memory_space<semaphore_mem>>)
      %dma_wait3A = arith.constant 0 : i32
      %dma_wait3A_74 = tpu.memref_slice %arg13[%mul3A_48, %dma_wait3A] : memref<10240x128xf32, #tpu.memory_space<vmem_shared>> -> memref<64x128xf32, #tpu.memory_space<vmem_shared>>
      %dma_wait3A_75 = arith.constant 0 : i32
      %dma_wait3A_76 = tpu.memref_slice %arg13[%mul3A_48, %dma_wait3A_75] : memref<10240x128xf32, #tpu.memory_space<vmem_shared>> -> memref<64x128xf32, #tpu.memory_space<vmem_shared>>
      tpu.wait_dma2 semaphore(%run_scoped3A : memref<!tpu.dma_semaphore, #tpu.memory_space<semaphore_mem>>) src(%arg9 : memref<64x128xf32, #tpu.memory_space<vmem>>) dst(%dma_wait3A_76 : memref<64x128xf32, #tpu.memory_space<vmem_shared>>)
      tpu.yield
    }) : () -> ()
    %mul3A_49 = arith.constant 10 : i32
    %mul3A_50 = arith.muli %arg1, %mul3A_49 : i32
    %add3A_51 = arith.constant 8 : i32
    %add3A_52 = arith.addi %mul3A_50, %add3A_51 : i32
    %mul3A_53 = arith.constant 64 : i32
    %mul3A_54 = arith.muli %add3A_52, %mul3A_53 : i32
    "tpu.region"() ({
      %run_scoped3A = tpu.sem_alloc : memref<!tpu.dma_semaphore, #tpu.memory_space<semaphore_mem>>
      %dma_start3A = arith.constant 0 : i32
      %dma_start3A_71 = tpu.memref_slice %arg13[%mul3A_54, %dma_start3A] : memref<10240x128xf32, #tpu.memory_space<vmem_shared>> -> memref<64x128xf32, #tpu.memory_space<vmem_shared>>
      %dma_start3A_72 = arith.constant 0 : i32
      %dma_start3A_73 = tpu.memref_slice %arg13[%mul3A_54, %dma_start3A_72] : memref<10240x128xf32, #tpu.memory_space<vmem_shared>> -> memref<64x128xf32, #tpu.memory_space<vmem_shared>>
      tpu.enqueue_dma source(%arg9 : memref<64x128xf32, #tpu.memory_space<vmem>>) target(%dma_start3A_73 : memref<64x128xf32, #tpu.memory_space<vmem_shared>>) target_semaphore(%run_scoped3A : memref<!tpu.dma_semaphore, #tpu.memory_space<semaphore_mem>>)
      %dma_wait3A = arith.constant 0 : i32
      %dma_wait3A_74 = tpu.memref_slice %arg13[%mul3A_54, %dma_wait3A] : memref<10240x128xf32, #tpu.memory_space<vmem_shared>> -> memref<64x128xf32, #tpu.memory_space<vmem_shared>>
      %dma_wait3A_75 = arith.constant 0 : i32
      %dma_wait3A_76 = tpu.memref_slice %arg13[%mul3A_54, %dma_wait3A_75] : memref<10240x128xf32, #tpu.memory_space<vmem_shared>> -> memref<64x128xf32, #tpu.memory_space<vmem_shared>>
      tpu.wait_dma2 semaphore(%run_scoped3A : memref<!tpu.dma_semaphore, #tpu.memory_space<semaphore_mem>>) src(%arg9 : memref<64x128xf32, #tpu.memory_space<vmem>>) dst(%dma_wait3A_76 : memref<64x128xf32, #tpu.memory_space<vmem_shared>>)
      tpu.yield
    }) : () -> ()
    %mul3A_55 = arith.constant 10 : i32
    %mul3A_56 = arith.muli %arg1, %mul3A_55 : i32
    %add3A_57 = arith.constant 9 : i32
    %add3A_58 = arith.addi %mul3A_56, %add3A_57 : i32
    %mul3A_59 = arith.constant 64 : i32
    %mul3A_60 = arith.muli %add3A_58, %mul3A_59 : i32
    "tpu.region"() ({
      %run_scoped3A = tpu.sem_alloc : memref<!tpu.dma_semaphore, #tpu.memory_space<semaphore_mem>>
      %dma_start3A = arith.constant 0 : i32
      %dma_start3A_71 = tpu.memref_slice %arg13[%mul3A_60, %dma_start3A] : memref<10240x128xf32, #tpu.memory_space<vmem_shared>> -> memref<64x128xf32, #tpu.memory_space<vmem_shared>>
      %dma_start3A_72 = arith.constant 0 : i32
      %dma_start3A_73 = tpu.memref_slice %arg13[%mul3A_60, %dma_start3A_72] : memref<10240x128xf32, #tpu.memory_space<vmem_shared>> -> memref<64x128xf32, #tpu.memory_space<vmem_shared>>
      tpu.enqueue_dma source(%arg9 : memref<64x128xf32, #tpu.memory_space<vmem>>) target(%dma_start3A_73 : memref<64x128xf32, #tpu.memory_space<vmem_shared>>) target_semaphore(%run_scoped3A : memref<!tpu.dma_semaphore, #tpu.memory_space<semaphore_mem>>)
      %dma_wait3A = arith.constant 0 : i32
      %dma_wait3A_74 = tpu.memref_slice %arg13[%mul3A_60, %dma_wait3A] : memref<10240x128xf32, #tpu.memory_space<vmem_shared>> -> memref<64x128xf32, #tpu.memory_space<vmem_shared>>
      %dma_wait3A_75 = arith.constant 0 : i32
      %dma_wait3A_76 = tpu.memref_slice %arg13[%mul3A_60, %dma_wait3A_75] : memref<10240x128xf32, #tpu.memory_space<vmem_shared>> -> memref<64x128xf32, #tpu.memory_space<vmem_shared>>
      tpu.wait_dma2 semaphore(%run_scoped3A : memref<!tpu.dma_semaphore, #tpu.memory_space<semaphore_mem>>) src(%arg9 : memref<64x128xf32, #tpu.memory_space<vmem>>) dst(%dma_wait3A_76 : memref<64x128xf32, #tpu.memory_space<vmem_shared>>)
      tpu.yield
    }) : () -> ()
    %barrier3A = arith.constant 0 : index
    tpu.barrier barrier_id(%barrier3A)
    %scan3A = arith.constant 0 : i32
    %scan3A_61 = arith.constant 0 : i32
    %scan3A_62 = arith.constant 5 : i32
    %scan3A_63 = arith.addi %scan3A_61, %scan3A_62 : i32
    %scan3A_64 = arith.constant 1 : i32
    scf.for %scan3A_71 = %scan3A_61 to %scan3A_63 step %scan3A_64  : i32 {
      %mul3A_72 = arith.constant 64 : i32
      %mul3A_73 = arith.muli %scan3A_71, %mul3A_72 : i32
      "tpu.region"() ({
        %run_scoped3A = tpu.sem_alloc : memref<!tpu.dma_semaphore, #tpu.memory_space<semaphore_mem>>
        %dma_start3A_101 = arith.constant 0 : i32
        %dma_start3A_102 = tpu.memref_slice %arg3[%add3A, %mul3A_73, %dma_start3A_101] : memref<32x320x64xi32, #tpu.memory_space<hbm>> -> memref<1x64x64xi32, #tpu.memory_space<hbm>>
        %dma_start3A_103 = tpu.memref_squeeze %dma_start3A_102 : memref<1x64x64xi32, #tpu.memory_space<hbm>> -> memref<64x64xi32, #tpu.memory_space<hbm>>
        %dma_start3A_104 = arith.constant 0 : i32
        %dma_start3A_105 = tpu.memref_slice %arg3[%add3A, %mul3A_73, %dma_start3A_104] : memref<32x320x64xi32, #tpu.memory_space<hbm>> -> memref<1x64x64xi32, #tpu.memory_space<hbm>>
        %dma_start3A_106 = tpu.memref_squeeze %dma_start3A_105 : memref<1x64x64xi32, #tpu.memory_space<hbm>> -> memref<64x64xi32, #tpu.memory_space<hbm>>
        tpu.enqueue_dma source(%dma_start3A_106 : memref<64x64xi32, #tpu.memory_space<hbm>>) target(%arg7 : memref<64x64xi32, #tpu.memory_space<vmem>>) target_semaphore(%run_scoped3A : memref<!tpu.dma_semaphore, #tpu.memory_space<semaphore_mem>>)
        %dma_wait3A = arith.constant 0 : i32
        %dma_wait3A_107 = tpu.memref_slice %arg3[%add3A, %mul3A_73, %dma_wait3A] : memref<32x320x64xi32, #tpu.memory_space<hbm>> -> memref<1x64x64xi32, #tpu.memory_space<hbm>>
        %dma_wait3A_108 = tpu.memref_squeeze %dma_wait3A_107 : memref<1x64x64xi32, #tpu.memory_space<hbm>> -> memref<64x64xi32, #tpu.memory_space<hbm>>
        %dma_wait3A_109 = arith.constant 0 : i32
        %dma_wait3A_110 = tpu.memref_slice %arg3[%add3A, %mul3A_73, %dma_wait3A_109] : memref<32x320x64xi32, #tpu.memory_space<hbm>> -> memref<1x64x64xi32, #tpu.memory_space<hbm>>
        %dma_wait3A_111 = tpu.memref_squeeze %dma_wait3A_110 : memref<1x64x64xi32, #tpu.memory_space<hbm>> -> memref<64x64xi32, #tpu.memory_space<hbm>>
        tpu.wait_dma2 semaphore(%run_scoped3A : memref<!tpu.dma_semaphore, #tpu.memory_space<semaphore_mem>>) src(%dma_wait3A_111 : memref<64x64xi32, #tpu.memory_space<hbm>>) dst(%arg7 : memref<64x64xi32, #tpu.memory_space<vmem>>)
        tpu.yield
      }) : () -> ()
      %mul3A_74 = arith.constant 64 : i32
      %mul3A_75 = arith.muli %scan3A_71, %mul3A_74 : i32
      "tpu.region"() ({
        %run_scoped3A = tpu.sem_alloc : memref<!tpu.dma_semaphore, #tpu.memory_space<semaphore_mem>>
        %dma_start3A_101 = arith.constant 0 : i32
        %dma_start3A_102 = tpu.memref_slice %arg4[%add3A, %mul3A_75, %dma_start3A_101] : memref<32x320x64xi32, #tpu.memory_space<hbm>> -> memref<1x64x64xi32, #tpu.memory_space<hbm>>
        %dma_start3A_103 = tpu.memref_squeeze %dma_start3A_102 : memref<1x64x64xi32, #tpu.memory_space<hbm>> -> memref<64x64xi32, #tpu.memory_space<hbm>>
        %dma_start3A_104 = arith.constant 0 : i32
        %dma_start3A_105 = tpu.memref_slice %arg4[%add3A, %mul3A_75, %dma_start3A_104] : memref<32x320x64xi32, #tpu.memory_space<hbm>> -> memref<1x64x64xi32, #tpu.memory_space<hbm>>
        %dma_start3A_106 = tpu.memref_squeeze %dma_start3A_105 : memref<1x64x64xi32, #tpu.memory_space<hbm>> -> memref<64x64xi32, #tpu.memory_space<hbm>>
        tpu.enqueue_dma source(%dma_start3A_106 : memref<64x64xi32, #tpu.memory_space<hbm>>) target(%arg8 : memref<64x64xi32, #tpu.memory_space<vmem>>) target_semaphore(%run_scoped3A : memref<!tpu.dma_semaphore, #tpu.memory_space<semaphore_mem>>)
        %dma_wait3A = arith.constant 0 : i32
        %dma_wait3A_107 = tpu.memref_slice %arg4[%add3A, %mul3A_75, %dma_wait3A] : memref<32x320x64xi32, #tpu.memory_space<hbm>> -> memref<1x64x64xi32, #tpu.memory_space<hbm>>
        %dma_wait3A_108 = tpu.memref_squeeze %dma_wait3A_107 : memref<1x64x64xi32, #tpu.memory_space<hbm>> -> memref<64x64xi32, #tpu.memory_space<hbm>>
        %dma_wait3A_109 = arith.constant 0 : i32
        %dma_wait3A_110 = tpu.memref_slice %arg4[%add3A, %mul3A_75, %dma_wait3A_109] : memref<32x320x64xi32, #tpu.memory_space<hbm>> -> memref<1x64x64xi32, #tpu.memory_space<hbm>>
        %dma_wait3A_111 = tpu.memref_squeeze %dma_wait3A_110 : memref<1x64x64xi32, #tpu.memory_space<hbm>> -> memref<64x64xi32, #tpu.memory_space<hbm>>
        tpu.wait_dma2 semaphore(%run_scoped3A : memref<!tpu.dma_semaphore, #tpu.memory_space<semaphore_mem>>) src(%dma_wait3A_111 : memref<64x64xi32, #tpu.memory_space<hbm>>) dst(%arg8 : memref<64x64xi32, #tpu.memory_space<vmem>>)
        tpu.yield
      }) : () -> ()
      %dma_start3A = arith.constant 0 : i32
      %dma_start3A_76 = arith.constant 0 : i32
      %dma_start3A_77 = tpu.memref_slice %arg7[%dma_start3A, %dma_start3A_76] : memref<64x64xi32, #tpu.memory_space<vmem>> -> memref<1x64xi32, #tpu.memory_space<vmem>>
      %dma_start3A_78 = tpu.memref_squeeze %dma_start3A_77 : memref<1x64xi32, #tpu.memory_space<vmem>> -> memref<64xi32, #tpu.memory_space<vmem>>
      %dma_start3A_79 = arith.constant 0 : i32
      %dma_start3A_80 = arith.constant 0 : i32
      %dma_start3A_81 = tpu.memref_slice %arg2[%dma_start3A_79, %dma_start3A_80] : memref<20480x128xf32, #tpu.memory_space<hbm>> -> memref<20480x128xf32, #tpu.memory_space<hbm>>
      tpu.enqueue_indirect_dma source(%dma_start3A_81 : memref<20480x128xf32, #tpu.memory_space<hbm>>) target(%arg9 : memref<64x128xf32, #tpu.memory_space<vmem>>) offsets(%dma_start3A_78 : memref<64xi32, #tpu.memory_space<vmem>>) semaphore(%arg14 : memref<!tpu.dma_semaphore, #tpu.memory_space<semaphore_mem>>)
      %dma_start3A_82 = arith.constant 1 : i32
      %dma_start3A_83 = arith.constant 0 : i32
      %dma_start3A_84 = tpu.memref_slice %arg7[%dma_start3A_82, %dma_start3A_83] : memref<64x64xi32, #tpu.memory_space<vmem>> -> memref<1x64xi32, #tpu.memory_space<vmem>>
      %dma_start3A_85 = tpu.memref_squeeze %dma_start3A_84 : memref<1x64xi32, #tpu.memory_space<vmem>> -> memref<64xi32, #tpu.memory_space<vmem>>
      %dma_start3A_86 = arith.constant 0 : i32
      %dma_start3A_87 = arith.constant 0 : i32
      %dma_start3A_88 = tpu.memref_slice %arg2[%dma_start3A_86, %dma_start3A_87] : memref<20480x128xf32, #tpu.memory_space<hbm>> -> memref<20480x128xf32, #tpu.memory_space<hbm>>
      tpu.enqueue_indirect_dma source(%dma_start3A_88 : memref<20480x128xf32, #tpu.memory_space<hbm>>) target(%arg10 : memref<64x128xf32, #tpu.memory_space<vmem>>) offsets(%dma_start3A_85 : memref<64xi32, #tpu.memory_space<vmem>>) semaphore(%arg15 : memref<!tpu.dma_semaphore, #tpu.memory_space<semaphore_mem>>)
      %dma_start3A_89 = arith.constant 2 : i32
      %dma_start3A_90 = arith.constant 0 : i32
      %dma_start3A_91 = tpu.memref_slice %arg7[%dma_start3A_89, %dma_start3A_90] : memref<64x64xi32, #tpu.memory_space<vmem>> -> memref<1x64xi32, #tpu.memory_space<vmem>>
      %dma_start3A_92 = tpu.memref_squeeze %dma_start3A_91 : memref<1x64xi32, #tpu.memory_space<vmem>> -> memref<64xi32, #tpu.memory_space<vmem>>
      %dma_start3A_93 = arith.constant 0 : i32
      %dma_start3A_94 = arith.constant 0 : i32
      %dma_start3A_95 = tpu.memref_slice %arg2[%dma_start3A_93, %dma_start3A_94] : memref<20480x128xf32, #tpu.memory_space<hbm>> -> memref<20480x128xf32, #tpu.memory_space<hbm>>
      tpu.enqueue_indirect_dma source(%dma_start3A_95 : memref<20480x128xf32, #tpu.memory_space<hbm>>) target(%arg11 : memref<64x128xf32, #tpu.memory_space<vmem>>) offsets(%dma_start3A_92 : memref<64xi32, #tpu.memory_space<vmem>>) semaphore(%arg16 : memref<!tpu.dma_semaphore, #tpu.memory_space<semaphore_mem>>)
      %scan3A_96 = arith.constant 0 : i32
      %scan3A_97 = arith.constant 16 : i32
      %scan3A_98 = arith.addi %scan3A_96, %scan3A_97 : i32
      %scan3A_99 = arith.constant 1 : i32
      scf.for %scan3A_101 = %scan3A_96 to %scan3A_98 step %scan3A_99  : i32 {
        %mul3A_102 = arith.constant 4 : i32
        %mul3A_103 = arith.muli %mul3A_102, %scan3A_101 : i32
        %add3A_104 = arith.constant 0 : i32
        %add3A_105 = arith.addi %mul3A_103, %add3A_104 : i32
        tpu.wait_dma2 semaphore(%arg14 : memref<!tpu.dma_semaphore, #tpu.memory_space<semaphore_mem>>) src(%arg5 : memref<64x128xf32, #tpu.memory_space<hbm>>) dst(%arg9 : memref<64x128xf32, #tpu.memory_space<vmem>>)
        %dma_start3A_106 = arith.constant 0 : i32
        %dma_start3A_107 = tpu.memref_slice %arg8[%add3A_105, %dma_start3A_106] : memref<64x64xi32, #tpu.memory_space<vmem>> -> memref<1x64xi32, #tpu.memory_space<vmem>>
        %dma_start3A_108 = tpu.memref_squeeze %dma_start3A_107 : memref<1x64xi32, #tpu.memory_space<vmem>> -> memref<64xi32, #tpu.memory_space<vmem>>
        %dma_start3A_109 = arith.constant 0 : i32
        %dma_start3A_110 = arith.constant 0 : i32
        %dma_start3A_111 = tpu.memref_slice %arg13[%dma_start3A_109, %dma_start3A_110] : memref<10240x128xf32, #tpu.memory_space<vmem_shared>> -> memref<10240x128xf32, #tpu.memory_space<vmem_shared>>
        tpu.enqueue_indirect_dma source(%arg9 : memref<64x128xf32, #tpu.memory_space<vmem>>) target(%dma_start3A_111 : memref<10240x128xf32, #tpu.memory_space<vmem_shared>>) offsets(%dma_start3A_108 : memref<64xi32, #tpu.memory_space<vmem>>) semaphore(%arg18 : memref<!tpu.dma_semaphore, #tpu.memory_space<semaphore_mem>>) {add = true}
        %ge3A = arith.constant 1 : i32
        %ge3A_112 = arith.cmpi sge, %add3A_105, %ge3A : i32
        %add3A_113 = arith.constant 4 : i32
        %add3A_114 = arith.addi %add3A_105, %add3A_113 : i32
        %sub3A = arith.constant 1 : i32
        %sub3A_115 = arith.subi %add3A_114, %sub3A : i32
        %lt3A = arith.constant 64 : i32
        %lt3A_116 = arith.cmpi slt, %sub3A_115, %lt3A : i32
        %and3A = arith.andi %ge3A_112, %lt3A_116 : i1
        %convert_element_type3A = arith.extui %and3A : i1 to i32
        %cond3A = arith.constant 0 : i32
        %cond3A_117 = arith.cmpi ne, %convert_element_type3A, %cond3A : i32
        scf.if %cond3A_117 {
          tpu.wait_dma2 semaphore(%arg21 : memref<!tpu.dma_semaphore, #tpu.memory_space<semaphore_mem>>) src(%arg5 : memref<64x128xf32, #tpu.memory_space<hbm>>) dst(%arg12 : memref<64x128xf32, #tpu.memory_space<vmem>>)
        } else {
        }
        %add3A_118 = arith.constant 4 : i32
        %add3A_119 = arith.addi %add3A_105, %add3A_118 : i32
        %sub3A_120 = arith.constant 1 : i32
        %sub3A_121 = arith.subi %add3A_119, %sub3A_120 : i32
        %lt3A_122 = arith.constant 64 : i32
        %lt3A_123 = arith.cmpi slt, %sub3A_121, %lt3A_122 : i32
        %convert_element_type3A_124 = arith.extui %lt3A_123 : i1 to i32
        %cond3A_125 = arith.constant 0 : i32
        %cond3A_126 = arith.cmpi ne, %convert_element_type3A_124, %cond3A_125 : i32
        scf.if %cond3A_126 {
          %add3A_220 = arith.constant 4 : i32
          %add3A_221 = arith.addi %add3A_105, %add3A_220 : i32
          %sub3A_222 = arith.constant 1 : i32
          %sub3A_223 = arith.subi %add3A_221, %sub3A_222 : i32
          %dma_start3A_224 = arith.constant 0 : i32
          %dma_start3A_225 = tpu.memref_slice %arg7[%sub3A_223, %dma_start3A_224] : memref<64x64xi32, #tpu.memory_space<vmem>> -> memref<1x64xi32, #tpu.memory_space<vmem>>
          %dma_start3A_226 = tpu.memref_squeeze %dma_start3A_225 : memref<1x64xi32, #tpu.memory_space<vmem>> -> memref<64xi32, #tpu.memory_space<vmem>>
          %dma_start3A_227 = arith.constant 0 : i32
          %dma_start3A_228 = arith.constant 0 : i32
          %dma_start3A_229 = tpu.memref_slice %arg2[%dma_start3A_227, %dma_start3A_228] : memref<20480x128xf32, #tpu.memory_space<hbm>> -> memref<20480x128xf32, #tpu.memory_space<hbm>>
          tpu.enqueue_indirect_dma source(%dma_start3A_229 : memref<20480x128xf32, #tpu.memory_space<hbm>>) target(%arg12 : memref<64x128xf32, #tpu.memory_space<vmem>>) offsets(%dma_start3A_226 : memref<64xi32, #tpu.memory_space<vmem>>) semaphore(%arg17 : memref<!tpu.dma_semaphore, #tpu.memory_space<semaphore_mem>>)
        } else {
        }
        %mul3A_127 = arith.constant 4 : i32
        %mul3A_128 = arith.muli %mul3A_127, %scan3A_101 : i32
        %add3A_129 = arith.constant 1 : i32
        %add3A_130 = arith.addi %mul3A_128, %add3A_129 : i32
        tpu.wait_dma2 semaphore(%arg15 : memref<!tpu.dma_semaphore, #tpu.memory_space<semaphore_mem>>) src(%arg5 : memref<64x128xf32, #tpu.memory_space<hbm>>) dst(%arg10 : memref<64x128xf32, #tpu.memory_space<vmem>>)
        %dma_start3A_131 = arith.constant 0 : i32
        %dma_start3A_132 = tpu.memref_slice %arg8[%add3A_130, %dma_start3A_131] : memref<64x64xi32, #tpu.memory_space<vmem>> -> memref<1x64xi32, #tpu.memory_space<vmem>>
        %dma_start3A_133 = tpu.memref_squeeze %dma_start3A_132 : memref<1x64xi32, #tpu.memory_space<vmem>> -> memref<64xi32, #tpu.memory_space<vmem>>
        %dma_start3A_134 = arith.constant 0 : i32
        %dma_start3A_135 = arith.constant 0 : i32
        %dma_start3A_136 = tpu.memref_slice %arg13[%dma_start3A_134, %dma_start3A_135] : memref<10240x128xf32, #tpu.memory_space<vmem_shared>> -> memref<10240x128xf32, #tpu.memory_space<vmem_shared>>
        tpu.enqueue_indirect_dma source(%arg10 : memref<64x128xf32, #tpu.memory_space<vmem>>) target(%dma_start3A_136 : memref<10240x128xf32, #tpu.memory_space<vmem_shared>>) offsets(%dma_start3A_133 : memref<64xi32, #tpu.memory_space<vmem>>) semaphore(%arg19 : memref<!tpu.dma_semaphore, #tpu.memory_space<semaphore_mem>>) {add = true}
        %ge3A_137 = arith.constant 1 : i32
        %ge3A_138 = arith.cmpi sge, %add3A_130, %ge3A_137 : i32
        %add3A_139 = arith.constant 4 : i32
        %add3A_140 = arith.addi %add3A_130, %add3A_139 : i32
        %sub3A_141 = arith.constant 1 : i32
        %sub3A_142 = arith.subi %add3A_140, %sub3A_141 : i32
        %lt3A_143 = arith.constant 64 : i32
        %lt3A_144 = arith.cmpi slt, %sub3A_142, %lt3A_143 : i32
        %and3A_145 = arith.andi %ge3A_138, %lt3A_144 : i1
        %convert_element_type3A_146 = arith.extui %and3A_145 : i1 to i32
        %cond3A_147 = arith.constant 0 : i32
        %cond3A_148 = arith.cmpi ne, %convert_element_type3A_146, %cond3A_147 : i32
        scf.if %cond3A_148 {
          tpu.wait_dma2 semaphore(%arg18 : memref<!tpu.dma_semaphore, #tpu.memory_space<semaphore_mem>>) src(%arg5 : memref<64x128xf32, #tpu.memory_space<hbm>>) dst(%arg9 : memref<64x128xf32, #tpu.memory_space<vmem>>)
        } else {
        }
        %add3A_149 = arith.constant 4 : i32
        %add3A_150 = arith.addi %add3A_130, %add3A_149 : i32
        %sub3A_151 = arith.constant 1 : i32
        %sub3A_152 = arith.subi %add3A_150, %sub3A_151 : i32
        %lt3A_153 = arith.constant 64 : i32
        %lt3A_154 = arith.cmpi slt, %sub3A_152, %lt3A_153 : i32
        %convert_element_type3A_155 = arith.extui %lt3A_154 : i1 to i32
        %cond3A_156 = arith.constant 0 : i32
        %cond3A_157 = arith.cmpi ne, %convert_element_type3A_155, %cond3A_156 : i32
        scf.if %cond3A_157 {
          %add3A_220 = arith.constant 4 : i32
          %add3A_221 = arith.addi %add3A_130, %add3A_220 : i32
          %sub3A_222 = arith.constant 1 : i32
          %sub3A_223 = arith.subi %add3A_221, %sub3A_222 : i32
          %dma_start3A_224 = arith.constant 0 : i32
          %dma_start3A_225 = tpu.memref_slice %arg7[%sub3A_223, %dma_start3A_224] : memref<64x64xi32, #tpu.memory_space<vmem>> -> memref<1x64xi32, #tpu.memory_space<vmem>>
          %dma_start3A_226 = tpu.memref_squeeze %dma_start3A_225 : memref<1x64xi32, #tpu.memory_space<vmem>> -> memref<64xi32, #tpu.memory_space<vmem>>
          %dma_start3A_227 = arith.constant 0 : i32
          %dma_start3A_228 = arith.constant 0 : i32
          %dma_start3A_229 = tpu.memref_slice %arg2[%dma_start3A_227, %dma_start3A_228] : memref<20480x128xf32, #tpu.memory_space<hbm>> -> memref<20480x128xf32, #tpu.memory_space<hbm>>
          tpu.enqueue_indirect_dma source(%dma_start3A_229 : memref<20480x128xf32, #tpu.memory_space<hbm>>) target(%arg9 : memref<64x128xf32, #tpu.memory_space<vmem>>) offsets(%dma_start3A_226 : memref<64xi32, #tpu.memory_space<vmem>>) semaphore(%arg14 : memref<!tpu.dma_semaphore, #tpu.memory_space<semaphore_mem>>)
        } else {
        }
        %mul3A_158 = arith.constant 4 : i32
        %mul3A_159 = arith.muli %mul3A_158, %scan3A_101 : i32
        %add3A_160 = arith.constant 2 : i32
        %add3A_161 = arith.addi %mul3A_159, %add3A_160 : i32
        tpu.wait_dma2 semaphore(%arg16 : memref<!tpu.dma_semaphore, #tpu.memory_space<semaphore_mem>>) src(%arg5 : memref<64x128xf32, #tpu.memory_space<hbm>>) dst(%arg11 : memref<64x128xf32, #tpu.memory_space<vmem>>)
        %dma_start3A_162 = arith.constant 0 : i32
        %dma_start3A_163 = tpu.memref_slice %arg8[%add3A_161, %dma_start3A_162] : memref<64x64xi32, #tpu.memory_space<vmem>> -> memref<1x64xi32, #tpu.memory_space<vmem>>
        %dma_start3A_164 = tpu.memref_squeeze %dma_start3A_163 : memref<1x64xi32, #tpu.memory_space<vmem>> -> memref<64xi32, #tpu.memory_space<vmem>>
        %dma_start3A_165 = arith.constant 0 : i32
        %dma_start3A_166 = arith.constant 0 : i32
        %dma_start3A_167 = tpu.memref_slice %arg13[%dma_start3A_165, %dma_start3A_166] : memref<10240x128xf32, #tpu.memory_space<vmem_shared>> -> memref<10240x128xf32, #tpu.memory_space<vmem_shared>>
        tpu.enqueue_indirect_dma source(%arg11 : memref<64x128xf32, #tpu.memory_space<vmem>>) target(%dma_start3A_167 : memref<10240x128xf32, #tpu.memory_space<vmem_shared>>) offsets(%dma_start3A_164 : memref<64xi32, #tpu.memory_space<vmem>>) semaphore(%arg20 : memref<!tpu.dma_semaphore, #tpu.memory_space<semaphore_mem>>) {add = true}
        %ge3A_168 = arith.constant 1 : i32
        %ge3A_169 = arith.cmpi sge, %add3A_161, %ge3A_168 : i32
        %add3A_170 = arith.constant 4 : i32
        %add3A_171 = arith.addi %add3A_161, %add3A_170 : i32
        %sub3A_172 = arith.constant 1 : i32
        %sub3A_173 = arith.subi %add3A_171, %sub3A_172 : i32
        %lt3A_174 = arith.constant 64 : i32
        %lt3A_175 = arith.cmpi slt, %sub3A_173, %lt3A_174 : i32
        %and3A_176 = arith.andi %ge3A_169, %lt3A_175 : i1
        %convert_element_type3A_177 = arith.extui %and3A_176 : i1 to i32
        %cond3A_178 = arith.constant 0 : i32
        %cond3A_179 = arith.cmpi ne, %convert_element_type3A_177, %cond3A_178 : i32
        scf.if %cond3A_179 {
          tpu.wait_dma2 semaphore(%arg19 : memref<!tpu.dma_semaphore, #tpu.memory_space<semaphore_mem>>) src(%arg5 : memref<64x128xf32, #tpu.memory_space<hbm>>) dst(%arg10 : memref<64x128xf32, #tpu.memory_space<vmem>>)
        } else {
        }
        %add3A_180 = arith.constant 4 : i32
        %add3A_181 = arith.addi %add3A_161, %add3A_180 : i32
        %sub3A_182 = arith.constant 1 : i32
        %sub3A_183 = arith.subi %add3A_181, %sub3A_182 : i32
        %lt3A_184 = arith.constant 64 : i32
        %lt3A_185 = arith.cmpi slt, %sub3A_183, %lt3A_184 : i32
        %convert_element_type3A_186 = arith.extui %lt3A_185 : i1 to i32
        %cond3A_187 = arith.constant 0 : i32
        %cond3A_188 = arith.cmpi ne, %convert_element_type3A_186, %cond3A_187 : i32
        scf.if %cond3A_188 {
          %add3A_220 = arith.constant 4 : i32
          %add3A_221 = arith.addi %add3A_161, %add3A_220 : i32
          %sub3A_222 = arith.constant 1 : i32
          %sub3A_223 = arith.subi %add3A_221, %sub3A_222 : i32
          %dma_start3A_224 = arith.constant 0 : i32
          %dma_start3A_225 = tpu.memref_slice %arg7[%sub3A_223, %dma_start3A_224] : memref<64x64xi32, #tpu.memory_space<vmem>> -> memref<1x64xi32, #tpu.memory_space<vmem>>
          %dma_start3A_226 = tpu.memref_squeeze %dma_start3A_225 : memref<1x64xi32, #tpu.memory_space<vmem>> -> memref<64xi32, #tpu.memory_space<vmem>>
          %dma_start3A_227 = arith.constant 0 : i32
          %dma_start3A_228 = arith.constant 0 : i32
          %dma_start3A_229 = tpu.memref_slice %arg2[%dma_start3A_227, %dma_start3A_228] : memref<20480x128xf32, #tpu.memory_space<hbm>> -> memref<20480x128xf32, #tpu.memory_space<hbm>>
          tpu.enqueue_indirect_dma source(%dma_start3A_229 : memref<20480x128xf32, #tpu.memory_space<hbm>>) target(%arg10 : memref<64x128xf32, #tpu.memory_space<vmem>>) offsets(%dma_start3A_226 : memref<64xi32, #tpu.memory_space<vmem>>) semaphore(%arg15 : memref<!tpu.dma_semaphore, #tpu.memory_space<semaphore_mem>>)
        } else {
        }
        %mul3A_189 = arith.constant 4 : i32
        %mul3A_190 = arith.muli %mul3A_189, %scan3A_101 : i32
        %add3A_191 = arith.constant 3 : i32
        %add3A_192 = arith.addi %mul3A_190, %add3A_191 : i32
        tpu.wait_dma2 semaphore(%arg17 : memref<!tpu.dma_semaphore, #tpu.memory_space<semaphore_mem>>) src(%arg5 : memref<64x128xf32, #tpu.memory_space<hbm>>) dst(%arg12 : memref<64x128xf32, #tpu.memory_space<vmem>>)
        %dma_start3A_193 = arith.constant 0 : i32
        %dma_start3A_194 = tpu.memref_slice %arg8[%add3A_192, %dma_start3A_193] : memref<64x64xi32, #tpu.memory_space<vmem>> -> memref<1x64xi32, #tpu.memory_space<vmem>>
        %dma_start3A_195 = tpu.memref_squeeze %dma_start3A_194 : memref<1x64xi32, #tpu.memory_space<vmem>> -> memref<64xi32, #tpu.memory_space<vmem>>
        %dma_start3A_196 = arith.constant 0 : i32
        %dma_start3A_197 = arith.constant 0 : i32
        %dma_start3A_198 = tpu.memref_slice %arg13[%dma_start3A_196, %dma_start3A_197] : memref<10240x128xf32, #tpu.memory_space<vmem_shared>> -> memref<10240x128xf32, #tpu.memory_space<vmem_shared>>
        tpu.enqueue_indirect_dma source(%arg12 : memref<64x128xf32, #tpu.memory_space<vmem>>) target(%dma_start3A_198 : memref<10240x128xf32, #tpu.memory_space<vmem_shared>>) offsets(%dma_start3A_195 : memref<64xi32, #tpu.memory_space<vmem>>) semaphore(%arg21 : memref<!tpu.dma_semaphore, #tpu.memory_space<semaphore_mem>>) {add = true}
        %ge3A_199 = arith.constant 1 : i32
        %ge3A_200 = arith.cmpi sge, %add3A_192, %ge3A_199 : i32
        %add3A_201 = arith.constant 4 : i32
        %add3A_202 = arith.addi %add3A_192, %add3A_201 : i32
        %sub3A_203 = arith.constant 1 : i32
        %sub3A_204 = arith.subi %add3A_202, %sub3A_203 : i32
        %lt3A_205 = arith.constant 64 : i32
        %lt3A_206 = arith.cmpi slt, %sub3A_204, %lt3A_205 : i32
        %and3A_207 = arith.andi %ge3A_200, %lt3A_206 : i1
        %convert_element_type3A_208 = arith.extui %and3A_207 : i1 to i32
        %cond3A_209 = arith.constant 0 : i32
        %cond3A_210 = arith.cmpi ne, %convert_element_type3A_208, %cond3A_209 : i32
        scf.if %cond3A_210 {
          tpu.wait_dma2 semaphore(%arg20 : memref<!tpu.dma_semaphore, #tpu.memory_space<semaphore_mem>>) src(%arg5 : memref<64x128xf32, #tpu.memory_space<hbm>>) dst(%arg11 : memref<64x128xf32, #tpu.memory_space<vmem>>)
        } else {
        }
        %add3A_211 = arith.constant 4 : i32
        %add3A_212 = arith.addi %add3A_192, %add3A_211 : i32
        %sub3A_213 = arith.constant 1 : i32
        %sub3A_214 = arith.subi %add3A_212, %sub3A_213 : i32
        %lt3A_215 = arith.constant 64 : i32
        %lt3A_216 = arith.cmpi slt, %sub3A_214, %lt3A_215 : i32
        %convert_element_type3A_217 = arith.extui %lt3A_216 : i1 to i32
        %cond3A_218 = arith.constant 0 : i32
        %cond3A_219 = arith.cmpi ne, %convert_element_type3A_217, %cond3A_218 : i32
        scf.if %cond3A_219 {
          %add3A_220 = arith.constant 4 : i32
          %add3A_221 = arith.addi %add3A_192, %add3A_220 : i32
          %sub3A_222 = arith.constant 1 : i32
          %sub3A_223 = arith.subi %add3A_221, %sub3A_222 : i32
          %dma_start3A_224 = arith.constant 0 : i32
          %dma_start3A_225 = tpu.memref_slice %arg7[%sub3A_223, %dma_start3A_224] : memref<64x64xi32, #tpu.memory_space<vmem>> -> memref<1x64xi32, #tpu.memory_space<vmem>>
          %dma_start3A_226 = tpu.memref_squeeze %dma_start3A_225 : memref<1x64xi32, #tpu.memory_space<vmem>> -> memref<64xi32, #tpu.memory_space<vmem>>
          %dma_start3A_227 = arith.constant 0 : i32
          %dma_start3A_228 = arith.constant 0 : i32
          %dma_start3A_229 = tpu.memref_slice %arg2[%dma_start3A_227, %dma_start3A_228] : memref<20480x128xf32, #tpu.memory_space<hbm>> -> memref<20480x128xf32, #tpu.memory_space<hbm>>
          tpu.enqueue_indirect_dma source(%dma_start3A_229 : memref<20480x128xf32, #tpu.memory_space<hbm>>) target(%arg11 : memref<64x128xf32, #tpu.memory_space<vmem>>) offsets(%dma_start3A_226 : memref<64xi32, #tpu.memory_space<vmem>>) semaphore(%arg16 : memref<!tpu.dma_semaphore, #tpu.memory_space<semaphore_mem>>)
        } else {
        }
      }
      %scan3A_100 = arith.constant 16 : i32
      tpu.wait_dma2 semaphore(%arg18 : memref<!tpu.dma_semaphore, #tpu.memory_space<semaphore_mem>>) src(%arg5 : memref<64x128xf32, #tpu.memory_space<hbm>>) dst(%arg9 : memref<64x128xf32, #tpu.memory_space<vmem>>)
      tpu.wait_dma2 semaphore(%arg19 : memref<!tpu.dma_semaphore, #tpu.memory_space<semaphore_mem>>) src(%arg5 : memref<64x128xf32, #tpu.memory_space<hbm>>) dst(%arg10 : memref<64x128xf32, #tpu.memory_space<vmem>>)
      tpu.wait_dma2 semaphore(%arg20 : memref<!tpu.dma_semaphore, #tpu.memory_space<semaphore_mem>>) src(%arg5 : memref<64x128xf32, #tpu.memory_space<hbm>>) dst(%arg11 : memref<64x128xf32, #tpu.memory_space<vmem>>)
      tpu.wait_dma2 semaphore(%arg21 : memref<!tpu.dma_semaphore, #tpu.memory_space<semaphore_mem>>) src(%arg5 : memref<64x128xf32, #tpu.memory_space<hbm>>) dst(%arg12 : memref<64x128xf32, #tpu.memory_space<vmem>>)
    }
    %scan3A_65 = arith.constant 5 : i32
    %barrier3A_66 = arith.constant 0 : index
    tpu.barrier barrier_id(%barrier3A_66)
    %mul3A_67 = arith.constant 640 : i32
    %mul3A_68 = arith.muli %arg1, %mul3A_67 : i32
    %mul3A_69 = arith.constant 640 : i32
    %mul3A_70 = arith.muli %arg1, %mul3A_69 : i32
    "tpu.region"() ({
      %run_scoped3A = tpu.sem_alloc : memref<!tpu.dma_semaphore, #tpu.memory_space<semaphore_mem>>
      %dma_start3A = arith.constant 0 : i32
      %dma_start3A_71 = tpu.memref_slice %arg6[%arg0, %mul3A_70, %dma_start3A] : memref<2x10240x128xf32, #tpu.memory_space<hbm>> -> memref<1x640x128xf32, #tpu.memory_space<hbm>>
      %dma_start3A_72 = tpu.memref_squeeze %dma_start3A_71 : memref<1x640x128xf32, #tpu.memory_space<hbm>> -> memref<640x128xf32, #tpu.memory_space<hbm>>
      %dma_start3A_73 = arith.constant 0 : i32
      %dma_start3A_74 = tpu.memref_slice %arg13[%mul3A_68, %dma_start3A_73] : memref<10240x128xf32, #tpu.memory_space<vmem_shared>> -> memref<640x128xf32, #tpu.memory_space<vmem_shared>>
      tpu.enqueue_dma source(%dma_start3A_74 : memref<640x128xf32, #tpu.memory_space<vmem_shared>>) target(%dma_start3A_72 : memref<640x128xf32, #tpu.memory_space<hbm>>) target_semaphore(%run_scoped3A : memref<!tpu.dma_semaphore, #tpu.memory_space<semaphore_mem>>)
      %dma_wait3A = arith.constant 0 : i32
      %dma_wait3A_75 = tpu.memref_slice %arg6[%arg0, %mul3A_70, %dma_wait3A] : memref<2x10240x128xf32, #tpu.memory_space<hbm>> -> memref<1x640x128xf32, #tpu.memory_space<hbm>>
      %dma_wait3A_76 = tpu.memref_squeeze %dma_wait3A_75 : memref<1x640x128xf32, #tpu.memory_space<hbm>> -> memref<640x128xf32, #tpu.memory_space<hbm>>
      %dma_wait3A_77 = arith.constant 0 : i32
      %dma_wait3A_78 = tpu.memref_slice %arg13[%mul3A_68, %dma_wait3A_77] : memref<10240x128xf32, #tpu.memory_space<vmem_shared>> -> memref<640x128xf32, #tpu.memory_space<vmem_shared>>
      tpu.wait_dma2 semaphore(%run_scoped3A : memref<!tpu.dma_semaphore, #tpu.memory_space<semaphore_mem>>) src(%dma_wait3A_78 : memref<640x128xf32, #tpu.memory_space<vmem_shared>>) dst(%dma_wait3A_76 : memref<640x128xf32, #tpu.memory_space<hbm>>)
      tpu.yield
    }) : () -> ()
    return
  }
}

#map = affine_map<(d0, d1) -> (0, 0)>
#map1 = affine_map<(d0, d1) -> (0, 0, 0)>
module attributes {stable_mosaic.version = 14 : i64} {
  func.func @body(%arg0: i32, %arg1: i32, %arg2: memref<20480x128xf32, #tpu.memory_space<hbm>>, %arg3: memref<32x320x64xi32, #tpu.memory_space<hbm>>, %arg4: memref<32x320x64xi32, #tpu.memory_space<hbm>>, %arg5: memref<64x128xf32, #tpu.memory_space<hbm>>, %arg6: memref<2x10240x128xf32, #tpu.memory_space<hbm>>, %arg7: memref<64x64xi32, #tpu.memory_space<vmem>>, %arg8: memref<64x64xi32, #tpu.memory_space<vmem>>, %arg9: memref<64x128xf32, #tpu.memory_space<vmem>>, %arg10: memref<64x128xf32, #tpu.memory_space<vmem>>, %arg11: memref<64x128xf32, #tpu.memory_space<vmem>>, %arg12: memref<64x128xf32, #tpu.memory_space<vmem>>, %arg13: memref<10240x128xf32, #tpu.memory_space<vmem_shared>>, %arg14: memref<!tpu.dma_semaphore, #tpu.memory_space<semaphore_mem>>, %arg15: memref<!tpu.dma_semaphore, #tpu.memory_space<semaphore_mem>>, %arg16: memref<!tpu.dma_semaphore, #tpu.memory_space<semaphore_mem>>, %arg17: memref<!tpu.dma_semaphore, #tpu.memory_space<semaphore_mem>>, %arg18: memref<!tpu.dma_semaphore, #tpu.memory_space<semaphore_mem>>, %arg19: memref<!tpu.dma_semaphore, #tpu.memory_space<semaphore_mem>>, %arg20: memref<!tpu.dma_semaphore, #tpu.memory_space<semaphore_mem>>, %arg21: memref<!tpu.dma_semaphore, #tpu.memory_space<semaphore_mem>>) attributes {dimension_semantics = [#tpu.dimension_semantics<core_parallel>, #tpu.dimension_semantics<subcore_parallel>], iteration_bounds = array<i64: 2, 16>, scalar_prefetch = 0 : i64, scratch_operands = 15 : i64, tpu.core_type = #tpu.core_type<sc_vector_subcore>, window_params = [{transform_indices = #map}, {transform_indices = #map1}, {transform_indices = #map1}, {transform_indices = #map}, {transform_indices = #map1}]} {
    %mul3A = arith.constant 16 : i32
    %mul3A_0 = arith.muli %arg0, %mul3A : i32
    %add3A = arith.addi %mul3A_0, %arg1 : i32
    "tpu.region"() ({
      %run_scoped3A = tpu.sem_alloc : memref<!tpu.dma_semaphore, #tpu.memory_space<semaphore_mem>>
      tpu.enqueue_dma source(%arg5 : memref<64x128xf32, #tpu.memory_space<hbm>>) target(%arg9 : memref<64x128xf32, #tpu.memory_space<vmem>>) target_semaphore(%run_scoped3A : memref<!tpu.dma_semaphore, #tpu.memory_space<semaphore_mem>>)
      tpu.wait_dma2 semaphore(%run_scoped3A : memref<!tpu.dma_semaphore, #tpu.memory_space<semaphore_mem>>) src(%arg5 : memref<64x128xf32, #tpu.memory_space<hbm>>) dst(%arg9 : memref<64x128xf32, #tpu.memory_space<vmem>>)
      tpu.yield
    }) : () -> ()
    %mul3A_1 = arith.constant 10 : i32
    %mul3A_2 = arith.muli %arg1, %mul3A_1 : i32
    %add3A_3 = arith.constant 0 : i32
    %add3A_4 = arith.addi %mul3A_2, %add3A_3 : i32
    %mul3A_5 = arith.constant 64 : i32
    %mul3A_6 = arith.muli %add3A_4, %mul3A_5 : i32
    "tpu.region"() ({
      %run_scoped3A = tpu.sem_alloc : memref<!tpu.dma_semaphore, #tpu.memory_space<semaphore_mem>>
      %dma_start3A = arith.constant 0 : i32
      %dma_start3A_71 = tpu.memref_slice %arg13[%mul3A_6, %dma_start3A] : memref<10240x128xf32, #tpu.memory_space<vmem_shared>> -> memref<64x128xf32, #tpu.memory_space<vmem_shared>>
      %dma_start3A_72 = arith.constant 0 : i32
      %dma_start3A_73 = tpu.memref_slice %arg13[%mul3A_6, %dma_start3A_72] : memref<10240x128xf32, #tpu.memory_space<vmem_shared>> -> memref<64x128xf32, #tpu.memory_space<vmem_shared>>
      tpu.enqueue_dma source(%arg9 : memref<64x128xf32, #tpu.memory_space<vmem>>) target(%dma_start3A_73 : memref<64x128xf32, #tpu.memory_space<vmem_shared>>) target_semaphore(%run_scoped3A : memref<!tpu.dma_semaphore, #tpu.memory_space<semaphore_mem>>)
      %dma_wait3A = arith.constant 0 : i32
      %dma_wait3A_74 = tpu.memref_slice %arg13[%mul3A_6, %dma_wait3A] : memref<10240x128xf32, #tpu.memory_space<vmem_shared>> -> memref<64x128xf32, #tpu.memory_space<vmem_shared>>
      %dma_wait3A_75 = arith.constant 0 : i32
      %dma_wait3A_76 = tpu.memref_slice %arg13[%mul3A_6, %dma_wait3A_75] : memref<10240x128xf32, #tpu.memory_space<vmem_shared>> -> memref<64x128xf32, #tpu.memory_space<vmem_shared>>
      tpu.wait_dma2 semaphore(%run_scoped3A : memref<!tpu.dma_semaphore, #tpu.memory_space<semaphore_mem>>) src(%arg9 : memref<64x128xf32, #tpu.memory_space<vmem>>) dst(%dma_wait3A_76 : memref<64x128xf32, #tpu.memory_space<vmem_shared>>)
      tpu.yield
    }) : () -> ()
    %mul3A_7 = arith.constant 10 : i32
    %mul3A_8 = arith.muli %arg1, %mul3A_7 : i32
    %add3A_9 = arith.constant 1 : i32
    %add3A_10 = arith.addi %mul3A_8, %add3A_9 : i32
    %mul3A_11 = arith.constant 64 : i32
    %mul3A_12 = arith.muli %add3A_10, %mul3A_11 : i32
    "tpu.region"() ({
      %run_scoped3A = tpu.sem_alloc : memref<!tpu.dma_semaphore, #tpu.memory_space<semaphore_mem>>
      %dma_start3A = arith.constant 0 : i32
      %dma_start3A_71 = tpu.memref_slice %arg13[%mul3A_12, %dma_start3A] : memref<10240x128xf32, #tpu.memory_space<vmem_shared>> -> memref<64x128xf32, #tpu.memory_space<vmem_shared>>
      %dma_start3A_72 = arith.constant 0 : i32
      %dma_start3A_73 = tpu.memref_slice %arg13[%mul3A_12, %dma_start3A_72] : memref<10240x128xf32, #tpu.memory_space<vmem_shared>> -> memref<64x128xf32, #tpu.memory_space<vmem_shared>>
      tpu.enqueue_dma source(%arg9 : memref<64x128xf32, #tpu.memory_space<vmem>>) target(%dma_start3A_73 : memref<64x128xf32, #tpu.memory_space<vmem_shared>>) target_semaphore(%run_scoped3A : memref<!tpu.dma_semaphore, #tpu.memory_space<semaphore_mem>>)
      %dma_wait3A = arith.constant 0 : i32
      %dma_wait3A_74 = tpu.memref_slice %arg13[%mul3A_12, %dma_wait3A] : memref<10240x128xf32, #tpu.memory_space<vmem_shared>> -> memref<64x128xf32, #tpu.memory_space<vmem_shared>>
      %dma_wait3A_75 = arith.constant 0 : i32
      %dma_wait3A_76 = tpu.memref_slice %arg13[%mul3A_12, %dma_wait3A_75] : memref<10240x128xf32, #tpu.memory_space<vmem_shared>> -> memref<64x128xf32, #tpu.memory_space<vmem_shared>>
      tpu.wait_dma2 semaphore(%run_scoped3A : memref<!tpu.dma_semaphore, #tpu.memory_space<semaphore_mem>>) src(%arg9 : memref<64x128xf32, #tpu.memory_space<vmem>>) dst(%dma_wait3A_76 : memref<64x128xf32, #tpu.memory_space<vmem_shared>>)
      tpu.yield
    }) : () -> ()
    %mul3A_13 = arith.constant 10 : i32
    %mul3A_14 = arith.muli %arg1, %mul3A_13 : i32
    %add3A_15 = arith.constant 2 : i32
    %add3A_16 = arith.addi %mul3A_14, %add3A_15 : i32
    %mul3A_17 = arith.constant 64 : i32
    %mul3A_18 = arith.muli %add3A_16, %mul3A_17 : i32
    "tpu.region"() ({
      %run_scoped3A = tpu.sem_alloc : memref<!tpu.dma_semaphore, #tpu.memory_space<semaphore_mem>>
      %dma_start3A = arith.constant 0 : i32
      %dma_start3A_71 = tpu.memref_slice %arg13[%mul3A_18, %dma_start3A] : memref<10240x128xf32, #tpu.memory_space<vmem_shared>> -> memref<64x128xf32, #tpu.memory_space<vmem_shared>>
      %dma_start3A_72 = arith.constant 0 : i32
      %dma_start3A_73 = tpu.memref_slice %arg13[%mul3A_18, %dma_start3A_72] : memref<10240x128xf32, #tpu.memory_space<vmem_shared>> -> memref<64x128xf32, #tpu.memory_space<vmem_shared>>
      tpu.enqueue_dma source(%arg9 : memref<64x128xf32, #tpu.memory_space<vmem>>) target(%dma_start3A_73 : memref<64x128xf32, #tpu.memory_space<vmem_shared>>) target_semaphore(%run_scoped3A : memref<!tpu.dma_semaphore, #tpu.memory_space<semaphore_mem>>)
      %dma_wait3A = arith.constant 0 : i32
      %dma_wait3A_74 = tpu.memref_slice %arg13[%mul3A_18, %dma_wait3A] : memref<10240x128xf32, #tpu.memory_space<vmem_shared>> -> memref<64x128xf32, #tpu.memory_space<vmem_shared>>
      %dma_wait3A_75 = arith.constant 0 : i32
      %dma_wait3A_76 = tpu.memref_slice %arg13[%mul3A_18, %dma_wait3A_75] : memref<10240x128xf32, #tpu.memory_space<vmem_shared>> -> memref<64x128xf32, #tpu.memory_space<vmem_shared>>
      tpu.wait_dma2 semaphore(%run_scoped3A : memref<!tpu.dma_semaphore, #tpu.memory_space<semaphore_mem>>) src(%arg9 : memref<64x128xf32, #tpu.memory_space<vmem>>) dst(%dma_wait3A_76 : memref<64x128xf32, #tpu.memory_space<vmem_shared>>)
      tpu.yield
    }) : () -> ()
    %mul3A_19 = arith.constant 10 : i32
    %mul3A_20 = arith.muli %arg1, %mul3A_19 : i32
    %add3A_21 = arith.constant 3 : i32
    %add3A_22 = arith.addi %mul3A_20, %add3A_21 : i32
    %mul3A_23 = arith.constant 64 : i32
    %mul3A_24 = arith.muli %add3A_22, %mul3A_23 : i32
    "tpu.region"() ({
      %run_scoped3A = tpu.sem_alloc : memref<!tpu.dma_semaphore, #tpu.memory_space<semaphore_mem>>
      %dma_start3A = arith.constant 0 : i32
      %dma_start3A_71 = tpu.memref_slice %arg13[%mul3A_24, %dma_start3A] : memref<10240x128xf32, #tpu.memory_space<vmem_shared>> -> memref<64x128xf32, #tpu.memory_space<vmem_shared>>
      %dma_start3A_72 = arith.constant 0 : i32
      %dma_start3A_73 = tpu.memref_slice %arg13[%mul3A_24, %dma_start3A_72] : memref<10240x128xf32, #tpu.memory_space<vmem_shared>> -> memref<64x128xf32, #tpu.memory_space<vmem_shared>>
      tpu.enqueue_dma source(%arg9 : memref<64x128xf32, #tpu.memory_space<vmem>>) target(%dma_start3A_73 : memref<64x128xf32, #tpu.memory_space<vmem_shared>>) target_semaphore(%run_scoped3A : memref<!tpu.dma_semaphore, #tpu.memory_space<semaphore_mem>>)
      %dma_wait3A = arith.constant 0 : i32
      %dma_wait3A_74 = tpu.memref_slice %arg13[%mul3A_24, %dma_wait3A] : memref<10240x128xf32, #tpu.memory_space<vmem_shared>> -> memref<64x128xf32, #tpu.memory_space<vmem_shared>>
      %dma_wait3A_75 = arith.constant 0 : i32
      %dma_wait3A_76 = tpu.memref_slice %arg13[%mul3A_24, %dma_wait3A_75] : memref<10240x128xf32, #tpu.memory_space<vmem_shared>> -> memref<64x128xf32, #tpu.memory_space<vmem_shared>>
      tpu.wait_dma2 semaphore(%run_scoped3A : memref<!tpu.dma_semaphore, #tpu.memory_space<semaphore_mem>>) src(%arg9 : memref<64x128xf32, #tpu.memory_space<vmem>>) dst(%dma_wait3A_76 : memref<64x128xf32, #tpu.memory_space<vmem_shared>>)
      tpu.yield
    }) : () -> ()
    %mul3A_25 = arith.constant 10 : i32
    %mul3A_26 = arith.muli %arg1, %mul3A_25 : i32
    %add3A_27 = arith.constant 4 : i32
    %add3A_28 = arith.addi %mul3A_26, %add3A_27 : i32
    %mul3A_29 = arith.constant 64 : i32
    %mul3A_30 = arith.muli %add3A_28, %mul3A_29 : i32
    "tpu.region"() ({
      %run_scoped3A = tpu.sem_alloc : memref<!tpu.dma_semaphore, #tpu.memory_space<semaphore_mem>>
      %dma_start3A = arith.constant 0 : i32
      %dma_start3A_71 = tpu.memref_slice %arg13[%mul3A_30, %dma_start3A] : memref<10240x128xf32, #tpu.memory_space<vmem_shared>> -> memref<64x128xf32, #tpu.memory_space<vmem_shared>>
      %dma_start3A_72 = arith.constant 0 : i32
      %dma_start3A_73 = tpu.memref_slice %arg13[%mul3A_30, %dma_start3A_72] : memref<10240x128xf32, #tpu.memory_space<vmem_shared>> -> memref<64x128xf32, #tpu.memory_space<vmem_shared>>
      tpu.enqueue_dma source(%arg9 : memref<64x128xf32, #tpu.memory_space<vmem>>) target(%dma_start3A_73 : memref<64x128xf32, #tpu.memory_space<vmem_shared>>) target_semaphore(%run_scoped3A : memref<!tpu.dma_semaphore, #tpu.memory_space<semaphore_mem>>)
      %dma_wait3A = arith.constant 0 : i32
      %dma_wait3A_74 = tpu.memref_slice %arg13[%mul3A_30, %dma_wait3A] : memref<10240x128xf32, #tpu.memory_space<vmem_shared>> -> memref<64x128xf32, #tpu.memory_space<vmem_shared>>
      %dma_wait3A_75 = arith.constant 0 : i32
      %dma_wait3A_76 = tpu.memref_slice %arg13[%mul3A_30, %dma_wait3A_75] : memref<10240x128xf32, #tpu.memory_space<vmem_shared>> -> memref<64x128xf32, #tpu.memory_space<vmem_shared>>
      tpu.wait_dma2 semaphore(%run_scoped3A : memref<!tpu.dma_semaphore, #tpu.memory_space<semaphore_mem>>) src(%arg9 : memref<64x128xf32, #tpu.memory_space<vmem>>) dst(%dma_wait3A_76 : memref<64x128xf32, #tpu.memory_space<vmem_shared>>)
      tpu.yield
    }) : () -> ()
    %mul3A_31 = arith.constant 10 : i32
    %mul3A_32 = arith.muli %arg1, %mul3A_31 : i32
    %add3A_33 = arith.constant 5 : i32
    %add3A_34 = arith.addi %mul3A_32, %add3A_33 : i32
    %mul3A_35 = arith.constant 64 : i32
    %mul3A_36 = arith.muli %add3A_34, %mul3A_35 : i32
    "tpu.region"() ({
      %run_scoped3A = tpu.sem_alloc : memref<!tpu.dma_semaphore, #tpu.memory_space<semaphore_mem>>
      %dma_start3A = arith.constant 0 : i32
      %dma_start3A_71 = tpu.memref_slice %arg13[%mul3A_36, %dma_start3A] : memref<10240x128xf32, #tpu.memory_space<vmem_shared>> -> memref<64x128xf32, #tpu.memory_space<vmem_shared>>
      %dma_start3A_72 = arith.constant 0 : i32
      %dma_start3A_73 = tpu.memref_slice %arg13[%mul3A_36, %dma_start3A_72] : memref<10240x128xf32, #tpu.memory_space<vmem_shared>> -> memref<64x128xf32, #tpu.memory_space<vmem_shared>>
      tpu.enqueue_dma source(%arg9 : memref<64x128xf32, #tpu.memory_space<vmem>>) target(%dma_start3A_73 : memref<64x128xf32, #tpu.memory_space<vmem_shared>>) target_semaphore(%run_scoped3A : memref<!tpu.dma_semaphore, #tpu.memory_space<semaphore_mem>>)
      %dma_wait3A = arith.constant 0 : i32
      %dma_wait3A_74 = tpu.memref_slice %arg13[%mul3A_36, %dma_wait3A] : memref<10240x128xf32, #tpu.memory_space<vmem_shared>> -> memref<64x128xf32, #tpu.memory_space<vmem_shared>>
      %dma_wait3A_75 = arith.constant 0 : i32
      %dma_wait3A_76 = tpu.memref_slice %arg13[%mul3A_36, %dma_wait3A_75] : memref<10240x128xf32, #tpu.memory_space<vmem_shared>> -> memref<64x128xf32, #tpu.memory_space<vmem_shared>>
      tpu.wait_dma2 semaphore(%run_scoped3A : memref<!tpu.dma_semaphore, #tpu.memory_space<semaphore_mem>>) src(%arg9 : memref<64x128xf32, #tpu.memory_space<vmem>>) dst(%dma_wait3A_76 : memref<64x128xf32, #tpu.memory_space<vmem_shared>>)
      tpu.yield
    }) : () -> ()
    %mul3A_37 = arith.constant 10 : i32
    %mul3A_38 = arith.muli %arg1, %mul3A_37 : i32
    %add3A_39 = arith.constant 6 : i32
    %add3A_40 = arith.addi %mul3A_38, %add3A_39 : i32
    %mul3A_41 = arith.constant 64 : i32
    %mul3A_42 = arith.muli %add3A_40, %mul3A_41 : i32
    "tpu.region"() ({
      %run_scoped3A = tpu.sem_alloc : memref<!tpu.dma_semaphore, #tpu.memory_space<semaphore_mem>>
      %dma_start3A = arith.constant 0 : i32
      %dma_start3A_71 = tpu.memref_slice %arg13[%mul3A_42, %dma_start3A] : memref<10240x128xf32, #tpu.memory_space<vmem_shared>> -> memref<64x128xf32, #tpu.memory_space<vmem_shared>>
      %dma_start3A_72 = arith.constant 0 : i32
      %dma_start3A_73 = tpu.memref_slice %arg13[%mul3A_42, %dma_start3A_72] : memref<10240x128xf32, #tpu.memory_space<vmem_shared>> -> memref<64x128xf32, #tpu.memory_space<vmem_shared>>
      tpu.enqueue_dma source(%arg9 : memref<64x128xf32, #tpu.memory_space<vmem>>) target(%dma_start3A_73 : memref<64x128xf32, #tpu.memory_space<vmem_shared>>) target_semaphore(%run_scoped3A : memref<!tpu.dma_semaphore, #tpu.memory_space<semaphore_mem>>)
      %dma_wait3A = arith.constant 0 : i32
      %dma_wait3A_74 = tpu.memref_slice %arg13[%mul3A_42, %dma_wait3A] : memref<10240x128xf32, #tpu.memory_space<vmem_shared>> -> memref<64x128xf32, #tpu.memory_space<vmem_shared>>
      %dma_wait3A_75 = arith.constant 0 : i32
      %dma_wait3A_76 = tpu.memref_slice %arg13[%mul3A_42, %dma_wait3A_75] : memref<10240x128xf32, #tpu.memory_space<vmem_shared>> -> memref<64x128xf32, #tpu.memory_space<vmem_shared>>
      tpu.wait_dma2 semaphore(%run_scoped3A : memref<!tpu.dma_semaphore, #tpu.memory_space<semaphore_mem>>) src(%arg9 : memref<64x128xf32, #tpu.memory_space<vmem>>) dst(%dma_wait3A_76 : memref<64x128xf32, #tpu.memory_space<vmem_shared>>)
      tpu.yield
    }) : () -> ()
    %mul3A_43 = arith.constant 10 : i32
    %mul3A_44 = arith.muli %arg1, %mul3A_43 : i32
    %add3A_45 = arith.constant 7 : i32
    %add3A_46 = arith.addi %mul3A_44, %add3A_45 : i32
    %mul3A_47 = arith.constant 64 : i32
    %mul3A_48 = arith.muli %add3A_46, %mul3A_47 : i32
    "tpu.region"() ({
      %run_scoped3A = tpu.sem_alloc : memref<!tpu.dma_semaphore, #tpu.memory_space<semaphore_mem>>
      %dma_start3A = arith.constant 0 : i32
      %dma_start3A_71 = tpu.memref_slice %arg13[%mul3A_48, %dma_start3A] : memref<10240x128xf32, #tpu.memory_space<vmem_shared>> -> memref<64x128xf32, #tpu.memory_space<vmem_shared>>
      %dma_start3A_72 = arith.constant 0 : i32
      %dma_start3A_73 = tpu.memref_slice %arg13[%mul3A_48, %dma_start3A_72] : memref<10240x128xf32, #tpu.memory_space<vmem_shared>> -> memref<64x128xf32, #tpu.memory_space<vmem_shared>>
      tpu.enqueue_dma source(%arg9 : memref<64x128xf32, #tpu.memory_space<vmem>>) target(%dma_start3A_73 : memref<64x128xf32, #tpu.memory_space<vmem_shared>>) target_semaphore(%run_scoped3A : memref<!tpu.dma_semaphore, #tpu.memory_space<semaphore_mem>>)
      %dma_wait3A = arith.constant 0 : i32
      %dma_wait3A_74 = tpu.memref_slice %arg13[%mul3A_48, %dma_wait3A] : memref<10240x128xf32, #tpu.memory_space<vmem_shared>> -> memref<64x128xf32, #tpu.memory_space<vmem_shared>>
      %dma_wait3A_75 = arith.constant 0 : i32
      %dma_wait3A_76 = tpu.memref_slice %arg13[%mul3A_48, %dma_wait3A_75] : memref<10240x128xf32, #tpu.memory_space<vmem_shared>> -> memref<64x128xf32, #tpu.memory_space<vmem_shared>>
      tpu.wait_dma2 semaphore(%run_scoped3A : memref<!tpu.dma_semaphore, #tpu.memory_space<semaphore_mem>>) src(%arg9 : memref<64x128xf32, #tpu.memory_space<vmem>>) dst(%dma_wait3A_76 : memref<64x128xf32, #tpu.memory_space<vmem_shared>>)
      tpu.yield
    }) : () -> ()
    %mul3A_49 = arith.constant 10 : i32
    %mul3A_50 = arith.muli %arg1, %mul3A_49 : i32
    %add3A_51 = arith.constant 8 : i32
    %add3A_52 = arith.addi %mul3A_50, %add3A_51 : i32
    %mul3A_53 = arith.constant 64 : i32
    %mul3A_54 = arith.muli %add3A_52, %mul3A_53 : i32
    "tpu.region"() ({
      %run_scoped3A = tpu.sem_alloc : memref<!tpu.dma_semaphore, #tpu.memory_space<semaphore_mem>>
      %dma_start3A = arith.constant 0 : i32
      %dma_start3A_71 = tpu.memref_slice %arg13[%mul3A_54, %dma_start3A] : memref<10240x128xf32, #tpu.memory_space<vmem_shared>> -> memref<64x128xf32, #tpu.memory_space<vmem_shared>>
      %dma_start3A_72 = arith.constant 0 : i32
      %dma_start3A_73 = tpu.memref_slice %arg13[%mul3A_54, %dma_start3A_72] : memref<10240x128xf32, #tpu.memory_space<vmem_shared>> -> memref<64x128xf32, #tpu.memory_space<vmem_shared>>
      tpu.enqueue_dma source(%arg9 : memref<64x128xf32, #tpu.memory_space<vmem>>) target(%dma_start3A_73 : memref<64x128xf32, #tpu.memory_space<vmem_shared>>) target_semaphore(%run_scoped3A : memref<!tpu.dma_semaphore, #tpu.memory_space<semaphore_mem>>)
      %dma_wait3A = arith.constant 0 : i32
      %dma_wait3A_74 = tpu.memref_slice %arg13[%mul3A_54, %dma_wait3A] : memref<10240x128xf32, #tpu.memory_space<vmem_shared>> -> memref<64x128xf32, #tpu.memory_space<vmem_shared>>
      %dma_wait3A_75 = arith.constant 0 : i32
      %dma_wait3A_76 = tpu.memref_slice %arg13[%mul3A_54, %dma_wait3A_75] : memref<10240x128xf32, #tpu.memory_space<vmem_shared>> -> memref<64x128xf32, #tpu.memory_space<vmem_shared>>
      tpu.wait_dma2 semaphore(%run_scoped3A : memref<!tpu.dma_semaphore, #tpu.memory_space<semaphore_mem>>) src(%arg9 : memref<64x128xf32, #tpu.memory_space<vmem>>) dst(%dma_wait3A_76 : memref<64x128xf32, #tpu.memory_space<vmem_shared>>)
      tpu.yield
    }) : () -> ()
    %mul3A_55 = arith.constant 10 : i32
    %mul3A_56 = arith.muli %arg1, %mul3A_55 : i32
    %add3A_57 = arith.constant 9 : i32
    %add3A_58 = arith.addi %mul3A_56, %add3A_57 : i32
    %mul3A_59 = arith.constant 64 : i32
    %mul3A_60 = arith.muli %add3A_58, %mul3A_59 : i32
    "tpu.region"() ({
      %run_scoped3A = tpu.sem_alloc : memref<!tpu.dma_semaphore, #tpu.memory_space<semaphore_mem>>
      %dma_start3A = arith.constant 0 : i32
      %dma_start3A_71 = tpu.memref_slice %arg13[%mul3A_60, %dma_start3A] : memref<10240x128xf32, #tpu.memory_space<vmem_shared>> -> memref<64x128xf32, #tpu.memory_space<vmem_shared>>
      %dma_start3A_72 = arith.constant 0 : i32
      %dma_start3A_73 = tpu.memref_slice %arg13[%mul3A_60, %dma_start3A_72] : memref<10240x128xf32, #tpu.memory_space<vmem_shared>> -> memref<64x128xf32, #tpu.memory_space<vmem_shared>>
      tpu.enqueue_dma source(%arg9 : memref<64x128xf32, #tpu.memory_space<vmem>>) target(%dma_start3A_73 : memref<64x128xf32, #tpu.memory_space<vmem_shared>>) target_semaphore(%run_scoped3A : memref<!tpu.dma_semaphore, #tpu.memory_space<semaphore_mem>>)
      %dma_wait3A = arith.constant 0 : i32
      %dma_wait3A_74 = tpu.memref_slice %arg13[%mul3A_60, %dma_wait3A] : memref<10240x128xf32, #tpu.memory_space<vmem_shared>> -> memref<64x128xf32, #tpu.memory_space<vmem_shared>>
      %dma_wait3A_75 = arith.constant 0 : i32
      %dma_wait3A_76 = tpu.memref_slice %arg13[%mul3A_60, %dma_wait3A_75] : memref<10240x128xf32, #tpu.memory_space<vmem_shared>> -> memref<64x128xf32, #tpu.memory_space<vmem_shared>>
      tpu.wait_dma2 semaphore(%run_scoped3A : memref<!tpu.dma_semaphore, #tpu.memory_space<semaphore_mem>>) src(%arg9 : memref<64x128xf32, #tpu.memory_space<vmem>>) dst(%dma_wait3A_76 : memref<64x128xf32, #tpu.memory_space<vmem_shared>>)
      tpu.yield
    }) : () -> ()
    %barrier3A = arith.constant 0 : index
    tpu.barrier barrier_id(%barrier3A)
    %scan3A = arith.constant 0 : i32
    %scan3A_61 = arith.constant 0 : i32
    %scan3A_62 = arith.constant 5 : i32
    %scan3A_63 = arith.addi %scan3A_61, %scan3A_62 : i32
    %scan3A_64 = arith.constant 1 : i32
    scf.for %scan3A_71 = %scan3A_61 to %scan3A_63 step %scan3A_64  : i32 {
      %mul3A_72 = arith.constant 64 : i32
      %mul3A_73 = arith.muli %scan3A_71, %mul3A_72 : i32
      "tpu.region"() ({
        %run_scoped3A = tpu.sem_alloc : memref<!tpu.dma_semaphore, #tpu.memory_space<semaphore_mem>>
        %dma_start3A_101 = arith.constant 0 : i32
        %dma_start3A_102 = tpu.memref_slice %arg3[%add3A, %mul3A_73, %dma_start3A_101] : memref<32x320x64xi32, #tpu.memory_space<hbm>> -> memref<1x64x64xi32, #tpu.memory_space<hbm>>
        %dma_start3A_103 = tpu.memref_squeeze %dma_start3A_102 : memref<1x64x64xi32, #tpu.memory_space<hbm>> -> memref<64x64xi32, #tpu.memory_space<hbm>>
        %dma_start3A_104 = arith.constant 0 : i32
        %dma_start3A_105 = tpu.memref_slice %arg3[%add3A, %mul3A_73, %dma_start3A_104] : memref<32x320x64xi32, #tpu.memory_space<hbm>> -> memref<1x64x64xi32, #tpu.memory_space<hbm>>
        %dma_start3A_106 = tpu.memref_squeeze %dma_start3A_105 : memref<1x64x64xi32, #tpu.memory_space<hbm>> -> memref<64x64xi32, #tpu.memory_space<hbm>>
        tpu.enqueue_dma source(%dma_start3A_106 : memref<64x64xi32, #tpu.memory_space<hbm>>) target(%arg7 : memref<64x64xi32, #tpu.memory_space<vmem>>) target_semaphore(%run_scoped3A : memref<!tpu.dma_semaphore, #tpu.memory_space<semaphore_mem>>)
        %dma_wait3A = arith.constant 0 : i32
        %dma_wait3A_107 = tpu.memref_slice %arg3[%add3A, %mul3A_73, %dma_wait3A] : memref<32x320x64xi32, #tpu.memory_space<hbm>> -> memref<1x64x64xi32, #tpu.memory_space<hbm>>
        %dma_wait3A_108 = tpu.memref_squeeze %dma_wait3A_107 : memref<1x64x64xi32, #tpu.memory_space<hbm>> -> memref<64x64xi32, #tpu.memory_space<hbm>>
        %dma_wait3A_109 = arith.constant 0 : i32
        %dma_wait3A_110 = tpu.memref_slice %arg3[%add3A, %mul3A_73, %dma_wait3A_109] : memref<32x320x64xi32, #tpu.memory_space<hbm>> -> memref<1x64x64xi32, #tpu.memory_space<hbm>>
        %dma_wait3A_111 = tpu.memref_squeeze %dma_wait3A_110 : memref<1x64x64xi32, #tpu.memory_space<hbm>> -> memref<64x64xi32, #tpu.memory_space<hbm>>
        tpu.wait_dma2 semaphore(%run_scoped3A : memref<!tpu.dma_semaphore, #tpu.memory_space<semaphore_mem>>) src(%dma_wait3A_111 : memref<64x64xi32, #tpu.memory_space<hbm>>) dst(%arg7 : memref<64x64xi32, #tpu.memory_space<vmem>>)
        tpu.yield
      }) : () -> ()
      %mul3A_74 = arith.constant 64 : i32
      %mul3A_75 = arith.muli %scan3A_71, %mul3A_74 : i32
      "tpu.region"() ({
        %run_scoped3A = tpu.sem_alloc : memref<!tpu.dma_semaphore, #tpu.memory_space<semaphore_mem>>
        %dma_start3A_101 = arith.constant 0 : i32
        %dma_start3A_102 = tpu.memref_slice %arg4[%add3A, %mul3A_75, %dma_start3A_101] : memref<32x320x64xi32, #tpu.memory_space<hbm>> -> memref<1x64x64xi32, #tpu.memory_space<hbm>>
        %dma_start3A_103 = tpu.memref_squeeze %dma_start3A_102 : memref<1x64x64xi32, #tpu.memory_space<hbm>> -> memref<64x64xi32, #tpu.memory_space<hbm>>
        %dma_start3A_104 = arith.constant 0 : i32
        %dma_start3A_105 = tpu.memref_slice %arg4[%add3A, %mul3A_75, %dma_start3A_104] : memref<32x320x64xi32, #tpu.memory_space<hbm>> -> memref<1x64x64xi32, #tpu.memory_space<hbm>>
        %dma_start3A_106 = tpu.memref_squeeze %dma_start3A_105 : memref<1x64x64xi32, #tpu.memory_space<hbm>> -> memref<64x64xi32, #tpu.memory_space<hbm>>
        tpu.enqueue_dma source(%dma_start3A_106 : memref<64x64xi32, #tpu.memory_space<hbm>>) target(%arg8 : memref<64x64xi32, #tpu.memory_space<vmem>>) target_semaphore(%run_scoped3A : memref<!tpu.dma_semaphore, #tpu.memory_space<semaphore_mem>>)
        %dma_wait3A = arith.constant 0 : i32
        %dma_wait3A_107 = tpu.memref_slice %arg4[%add3A, %mul3A_75, %dma_wait3A] : memref<32x320x64xi32, #tpu.memory_space<hbm>> -> memref<1x64x64xi32, #tpu.memory_space<hbm>>
        %dma_wait3A_108 = tpu.memref_squeeze %dma_wait3A_107 : memref<1x64x64xi32, #tpu.memory_space<hbm>> -> memref<64x64xi32, #tpu.memory_space<hbm>>
        %dma_wait3A_109 = arith.constant 0 : i32
        %dma_wait3A_110 = tpu.memref_slice %arg4[%add3A, %mul3A_75, %dma_wait3A_109] : memref<32x320x64xi32, #tpu.memory_space<hbm>> -> memref<1x64x64xi32, #tpu.memory_space<hbm>>
        %dma_wait3A_111 = tpu.memref_squeeze %dma_wait3A_110 : memref<1x64x64xi32, #tpu.memory_space<hbm>> -> memref<64x64xi32, #tpu.memory_space<hbm>>
        tpu.wait_dma2 semaphore(%run_scoped3A : memref<!tpu.dma_semaphore, #tpu.memory_space<semaphore_mem>>) src(%dma_wait3A_111 : memref<64x64xi32, #tpu.memory_space<hbm>>) dst(%arg8 : memref<64x64xi32, #tpu.memory_space<vmem>>)
        tpu.yield
      }) : () -> ()
      %dma_start3A = arith.constant 0 : i32
      %dma_start3A_76 = arith.constant 0 : i32
      %dma_start3A_77 = tpu.memref_slice %arg7[%dma_start3A, %dma_start3A_76] : memref<64x64xi32, #tpu.memory_space<vmem>> -> memref<1x64xi32, #tpu.memory_space<vmem>>
      %dma_start3A_78 = tpu.memref_squeeze %dma_start3A_77 : memref<1x64xi32, #tpu.memory_space<vmem>> -> memref<64xi32, #tpu.memory_space<vmem>>
      %dma_start3A_79 = arith.constant 0 : i32
      %dma_start3A_80 = arith.constant 0 : i32
      %dma_start3A_81 = tpu.memref_slice %arg2[%dma_start3A_79, %dma_start3A_80] : memref<20480x128xf32, #tpu.memory_space<hbm>> -> memref<20480x128xf32, #tpu.memory_space<hbm>>
      tpu.enqueue_indirect_dma source(%dma_start3A_81 : memref<20480x128xf32, #tpu.memory_space<hbm>>) target(%arg9 : memref<64x128xf32, #tpu.memory_space<vmem>>) offsets(%dma_start3A_78 : memref<64xi32, #tpu.memory_space<vmem>>) semaphore(%arg14 : memref<!tpu.dma_semaphore, #tpu.memory_space<semaphore_mem>>)
      %dma_start3A_82 = arith.constant 1 : i32
      %dma_start3A_83 = arith.constant 0 : i32
      %dma_start3A_84 = tpu.memref_slice %arg7[%dma_start3A_82, %dma_start3A_83] : memref<64x64xi32, #tpu.memory_space<vmem>> -> memref<1x64xi32, #tpu.memory_space<vmem>>
      %dma_start3A_85 = tpu.memref_squeeze %dma_start3A_84 : memref<1x64xi32, #tpu.memory_space<vmem>> -> memref<64xi32, #tpu.memory_space<vmem>>
      %dma_start3A_86 = arith.constant 0 : i32
      %dma_start3A_87 = arith.constant 0 : i32
      %dma_start3A_88 = tpu.memref_slice %arg2[%dma_start3A_86, %dma_start3A_87] : memref<20480x128xf32, #tpu.memory_space<hbm>> -> memref<20480x128xf32, #tpu.memory_space<hbm>>
      tpu.enqueue_indirect_dma source(%dma_start3A_88 : memref<20480x128xf32, #tpu.memory_space<hbm>>) target(%arg10 : memref<64x128xf32, #tpu.memory_space<vmem>>) offsets(%dma_start3A_85 : memref<64xi32, #tpu.memory_space<vmem>>) semaphore(%arg15 : memref<!tpu.dma_semaphore, #tpu.memory_space<semaphore_mem>>)
      %dma_start3A_89 = arith.constant 2 : i32
      %dma_start3A_90 = arith.constant 0 : i32
      %dma_start3A_91 = tpu.memref_slice %arg7[%dma_start3A_89, %dma_start3A_90] : memref<64x64xi32, #tpu.memory_space<vmem>> -> memref<1x64xi32, #tpu.memory_space<vmem>>
      %dma_start3A_92 = tpu.memref_squeeze %dma_start3A_91 : memref<1x64xi32, #tpu.memory_space<vmem>> -> memref<64xi32, #tpu.memory_space<vmem>>
      %dma_start3A_93 = arith.constant 0 : i32
      %dma_start3A_94 = arith.constant 0 : i32
      %dma_start3A_95 = tpu.memref_slice %arg2[%dma_start3A_93, %dma_start3A_94] : memref<20480x128xf32, #tpu.memory_space<hbm>> -> memref<20480x128xf32, #tpu.memory_space<hbm>>
      tpu.enqueue_indirect_dma source(%dma_start3A_95 : memref<20480x128xf32, #tpu.memory_space<hbm>>) target(%arg11 : memref<64x128xf32, #tpu.memory_space<vmem>>) offsets(%dma_start3A_92 : memref<64xi32, #tpu.memory_space<vmem>>) semaphore(%arg16 : memref<!tpu.dma_semaphore, #tpu.memory_space<semaphore_mem>>)
      %scan3A_96 = arith.constant 0 : i32
      %scan3A_97 = arith.constant 16 : i32
      %scan3A_98 = arith.addi %scan3A_96, %scan3A_97 : i32
      %scan3A_99 = arith.constant 1 : i32
      scf.for %scan3A_101 = %scan3A_96 to %scan3A_98 step %scan3A_99  : i32 {
        %mul3A_102 = arith.constant 4 : i32
        %mul3A_103 = arith.muli %mul3A_102, %scan3A_101 : i32
        %add3A_104 = arith.constant 0 : i32
        %add3A_105 = arith.addi %mul3A_103, %add3A_104 : i32
        tpu.wait_dma2 semaphore(%arg14 : memref<!tpu.dma_semaphore, #tpu.memory_space<semaphore_mem>>) src(%arg5 : memref<64x128xf32, #tpu.memory_space<hbm>>) dst(%arg9 : memref<64x128xf32, #tpu.memory_space<vmem>>)
        %dma_start3A_106 = arith.constant 0 : i32
        %dma_start3A_107 = tpu.memref_slice %arg8[%add3A_105, %dma_start3A_106] : memref<64x64xi32, #tpu.memory_space<vmem>> -> memref<1x64xi32, #tpu.memory_space<vmem>>
        %dma_start3A_108 = tpu.memref_squeeze %dma_start3A_107 : memref<1x64xi32, #tpu.memory_space<vmem>> -> memref<64xi32, #tpu.memory_space<vmem>>
        %dma_start3A_109 = arith.constant 0 : i32
        %dma_start3A_110 = arith.constant 0 : i32
        %dma_start3A_111 = tpu.memref_slice %arg13[%dma_start3A_109, %dma_start3A_110] : memref<10240x128xf32, #tpu.memory_space<vmem_shared>> -> memref<10240x128xf32, #tpu.memory_space<vmem_shared>>
        tpu.enqueue_indirect_dma source(%arg9 : memref<64x128xf32, #tpu.memory_space<vmem>>) target(%dma_start3A_111 : memref<10240x128xf32, #tpu.memory_space<vmem_shared>>) offsets(%dma_start3A_108 : memref<64xi32, #tpu.memory_space<vmem>>) semaphore(%arg18 : memref<!tpu.dma_semaphore, #tpu.memory_space<semaphore_mem>>) {add = true}
        %ge3A = arith.constant 1 : i32
        %ge3A_112 = arith.cmpi sge, %add3A_105, %ge3A : i32
        %add3A_113 = arith.constant 4 : i32
        %add3A_114 = arith.addi %add3A_105, %add3A_113 : i32
        %sub3A = arith.constant 1 : i32
        %sub3A_115 = arith.subi %add3A_114, %sub3A : i32
        %lt3A = arith.constant 64 : i32
        %lt3A_116 = arith.cmpi slt, %sub3A_115, %lt3A : i32
        %and3A = arith.andi %ge3A_112, %lt3A_116 : i1
        %convert_element_type3A = arith.extui %and3A : i1 to i32
        %cond3A = arith.constant 0 : i32
        %cond3A_117 = arith.cmpi ne, %convert_element_type3A, %cond3A : i32
        scf.if %cond3A_117 {
          tpu.wait_dma2 semaphore(%arg21 : memref<!tpu.dma_semaphore, #tpu.memory_space<semaphore_mem>>) src(%arg5 : memref<64x128xf32, #tpu.memory_space<hbm>>) dst(%arg12 : memref<64x128xf32, #tpu.memory_space<vmem>>)
        } else {
        }
        %add3A_118 = arith.constant 4 : i32
        %add3A_119 = arith.addi %add3A_105, %add3A_118 : i32
        %sub3A_120 = arith.constant 1 : i32
        %sub3A_121 = arith.subi %add3A_119, %sub3A_120 : i32
        %lt3A_122 = arith.constant 64 : i32
        %lt3A_123 = arith.cmpi slt, %sub3A_121, %lt3A_122 : i32
        %convert_element_type3A_124 = arith.extui %lt3A_123 : i1 to i32
        %cond3A_125 = arith.constant 0 : i32
        %cond3A_126 = arith.cmpi ne, %convert_element_type3A_124, %cond3A_125 : i32
        scf.if %cond3A_126 {
          %add3A_220 = arith.constant 4 : i32
          %add3A_221 = arith.addi %add3A_105, %add3A_220 : i32
          %sub3A_222 = arith.constant 1 : i32
          %sub3A_223 = arith.subi %add3A_221, %sub3A_222 : i32
          %dma_start3A_224 = arith.constant 0 : i32
          %dma_start3A_225 = tpu.memref_slice %arg7[%sub3A_223, %dma_start3A_224] : memref<64x64xi32, #tpu.memory_space<vmem>> -> memref<1x64xi32, #tpu.memory_space<vmem>>
          %dma_start3A_226 = tpu.memref_squeeze %dma_start3A_225 : memref<1x64xi32, #tpu.memory_space<vmem>> -> memref<64xi32, #tpu.memory_space<vmem>>
          %dma_start3A_227 = arith.constant 0 : i32
          %dma_start3A_228 = arith.constant 0 : i32
          %dma_start3A_229 = tpu.memref_slice %arg2[%dma_start3A_227, %dma_start3A_228] : memref<20480x128xf32, #tpu.memory_space<hbm>> -> memref<20480x128xf32, #tpu.memory_space<hbm>>
          tpu.enqueue_indirect_dma source(%dma_start3A_229 : memref<20480x128xf32, #tpu.memory_space<hbm>>) target(%arg12 : memref<64x128xf32, #tpu.memory_space<vmem>>) offsets(%dma_start3A_226 : memref<64xi32, #tpu.memory_space<vmem>>) semaphore(%arg17 : memref<!tpu.dma_semaphore, #tpu.memory_space<semaphore_mem>>)
        } else {
        }
        %mul3A_127 = arith.constant 4 : i32
        %mul3A_128 = arith.muli %mul3A_127, %scan3A_101 : i32
        %add3A_129 = arith.constant 1 : i32
        %add3A_130 = arith.addi %mul3A_128, %add3A_129 : i32
        tpu.wait_dma2 semaphore(%arg15 : memref<!tpu.dma_semaphore, #tpu.memory_space<semaphore_mem>>) src(%arg5 : memref<64x128xf32, #tpu.memory_space<hbm>>) dst(%arg10 : memref<64x128xf32, #tpu.memory_space<vmem>>)
        %dma_start3A_131 = arith.constant 0 : i32
        %dma_start3A_132 = tpu.memref_slice %arg8[%add3A_130, %dma_start3A_131] : memref<64x64xi32, #tpu.memory_space<vmem>> -> memref<1x64xi32, #tpu.memory_space<vmem>>
        %dma_start3A_133 = tpu.memref_squeeze %dma_start3A_132 : memref<1x64xi32, #tpu.memory_space<vmem>> -> memref<64xi32, #tpu.memory_space<vmem>>
        %dma_start3A_134 = arith.constant 0 : i32
        %dma_start3A_135 = arith.constant 0 : i32
        %dma_start3A_136 = tpu.memref_slice %arg13[%dma_start3A_134, %dma_start3A_135] : memref<10240x128xf32, #tpu.memory_space<vmem_shared>> -> memref<10240x128xf32, #tpu.memory_space<vmem_shared>>
        tpu.enqueue_indirect_dma source(%arg10 : memref<64x128xf32, #tpu.memory_space<vmem>>) target(%dma_start3A_136 : memref<10240x128xf32, #tpu.memory_space<vmem_shared>>) offsets(%dma_start3A_133 : memref<64xi32, #tpu.memory_space<vmem>>) semaphore(%arg19 : memref<!tpu.dma_semaphore, #tpu.memory_space<semaphore_mem>>) {add = true}
        %ge3A_137 = arith.constant 1 : i32
        %ge3A_138 = arith.cmpi sge, %add3A_130, %ge3A_137 : i32
        %add3A_139 = arith.constant 4 : i32
        %add3A_140 = arith.addi %add3A_130, %add3A_139 : i32
        %sub3A_141 = arith.constant 1 : i32
        %sub3A_142 = arith.subi %add3A_140, %sub3A_141 : i32
        %lt3A_143 = arith.constant 64 : i32
        %lt3A_144 = arith.cmpi slt, %sub3A_142, %lt3A_143 : i32
        %and3A_145 = arith.andi %ge3A_138, %lt3A_144 : i1
        %convert_element_type3A_146 = arith.extui %and3A_145 : i1 to i32
        %cond3A_147 = arith.constant 0 : i32
        %cond3A_148 = arith.cmpi ne, %convert_element_type3A_146, %cond3A_147 : i32
        scf.if %cond3A_148 {
          tpu.wait_dma2 semaphore(%arg18 : memref<!tpu.dma_semaphore, #tpu.memory_space<semaphore_mem>>) src(%arg5 : memref<64x128xf32, #tpu.memory_space<hbm>>) dst(%arg9 : memref<64x128xf32, #tpu.memory_space<vmem>>)
        } else {
        }
        %add3A_149 = arith.constant 4 : i32
        %add3A_150 = arith.addi %add3A_130, %add3A_149 : i32
        %sub3A_151 = arith.constant 1 : i32
        %sub3A_152 = arith.subi %add3A_150, %sub3A_151 : i32
        %lt3A_153 = arith.constant 64 : i32
        %lt3A_154 = arith.cmpi slt, %sub3A_152, %lt3A_153 : i32
        %convert_element_type3A_155 = arith.extui %lt3A_154 : i1 to i32
        %cond3A_156 = arith.constant 0 : i32
        %cond3A_157 = arith.cmpi ne, %convert_element_type3A_155, %cond3A_156 : i32
        scf.if %cond3A_157 {
          %add3A_220 = arith.constant 4 : i32
          %add3A_221 = arith.addi %add3A_130, %add3A_220 : i32
          %sub3A_222 = arith.constant 1 : i32
          %sub3A_223 = arith.subi %add3A_221, %sub3A_222 : i32
          %dma_start3A_224 = arith.constant 0 : i32
          %dma_start3A_225 = tpu.memref_slice %arg7[%sub3A_223, %dma_start3A_224] : memref<64x64xi32, #tpu.memory_space<vmem>> -> memref<1x64xi32, #tpu.memory_space<vmem>>
          %dma_start3A_226 = tpu.memref_squeeze %dma_start3A_225 : memref<1x64xi32, #tpu.memory_space<vmem>> -> memref<64xi32, #tpu.memory_space<vmem>>
          %dma_start3A_227 = arith.constant 0 : i32
          %dma_start3A_228 = arith.constant 0 : i32
          %dma_start3A_229 = tpu.memref_slice %arg2[%dma_start3A_227, %dma_start3A_228] : memref<20480x128xf32, #tpu.memory_space<hbm>> -> memref<20480x128xf32, #tpu.memory_space<hbm>>
          tpu.enqueue_indirect_dma source(%dma_start3A_229 : memref<20480x128xf32, #tpu.memory_space<hbm>>) target(%arg9 : memref<64x128xf32, #tpu.memory_space<vmem>>) offsets(%dma_start3A_226 : memref<64xi32, #tpu.memory_space<vmem>>) semaphore(%arg14 : memref<!tpu.dma_semaphore, #tpu.memory_space<semaphore_mem>>)
        } else {
        }
        %mul3A_158 = arith.constant 4 : i32
        %mul3A_159 = arith.muli %mul3A_158, %scan3A_101 : i32
        %add3A_160 = arith.constant 2 : i32
        %add3A_161 = arith.addi %mul3A_159, %add3A_160 : i32
        tpu.wait_dma2 semaphore(%arg16 : memref<!tpu.dma_semaphore, #tpu.memory_space<semaphore_mem>>) src(%arg5 : memref<64x128xf32, #tpu.memory_space<hbm>>) dst(%arg11 : memref<64x128xf32, #tpu.memory_space<vmem>>)
        %dma_start3A_162 = arith.constant 0 : i32
        %dma_start3A_163 = tpu.memref_slice %arg8[%add3A_161, %dma_start3A_162] : memref<64x64xi32, #tpu.memory_space<vmem>> -> memref<1x64xi32, #tpu.memory_space<vmem>>
        %dma_start3A_164 = tpu.memref_squeeze %dma_start3A_163 : memref<1x64xi32, #tpu.memory_space<vmem>> -> memref<64xi32, #tpu.memory_space<vmem>>
        %dma_start3A_165 = arith.constant 0 : i32
        %dma_start3A_166 = arith.constant 0 : i32
        %dma_start3A_167 = tpu.memref_slice %arg13[%dma_start3A_165, %dma_start3A_166] : memref<10240x128xf32, #tpu.memory_space<vmem_shared>> -> memref<10240x128xf32, #tpu.memory_space<vmem_shared>>
        tpu.enqueue_indirect_dma source(%arg11 : memref<64x128xf32, #tpu.memory_space<vmem>>) target(%dma_start3A_167 : memref<10240x128xf32, #tpu.memory_space<vmem_shared>>) offsets(%dma_start3A_164 : memref<64xi32, #tpu.memory_space<vmem>>) semaphore(%arg20 : memref<!tpu.dma_semaphore, #tpu.memory_space<semaphore_mem>>) {add = true}
        %ge3A_168 = arith.constant 1 : i32
        %ge3A_169 = arith.cmpi sge, %add3A_161, %ge3A_168 : i32
        %add3A_170 = arith.constant 4 : i32
        %add3A_171 = arith.addi %add3A_161, %add3A_170 : i32
        %sub3A_172 = arith.constant 1 : i32
        %sub3A_173 = arith.subi %add3A_171, %sub3A_172 : i32
        %lt3A_174 = arith.constant 64 : i32
        %lt3A_175 = arith.cmpi slt, %sub3A_173, %lt3A_174 : i32
        %and3A_176 = arith.andi %ge3A_169, %lt3A_175 : i1
        %convert_element_type3A_177 = arith.extui %and3A_176 : i1 to i32
        %cond3A_178 = arith.constant 0 : i32
        %cond3A_179 = arith.cmpi ne, %convert_element_type3A_177, %cond3A_178 : i32
        scf.if %cond3A_179 {
          tpu.wait_dma2 semaphore(%arg19 : memref<!tpu.dma_semaphore, #tpu.memory_space<semaphore_mem>>) src(%arg5 : memref<64x128xf32, #tpu.memory_space<hbm>>) dst(%arg10 : memref<64x128xf32, #tpu.memory_space<vmem>>)
        } else {
        }
        %add3A_180 = arith.constant 4 : i32
        %add3A_181 = arith.addi %add3A_161, %add3A_180 : i32
        %sub3A_182 = arith.constant 1 : i32
        %sub3A_183 = arith.subi %add3A_181, %sub3A_182 : i32
        %lt3A_184 = arith.constant 64 : i32
        %lt3A_185 = arith.cmpi slt, %sub3A_183, %lt3A_184 : i32
        %convert_element_type3A_186 = arith.extui %lt3A_185 : i1 to i32
        %cond3A_187 = arith.constant 0 : i32
        %cond3A_188 = arith.cmpi ne, %convert_element_type3A_186, %cond3A_187 : i32
        scf.if %cond3A_188 {
          %add3A_220 = arith.constant 4 : i32
          %add3A_221 = arith.addi %add3A_161, %add3A_220 : i32
          %sub3A_222 = arith.constant 1 : i32
          %sub3A_223 = arith.subi %add3A_221, %sub3A_222 : i32
          %dma_start3A_224 = arith.constant 0 : i32
          %dma_start3A_225 = tpu.memref_slice %arg7[%sub3A_223, %dma_start3A_224] : memref<64x64xi32, #tpu.memory_space<vmem>> -> memref<1x64xi32, #tpu.memory_space<vmem>>
          %dma_start3A_226 = tpu.memref_squeeze %dma_start3A_225 : memref<1x64xi32, #tpu.memory_space<vmem>> -> memref<64xi32, #tpu.memory_space<vmem>>
          %dma_start3A_227 = arith.constant 0 : i32
          %dma_start3A_228 = arith.constant 0 : i32
          %dma_start3A_229 = tpu.memref_slice %arg2[%dma_start3A_227, %dma_start3A_228] : memref<20480x128xf32, #tpu.memory_space<hbm>> -> memref<20480x128xf32, #tpu.memory_space<hbm>>
          tpu.enqueue_indirect_dma source(%dma_start3A_229 : memref<20480x128xf32, #tpu.memory_space<hbm>>) target(%arg10 : memref<64x128xf32, #tpu.memory_space<vmem>>) offsets(%dma_start3A_226 : memref<64xi32, #tpu.memory_space<vmem>>) semaphore(%arg15 : memref<!tpu.dma_semaphore, #tpu.memory_space<semaphore_mem>>)
        } else {
        }
        %mul3A_189 = arith.constant 4 : i32
        %mul3A_190 = arith.muli %mul3A_189, %scan3A_101 : i32
        %add3A_191 = arith.constant 3 : i32
        %add3A_192 = arith.addi %mul3A_190, %add3A_191 : i32
        tpu.wait_dma2 semaphore(%arg17 : memref<!tpu.dma_semaphore, #tpu.memory_space<semaphore_mem>>) src(%arg5 : memref<64x128xf32, #tpu.memory_space<hbm>>) dst(%arg12 : memref<64x128xf32, #tpu.memory_space<vmem>>)
        %dma_start3A_193 = arith.constant 0 : i32
        %dma_start3A_194 = tpu.memref_slice %arg8[%add3A_192, %dma_start3A_193] : memref<64x64xi32, #tpu.memory_space<vmem>> -> memref<1x64xi32, #tpu.memory_space<vmem>>
        %dma_start3A_195 = tpu.memref_squeeze %dma_start3A_194 : memref<1x64xi32, #tpu.memory_space<vmem>> -> memref<64xi32, #tpu.memory_space<vmem>>
        %dma_start3A_196 = arith.constant 0 : i32
        %dma_start3A_197 = arith.constant 0 : i32
        %dma_start3A_198 = tpu.memref_slice %arg13[%dma_start3A_196, %dma_start3A_197] : memref<10240x128xf32, #tpu.memory_space<vmem_shared>> -> memref<10240x128xf32, #tpu.memory_space<vmem_shared>>
        tpu.enqueue_indirect_dma source(%arg12 : memref<64x128xf32, #tpu.memory_space<vmem>>) target(%dma_start3A_198 : memref<10240x128xf32, #tpu.memory_space<vmem_shared>>) offsets(%dma_start3A_195 : memref<64xi32, #tpu.memory_space<vmem>>) semaphore(%arg21 : memref<!tpu.dma_semaphore, #tpu.memory_space<semaphore_mem>>) {add = true}
        %ge3A_199 = arith.constant 1 : i32
        %ge3A_200 = arith.cmpi sge, %add3A_192, %ge3A_199 : i32
        %add3A_201 = arith.constant 4 : i32
        %add3A_202 = arith.addi %add3A_192, %add3A_201 : i32
        %sub3A_203 = arith.constant 1 : i32
        %sub3A_204 = arith.subi %add3A_202, %sub3A_203 : i32
        %lt3A_205 = arith.constant 64 : i32
        %lt3A_206 = arith.cmpi slt, %sub3A_204, %lt3A_205 : i32
        %and3A_207 = arith.andi %ge3A_200, %lt3A_206 : i1
        %convert_element_type3A_208 = arith.extui %and3A_207 : i1 to i32
        %cond3A_209 = arith.constant 0 : i32
        %cond3A_210 = arith.cmpi ne, %convert_element_type3A_208, %cond3A_209 : i32
        scf.if %cond3A_210 {
          tpu.wait_dma2 semaphore(%arg20 : memref<!tpu.dma_semaphore, #tpu.memory_space<semaphore_mem>>) src(%arg5 : memref<64x128xf32, #tpu.memory_space<hbm>>) dst(%arg11 : memref<64x128xf32, #tpu.memory_space<vmem>>)
        } else {
        }
        %add3A_211 = arith.constant 4 : i32
        %add3A_212 = arith.addi %add3A_192, %add3A_211 : i32
        %sub3A_213 = arith.constant 1 : i32
        %sub3A_214 = arith.subi %add3A_212, %sub3A_213 : i32
        %lt3A_215 = arith.constant 64 : i32
        %lt3A_216 = arith.cmpi slt, %sub3A_214, %lt3A_215 : i32
        %convert_element_type3A_217 = arith.extui %lt3A_216 : i1 to i32
        %cond3A_218 = arith.constant 0 : i32
        %cond3A_219 = arith.cmpi ne, %convert_element_type3A_217, %cond3A_218 : i32
        scf.if %cond3A_219 {
          %add3A_220 = arith.constant 4 : i32
          %add3A_221 = arith.addi %add3A_192, %add3A_220 : i32
          %sub3A_222 = arith.constant 1 : i32
          %sub3A_223 = arith.subi %add3A_221, %sub3A_222 : i32
          %dma_start3A_224 = arith.constant 0 : i32
          %dma_start3A_225 = tpu.memref_slice %arg7[%sub3A_223, %dma_start3A_224] : memref<64x64xi32, #tpu.memory_space<vmem>> -> memref<1x64xi32, #tpu.memory_space<vmem>>
          %dma_start3A_226 = tpu.memref_squeeze %dma_start3A_225 : memref<1x64xi32, #tpu.memory_space<vmem>> -> memref<64xi32, #tpu.memory_space<vmem>>
          %dma_start3A_227 = arith.constant 0 : i32
          %dma_start3A_228 = arith.constant 0 : i32
          %dma_start3A_229 = tpu.memref_slice %arg2[%dma_start3A_227, %dma_start3A_228] : memref<20480x128xf32, #tpu.memory_space<hbm>> -> memref<20480x128xf32, #tpu.memory_space<hbm>>
          tpu.enqueue_indirect_dma source(%dma_start3A_229 : memref<20480x128xf32, #tpu.memory_space<hbm>>) target(%arg11 : memref<64x128xf32, #tpu.memory_space<vmem>>) offsets(%dma_start3A_226 : memref<64xi32, #tpu.memory_space<vmem>>) semaphore(%arg16 : memref<!tpu.dma_semaphore, #tpu.memory_space<semaphore_mem>>)
        } else {
        }
      }
      %scan3A_100 = arith.constant 16 : i32
      tpu.wait_dma2 semaphore(%arg18 : memref<!tpu.dma_semaphore, #tpu.memory_space<semaphore_mem>>) src(%arg5 : memref<64x128xf32, #tpu.memory_space<hbm>>) dst(%arg9 : memref<64x128xf32, #tpu.memory_space<vmem>>)
      tpu.wait_dma2 semaphore(%arg19 : memref<!tpu.dma_semaphore, #tpu.memory_space<semaphore_mem>>) src(%arg5 : memref<64x128xf32, #tpu.memory_space<hbm>>) dst(%arg10 : memref<64x128xf32, #tpu.memory_space<vmem>>)
      tpu.wait_dma2 semaphore(%arg20 : memref<!tpu.dma_semaphore, #tpu.memory_space<semaphore_mem>>) src(%arg5 : memref<64x128xf32, #tpu.memory_space<hbm>>) dst(%arg11 : memref<64x128xf32, #tpu.memory_space<vmem>>)
      tpu.wait_dma2 semaphore(%arg21 : memref<!tpu.dma_semaphore, #tpu.memory_space<semaphore_mem>>) src(%arg5 : memref<64x128xf32, #tpu.memory_space<hbm>>) dst(%arg12 : memref<64x128xf32, #tpu.memory_space<vmem>>)
    }
    %scan3A_65 = arith.constant 5 : i32
    %barrier3A_66 = arith.constant 0 : index
    tpu.barrier barrier_id(%barrier3A_66)
    %mul3A_67 = arith.constant 640 : i32
    %mul3A_68 = arith.muli %arg1, %mul3A_67 : i32
    %mul3A_69 = arith.constant 640 : i32
    %mul3A_70 = arith.muli %arg1, %mul3A_69 : i32
    "tpu.region"() ({
      %run_scoped3A = tpu.sem_alloc : memref<!tpu.dma_semaphore, #tpu.memory_space<semaphore_mem>>
      %dma_start3A = arith.constant 0 : i32
      %dma_start3A_71 = tpu.memref_slice %arg6[%arg0, %mul3A_70, %dma_start3A] : memref<2x10240x128xf32, #tpu.memory_space<hbm>> -> memref<1x640x128xf32, #tpu.memory_space<hbm>>
      %dma_start3A_72 = tpu.memref_squeeze %dma_start3A_71 : memref<1x640x128xf32, #tpu.memory_space<hbm>> -> memref<640x128xf32, #tpu.memory_space<hbm>>
      %dma_start3A_73 = arith.constant 0 : i32
      %dma_start3A_74 = tpu.memref_slice %arg13[%mul3A_68, %dma_start3A_73] : memref<10240x128xf32, #tpu.memory_space<vmem_shared>> -> memref<640x128xf32, #tpu.memory_space<vmem_shared>>
      tpu.enqueue_dma source(%dma_start3A_74 : memref<640x128xf32, #tpu.memory_space<vmem_shared>>) target(%dma_start3A_72 : memref<640x128xf32, #tpu.memory_space<hbm>>) target_semaphore(%run_scoped3A : memref<!tpu.dma_semaphore, #tpu.memory_space<semaphore_mem>>)
      %dma_wait3A = arith.constant 0 : i32
      %dma_wait3A_75 = tpu.memref_slice %arg6[%arg0, %mul3A_70, %dma_wait3A] : memref<2x10240x128xf32, #tpu.memory_space<hbm>> -> memref<1x640x128xf32, #tpu.memory_space<hbm>>
      %dma_wait3A_76 = tpu.memref_squeeze %dma_wait3A_75 : memref<1x640x128xf32, #tpu.memory_space<hbm>> -> memref<640x128xf32, #tpu.memory_space<hbm>>
      %dma_wait3A_77 = arith.constant 0 : i32
      %dma_wait3A_78 = tpu.memref_slice %arg13[%mul3A_68, %dma_wait3A_77] : memref<10240x128xf32, #tpu.memory_space<vmem_shared>> -> memref<640x128xf32, #tpu.memory_space<vmem_shared>>
      tpu.wait_dma2 semaphore(%run_scoped3A : memref<!tpu.dma_semaphore, #tpu.memory_space<semaphore_mem>>) src(%dma_wait3A_78 : memref<640x128xf32, #tpu.memory_space<vmem_shared>>) dst(%dma_wait3A_76 : memref<640x128xf32, #tpu.memory_space<hbm>>)
      tpu.yield
    }) : () -> ()
    return
  }
}

module attributes {stable_mosaic.version = 14 : i64} {
  func.func @_mlp1_body(%arg0: i32, %arg1: memref<1024x128xf32, #tpu.memory_space<vmem>>, %arg2: memref<2x1024x128xf32, #tpu.memory_space<vmem>>, %arg3: memref<128x256xf32, #tpu.memory_space<vmem>>, %arg4: memref<1x256xf32, #tpu.memory_space<vmem>>, %arg5: memref<256x256xf32, #tpu.memory_space<vmem>>, %arg6: memref<1x256xf32, #tpu.memory_space<vmem>>, %arg7: memref<2x1024x128xf32, #tpu.memory_space<vmem>>) attributes {dimension_semantics = [#tpu.dimension_semantics<parallel>], iteration_bounds = array<i64: 10>, scalar_prefetch = 0 : i64, scratch_operands = 0 : i64, tpu.core_type = #tpu.core_type<tc>, window_params = [{transform_indices = @transform_0, window_bounds = array<i64: 1024, 128>}, {transform_indices = @transform_1, window_bounds = array<i64: 2, 1024, 128>}, {pipeline_mode = #tpu.pipeline_mode<synchronous>, transform_indices = @transform_2, window_bounds = array<i64: 128, 256>}, {pipeline_mode = #tpu.pipeline_mode<synchronous>, transform_indices = @transform_3, window_bounds = array<i64: 1, 256>}, {pipeline_mode = #tpu.pipeline_mode<synchronous>, transform_indices = @transform_4, window_bounds = array<i64: 256, 256>}, {pipeline_mode = #tpu.pipeline_mode<synchronous>, transform_indices = @transform_5, window_bounds = array<i64: 1, 256>}, {transform_indices = @transform_6, window_bounds = array<i64: 2, 1024, 128>}]} {
    %get3A = arith.constant 0 : index
    %get3A_0 = arith.constant 0 : index
    %get3A_1 = vector.load %arg1[%get3A, %get3A_0] : memref<1024x128xf32, #tpu.memory_space<vmem>>, vector<1024x128xf32>
    %get3A_2 = arith.constant 0 : index
    %get3A_3 = arith.constant 0 : index
    %get3A_4 = arith.constant 0 : index
    %get3A_5 = vector.load %arg2[%get3A_2, %get3A_3, %get3A_4] : memref<2x1024x128xf32, #tpu.memory_space<vmem>>, vector<1x1024x128xf32>
    %get3A_6 = vector.shape_cast %get3A_5 : vector<1x1024x128xf32> to vector<1024x128xf32>
    %add3A = arith.addf %get3A_1, %get3A_6 : vector<1024x128xf32>
    %get3A_7 = arith.constant 1 : index
    %get3A_8 = arith.constant 0 : index
    %get3A_9 = arith.constant 0 : index
    %get3A_10 = vector.load %arg2[%get3A_7, %get3A_8, %get3A_9] : memref<2x1024x128xf32, #tpu.memory_space<vmem>>, vector<1x1024x128xf32>
    %get3A_11 = vector.shape_cast %get3A_10 : vector<1x1024x128xf32> to vector<1024x128xf32>
    %add3A_12 = arith.addf %add3A, %get3A_11 : vector<1024x128xf32>
    %get3A_13 = arith.constant 0 : index
    %get3A_14 = arith.constant 0 : index
    %get3A_15 = vector.load %arg3[%get3A_13, %get3A_14] : memref<128x256xf32, #tpu.memory_space<vmem>>, vector<128x256xf32>
    %dot_general3A = arith.constant dense<0.000000e+00> : vector<1024x256xf32>
    %dot_general3A_16 = tpu.matmul %add3A_12, %get3A_15, %dot_general3A {dimension_numbers = #tpu.dot_dimension_numbers<[1], [0], [0], [1], [0, 0, 1, 1], [], []>, transpose_lhs_hint = false} : vector<1024x128xf32>, vector<128x256xf32>, vector<1024x256xf32> -> vector<1024x256xf32>
    %get3A_17 = arith.constant 0 : index
    %get3A_18 = arith.constant 0 : index
    %get3A_19 = vector.load %arg4[%get3A_17, %get3A_18] : memref<1x256xf32, #tpu.memory_space<vmem>>, vector<1x256xf32>
    %add3A_20 = vector.broadcast %get3A_19 : vector<1x256xf32> to vector<1024x256xf32>
    %add3A_21 = arith.addf %dot_general3A_16, %add3A_20 : vector<1024x256xf32>
    %max3A = arith.constant 0.000000e+00 : f32
    %max3A_22 = vector.broadcast %max3A : f32 to vector<1024x256xf32>
    %max3A_23 = arith.maximumf %add3A_21, %max3A_22 : vector<1024x256xf32>
    %get3A_24 = arith.constant 0 : index
    %get3A_25 = arith.constant 0 : index
    %get3A_26 = vector.load %arg5[%get3A_24, %get3A_25] : memref<256x256xf32, #tpu.memory_space<vmem>>, vector<256x256xf32>
    %dot_general3A_27 = arith.constant dense<0.000000e+00> : vector<1024x256xf32>
    %dot_general3A_28 = tpu.matmul %max3A_23, %get3A_26, %dot_general3A_27 {dimension_numbers = #tpu.dot_dimension_numbers<[1], [0], [0], [1], [0, 0, 1, 1], [], []>, transpose_lhs_hint = false} : vector<1024x256xf32>, vector<256x256xf32>, vector<1024x256xf32> -> vector<1024x256xf32>
    %get3A_29 = arith.constant 0 : index
    %get3A_30 = arith.constant 0 : index
    %get3A_31 = vector.load %arg6[%get3A_29, %get3A_30] : memref<1x256xf32, #tpu.memory_space<vmem>>, vector<1x256xf32>
    %add3A_32 = vector.broadcast %get3A_31 : vector<1x256xf32> to vector<1024x256xf32>
    %add3A_33 = arith.addf %dot_general3A_28, %add3A_32 : vector<1024x256xf32>
    %max3A_34 = arith.constant 0.000000e+00 : f32
    %max3A_35 = vector.broadcast %max3A_34 : f32 to vector<1024x256xf32>
    %max3A_36 = arith.maximumf %add3A_33, %max3A_35 : vector<1024x256xf32>
    %slice3A = vector.extract_strided_slice %max3A_36 {offsets = [0, 0], sizes = [1024, 128], strides = [1, 1]} : vector<1024x256xf32> to vector<1024x128xf32>
    %swap3A = arith.constant 0 : index
    %swap3A_37 = arith.constant 0 : index
    %swap3A_38 = arith.constant 0 : index
    %swap3A_39 = vector.load %arg7[%swap3A, %swap3A_37, %swap3A_38] : memref<2x1024x128xf32, #tpu.memory_space<vmem>>, vector<1x1024x128xf32>
    %swap3A_40 = vector.shape_cast %swap3A_39 : vector<1x1024x128xf32> to vector<1024x128xf32>
    %swap3A_41 = vector.shape_cast %slice3A : vector<1024x128xf32> to vector<1x1024x128xf32>
    tpu.vector_store %arg7[%swap3A, %swap3A_37, %swap3A_38], %swap3A_41 {strides = array<i32>} : memref<2x1024x128xf32, #tpu.memory_space<vmem>>, vector<1x1024x128xf32>,
    %slice3A_42 = vector.extract_strided_slice %max3A_36 {offsets = [0, 128], sizes = [1024, 128], strides = [1, 1]} : vector<1024x256xf32> to vector<1024x128xf32>
    %swap3A_43 = arith.constant 1 : index
    %swap3A_44 = arith.constant 0 : index
    %swap3A_45 = arith.constant 0 : index
    %swap3A_46 = vector.load %arg7[%swap3A_43, %swap3A_44, %swap3A_45] : memref<2x1024x128xf32, #tpu.memory_space<vmem>>, vector<1x1024x128xf32>
    %swap3A_47 = vector.shape_cast %swap3A_46 : vector<1x1024x128xf32> to vector<1024x128xf32>
    %swap3A_48 = vector.shape_cast %slice3A_42 : vector<1024x128xf32> to vector<1x1024x128xf32>
    tpu.vector_store %arg7[%swap3A_43, %swap3A_44, %swap3A_45], %swap3A_48 {strides = array<i32>} : memref<2x1024x128xf32, #tpu.memory_space<vmem>>, vector<1x1024x128xf32>,
    return
  }
  func.func @transform_0(%arg0: i32) -> (i32, i32) {
    %c0_i32 = arith.constant 0 : i32
    %c0_i32_0 = arith.constant 0 : i32
    return %arg0, %c0_i32 : i32, i32
  }
  func.func @transform_1(%arg0: i32) -> (i32, i32, i32) {
    %c0_i32 = arith.constant 0 : i32
    %c0_i32_0 = arith.constant 0 : i32
    %c0_i32_1 = arith.constant 0 : i32
    return %c0_i32, %arg0, %c0_i32_0 : i32, i32, i32
  }
  func.func @transform_2(%arg0: i32) -> (i32, i32) {
    %c0_i32 = arith.constant 0 : i32
    %c0_i32_0 = arith.constant 0 : i32
    %c0_i32_1 = arith.constant 0 : i32
    return %c0_i32, %c0_i32_0 : i32, i32
  }
  func.func @transform_3(%arg0: i32) -> (i32, i32) {
    %c0_i32 = arith.constant 0 : i32
    %c0_i32_0 = arith.constant 0 : i32
    %c0_i32_1 = arith.constant 0 : i32
    return %c0_i32, %c0_i32_0 : i32, i32
  }
  func.func @transform_4(%arg0: i32) -> (i32, i32) {
    %c0_i32 = arith.constant 0 : i32
    %c0_i32_0 = arith.constant 0 : i32
    %c0_i32_1 = arith.constant 0 : i32
    return %c0_i32, %c0_i32_0 : i32, i32
  }
  func.func @transform_5(%arg0: i32) -> (i32, i32) {
    %c0_i32 = arith.constant 0 : i32
    %c0_i32_0 = arith.constant 0 : i32
    %c0_i32_1 = arith.constant 0 : i32
    return %c0_i32, %c0_i32_0 : i32, i32
  }
  func.func @transform_6(%arg0: i32) -> (i32, i32, i32) {
    %c0_i32 = arith.constant 0 : i32
    %c0_i32_0 = arith.constant 0 : i32
    %c0_i32_1 = arith.constant 0 : i32
    return %c0_i32, %arg0, %c0_i32_0 : i32, i32, i32
  }
}

module attributes {stable_mosaic.version = 14 : i64} {
  func.func @_mlpN_body(%arg0: i32, %arg1: memref<2x1024x128xf32, #tpu.memory_space<vmem>>, %arg2: memref<2x1024x128xf32, #tpu.memory_space<vmem>>, %arg3: memref<256x256xf32, #tpu.memory_space<vmem>>, %arg4: memref<1x256xf32, #tpu.memory_space<vmem>>, %arg5: memref<256x256xf32, #tpu.memory_space<vmem>>, %arg6: memref<1x256xf32, #tpu.memory_space<vmem>>, %arg7: memref<2x1024x128xf32, #tpu.memory_space<vmem>>) attributes {dimension_semantics = [#tpu.dimension_semantics<parallel>], iteration_bounds = array<i64: 10>, scalar_prefetch = 0 : i64, scratch_operands = 0 : i64, tpu.core_type = #tpu.core_type<tc>, window_params = [{transform_indices = @transform_0, window_bounds = array<i64: 2, 1024, 128>}, {transform_indices = @transform_1, window_bounds = array<i64: 2, 1024, 128>}, {pipeline_mode = #tpu.pipeline_mode<synchronous>, transform_indices = @transform_2, window_bounds = array<i64: 256, 256>}, {pipeline_mode = #tpu.pipeline_mode<synchronous>, transform_indices = @transform_3, window_bounds = array<i64: 1, 256>}, {pipeline_mode = #tpu.pipeline_mode<synchronous>, transform_indices = @transform_4, window_bounds = array<i64: 256, 256>}, {pipeline_mode = #tpu.pipeline_mode<synchronous>, transform_indices = @transform_5, window_bounds = array<i64: 1, 256>}, {transform_indices = @transform_6, window_bounds = array<i64: 2, 1024, 128>}]} {
    %get3A = arith.constant 0 : index
    %get3A_0 = arith.constant 0 : index
    %get3A_1 = arith.constant 0 : index
    %get3A_2 = vector.load %arg1[%get3A, %get3A_0, %get3A_1] : memref<2x1024x128xf32, #tpu.memory_space<vmem>>, vector<1x1024x128xf32>
    %get3A_3 = vector.shape_cast %get3A_2 : vector<1x1024x128xf32> to vector<1024x128xf32>
    %get3A_4 = arith.constant 0 : index
    %get3A_5 = arith.constant 0 : index
    %get3A_6 = arith.constant 0 : index
    %get3A_7 = vector.load %arg2[%get3A_4, %get3A_5, %get3A_6] : memref<2x1024x128xf32, #tpu.memory_space<vmem>>, vector<1x1024x128xf32>
    %get3A_8 = vector.shape_cast %get3A_7 : vector<1x1024x128xf32> to vector<1024x128xf32>
    %add3A = arith.addf %get3A_3, %get3A_8 : vector<1024x128xf32>
    %get3A_9 = arith.constant 1 : index
    %get3A_10 = arith.constant 0 : index
    %get3A_11 = arith.constant 0 : index
    %get3A_12 = vector.load %arg1[%get3A_9, %get3A_10, %get3A_11] : memref<2x1024x128xf32, #tpu.memory_space<vmem>>, vector<1x1024x128xf32>
    %get3A_13 = vector.shape_cast %get3A_12 : vector<1x1024x128xf32> to vector<1024x128xf32>
    %get3A_14 = arith.constant 1 : index
    %get3A_15 = arith.constant 0 : index
    %get3A_16 = arith.constant 0 : index
    %get3A_17 = vector.load %arg2[%get3A_14, %get3A_15, %get3A_16] : memref<2x1024x128xf32, #tpu.memory_space<vmem>>, vector<1x1024x128xf32>
    %get3A_18 = vector.shape_cast %get3A_17 : vector<1x1024x128xf32> to vector<1024x128xf32>
    %add3A_19 = arith.addf %get3A_13, %get3A_18 : vector<1024x128xf32>
    %concatenate3A = tpu.concatenate %add3A, %add3A_19 in 1 : vector<1024x128xf32>, vector<1024x128xf32> -> vector<1024x256xf32>
    %get3A_20 = arith.constant 0 : index
    %get3A_21 = arith.constant 0 : index
    %get3A_22 = vector.load %arg3[%get3A_20, %get3A_21] : memref<256x256xf32, #tpu.memory_space<vmem>>, vector<256x256xf32>
    %dot_general3A = arith.constant dense<0.000000e+00> : vector<1024x256xf32>
    %dot_general3A_23 = tpu.matmul %concatenate3A, %get3A_22, %dot_general3A {dimension_numbers = #tpu.dot_dimension_numbers<[1], [0], [0], [1], [0, 0, 1, 1], [], []>, transpose_lhs_hint = false} : vector<1024x256xf32>, vector<256x256xf32>, vector<1024x256xf32> -> vector<1024x256xf32>
    %get3A_24 = arith.constant 0 : index
    %get3A_25 = arith.constant 0 : index
    %get3A_26 = vector.load %arg4[%get3A_24, %get3A_25] : memref<1x256xf32, #tpu.memory_space<vmem>>, vector<1x256xf32>
    %add3A_27 = vector.broadcast %get3A_26 : vector<1x256xf32> to vector<1024x256xf32>
    %add3A_28 = arith.addf %dot_general3A_23, %add3A_27 : vector<1024x256xf32>
    %max3A = arith.constant 0.000000e+00 : f32
    %max3A_29 = vector.broadcast %max3A : f32 to vector<1024x256xf32>
    %max3A_30 = arith.maximumf %add3A_28, %max3A_29 : vector<1024x256xf32>
    %get3A_31 = arith.constant 0 : index
    %get3A_32 = arith.constant 0 : index
    %get3A_33 = vector.load %arg5[%get3A_31, %get3A_32] : memref<256x256xf32, #tpu.memory_space<vmem>>, vector<256x256xf32>
    %dot_general3A_34 = arith.constant dense<0.000000e+00> : vector<1024x256xf32>
    %dot_general3A_35 = tpu.matmul %max3A_30, %get3A_33, %dot_general3A_34 {dimension_numbers = #tpu.dot_dimension_numbers<[1], [0], [0], [1], [0, 0, 1, 1], [], []>, transpose_lhs_hint = false} : vector<1024x256xf32>, vector<256x256xf32>, vector<1024x256xf32> -> vector<1024x256xf32>
    %get3A_36 = arith.constant 0 : index
    %get3A_37 = arith.constant 0 : index
    %get3A_38 = vector.load %arg6[%get3A_36, %get3A_37] : memref<1x256xf32, #tpu.memory_space<vmem>>, vector<1x256xf32>
    %add3A_39 = vector.broadcast %get3A_38 : vector<1x256xf32> to vector<1024x256xf32>
    %add3A_40 = arith.addf %dot_general3A_35, %add3A_39 : vector<1024x256xf32>
    %max3A_41 = arith.constant 0.000000e+00 : f32
    %max3A_42 = vector.broadcast %max3A_41 : f32 to vector<1024x256xf32>
    %max3A_43 = arith.maximumf %add3A_40, %max3A_42 : vector<1024x256xf32>
    %slice3A = vector.extract_strided_slice %max3A_43 {offsets = [0, 0], sizes = [1024, 128], strides = [1, 1]} : vector<1024x256xf32> to vector<1024x128xf32>
    %swap3A = arith.constant 0 : index
    %swap3A_44 = arith.constant 0 : index
    %swap3A_45 = arith.constant 0 : index
    %swap3A_46 = vector.load %arg7[%swap3A, %swap3A_44, %swap3A_45] : memref<2x1024x128xf32, #tpu.memory_space<vmem>>, vector<1x1024x128xf32>
    %swap3A_47 = vector.shape_cast %swap3A_46 : vector<1x1024x128xf32> to vector<1024x128xf32>
    %swap3A_48 = vector.shape_cast %slice3A : vector<1024x128xf32> to vector<1x1024x128xf32>
    tpu.vector_store %arg7[%swap3A, %swap3A_44, %swap3A_45], %swap3A_48 {strides = array<i32>} : memref<2x1024x128xf32, #tpu.memory_space<vmem>>, vector<1x1024x128xf32>,
    %slice3A_49 = vector.extract_strided_slice %max3A_43 {offsets = [0, 128], sizes = [1024, 128], strides = [1, 1]} : vector<1024x256xf32> to vector<1024x128xf32>
    %swap3A_50 = arith.constant 1 : index
    %swap3A_51 = arith.constant 0 : index
    %swap3A_52 = arith.constant 0 : index
    %swap3A_53 = vector.load %arg7[%swap3A_50, %swap3A_51, %swap3A_52] : memref<2x1024x128xf32, #tpu.memory_space<vmem>>, vector<1x1024x128xf32>
    %swap3A_54 = vector.shape_cast %swap3A_53 : vector<1x1024x128xf32> to vector<1024x128xf32>
    %swap3A_55 = vector.shape_cast %slice3A_49 : vector<1024x128xf32> to vector<1x1024x128xf32>
    tpu.vector_store %arg7[%swap3A_50, %swap3A_51, %swap3A_52], %swap3A_55 {strides = array<i32>} : memref<2x1024x128xf32, #tpu.memory_space<vmem>>, vector<1x1024x128xf32>,
    return
  }
  func.func @transform_0(%arg0: i32) -> (i32, i32, i32) {
    %c0_i32 = arith.constant 0 : i32
    %c0_i32_0 = arith.constant 0 : i32
    %c0_i32_1 = arith.constant 0 : i32
    return %c0_i32, %arg0, %c0_i32_0 : i32, i32, i32
  }
  func.func @transform_1(%arg0: i32) -> (i32, i32, i32) {
    %c0_i32 = arith.constant 0 : i32
    %c0_i32_0 = arith.constant 0 : i32
    %c0_i32_1 = arith.constant 0 : i32
    return %c0_i32, %arg0, %c0_i32_0 : i32, i32, i32
  }
  func.func @transform_2(%arg0: i32) -> (i32, i32) {
    %c0_i32 = arith.constant 0 : i32
    %c0_i32_0 = arith.constant 0 : i32
    %c0_i32_1 = arith.constant 0 : i32
    return %c0_i32, %c0_i32_0 : i32, i32
  }
  func.func @transform_3(%arg0: i32) -> (i32, i32) {
    %c0_i32 = arith.constant 0 : i32
    %c0_i32_0 = arith.constant 0 : i32
    %c0_i32_1 = arith.constant 0 : i32
    return %c0_i32, %c0_i32_0 : i32, i32
  }
  func.func @transform_4(%arg0: i32) -> (i32, i32) {
    %c0_i32 = arith.constant 0 : i32
    %c0_i32_0 = arith.constant 0 : i32
    %c0_i32_1 = arith.constant 0 : i32
    return %c0_i32, %c0_i32_0 : i32, i32
  }
  func.func @transform_5(%arg0: i32) -> (i32, i32) {
    %c0_i32 = arith.constant 0 : i32
    %c0_i32_0 = arith.constant 0 : i32
    %c0_i32_1 = arith.constant 0 : i32
    return %c0_i32, %c0_i32_0 : i32, i32
  }
  func.func @transform_6(%arg0: i32) -> (i32, i32, i32) {
    %c0_i32 = arith.constant 0 : i32
    %c0_i32_0 = arith.constant 0 : i32
    %c0_i32_1 = arith.constant 0 : i32
    return %c0_i32, %arg0, %c0_i32_0 : i32, i32, i32
  }
}

module attributes {stable_mosaic.version = 14 : i64} {
  func.func @_pool_body(%arg0: i32, %arg1: memref<2x1024x128xf32, #tpu.memory_space<vmem>>, %arg2: memref<1x1x1024xi32, #tpu.memory_space<vmem>>, %arg3: memref<256x256xf32, #tpu.memory_space<vmem>>, %arg4: memref<1x256xf32, #tpu.memory_space<vmem>>, %arg5: memref<256x128xf32, #tpu.memory_space<vmem>>, %arg6: memref<1x128xf32, #tpu.memory_space<vmem>>, %arg7: memref<128x128xf32, #tpu.memory_space<vmem>>, %arg8: memref<128x256xf32, #tpu.memory_space<vmem>>) attributes {dimension_semantics = [#tpu.dimension_semantics<arbitrary>], iteration_bounds = array<i64: 10>, scalar_prefetch = 0 : i64, scratch_operands = 1 : i64, tpu.core_type = #tpu.core_type<tc>, window_params = [{transform_indices = @transform_0, window_bounds = array<i64: 2, 1024, 128>}, {transform_indices = @transform_1, window_bounds = array<i64: 1, 1, 1024>}, {pipeline_mode = #tpu.pipeline_mode<synchronous>, transform_indices = @transform_2, window_bounds = array<i64: 256, 256>}, {pipeline_mode = #tpu.pipeline_mode<synchronous>, transform_indices = @transform_3, window_bounds = array<i64: 1, 256>}, {pipeline_mode = #tpu.pipeline_mode<synchronous>, transform_indices = @transform_4, window_bounds = array<i64: 256, 128>}, {pipeline_mode = #tpu.pipeline_mode<synchronous>, transform_indices = @transform_5, window_bounds = array<i64: 1, 128>}, {pipeline_mode = #tpu.pipeline_mode<synchronous>, transform_indices = @transform_6, window_bounds = array<i64: 128, 128>}]} {
    %eq3A = arith.constant 0 : i32
    %eq3A_0 = arith.cmpi eq, %arg0, %eq3A : i32
    %convert_element_type3A = arith.extui %eq3A_0 : i1 to i32
    %cond3A = arith.constant 0 : i32
    %cond3A_1 = arith.cmpi ne, %convert_element_type3A, %cond3A : i32
    scf.if %cond3A_1 {
      %broadcast_in_dim3A_31 = arith.constant 0.000000e+00 : f32
      %broadcast_in_dim3A_32 = vector.broadcast %broadcast_in_dim3A_31 : f32 to vector<128x256xf32>
      %swap3A_33 = arith.constant 0 : index
      %swap3A_34 = arith.constant 0 : index
      %swap3A_35 = vector.load %arg8[%swap3A_33, %swap3A_34] : memref<128x256xf32, #tpu.memory_space<vmem>>, vector<128x256xf32>
      tpu.vector_store %arg8[%swap3A_33, %swap3A_34], %broadcast_in_dim3A_32 {strides = array<i32>} : memref<128x256xf32, #tpu.memory_space<vmem>>, vector<128x256xf32>,
    } else {
    }
    %get3A = arith.constant 0 : index
    %get3A_2 = arith.constant 0 : index
    %get3A_3 = arith.constant 0 : index
    %get3A_4 = vector.load %arg2[%get3A, %get3A_2, %get3A_3] : memref<1x1x1024xi32, #tpu.memory_space<vmem>>, vector<1x1x1024xi32>
    %get3A_5 = vector.shape_cast %get3A_4 : vector<1x1x1024xi32> to vector<1024xi32>
    %broadcast_in_dim3A = vector.shape_cast %get3A_5 : vector<1024xi32> to vector<1x1024xi32>
    %iota3A = tpu.iota {dimensions = array<i32: 0>} : vector<128x1024xi32>
    %eq3A_6 = vector.broadcast %broadcast_in_dim3A : vector<1x1024xi32> to vector<128x1024xi32>
    %eq3A_7 = arith.cmpi eq, %eq3A_6, %iota3A : vector<128x1024xi32>
    %convert_element_type3A_8 = arith.extui %eq3A_7 : vector<128x1024xi1> to vector<128x1024xi32>
    %convert_element_type3A_9 = arith.sitofp %convert_element_type3A_8 : vector<128x1024xi32> to vector<128x1024xf32>
    %get3A_10 = arith.constant 0 : index
    %get3A_11 = arith.constant 0 : index
    %get3A_12 = arith.constant 0 : index
    %get3A_13 = vector.load %arg1[%get3A_10, %get3A_11, %get3A_12] : memref<2x1024x128xf32, #tpu.memory_space<vmem>>, vector<1x1024x128xf32>
    %get3A_14 = vector.shape_cast %get3A_13 : vector<1x1024x128xf32> to vector<1024x128xf32>
    %get3A_15 = arith.constant 1 : index
    %get3A_16 = arith.constant 0 : index
    %get3A_17 = arith.constant 0 : index
    %get3A_18 = vector.load %arg1[%get3A_15, %get3A_16, %get3A_17] : memref<2x1024x128xf32, #tpu.memory_space<vmem>>, vector<1x1024x128xf32>
    %get3A_19 = vector.shape_cast %get3A_18 : vector<1x1024x128xf32> to vector<1024x128xf32>
    %concatenate3A = tpu.concatenate %get3A_14, %get3A_19 in 1 : vector<1024x128xf32>, vector<1024x128xf32> -> vector<1024x256xf32>
    %get3A_20 = arith.constant 0 : index
    %get3A_21 = arith.constant 0 : index
    %get3A_22 = vector.load %arg8[%get3A_20, %get3A_21] : memref<128x256xf32, #tpu.memory_space<vmem>>, vector<128x256xf32>
    %dot_general3A = arith.constant dense<0.000000e+00> : vector<128x256xf32>
    %dot_general3A_23 = tpu.matmul %convert_element_type3A_9, %concatenate3A, %dot_general3A {dimension_numbers = #tpu.dot_dimension_numbers<[1], [0], [0], [1], [0, 0, 1, 1], [], []>, transpose_lhs_hint = false} : vector<128x1024xf32>, vector<1024x256xf32>, vector<128x256xf32> -> vector<128x256xf32>
    %add3A = arith.addf %get3A_22, %dot_general3A_23 : vector<128x256xf32>
    %swap3A = arith.constant 0 : index
    %swap3A_24 = arith.constant 0 : index
    %swap3A_25 = vector.load %arg8[%swap3A, %swap3A_24] : memref<128x256xf32, #tpu.memory_space<vmem>>, vector<128x256xf32>
    tpu.vector_store %arg8[%swap3A, %swap3A_24], %add3A {strides = array<i32>} : memref<128x256xf32, #tpu.memory_space<vmem>>, vector<128x256xf32>,
    %eq3A_26 = arith.constant 9 : i32
    %eq3A_27 = arith.cmpi eq, %arg0, %eq3A_26 : i32
    %convert_element_type3A_28 = arith.extui %eq3A_27 : i1 to i32
    %cond3A_29 = arith.constant 0 : i32
    %cond3A_30 = arith.cmpi ne, %convert_element_type3A_28, %cond3A_29 : i32
    scf.if %cond3A_30 {
      %get3A_31 = arith.constant 0 : index
      %get3A_32 = arith.constant 0 : index
      %get3A_33 = vector.load %arg8[%get3A_31, %get3A_32] : memref<128x256xf32, #tpu.memory_space<vmem>>, vector<128x256xf32>
      %get3A_34 = arith.constant 0 : index
      %get3A_35 = arith.constant 0 : index
      %get3A_36 = vector.load %arg3[%get3A_34, %get3A_35] : memref<256x256xf32, #tpu.memory_space<vmem>>, vector<256x256xf32>
      %dot_general3A_37 = arith.constant dense<0.000000e+00> : vector<128x256xf32>
      %dot_general3A_38 = tpu.matmul %get3A_33, %get3A_36, %dot_general3A_37 {dimension_numbers = #tpu.dot_dimension_numbers<[1], [0], [0], [1], [0, 0, 1, 1], [], []>, transpose_lhs_hint = false} : vector<128x256xf32>, vector<256x256xf32>, vector<128x256xf32> -> vector<128x256xf32>
      %get3A_39 = arith.constant 0 : index
      %get3A_40 = arith.constant 0 : index
      %get3A_41 = vector.load %arg4[%get3A_39, %get3A_40] : memref<1x256xf32, #tpu.memory_space<vmem>>, vector<1x256xf32>
      %add3A_42 = vector.broadcast %get3A_41 : vector<1x256xf32> to vector<128x256xf32>
      %add3A_43 = arith.addf %dot_general3A_38, %add3A_42 : vector<128x256xf32>
      %max3A = arith.constant 0.000000e+00 : f32
      %max3A_44 = vector.broadcast %max3A : f32 to vector<128x256xf32>
      %max3A_45 = arith.maximumf %add3A_43, %max3A_44 : vector<128x256xf32>
      %get3A_46 = arith.constant 0 : index
      %get3A_47 = arith.constant 0 : index
      %get3A_48 = vector.load %arg5[%get3A_46, %get3A_47] : memref<256x128xf32, #tpu.memory_space<vmem>>, vector<256x128xf32>
      %dot_general3A_49 = arith.constant dense<0.000000e+00> : vector<128x128xf32>
      %dot_general3A_50 = tpu.matmul %max3A_45, %get3A_48, %dot_general3A_49 {dimension_numbers = #tpu.dot_dimension_numbers<[1], [0], [0], [1], [0, 0, 1, 1], [], []>, transpose_lhs_hint = false} : vector<128x256xf32>, vector<256x128xf32>, vector<128x128xf32> -> vector<128x128xf32>
      %get3A_51 = arith.constant 0 : index
      %get3A_52 = arith.constant 0 : index
      %get3A_53 = vector.load %arg6[%get3A_51, %get3A_52] : memref<1x128xf32, #tpu.memory_space<vmem>>, vector<1x128xf32>
      %add3A_54 = vector.broadcast %get3A_53 : vector<1x128xf32> to vector<128x128xf32>
      %add3A_55 = arith.addf %dot_general3A_50, %add3A_54 : vector<128x128xf32>
      %reduce_max3A = arith.constant dense<0xFF800000> : vector<128xf32>
      %reduce_max3A_56 = vector.multi_reduction <maximumf>, %add3A_55, %reduce_max3A [1] : vector<128x128xf32> to vector<128xf32>
      %broadcast_in_dim3A_57 = vector.shape_cast %reduce_max3A_56 : vector<128xf32> to vector<128x1xf32>
      %sub3A = vector.broadcast %broadcast_in_dim3A_57 : vector<128x1xf32> to vector<128x128xf32>
      %sub3A_58 = arith.subf %add3A_55, %sub3A : vector<128x128xf32>
      %exp3A = math.exp %sub3A_58 : vector<128x128xf32>
      %reduce_sum3A = arith.constant dense<0.000000e+00> : vector<128xf32>
      %reduce_sum3A_59 = vector.multi_reduction <add>, %exp3A, %reduce_sum3A [1] : vector<128x128xf32> to vector<128xf32>
      %broadcast_in_dim3A_60 = vector.shape_cast %reduce_sum3A_59 : vector<128xf32> to vector<128x1xf32>
      %log3A = math.log %broadcast_in_dim3A_60 : vector<128x1xf32>
      %add3A_61 = arith.addf %log3A, %broadcast_in_dim3A_57 : vector<128x1xf32>
      %sub3A_62 = vector.broadcast %add3A_61 : vector<128x1xf32> to vector<128x128xf32>
      %sub3A_63 = arith.subf %add3A_55, %sub3A_62 : vector<128x128xf32>
      %swap3A_64 = arith.constant 0 : index
      %swap3A_65 = arith.constant 0 : index
      %swap3A_66 = vector.load %arg7[%swap3A_64, %swap3A_65] : memref<128x128xf32, #tpu.memory_space<vmem>>, vector<128x128xf32>
      tpu.vector_store %arg7[%swap3A_64, %swap3A_65], %sub3A_63 {strides = array<i32>} : memref<128x128xf32, #tpu.memory_space<vmem>>, vector<128x128xf32>,
    } else {
    }
    return
  }
  func.func @transform_0(%arg0: i32) -> (i32, i32, i32) {
    %c0_i32 = arith.constant 0 : i32
    %c0_i32_0 = arith.constant 0 : i32
    %c0_i32_1 = arith.constant 0 : i32
    return %c0_i32, %arg0, %c0_i32_0 : i32, i32, i32
  }
  func.func @transform_1(%arg0: i32) -> (i32, i32, i32) {
    %c0_i32 = arith.constant 0 : i32
    %c0_i32_0 = arith.constant 0 : i32
    %c0_i32_1 = arith.constant 0 : i32
    return %arg0, %c0_i32, %c0_i32_0 : i32, i32, i32
  }
  func.func @transform_2(%arg0: i32) -> (i32, i32) {
    %c0_i32 = arith.constant 0 : i32
    %c0_i32_0 = arith.constant 0 : i32
    %c0_i32_1 = arith.constant 0 : i32
    return %c0_i32, %c0_i32_0 : i32, i32
  }
  func.func @transform_3(%arg0: i32) -> (i32, i32) {
    %c0_i32 = arith.constant 0 : i32
    %c0_i32_0 = arith.constant 0 : i32
    %c0_i32_1 = arith.constant 0 : i32
    return %c0_i32, %c0_i32_0 : i32, i32
  }
  func.func @transform_4(%arg0: i32) -> (i32, i32) {
    %c0_i32 = arith.constant 0 : i32
    %c0_i32_0 = arith.constant 0 : i32
    %c0_i32_1 = arith.constant 0 : i32
    return %c0_i32, %c0_i32_0 : i32, i32
  }
  func.func @transform_5(%arg0: i32) -> (i32, i32) {
    %c0_i32 = arith.constant 0 : i32
    %c0_i32_0 = arith.constant 0 : i32
    %c0_i32_1 = arith.constant 0 : i32
    return %c0_i32, %c0_i32_0 : i32, i32
  }
  func.func @transform_6(%arg0: i32) -> (i32, i32) {
    %c0_i32 = arith.constant 0 : i32
    %c0_i32_0 = arith.constant 0 : i32
    %c0_i32_1 = arith.constant 0 : i32
    return %c0_i32, %c0_i32_0 : i32, i32
  }
}

</mosaic_0001>

<sc_bundles>
// kernel: kernel.13.cloned.1.call-start
scs
__scs_entry_jumppad:
0x0: {  	(pc) =	sbr.rel $0x88, $3  }
0x1: {  	(tag) =	ssettag $0x0;
	lr =	simm.s32 $0x1  }
0x2: {  	[smem:$0x3F7C] =	sst lr;
	_ =	strace $0xD0000000  }
0x3: {  	_ = 	snop  }
0x4: {  	_ = 	snop  }
0x5: {  	_ = 	snop  }
0x6: {  	_ = 	snop  }
0x7: {  	_ = 	snop  }
__scs_overlays_trampoline_lowered:
0x8: {  	[smem:$0x3F8B] =	sst s0  }
0x9: {  	[smem:$0x3F8C] =	sst s1  }
0xa: {  	[smem:$0x3F8D] =	sst s2  }
0xb: {  	[smem:$0x3F8E] =	sst s3  }
0xc: {  	[smem:$0x3F8F] =	sst s4  }
0xd: {  	[smem:$0x3F90] =	sst s5  }
0xe: {  	[smem:$0x3F91] =	sst s6  }
0xf: {  	[smem:$0x3F92] =	sst s7  }
0x10: {  	[smem:$0x3F93] =	sst s8  }
0x11: {  	[smem:$0x3F94] =	sst s9;
	s0 =	simm.s32 @!p0 $0x0  }
0x12: {  	s1 =	sld [smem:$0x3F7A];
	s0 =	simm.s32 @p0 $0x1  }
0x13: {  	[smem:$0x3F95] =	sst s0;
	s0 =	simm.s32 @!p1 $0x0  }
0x14: {  	s2 =	sld [smem:$0x3F79];
	s0 =	simm.s32 @p1 $0x1  }
0x15: {  	[smem:$0x3F96] =	sst s0;
	s0 =	simm.s32 @!p2 $0x0  }
0x16: {  	s3 =	sld [smem:$0x3FDB];
	s0 =	simm.s32 @p2 $0x1  }
0x17: {  	s4 =	simm.s32 $0x1BF5;
	[smem:$0x3F98] =	sst s0  }
0x18: {  	s0 =	sld [smem:$0x3F7B];
	_ =	swait.ge [sflag:s4], $0x0  }
0x19: {  	s7 =	sld [smem:$0x3F7C]  }
0x1a: {  	s8 =	sadd.s32 $0xFFFFE003, lr  }
0x1b: {  	s9 =	sadd.s32 $0xFFFFFEF7, lr;
	s5 =	simm.s32 $0xFFFFFFFF;
	p2 =	slt.u32 s8, $0xFFFFF086  }
0x1c: {  	p1 =	slt.u32 s9, $0xF7A;
	s5 =	simm.s32 @!p2 $0x0  }
0x1d: {  	s5 =	simm.s32 @p1 $0x1;
	p0 =	seq.s32 s7, s2  }
0x1e: {  	s7 =	smul.u32 @!p0 $0xF7A, s2;
	p2 =	seq.s32 @!p0 s5, $0x0  }
0x1f: {  	s9 =	smul.u32 $0xF7A, s1;
	s8 =	simm.s32 @!p0 $0x1BF5;
	p2 =	por !p2, p0  }
0x20: {  	[sflag:s8] =	ssyncset.s32 @!p0 $0xFFFFF086;
	s6 =	sadd.s32 @!p0 s3, s7;
	s7 =	simm.s32 @!p0 $0x108  }
0x21: {  	s3 =	sadd.s32 s3, s9;
	s6 =	sadd.s32 @!p0 $0x88, s6;
	s7 =	simm.s32 @p2 $0x1082  }
0x22: {  	[simem:s7], [sflag:s8] =	dma.local @!p0 [hbm:s6], $0xF7A  }
0x23: {  	s9 =	sor.u32 $0xD0000000, s2;
	s6 =	simm.s32 $0x108;
	_ =	swait.ge @!p0 [sflag:s8], $0x0  }
0x24: {  	s3 =	sadd.s32 $0x88, s3;
	s6 =	simm.s32 @!p1 $0x1082;
	[sflag:s4] =	ssyncset.s32 $0xFFFFF086  }
0x25: {  	[simem:s6], [sflag:s4] =	dma.local [hbm:s3], $0xF7A  }
0x26: {  	[smem:$0x3F7C] =	sst s1;
	(tag) =	ssettag s2;
	_ =	strace s9  }
0x27: {  	s1 =	sld [smem:$0x3F8C]  }
0x28: {  	s2 =	sld [smem:$0x3F8D]  }
0x29: {  	s4 =	sld [smem:$0x3F8F]  }
0x2a: {  	p0 =	seq.s32 s5, $0x0;
	s5 =	sld [smem:$0x3F90]  }
0x2b: {  	s6 =	sld [smem:$0x3F91]  }
0x2c: {  	s7 =	sld [smem:$0x3F92]  }
0x2d: {  	s3 =	simm.s32 $0x108;
	s8 =	sld [smem:$0x3F93]  }
0x2e: {  	s3 =	simm.s32 @!p0 $0x1082;
	s9 =	sld [smem:$0x3F94]  }
0x2f: {  	lr =	sadd.s32 s0, s3;
	s0 =	sld [smem:$0x3F8B]  }
0x30: {  	s3 =	sld [smem:$0x3F8E]  }
0x31: {  	[smem:$0x3F97] =	sst s10  }
0x32: {  	s10 =	sld [smem:$0x3F95];
	_ =	sdelay $0x3  }
0x33: {  	p0 =	seq.s32 s10, $0x1;
	s10 =	sld [smem:$0x3F97];
	_ =	sdelay $0x3  }
0x34: {  	[smem:$0x3F97] =	sst s10  }
0x35: {  	s10 =	sld [smem:$0x3F96];
	_ =	sdelay $0x3  }
0x36: {  	p1 =	seq.s32 s10, $0x1;
	s10 =	sld [smem:$0x3F97];
	_ =	sdelay $0x3  }
0x37: {  	[smem:$0x3F97] =	sst s10  }
0x38: {  	s10 =	sld [smem:$0x3F98]  }
0x39: {  	_ = 	snop;
	(pc) =	sbr.ind lr, $3  }
0x3a: {  	_ = 	snop  }
0x3b: {  	_ = 	snop  }
0x3c: {  	p2 =	seq.s32 s10, $0x1;
	s10 =	sld [smem:$0x3F97]  }
0x3d: {  	_ =	shalt  }
0x3e: {  	_ =	shalt  }
0x3f: {  	_ =	shalt  }
0x40: {  	_ =	shalt  }
0x41: {  	_ =	shalt  }
0x42: {  	_ =	shalt  }
0x43: {  	_ =	shalt  }
0x44: {  	_ =	shalt  }
0x45: {  	_ =	shalt  }
0x46: {  	_ =	shalt  }
0x47: {  	_ =	shalt  }
0x48: {  	_ =	shalt  }
0x49: {  	_ =	shalt  }
0x4a: {  	_ =	shalt  }
0x4b: {  	_ =	shalt  }
0x4c: {  	_ =	shalt  }
0x4d: {  	_ =	shalt  }
0x4e: {  	_ =	shalt  }
0x4f: {  	_ =	shalt  }
0x50: {  	_ =	shalt  }
0x51: {  	_ =	shalt  }
0x52: {  	_ =	shalt  }
0x53: {  	_ =	shalt  }
0x54: {  	_ =	shalt  }
0x55: {  	_ =	shalt  }
0x56: {  	_ =	shalt  }
0x57: {  	_ =	shalt  }
0x58: {  	_ =	shalt  }
0x59: {  	_ =	shalt  }
0x5a: {  	_ =	shalt  }
0x5b: {  	_ =	shalt  }
0x5c: {  	_ =	shalt  }
0x5d: {  	_ =	shalt  }
0x5e: {  	_ =	shalt  }
0x5f: {  	_ =	shalt  }
0x60: {  	_ =	shalt  }
0x61: {  	_ =	shalt  }
0x62: {  	_ =	shalt  }
0x63: {  	_ =	shalt  }
0x64: {  	_ =	shalt  }
0x65: {  	_ =	shalt  }
0x66: {  	_ =	shalt  }
0x67: {  	_ =	shalt  }
0x68: {  	_ =	shalt  }
0x69: {  	_ =	shalt  }
0x6a: {  	_ =	shalt  }
0x6b: {  	_ =	shalt  }
0x6c: {  	_ =	shalt  }
0x6d: {  	_ =	shalt  }
0x6e: {  	_ =	shalt  }
0x6f: {  	_ =	shalt  }
0x70: {  	_ =	shalt  }
0x71: {  	_ =	shalt  }
0x72: {  	_ =	shalt  }
0x73: {  	_ =	shalt  }
0x74: {  	_ =	shalt  }
0x75: {  	_ =	shalt  }
0x76: {  	_ =	shalt  }
0x77: {  	_ =	shalt  }
0x78: {  	_ =	shalt  }
0x79: {  	_ =	shalt  }
0x7a: {  	_ =	shalt  }
0x7b: {  	_ =	shalt  }
0x7c: {  	_ =	shalt  }
0x7d: {  	_ =	shalt  }
0x7e: {  	_ =	shalt  }
0x7f: {  	_ =	shalt  }
0x80: {  	_ =	shalt  }
0x81: {  	_ =	shalt  }
0x82: {  	_ =	shalt  }
0x83: {  	_ =	shalt  }
0x84: {  	_ =	shalt  }
0x85: {  	_ =	shalt  }
0x86: {  	_ =	shalt  }
0x87: {  	_ =	shalt  }
.Lfunc_end0:
.L_simem_size_0:
called_computation_lowered:
.L_overlay_start_0:
0x88: {  	s2 =	sld [smem:$0x3FD9]  }
0x89: {  	s3 =	sld [smem:$0x3FFE];
	_ =	sdelay $0x1  }
0x8a: {  	s1 =	srdreg.scid  }
0x8b: {  	s0 =	sand.u32 $0x1, s1  }
0x8c: {  	s16 =	sshll.u32 s0, $0xA;
	s2 =	sadd.s32 s3, s2  }
0x8d: {  	s2 =	sadd.s32 s2, s16  }
0x8e: {  	[smem:$0x3FA3] =	sst s2  }
0x8f: {  	_ = 	snop  }
0x90: {  	(tm) =	ssettm $0x1  }
0x91: {  	s17 =	sld [smem:$0x3FFB];
	_ =	sdelay $0x3  }
0x92: {  	_ =	strace s17  }
0x93: {  	s2 =	sld [smem:$0x3FFC];
	_ =	sdelay $0x3  }
0x94: {  	_ =	strace s2  }
0x95: {  	s2 =	sld [smem:$0x3FFD];
	_ =	sdelay $0x3  }
0x96: {  	_ =	strace s2  }
0x97: {  	_ =	strace $0x8FFFFFFF  }
0x98: {  	s18 =	sld [smem:$0x3FDB];
	_ =	sdelay $0x1  }
0x99: {  	s19 =	simm.s32 $_scs_section_size  }
0x9a: {  	s4 =	simm.s32 $_size__tile_overlayer_lowered;
	s5 =	simm.s32 $_tile_overlayer_lowered  }
0x9b: {  	s22 =	simm.s32 $0x1BFF;
	s21 =	sshll.u32 s5, $0x1;
	s2 =	sadd.s32 s19, s18  }
0x9c: {  	s6 =	simm.s32 $0x0;
	s20 =	sshll.u32 s4, $0x1;
	s4 =	sadd.s32 s21, s2  }
0x9d: {  	[timem:s6], [sflag:s22] =	dma.local [hbm:s4], s20  }
0x9e: {  	_ =	swait.ge [sflag:s22], s20  }
0x9f: {  	s3 =	ssub.s32 $0x0, s20;
	[sflag:s22] =	ssyncset.done $0x0  }
0xa0: {  	[sflag:s22] =	ssyncadd.s32 s3;
	_ =	sdelay $0x1  }
0xa1: {  	s23 =	simm.s32 $0x1B8B  }
0xa2: {  	_ =	swait.ge [sflag:s23], $0x1  }
0xa3: {  	[sflag:s23] =	ssyncset.done $0x0  }
0xa4: {  	s25 =	simm.s32 $0x1B8E;
	s24 =	sld [smem:$0x3FFE];
	[sflag:s23] =	ssyncadd.s32 $0xFFFFFFFF  }
0xa5: {  	s26 =	simm.s32 $execute0_lowered;
	[smem:$0x3FD2] =	sst s25  }
0xa6: {  	s4 =	sshll.u32 s26, $0x1;
	_ =	strace $0x80000046;
	[dreg:$0x1] =	wrdreg $0xFFFFFFFF  }
0xa7: {  	s28 =	simm.s32 $_size_execute0_lowered;
	s2 =	sadd.s32 s2, s4;
	[dreg:$0x0] =	wrdreg $0x0  }
0xa8: {  	s4 =	sshll.u32 s28, $0x1;
	[dreg:$0x2] =	wrdreg s2  }
0xa9: {  	[dreg:$0x3] =	wrdreg s4  }
0xaa: {  	[dreg:$0x4] =	wrdreg $0xC0  }
0xab: {  	_ =	task [dreg:s6], $0x5FFFF  }
0xac: {  	[dreg:$0x1] =	wrdreg $0xFFFFFFFF  }
0xad: {  	[dreg:$0x0] =	wrdreg $0x60  }
0xae: {  	[dreg:$0x2] =	wrdreg s24  }
0xaf: {  	[dreg:$0x3] =	wrdreg $0xA0000  }
0xb0: {  	[dreg:$0x4] =	wrdreg $0x9  }
0xb1: {  	_ =	task.clear_ibuf [dreg:s6], $0x5FFFF;
	_ =	strace $0x90000046  }
0xb2: {  	s29 =	simm.s32 $0x9;
	_ =	strace $0x80000048  }
0xb3: {  	_ =	swait.ge [sflag:s29], $0x1  }
0xb4: {  	[sflag:s29] =	ssyncadd.s32 $0xFFFFFFFF  }
0xb5: {  	_ =	strace $0x90000048  }
0xb6: {  	_ =	sfence  }
0xb7: {  	s30 =	sld [smem:$0x0];
	_ =	sdelay $0x2  }
0xb8: {  	s31 =	sshll.u32 s1, $0xD;
	s1 =	sshrl.u32 s1, $0x2  }
0xb9: {  	s3 =	sand.u32 $0x4000, s31;
	s1 =	sadd.s32 s1, s30  }
0xba: {  	s0 =	sor.u32 s3, s0;
	s1 =	sshll.u32 s1, $0x11  }
0xbb: {  	s0 =	sor.u32 s1, s0  }
0xbc: {  	s0 =	sadd.s32 $0x8F2B, s0  }
0xbd: {  	[sflag:s0] =	ssyncadd.remote.s32 $0x1  }
0xbe: {  	_ =	sfence.sel $0xFFFF  }
0xbf: {  	[dreg:$0x0] =	wrdreg $0xFFFFFFFF;
	(pc) =	sbr.abs _section_cstart, $3  }
0xc0: {  	[dreg:$0x1] =	wrdreg $0xFFFFFFFF  }
0xc1: {  	_ =	task.clear_ibuf [dreg:s6], $0x2FFFF;
	_ =	strace $0x9FFFFFFF  }
0xc2: {  	(tm) =	ssettm $0x7FFFFFFF  }
0xc3: {  	_ =	shalt  }
tec
execute0_lowered:
.L_overlay_start_1:
0x0: {  	(tag) =	ssettag $0x1  }
0x1: {  	s0 =	rddreg [dreg:$0x0]  }
0x2: {  	s1 =	rddreg [dreg:$0x1]  }
0x3: {  	s2 =	srdreg.scid;
	s4 =	simm.s32 $0x0;
	s9 =	stileid.u32  }
0x4: {  	s29 =	simm.s32 $0x6000;
	s30 =	simm.s32 $0x1;
	s10 =	simm.s32 $0x3  }
0x5: {  	s11 =	simm.s32 $0x1100;
	s12 =	simm.s32 $0x6;
	s13 =	simm.s32 $0x280  }
0x6: {  	s14 =	simm.s32 $0x4;
	s15 =	simm.s32 $0x1180;
	s16 =	simm.s32 $0x7  }
0x7: {  	s2 =	sand.u32 $0x1, s2;
	[smem:$0x7FF] =	sst s4;
	s7 =	smul.u32 $0x50000, s9  }
0x8: {  	s6 =	smul.u32 $0x14000, s9;
	s4 =	sadd.s32 $0x32600, s0;
	s5 =	sadd.s32 $0x1E600, s0  }
0x9: {  	s8 =	sadd.s32 $0x5A600, s0;
	s3 =	smul.u32 $0x140000, s2;
	s7 =	sshrl.u32 s7, $0x2  }
0xa: {  	_ =	strace $0x80000047;
	[dreg:$0x3] =	wrdreg s8;
	s20 =	sadd.s32 s7, s1  }
0xb: {  	s17 =	ssub.s32 $0x2, s2;
	s7 =	sadd.s32 $0x2000, s20;
	[dreg:$0x4] =	wrdreg s20  }
0xc: {  	s2 =	sshll.u32 s2, $0x4;
	s19 =	sadd.s32 $0x4000, s20;
	[dreg:$0x5] =	wrdreg s7  }
0xd: {  	s8 =	simm.s32 $0x0;
	s21 =	sadd.s32 $0x6000, s20;
	[dreg:$0x6] =	wrdreg s19  }
0xe: {  	s18 =	sshrl.u32 s17, $0x1;
	s22 =	sadd.s32 $0x8000, s20;
	[dreg:$0x7] =	wrdreg s21  }
0xf: {  	s2 =	sor.u32 s9, s2;
	s23 =	sadd.s32 $0xA000, s20;
	[dreg:$0x8] =	wrdreg s22  }
0x10: {  	s3 =	sadd.s32 s6, s3;
	s24 =	sadd.s32 $0xC000, s20;
	[dreg:$0x9] =	wrdreg s23  }
0x11: {  	s6 =	sadd.s32 $0xA600, s0;
	s25 =	sadd.s32 $0xE000, s20;
	[dreg:$0xa] =	wrdreg s24  }
0x12: {  	s3 =	sshrl.u32 s3, $0x3;
	s26 =	sadd.s32 $0x10000, s20;
	[dreg:$0xb] =	wrdreg s25  }
0x13: {  	s28 =	sadd.s32 $0x12000, s20;
	s0 =	sadd.s32 s3, s0;
	[dreg:$0xc] =	wrdreg s26  }
0x14: {  	s3 =	ssub.s32 s17, s18;
	[dreg:$0xd] =	wrdreg s28;
	s18 =	smul.u32 $0x5000, s2  }
.Ltmp0:
0x15: {  	s21 =	simm.s32 $0x2000;
	s22 =	simm.s32 $0x9;
	(pc) =	sbr.rel .LBB2_1-.Ltmp0, $4  }
0x16: {  	s23 =	simm.s32 $0x1000;
	s24 =	simm.s32 $0x40;
	s26 =	simm.s32 $0x4000  }
0x17: {  	s7 =	simm.s32 $0x5;
	s17 =	simm.s32 $0x300;
	s0 =	sadd.s32 $0x5AA00, s0  }
0x18: {  	s19 =	simm.s32 $0x8;
	s31 =	smax.u32 s3, $0x1;
	[dreg:$0xe] =	wrdreg s0  }
0x19: {  	s3 =	simm.s32 $0x2;
	[dreg:$0xf] =	wrdreg s31;
	s0 =	simm.s32 $0x8000  }
.LBB2_6:
0x1a: {  	s2 =	stileid.u32;
	[bflag:$0x0] =	sbarrier.arrive $0xFFFF  }
0x1b: {  	s2 =	sshll.u32 s2, $0x6;
	s20 =	rddreg [dreg:$0x4]  }
0x1c: {  	s9 =	rddreg [dreg:$0xe];
	s2 =	sor.u32 $0x1C09, s2;
	s8 =	sshrl.u32 s20, $0x3  }
0x1d: {  	[hbm:s9], [sflag:s2] =	dma.local [spmem:s8], $0x2800  }
0x1e: {  	_ =	swait.ge [sflag:s22], $0x2800  }
0x1f: {  	s28 =	rddreg [dreg:$0x10]  }
0x20: {  	s31 =	rddreg [dreg:$0xf];
	s8 =	sadd.s32 $0x1, s28  }
0x21: {  	p0 =	sne.s32 s8, s31  }
.Ltmp1:
0x22: {  	_ = 	snop;
	(pc) =	sbr.rel @!p0 .LBB2_7-.Ltmp1, $3  }
0x23: {  	_ =	sdelay $0x1  }
0x24: {  	[sflag:s22] =	ssyncset.done $0x0  }
0x25: {  	[sflag:s22] =	ssyncadd.s32 $0xFFFFD800  }
.LBB2_1:
0x26: {  	[dreg:$0x10] =	wrdreg s8  }
0x27: {  	s2 =	simm.s32 $0x0;
	s9 =	rddreg [dreg:$0x3]  }
0x28: {  	[tilespmem:s21], [sflag:$0x9] =	stream.linear.gather [hbm4b:s9+s2], $0x2000, $0x38;
	[tilespmem:$0x1E000] =	vst v63  }
0x29: {  	_ =	swait.ge [sflag:s22], $0x2000  }
0x2a: {  	[sflag:s22] =	ssyncset.done $0x0  }
0x2b: {  	[sflag:s22] =	ssyncadd.s32 $0xFFFFE000  }
0x2c: {  	[spmem:s20] =	stream.linear.scatter [tilespmem:s21], [sflag:$0x9], $0x2000, $0x38;
	[tilespmem:$0x1E000] =	vst v63  }
0x2d: {  	_ =	swait.ge [sflag:s22], $0x2000  }
0x2e: {  	[sflag:s22] =	ssyncset.done $0x0  }
0x2f: {  	s25 =	rddreg [dreg:$0x5];
	[sflag:s22] =	ssyncadd.s32 $0xFFFFE000  }
0x30: {  	[spmem:s25] =	stream.linear.scatter [tilespmem:s21], [sflag:$0x9], $0x2000, $0x38;
	[tilespmem:$0x1E000] =	vst v63  }
0x31: {  	_ =	swait.ge [sflag:s22], $0x2000  }
0x32: {  	[sflag:s22] =	ssyncset.done $0x0  }
0x33: {  	s28 =	rddreg [dreg:$0x6];
	[sflag:s22] =	ssyncadd.s32 $0xFFFFE000  }
0x34: {  	[spmem:s28] =	stream.linear.scatter [tilespmem:s21], [sflag:$0x9], $0x2000, $0x38;
	[tilespmem:$0x1E000] =	vst v63  }
0x35: {  	_ =	swait.ge [sflag:s22], $0x2000  }
0x36: {  	[sflag:s22] =	ssyncset.done $0x0  }
0x37: {  	s31 =	rddreg [dreg:$0x7];
	[sflag:s22] =	ssyncadd.s32 $0xFFFFE000  }
0x38: {  	[spmem:s31] =	stream.linear.scatter [tilespmem:s21], [sflag:$0x9], $0x2000, $0x38;
	[tilespmem:$0x1E000] =	vst v63  }
0x39: {  	_ =	swait.ge [sflag:s22], $0x2000  }
0x3a: {  	[sflag:s22] =	ssyncset.done $0x0  }
0x3b: {  	s8 =	rddreg [dreg:$0x8];
	[sflag:s22] =	ssyncadd.s32 $0xFFFFE000  }
0x3c: {  	[spmem:s8] =	stream.linear.scatter [tilespmem:s21], [sflag:$0x9], $0x2000, $0x38;
	[tilespmem:$0x1E000] =	vst v63  }
0x3d: {  	_ =	swait.ge [sflag:s22], $0x2000  }
0x3e: {  	[sflag:s22] =	ssyncset.done $0x0  }
0x3f: {  	s9 =	rddreg [dreg:$0x9];
	[sflag:s22] =	ssyncadd.s32 $0xFFFFE000  }
0x40: {  	[spmem:s9] =	stream.linear.scatter [tilespmem:s21], [sflag:$0x9], $0x2000, $0x38;
	[tilespmem:$0x1E000] =	vst v63  }
0x41: {  	_ =	swait.ge [sflag:s22], $0x2000  }
0x42: {  	[sflag:s22] =	ssyncset.done $0x0  }
0x43: {  	s20 =	rddreg [dreg:$0xa];
	[sflag:s22] =	ssyncadd.s32 $0xFFFFE000  }
0x44: {  	[spmem:s20] =	stream.linear.scatter [tilespmem:s21], [sflag:$0x9], $0x2000, $0x38;
	[tilespmem:$0x1E000] =	vst v63  }
0x45: {  	_ =	swait.ge [sflag:s22], $0x2000  }
0x46: {  	[sflag:s22] =	ssyncset.done $0x0  }
0x47: {  	s25 =	rddreg [dreg:$0xb];
	[sflag:s22] =	ssyncadd.s32 $0xFFFFE000  }
0x48: {  	[spmem:s25] =	stream.linear.scatter [tilespmem:s21], [sflag:$0x9], $0x2000, $0x38;
	[tilespmem:$0x1E000] =	vst v63  }
0x49: {  	_ =	swait.ge [sflag:s22], $0x2000  }
0x4a: {  	[sflag:s22] =	ssyncset.done $0x0  }
0x4b: {  	s28 =	rddreg [dreg:$0xc];
	[sflag:s22] =	ssyncadd.s32 $0xFFFFE000  }
0x4c: {  	[spmem:s28] =	stream.linear.scatter [tilespmem:s21], [sflag:$0x9], $0x2000, $0x38;
	[tilespmem:$0x1E000] =	vst v63  }
0x4d: {  	_ =	swait.ge [sflag:s22], $0x2000  }
0x4e: {  	[sflag:s22] =	ssyncset.done $0x0  }
0x4f: {  	s31 =	rddreg [dreg:$0xd];
	[sflag:s22] =	ssyncadd.s32 $0xFFFFE000  }
0x50: {  	[spmem:s31] =	stream.linear.scatter [tilespmem:s21], [sflag:$0x9], $0x2000, $0x38;
	[tilespmem:$0x1E000] =	vst v63  }
.Ltmp2:
0x51: {  	_ =	swait.ge [sflag:s22], $0x2000;
	(pc) =	sbr.rel .LBB2_2-.Ltmp2, $4  }
0x52: {  	[sflag:s22] =	ssyncset.done $0x0  }
0x53: {  	[sflag:s22] =	ssyncadd.s32 $0xFFFFE000  }
0x54: {  	[bflag:$0x0] =	sbarrier.arrive $0xFFFF  }
0x55: {  	s8 =	simm.s32 $0x0  }
.LBB2_5:
0x56: {  	_ =	swait.ge [sflag:s7], $0x2000  }
0x57: {  	[sflag:s7] =	ssyncset.done $0x0  }
0x58: {  	[sflag:s7] =	ssyncadd.s32 $0xFFFFE000  }
0x59: {  	_ =	swait.ge [sflag:s12], $0x2000  }
0x5a: {  	[sflag:s12] =	ssyncset.done $0x0  }
0x5b: {  	s8 =	sadd.s32 $0x1, s8;
	[sflag:s12] =	ssyncadd.s32 $0xFFFFE000  }
0x5c: {  	p0 =	sne.s32 s8, $0x5;
	_ =	swait.ge [sflag:s16], $0x2000  }
.Ltmp3:
0x5d: {  	[sflag:s16] =	ssyncset.done $0x0;
	(pc) =	sbr.rel @!p0 .LBB2_6-.Ltmp3, $4  }
0x5e: {  	[sflag:s16] =	ssyncadd.s32 $0xFFFFE000  }
0x5f: {  	_ =	swait.ge [sflag:s19], $0x2000  }
0x60: {  	[sflag:s19] =	ssyncset.done $0x0  }
0x61: {  	[sflag:s19] =	ssyncadd.s32 $0xFFFFE000  }
.LBB2_2:
0x62: {  	s20 =	sshll.u32 s8, $0xC  }
0x63: {  	s20 =	sadd.s32 s18, s20  }
0x64: {  	s25 =	sshrl.u32 s20, $0x3  }
0x65: {  	s20 =	simm.s32 $0x0;
	s28 =	sadd.s32 s5, s25  }
0x66: {  	[tilespmem:s20], [sflag:$0x9] =	stream.linear.gather [hbm4b:s28+s20], $0x1000, $0x38;
	[tilespmem:$0x1E000] =	vst v63  }
0x67: {  	_ =	swait.ge [sflag:s22], $0x1000  }
0x68: {  	[sflag:s22] =	ssyncset.done $0x0  }
0x69: {  	s25 =	sadd.s32 s6, s25;
	[sflag:s22] =	ssyncadd.s32 $0xFFFFF000  }
0x6a: {  	[tilespmem:s23], [sflag:$0x9] =	stream.linear.gather [hbm4b:s25+s20], $0x1000, $0x38;
	[tilespmem:$0x1E000] =	vst v63  }
0x6b: {  	_ =	swait.ge [sflag:s22], $0x1000  }
0x6c: {  	[sflag:s22] =	ssyncset.done $0x0  }
0x6d: {  	[sflag:s22] =	ssyncadd.s32 $0xFFFFF000  }
0x6e: {  	[tilespmem:s21], [sflag:$0x1] =	stream.indirect.gather [hbm4b:s4+s24], $0x80, s20, s24, $0xb8;
	[tilespmem:$0x1E000] =	vst v63  }
0x6f: {  	s2 =	simm.s32 $0x80  }
0x70: {  	[tilespmem:s26], [sflag:$0x2] =	stream.indirect.gather [hbm4b:s4+s24], $0x80, s2, s24, $0xb8;
	[tilespmem:$0x1E000] =	vst v63  }
0x71: {  	s9 =	simm.s32 $0x100  }
0x72: {  	[tilespmem:s29], [sflag:$0x3] =	stream.indirect.gather [hbm4b:s4+s24], $0x80, s9, s24, $0xb8;
	[tilespmem:$0x1E000] =	vst v63  }
0x73: {  	_ =	swait.ge [sflag:s30], $0x2000  }
0x74: {  	[sflag:s30] =	ssyncset.done $0x0  }
0x75: {  	[sflag:s30] =	ssyncadd.s32 $0xFFFFE000  }
0x76: {  	[spmem:s1] =	stream.indirect.scatter.add.f32 [tilespmem:s21], [sflag:$0x5], $0x80, s23, s24, $0xb8;
	[tilespmem:$0x1E000] =	vst v63  }
0x77: {  	s25 =	simm.s32 $0x180  }
0x78: {  	[tilespmem:s0], [sflag:$0x4] =	stream.indirect.gather [hbm4b:s4+s24], $0x80, s25, s24, $0xb8;
	[tilespmem:$0x1E000] =	vst v63  }
0x79: {  	_ =	swait.ge [sflag:s3], $0x2000  }
0x7a: {  	[sflag:s3] =	ssyncset.done $0x0  }
0x7b: {  	s28 =	simm.s32 $0x1080;
	[sflag:s3] =	ssyncadd.s32 $0xFFFFE000  }
0x7c: {  	[spmem:s1] =	stream.indirect.scatter.add.f32 [tilespmem:s26], [sflag:$0x6], $0x80, s28, s24, $0xb8;
	[tilespmem:$0x1E000] =	vst v63  }
0x7d: {  	_ =	swait.ge [sflag:s7], $0x2000  }
0x7e: {  	[sflag:s7] =	ssyncset.done $0x0  }
0x7f: {  	s31 =	simm.s32 $0x200;
	[sflag:s7] =	ssyncadd.s32 $0xFFFFE000  }
0x80: {  	[tilespmem:s21], [sflag:$0x1] =	stream.indirect.gather [hbm4b:s4+s24], $0x80, s31, s24, $0xb8;
	[tilespmem:$0x1E000] =	vst v63  }
0x81: {  	_ =	swait.ge [sflag:s10], $0x2000  }
0x82: {  	[sflag:s10] =	ssyncset.done $0x0  }
0x83: {  	[sflag:s10] =	ssyncadd.s32 $0xFFFFE000  }
0x84: {  	[spmem:s1] =	stream.indirect.scatter.add.f32 [tilespmem:s29], [sflag:$0x7], $0x80, s11, s24, $0xb8;
	[tilespmem:$0x1E000] =	vst v63  }
0x85: {  	_ =	swait.ge [sflag:s12], $0x2000  }
0x86: {  	[sflag:s12] =	ssyncset.done $0x0  }
0x87: {  	[sflag:s12] =	ssyncadd.s32 $0xFFFFE000  }
0x88: {  	[tilespmem:s26], [sflag:$0x2] =	stream.indirect.gather [hbm4b:s4+s24], $0x80, s13, s24, $0xb8;
	[tilespmem:$0x1E000] =	vst v63  }
0x89: {  	_ =	swait.ge [sflag:s14], $0x2000  }
0x8a: {  	[sflag:s14] =	ssyncset.done $0x0  }
0x8b: {  	[sflag:s14] =	ssyncadd.s32 $0xFFFFE000  }
0x8c: {  	[spmem:s1] =	stream.indirect.scatter.add.f32 [tilespmem:s0], [sflag:$0x8], $0x80, s15, s24, $0xb8;
	[tilespmem:$0x1E000] =	vst v63  }
0x8d: {  	_ =	swait.ge [sflag:s16], $0x2000  }
0x8e: {  	[sflag:s16] =	ssyncset.done $0x0  }
0x8f: {  	[sflag:s16] =	ssyncadd.s32 $0xFFFFE000  }
0x90: {  	[tilespmem:s29], [sflag:$0x3] =	stream.indirect.gather [hbm4b:s4+s24], $0x80, s17, s24, $0xb8;
	[tilespmem:$0x1E000] =	vst v63  }
.LBB2_3:
0x91: {  	_ =	swait.ge [sflag:s30], $0x2000  }
0x92: {  	s25 =	sshra.s32 s20, $0x2;
	[sflag:s30] =	ssyncset.done $0x0  }
0x93: {  	s28 =	sadd.s32 $0x1200, s25;
	[sflag:s30] =	ssyncadd.s32 $0xFFFFE000  }
0x94: {  	[spmem:s1] =	stream.indirect.scatter.add.f32 [tilespmem:s21], [sflag:$0x5], $0x80, s28, s24, $0xb8;
	[tilespmem:$0x1E000] =	vst v63  }
0x95: {  	_ =	swait.ge [sflag:s19], $0x2000  }
0x96: {  	[sflag:s19] =	ssyncset.done $0x0  }
0x97: {  	s2 =	sadd.s32 $0x380, s25;
	[sflag:s19] =	ssyncadd.s32 $0xFFFFE000  }
0x98: {  	[tilespmem:s0], [sflag:$0x4] =	stream.indirect.gather [hbm4b:s4+s24], $0x80, s2, s24, $0xb8;
	[tilespmem:$0x1E000] =	vst v63  }
0x99: {  	_ =	swait.ge [sflag:s3], $0x2000  }
0x9a: {  	p0 =	seq.s32 s20, $0x3000;
	[sflag:s3] =	ssyncset.done $0x0  }
0x9b: {  	s9 =	sadd.s32 $0x1280, s25;
	s28 =	simm.s32 @p0 $0x3;
	[sflag:s3] =	ssyncadd.s32 $0xFFFFE000  }
0x9c: {  	[spmem:s1] =	stream.indirect.scatter.add.f32 [tilespmem:s26], [sflag:$0x6], $0x80, s9, s24, $0xb8;
	[tilespmem:$0x1E000] =	vst v63  }
0x9d: {  	_ =	swait.ge @p0 [sflag:s28], $0x2000  }
0x9e: {  	[sflag:s28] =	ssyncset.done @p0 $0x0  }
0x9f: {  	[sflag:s28] =	ssyncadd.s32 @p0 $0xFFFFE000;
	s28 =	sshra.s32 @p0 s20, $0x2  }
0xa0: {  	s31 =	simm.s32 @p0 $0x40;
	s2 =	simm.s32 @p0 $0x6000;
	s28 =	sadd.s32 @p0 $0x1300, s28  }
0xa1: {  	[spmem:s1] =	stream.indirect.scatter.add.f32 @p0 [tilespmem:s2], [sflag:$0x7], $0x80, s28, s31, $0xb8;
	[tilespmem:$0x1E000] =	vst v63  }
0xa2: {  	s2 =	simm.s32 @!p0 $0x5  }
0xa3: {  	_ =	swait.ge @!p0 [sflag:s2], $0x2000  }
0xa4: {  	[sflag:s2] =	ssyncset.done @!p0 $0x0  }
0xa5: {  	[sflag:s2] =	ssyncadd.s32 @!p0 $0xFFFFE000;
	s2 =	sshra.s32 @!p0 s20, $0x2  }
0xa6: {  	s9 =	simm.s32 @!p0 $0x2000;
	s31 =	simm.s32 @!p0 $0x40;
	s28 =	sadd.s32 @!p0 $0x400, s2  }
0xa7: {  	[tilespmem:s9], [sflag:$0x1] =	stream.indirect.gather @!p0 [hbm4b:s4+s31], $0x80, s28, s31, $0xb8;
	[tilespmem:$0x1E000] =	vst v63  }
0xa8: {  	s9 =	simm.s32 @!p0 $0x3  }
0xa9: {  	_ =	swait.ge @!p0 [sflag:s9], $0x2000  }
0xaa: {  	[sflag:s9] =	ssyncset.done @!p0 $0x0  }
0xab: {  	s28 =	simm.s32 @!p0 $0x6000;
	[sflag:s9] =	ssyncadd.s32 @!p0 $0xFFFFE000;
	s9 =	sadd.s32 @!p0 $0x1300, s2  }
0xac: {  	[spmem:s1] =	stream.indirect.scatter.add.f32 @!p0 [tilespmem:s28], [sflag:$0x7], $0x80, s9, s31, $0xb8;
	[tilespmem:$0x1E000] =	vst v63  }
0xad: {  	s9 =	simm.s32 @!p0 $0x6  }
0xae: {  	_ =	swait.ge @!p0 [sflag:s9], $0x2000  }
0xaf: {  	[sflag:s9] =	ssyncset.done @!p0 $0x0  }
0xb0: {  	s2 =	sadd.s32 @!p0 $0x480, s2;
	[sflag:s9] =	ssyncadd.s32 @!p0 $0xFFFFE000;
	s9 =	simm.s32 @!p0 $0x4000  }
0xb1: {  	[tilespmem:s9], [sflag:$0x2] =	stream.indirect.gather @!p0 [hbm4b:s4+s31], $0x80, s2, s31, $0xb8;
	[tilespmem:$0x1E000] =	vst v63  }
.Ltmp4:
0xb2: {  	_ = 	snop;
	(pc) =	sbr.rel @p0 .LBB2_5-.Ltmp4, $4  }
0xb3: {  	_ =	swait.ge [sflag:s14], $0x2000  }
0xb4: {  	[sflag:s14] =	ssyncset.done $0x0  }
0xb5: {  	s31 =	sadd.s32 $0x1380, s25;
	[sflag:s14] =	ssyncadd.s32 $0xFFFFE000  }
0xb6: {  	[spmem:s1] =	stream.indirect.scatter.add.f32 [tilespmem:s0], [sflag:$0x8], $0x80, s31, s24, $0xb8;
	[tilespmem:$0x1E000] =	vst v63  }
.Ltmp5:
0xb7: {  	(pc) =	sbr.rel .LBB2_3-.Ltmp5, $4  }
0xb8: {  	_ =	swait.ge [sflag:s16], $0x2000  }
0xb9: {  	[sflag:s16] =	ssyncset.done $0x0  }
0xba: {  	s2 =	sadd.s32 $0x500, s25;
	s20 =	sadd.s32 $0x800, s20;
	[sflag:s16] =	ssyncadd.s32 $0xFFFFE000  }
0xbb: {  	[tilespmem:s29], [sflag:$0x3] =	stream.indirect.gather [hbm4b:s4+s24], $0x80, s2, s24, $0xb8;
	[tilespmem:$0x1E000] =	vst v63  }
.LBB2_7:
0xbc: {  	_ =	sfence.sel $0x180000  }
0xbd: {  	[bflag:$0x0] =	sbarrier.arrive $0xFFFF  }
0xbe: {  	_ =	strace $0x90000047  }
0xbf: {  	s0 =	stileid.u32;
	[bflag:$0x2] =	sbarrier.arrive $0xFFFF  }
0xc0: {  	p0 =	sne.s32 s0, $0x0;
	s0 =	rddreg [dreg:$0x2]  }
0xc1: {  	s0 =	sadd.s32 @!p0 $0x100000, s0  }
0xc2: {  	[sflag:s0] =	ssyncadd.tile.s32 @!p0 $0x1;
	_ =	shalt  }
.Lfunc_end2:
_tile_overlayer_lowered:
.L_overlay_start_2:
0xc3: {  	(tag) =	ssettag $0x2  }
0xc4: {  	s0 =	rddreg [dreg:$0x0];
	s2 =	stileid.u32  }
0xc5: {  	s1 =	rddreg [dreg:$0x1];
	p0 =	sne.s32 s2, $0x0  }
0xc6: {  	s3 =	rddreg [dreg:$0x2];
	[bflag:$0x3] =	sbarrier.arrive $0xFFFF;
	s2 =	simm.s32 @!p0 $0x1C09  }
0xc7: {  	[timem:s3], [sflag:s2] =	dma.local @!p0 [hbm:s0], s1  }
0xc8: {  	s0 =	simm.s32 @!p0 $0x9  }
0xc9: {  	_ =	swait.ge @!p0 [sflag:s0], s1  }
0xca: {  	s1 =	ssub.s32 @!p0 $0x0, s1;
	[sflag:s0] =	ssyncset.done @!p0 $0x0  }
0xcb: {  	[sflag:s0] =	ssyncadd.s32 @!p0 s1  }
0xcc: {  	[bflag:$0x3] =	sbarrier.arrive $0xFFFF  }
0xcd: {  	_ =	shalt  }

// kernel: kernel.16.cloned.1.call-start
scs
__scs_entry_jumppad:
0x0: {  	(pc) =	sbr.rel $0x88, $3  }
0x1: {  	(tag) =	ssettag $0x0;
	lr =	simm.s32 $0x1  }
0x2: {  	[smem:$0x3F7C] =	sst lr;
	_ =	strace $0xD0000000  }
0x3: {  	_ = 	snop  }
0x4: {  	_ = 	snop  }
0x5: {  	_ = 	snop  }
0x6: {  	_ = 	snop  }
0x7: {  	_ = 	snop  }
__scs_overlays_trampoline_lowered:
0x8: {  	[smem:$0x3F8B] =	sst s0  }
0x9: {  	[smem:$0x3F8C] =	sst s1  }
0xa: {  	[smem:$0x3F8D] =	sst s2  }
0xb: {  	[smem:$0x3F8E] =	sst s3  }
0xc: {  	[smem:$0x3F8F] =	sst s4  }
0xd: {  	[smem:$0x3F90] =	sst s5  }
0xe: {  	[smem:$0x3F91] =	sst s6  }
0xf: {  	[smem:$0x3F92] =	sst s7  }
0x10: {  	[smem:$0x3F93] =	sst s8  }
0x11: {  	[smem:$0x3F94] =	sst s9;
	s0 =	simm.s32 @!p0 $0x0  }
0x12: {  	s1 =	sld [smem:$0x3F7A];
	s0 =	simm.s32 @p0 $0x1  }
0x13: {  	[smem:$0x3F95] =	sst s0;
	s0 =	simm.s32 @!p1 $0x0  }
0x14: {  	s2 =	sld [smem:$0x3F79];
	s0 =	simm.s32 @p1 $0x1  }
0x15: {  	[smem:$0x3F96] =	sst s0;
	s0 =	simm.s32 @!p2 $0x0  }
0x16: {  	s3 =	sld [smem:$0x3FDB];
	s0 =	simm.s32 @p2 $0x1  }
0x17: {  	s4 =	simm.s32 $0x1BF5;
	[smem:$0x3F98] =	sst s0  }
0x18: {  	s0 =	sld [smem:$0x3F7B];
	_ =	swait.ge [sflag:s4], $0x0  }
0x19: {  	s7 =	sld [smem:$0x3F7C]  }
0x1a: {  	s8 =	sadd.s32 $0xFFFFE003, lr  }
0x1b: {  	s9 =	sadd.s32 $0xFFFFFEF7, lr;
	s5 =	simm.s32 $0xFFFFFFFF;
	p2 =	slt.u32 s8, $0xFFFFF086  }
0x1c: {  	p1 =	slt.u32 s9, $0xF7A;
	s5 =	simm.s32 @!p2 $0x0  }
0x1d: {  	s5 =	simm.s32 @p1 $0x1;
	p0 =	seq.s32 s7, s2  }
0x1e: {  	s7 =	smul.u32 @!p0 $0xF7A, s2;
	p2 =	seq.s32 @!p0 s5, $0x0  }
0x1f: {  	s9 =	smul.u32 $0xF7A, s1;
	s8 =	simm.s32 @!p0 $0x1BF5;
	p2 =	por !p2, p0  }
0x20: {  	[sflag:s8] =	ssyncset.s32 @!p0 $0xFFFFF086;
	s6 =	sadd.s32 @!p0 s3, s7;
	s7 =	simm.s32 @!p0 $0x108  }
0x21: {  	s3 =	sadd.s32 s3, s9;
	s6 =	sadd.s32 @!p0 $0x88, s6;
	s7 =	simm.s32 @p2 $0x1082  }
0x22: {  	[simem:s7], [sflag:s8] =	dma.local @!p0 [hbm:s6], $0xF7A  }
0x23: {  	s9 =	sor.u32 $0xD0000000, s2;
	s6 =	simm.s32 $0x108;
	_ =	swait.ge @!p0 [sflag:s8], $0x0  }
0x24: {  	s3 =	sadd.s32 $0x88, s3;
	s6 =	simm.s32 @!p1 $0x1082;
	[sflag:s4] =	ssyncset.s32 $0xFFFFF086  }
0x25: {  	[simem:s6], [sflag:s4] =	dma.local [hbm:s3], $0xF7A  }
0x26: {  	[smem:$0x3F7C] =	sst s1;
	(tag) =	ssettag s2;
	_ =	strace s9  }
0x27: {  	s1 =	sld [smem:$0x3F8C]  }
0x28: {  	s2 =	sld [smem:$0x3F8D]  }
0x29: {  	s4 =	sld [smem:$0x3F8F]  }
0x2a: {  	p0 =	seq.s32 s5, $0x0;
	s5 =	sld [smem:$0x3F90]  }
0x2b: {  	s6 =	sld [smem:$0x3F91]  }
0x2c: {  	s7 =	sld [smem:$0x3F92]  }
0x2d: {  	s3 =	simm.s32 $0x108;
	s8 =	sld [smem:$0x3F93]  }
0x2e: {  	s3 =	simm.s32 @!p0 $0x1082;
	s9 =	sld [smem:$0x3F94]  }
0x2f: {  	lr =	sadd.s32 s0, s3;
	s0 =	sld [smem:$0x3F8B]  }
0x30: {  	s3 =	sld [smem:$0x3F8E]  }
0x31: {  	[smem:$0x3F97] =	sst s10  }
0x32: {  	s10 =	sld [smem:$0x3F95];
	_ =	sdelay $0x3  }
0x33: {  	p0 =	seq.s32 s10, $0x1;
	s10 =	sld [smem:$0x3F97];
	_ =	sdelay $0x3  }
0x34: {  	[smem:$0x3F97] =	sst s10  }
0x35: {  	s10 =	sld [smem:$0x3F96];
	_ =	sdelay $0x3  }
0x36: {  	p1 =	seq.s32 s10, $0x1;
	s10 =	sld [smem:$0x3F97];
	_ =	sdelay $0x3  }
0x37: {  	[smem:$0x3F97] =	sst s10  }
0x38: {  	s10 =	sld [smem:$0x3F98]  }
0x39: {  	_ = 	snop;
	(pc) =	sbr.ind lr, $3  }
0x3a: {  	_ = 	snop  }
0x3b: {  	_ = 	snop  }
0x3c: {  	p2 =	seq.s32 s10, $0x1;
	s10 =	sld [smem:$0x3F97]  }
0x3d: {  	_ =	shalt  }
0x3e: {  	_ =	shalt  }
0x3f: {  	_ =	shalt  }
0x40: {  	_ =	shalt  }
0x41: {  	_ =	shalt  }
0x42: {  	_ =	shalt  }
0x43: {  	_ =	shalt  }
0x44: {  	_ =	shalt  }
0x45: {  	_ =	shalt  }
0x46: {  	_ =	shalt  }
0x47: {  	_ =	shalt  }
0x48: {  	_ =	shalt  }
0x49: {  	_ =	shalt  }
0x4a: {  	_ =	shalt  }
0x4b: {  	_ =	shalt  }
0x4c: {  	_ =	shalt  }
0x4d: {  	_ =	shalt  }
0x4e: {  	_ =	shalt  }
0x4f: {  	_ =	shalt  }
0x50: {  	_ =	shalt  }
0x51: {  	_ =	shalt  }
0x52: {  	_ =	shalt  }
0x53: {  	_ =	shalt  }
0x54: {  	_ =	shalt  }
0x55: {  	_ =	shalt  }
0x56: {  	_ =	shalt  }
0x57: {  	_ =	shalt  }
0x58: {  	_ =	shalt  }
0x59: {  	_ =	shalt  }
0x5a: {  	_ =	shalt  }
0x5b: {  	_ =	shalt  }
0x5c: {  	_ =	shalt  }
0x5d: {  	_ =	shalt  }
0x5e: {  	_ =	shalt  }
0x5f: {  	_ =	shalt  }
0x60: {  	_ =	shalt  }
0x61: {  	_ =	shalt  }
0x62: {  	_ =	shalt  }
0x63: {  	_ =	shalt  }
0x64: {  	_ =	shalt  }
0x65: {  	_ =	shalt  }
0x66: {  	_ =	shalt  }
0x67: {  	_ =	shalt  }
0x68: {  	_ =	shalt  }
0x69: {  	_ =	shalt  }
0x6a: {  	_ =	shalt  }
0x6b: {  	_ =	shalt  }
0x6c: {  	_ =	shalt  }
0x6d: {  	_ =	shalt  }
0x6e: {  	_ =	shalt  }
0x6f: {  	_ =	shalt  }
0x70: {  	_ =	shalt  }
0x71: {  	_ =	shalt  }
0x72: {  	_ =	shalt  }
0x73: {  	_ =	shalt  }
0x74: {  	_ =	shalt  }
0x75: {  	_ =	shalt  }
0x76: {  	_ =	shalt  }
0x77: {  	_ =	shalt  }
0x78: {  	_ =	shalt  }
0x79: {  	_ =	shalt  }
0x7a: {  	_ =	shalt  }
0x7b: {  	_ =	shalt  }
0x7c: {  	_ =	shalt  }
0x7d: {  	_ =	shalt  }
0x7e: {  	_ =	shalt  }
0x7f: {  	_ =	shalt  }
0x80: {  	_ =	shalt  }
0x81: {  	_ =	shalt  }
0x82: {  	_ =	shalt  }
0x83: {  	_ =	shalt  }
0x84: {  	_ =	shalt  }
0x85: {  	_ =	shalt  }
0x86: {  	_ =	shalt  }
0x87: {  	_ =	shalt  }
.Lfunc_end0:
.L_simem_size_0:
called_computation.1_lowered:
.L_overlay_start_0:
0x88: {  	s2 =	sld [smem:$0x3FD9]  }
0x89: {  	s3 =	sld [smem:$0x3FFE];
	_ =	sdelay $0x1  }
0x8a: {  	s1 =	srdreg.scid  }
0x8b: {  	s0 =	sand.u32 $0x1, s1  }
0x8c: {  	s16 =	sshll.u32 s0, $0xA;
	s2 =	sadd.s32 s3, s2  }
0x8d: {  	s2 =	sadd.s32 s2, s16  }
0x8e: {  	[smem:$0x3FA3] =	sst s2  }
0x8f: {  	_ = 	snop  }
0x90: {  	(tm) =	ssettm $0x1  }
0x91: {  	s17 =	sld [smem:$0x3FFB];
	_ =	sdelay $0x3  }
0x92: {  	_ =	strace s17  }
0x93: {  	s2 =	sld [smem:$0x3FFC];
	_ =	sdelay $0x3  }
0x94: {  	_ =	strace s2  }
0x95: {  	s2 =	sld [smem:$0x3FFD];
	_ =	sdelay $0x3  }
0x96: {  	_ =	strace s2  }
0x97: {  	_ =	strace $0x8FFFFFFF  }
0x98: {  	s18 =	sld [smem:$0x3FDB];
	_ =	sdelay $0x1  }
0x99: {  	s19 =	simm.s32 $_scs_section_size  }
0x9a: {  	s4 =	simm.s32 $_size__tile_overlayer_lowered;
	s5 =	simm.s32 $_tile_overlayer_lowered  }
0x9b: {  	s22 =	simm.s32 $0x1BFF;
	s21 =	sshll.u32 s5, $0x1;
	s2 =	sadd.s32 s19, s18  }
0x9c: {  	s6 =	simm.s32 $0x0;
	s20 =	sshll.u32 s4, $0x1;
	s4 =	sadd.s32 s21, s2  }
0x9d: {  	[timem:s6], [sflag:s22] =	dma.local [hbm:s4], s20  }
0x9e: {  	_ =	swait.ge [sflag:s22], s20  }
0x9f: {  	s3 =	ssub.s32 $0x0, s20;
	[sflag:s22] =	ssyncset.done $0x0  }
0xa0: {  	[sflag:s22] =	ssyncadd.s32 s3;
	_ =	sdelay $0x1  }
0xa1: {  	s23 =	simm.s32 $0x1B8B  }
0xa2: {  	_ =	swait.ge [sflag:s23], $0x1  }
0xa3: {  	[sflag:s23] =	ssyncset.done $0x0  }
0xa4: {  	s25 =	simm.s32 $0x1B8E;
	s24 =	sld [smem:$0x3FFE];
	[sflag:s23] =	ssyncadd.s32 $0xFFFFFFFF  }
0xa5: {  	s26 =	simm.s32 $execute0_lowered;
	[smem:$0x3FD2] =	sst s25  }
0xa6: {  	s4 =	sshll.u32 s26, $0x1;
	_ =	strace $0x80000049;
	[dreg:$0x1] =	wrdreg $0xFFFFFFFF  }
0xa7: {  	s28 =	simm.s32 $_size_execute0_lowered;
	s2 =	sadd.s32 s2, s4;
	[dreg:$0x0] =	wrdreg $0x0  }
0xa8: {  	s4 =	sshll.u32 s28, $0x1;
	[dreg:$0x2] =	wrdreg s2  }
0xa9: {  	[dreg:$0x3] =	wrdreg s4  }
0xaa: {  	[dreg:$0x4] =	wrdreg $0xC0  }
0xab: {  	_ =	task [dreg:s6], $0x5FFFF  }
0xac: {  	[dreg:$0x1] =	wrdreg $0xFFFFFFFF  }
0xad: {  	[dreg:$0x0] =	wrdreg $0x60  }
0xae: {  	[dreg:$0x2] =	wrdreg s24  }
0xaf: {  	[dreg:$0x3] =	wrdreg $0xC0000  }
0xb0: {  	[dreg:$0x4] =	wrdreg $0x9  }
0xb1: {  	_ =	task.clear_ibuf [dreg:s6], $0x5FFFF;
	_ =	strace $0x90000049  }
0xb2: {  	s29 =	simm.s32 $0x9;
	_ =	strace $0x8000004B  }
0xb3: {  	_ =	swait.ge [sflag:s29], $0x1  }
0xb4: {  	[sflag:s29] =	ssyncadd.s32 $0xFFFFFFFF  }
0xb5: {  	_ =	strace $0x9000004B  }
0xb6: {  	_ =	sfence  }
0xb7: {  	s30 =	sld [smem:$0x0];
	_ =	sdelay $0x2  }
0xb8: {  	s31 =	sshll.u32 s1, $0xD;
	s1 =	sshrl.u32 s1, $0x2  }
0xb9: {  	s3 =	sand.u32 $0x4000, s31;
	s1 =	sadd.s32 s1, s30  }
0xba: {  	s0 =	sor.u32 s3, s0;
	s1 =	sshll.u32 s1, $0x11  }
0xbb: {  	s0 =	sor.u32 s1, s0  }
0xbc: {  	s0 =	sadd.s32 $0x8F2B, s0  }
0xbd: {  	[sflag:s0] =	ssyncadd.remote.s32 $0x1  }
0xbe: {  	_ =	sfence.sel $0xFFFF  }
0xbf: {  	[dreg:$0x0] =	wrdreg $0xFFFFFFFF;
	(pc) =	sbr.abs _section_cstart, $3  }
0xc0: {  	[dreg:$0x1] =	wrdreg $0xFFFFFFFF  }
0xc1: {  	_ =	task.clear_ibuf [dreg:s6], $0x2FFFF;
	_ =	strace $0x9FFFFFFF  }
0xc2: {  	(tm) =	ssettm $0x7FFFFFFF  }
0xc3: {  	_ =	shalt  }
tec
execute0_lowered:
.L_overlay_start_1:
0x0: {  	(tag) =	ssettag $0x1  }
0x1: {  	s0 =	rddreg [dreg:$0x0]  }
0x2: {  	s1 =	rddreg [dreg:$0x1]  }
0x3: {  	s2 =	srdreg.scid;
	s4 =	simm.s32 $0x0;
	s9 =	stileid.u32  }
0x4: {  	s29 =	simm.s32 $0x8000;
	s30 =	simm.s32 $0x1;
	s10 =	simm.s32 $0x3  }
0x5: {  	s11 =	simm.s32 $0x2100;
	s12 =	simm.s32 $0x6;
	s13 =	simm.s32 $0x280  }
0x6: {  	s14 =	simm.s32 $0x4;
	s15 =	simm.s32 $0x2180;
	s16 =	simm.s32 $0x7  }
0x7: {  	s2 =	sand.u32 $0x1, s2;
	[smem:$0x7FF] =	sst s4;
	s7 =	smul.u32 $0x50000, s9  }
0x8: {  	s6 =	smul.u32 $0x14000, s9;
	s4 =	sadd.s32 $0xA600, s0;
	s5 =	sadd.s32 $0xD2A00, s0  }
0x9: {  	s8 =	sadd.s32 $0x5A600, s0;
	s3 =	smul.u32 $0x140000, s2;
	s7 =	sshrl.u32 s7, $0x2  }
0xa: {  	_ =	strace $0x8000004A;
	[dreg:$0x3] =	wrdreg s8;
	s20 =	sadd.s32 s7, s1  }
0xb: {  	s17 =	ssub.s32 $0x2, s2;
	s7 =	sadd.s32 $0x2000, s20;
	[dreg:$0x4] =	wrdreg s20  }
0xc: {  	s2 =	sshll.u32 s2, $0x4;
	s19 =	sadd.s32 $0x4000, s20;
	[dreg:$0x5] =	wrdreg s7  }
0xd: {  	s8 =	simm.s32 $0x0;
	s21 =	sadd.s32 $0x6000, s20;
	[dreg:$0x6] =	wrdreg s19  }
0xe: {  	s18 =	sshrl.u32 s17, $0x1;
	s22 =	sadd.s32 $0x8000, s20;
	[dreg:$0x7] =	wrdreg s21  }
0xf: {  	s2 =	sor.u32 s9, s2;
	s23 =	sadd.s32 $0xA000, s20;
	[dreg:$0x8] =	wrdreg s22  }
0x10: {  	s3 =	sadd.s32 s6, s3;
	s24 =	sadd.s32 $0xC000, s20;
	[dreg:$0x9] =	wrdreg s23  }
0x11: {  	s6 =	sadd.s32 $0xAAA00, s0;
	s25 =	sadd.s32 $0xE000, s20;
	[dreg:$0xa] =	wrdreg s24  }
0x12: {  	s3 =	sshrl.u32 s3, $0x3;
	s26 =	sadd.s32 $0x10000, s20;
	[dreg:$0xb] =	wrdreg s25  }
0x13: {  	s28 =	sadd.s32 $0x12000, s20;
	s0 =	sadd.s32 s3, s0;
	[dreg:$0xc] =	wrdreg s26  }
0x14: {  	s3 =	ssub.s32 s17, s18;
	[dreg:$0xd] =	wrdreg s28;
	s18 =	smul.u32 $0xA000, s2  }
.Ltmp0:
0x15: {  	s21 =	simm.s32 $0x4000;
	s22 =	simm.s32 $0x9;
	(pc) =	sbr.rel .LBB2_1-.Ltmp0, $4  }
0x16: {  	s23 =	simm.s32 $0x2000;
	s24 =	simm.s32 $0x40;
	s26 =	simm.s32 $0x6000  }
0x17: {  	s7 =	simm.s32 $0x5;
	s17 =	simm.s32 $0x300;
	s0 =	sadd.s32 $0x5AA00, s0  }
0x18: {  	s19 =	simm.s32 $0x8;
	s31 =	smax.u32 s3, $0x1;
	[dreg:$0xe] =	wrdreg s0  }
0x19: {  	s3 =	simm.s32 $0x2;
	[dreg:$0xf] =	wrdreg s31;
	s0 =	simm.s32 $0xA000  }
.LBB2_6:
0x1a: {  	s2 =	stileid.u32;
	[bflag:$0x0] =	sbarrier.arrive $0xFFFF  }
0x1b: {  	s2 =	sshll.u32 s2, $0x6;
	s20 =	rddreg [dreg:$0x4]  }
0x1c: {  	s9 =	rddreg [dreg:$0xe];
	s2 =	sor.u32 $0x1C09, s2;
	s8 =	sshrl.u32 s20, $0x3  }
0x1d: {  	[hbm:s9], [sflag:s2] =	dma.local [spmem:s8], $0x2800  }
0x1e: {  	_ =	swait.ge [sflag:s22], $0x2800  }
0x1f: {  	s28 =	rddreg [dreg:$0x10]  }
0x20: {  	s31 =	rddreg [dreg:$0xf];
	s8 =	sadd.s32 $0x1, s28  }
0x21: {  	p0 =	sne.s32 s8, s31  }
.Ltmp1:
0x22: {  	_ = 	snop;
	(pc) =	sbr.rel @!p0 .LBB2_7-.Ltmp1, $3  }
0x23: {  	_ =	sdelay $0x1  }
0x24: {  	[sflag:s22] =	ssyncset.done $0x0  }
0x25: {  	[sflag:s22] =	ssyncadd.s32 $0xFFFFD800  }
.LBB2_1:
0x26: {  	[dreg:$0x10] =	wrdreg s8  }
0x27: {  	s2 =	simm.s32 $0x0;
	s9 =	rddreg [dreg:$0x3]  }
0x28: {  	[tilespmem:s21], [sflag:$0x9] =	stream.linear.gather [hbm4b:s9+s2], $0x2000, $0x38;
	v63 =	vld [tilespmem:$0x0]  }
0x29: {  	_ =	swait.ge [sflag:s22], $0x2000  }
0x2a: {  	[sflag:s22] =	ssyncset.done $0x0  }
0x2b: {  	[sflag:s22] =	ssyncadd.s32 $0xFFFFE000  }
0x2c: {  	[spmem:s20] =	stream.linear.scatter [tilespmem:s21], [sflag:$0x9], $0x2000, $0x38;
	v63 =	vld [tilespmem:$0x0]  }
0x2d: {  	_ =	swait.ge [sflag:s22], $0x2000  }
0x2e: {  	[sflag:s22] =	ssyncset.done $0x0  }
0x2f: {  	s25 =	rddreg [dreg:$0x5];
	[sflag:s22] =	ssyncadd.s32 $0xFFFFE000  }
0x30: {  	[spmem:s25] =	stream.linear.scatter [tilespmem:s21], [sflag:$0x9], $0x2000, $0x38;
	v63 =	vld [tilespmem:$0x0]  }
0x31: {  	_ =	swait.ge [sflag:s22], $0x2000  }
0x32: {  	[sflag:s22] =	ssyncset.done $0x0  }
0x33: {  	s28 =	rddreg [dreg:$0x6];
	[sflag:s22] =	ssyncadd.s32 $0xFFFFE000  }
0x34: {  	[spmem:s28] =	stream.linear.scatter [tilespmem:s21], [sflag:$0x9], $0x2000, $0x38;
	v63 =	vld [tilespmem:$0x0]  }
0x35: {  	_ =	swait.ge [sflag:s22], $0x2000  }
0x36: {  	[sflag:s22] =	ssyncset.done $0x0  }
0x37: {  	s31 =	rddreg [dreg:$0x7];
	[sflag:s22] =	ssyncadd.s32 $0xFFFFE000  }
0x38: {  	[spmem:s31] =	stream.linear.scatter [tilespmem:s21], [sflag:$0x9], $0x2000, $0x38;
	v63 =	vld [tilespmem:$0x0]  }
0x39: {  	_ =	swait.ge [sflag:s22], $0x2000  }
0x3a: {  	[sflag:s22] =	ssyncset.done $0x0  }
0x3b: {  	s8 =	rddreg [dreg:$0x8];
	[sflag:s22] =	ssyncadd.s32 $0xFFFFE000  }
0x3c: {  	[spmem:s8] =	stream.linear.scatter [tilespmem:s21], [sflag:$0x9], $0x2000, $0x38;
	v63 =	vld [tilespmem:$0x0]  }
0x3d: {  	_ =	swait.ge [sflag:s22], $0x2000  }
0x3e: {  	[sflag:s22] =	ssyncset.done $0x0  }
0x3f: {  	s9 =	rddreg [dreg:$0x9];
	[sflag:s22] =	ssyncadd.s32 $0xFFFFE000  }
0x40: {  	[spmem:s9] =	stream.linear.scatter [tilespmem:s21], [sflag:$0x9], $0x2000, $0x38;
	v63 =	vld [tilespmem:$0x0]  }
0x41: {  	_ =	swait.ge [sflag:s22], $0x2000  }
0x42: {  	[sflag:s22] =	ssyncset.done $0x0  }
0x43: {  	s20 =	rddreg [dreg:$0xa];
	[sflag:s22] =	ssyncadd.s32 $0xFFFFE000  }
0x44: {  	[spmem:s20] =	stream.linear.scatter [tilespmem:s21], [sflag:$0x9], $0x2000, $0x38;
	v63 =	vld [tilespmem:$0x0]  }
0x45: {  	_ =	swait.ge [sflag:s22], $0x2000  }
0x46: {  	[sflag:s22] =	ssyncset.done $0x0  }
0x47: {  	s25 =	rddreg [dreg:$0xb];
	[sflag:s22] =	ssyncadd.s32 $0xFFFFE000  }
0x48: {  	[spmem:s25] =	stream.linear.scatter [tilespmem:s21], [sflag:$0x9], $0x2000, $0x38;
	v63 =	vld [tilespmem:$0x0]  }
0x49: {  	_ =	swait.ge [sflag:s22], $0x2000  }
0x4a: {  	[sflag:s22] =	ssyncset.done $0x0  }
0x4b: {  	s28 =	rddreg [dreg:$0xc];
	[sflag:s22] =	ssyncadd.s32 $0xFFFFE000  }
0x4c: {  	[spmem:s28] =	stream.linear.scatter [tilespmem:s21], [sflag:$0x9], $0x2000, $0x38;
	v63 =	vld [tilespmem:$0x0]  }
0x4d: {  	_ =	swait.ge [sflag:s22], $0x2000  }
0x4e: {  	[sflag:s22] =	ssyncset.done $0x0  }
0x4f: {  	s31 =	rddreg [dreg:$0xd];
	[sflag:s22] =	ssyncadd.s32 $0xFFFFE000  }
0x50: {  	[spmem:s31] =	stream.linear.scatter [tilespmem:s21], [sflag:$0x9], $0x2000, $0x38;
	v63 =	vld [tilespmem:$0x0]  }
.Ltmp2:
0x51: {  	_ =	swait.ge [sflag:s22], $0x2000;
	(pc) =	sbr.rel .LBB2_2-.Ltmp2, $4  }
0x52: {  	[sflag:s22] =	ssyncset.done $0x0  }
0x53: {  	[sflag:s22] =	ssyncadd.s32 $0xFFFFE000  }
0x54: {  	[bflag:$0x0] =	sbarrier.arrive $0xFFFF  }
0x55: {  	s8 =	simm.s32 $0x0  }
.LBB2_5:
0x56: {  	_ =	swait.ge [sflag:s7], $0x2000  }
0x57: {  	[sflag:s7] =	ssyncset.done $0x0  }
0x58: {  	[sflag:s7] =	ssyncadd.s32 $0xFFFFE000  }
0x59: {  	_ =	swait.ge [sflag:s12], $0x2000  }
0x5a: {  	[sflag:s12] =	ssyncset.done $0x0  }
0x5b: {  	s8 =	sadd.s32 $0x1, s8;
	[sflag:s12] =	ssyncadd.s32 $0xFFFFE000  }
0x5c: {  	p0 =	sne.s32 s8, $0x5;
	_ =	swait.ge [sflag:s16], $0x2000  }
.Ltmp3:
0x5d: {  	[sflag:s16] =	ssyncset.done $0x0;
	(pc) =	sbr.rel @!p0 .LBB2_6-.Ltmp3, $4  }
0x5e: {  	[sflag:s16] =	ssyncadd.s32 $0xFFFFE000  }
0x5f: {  	_ =	swait.ge [sflag:s19], $0x2000  }
0x60: {  	[sflag:s19] =	ssyncset.done $0x0  }
0x61: {  	[sflag:s19] =	ssyncadd.s32 $0xFFFFE000  }
.LBB2_2:
0x62: {  	s20 =	sshll.u32 s8, $0xD  }
0x63: {  	s20 =	sadd.s32 s18, s20  }
0x64: {  	s25 =	sshrl.u32 s20, $0x3  }
0x65: {  	s20 =	simm.s32 $0x0;
	s28 =	sadd.s32 s5, s25  }
0x66: {  	[tilespmem:s20], [sflag:$0x9] =	stream.linear.gather [hbm4b:s28+s20], $0x2000, $0x38;
	v63 =	vld [tilespmem:$0x0]  }
0x67: {  	_ =	swait.ge [sflag:s22], $0x2000  }
0x68: {  	[sflag:s22] =	ssyncset.done $0x0  }
0x69: {  	s25 =	sadd.s32 s6, s25;
	[sflag:s22] =	ssyncadd.s32 $0xFFFFE000  }
0x6a: {  	[tilespmem:s23], [sflag:$0x9] =	stream.linear.gather [hbm4b:s25+s20], $0x2000, $0x38;
	v63 =	vld [tilespmem:$0x0]  }
0x6b: {  	_ =	swait.ge [sflag:s22], $0x2000  }
0x6c: {  	[sflag:s22] =	ssyncset.done $0x0  }
0x6d: {  	[sflag:s22] =	ssyncadd.s32 $0xFFFFE000  }
0x6e: {  	[tilespmem:s21], [sflag:$0x1] =	stream.indirect.gather [hbm4b:s4+s24], $0x80, s20, s24, $0xb8;
	v63 =	vld [tilespmem:$0x0]  }
0x6f: {  	s2 =	simm.s32 $0x80  }
0x70: {  	[tilespmem:s26], [sflag:$0x2] =	stream.indirect.gather [hbm4b:s4+s24], $0x80, s2, s24, $0xb8;
	v63 =	vld [tilespmem:$0x0]  }
0x71: {  	s9 =	simm.s32 $0x100  }
0x72: {  	[tilespmem:s29], [sflag:$0x3] =	stream.indirect.gather [hbm4b:s4+s24], $0x80, s9, s24, $0xb8;
	v63 =	vld [tilespmem:$0x0]  }
0x73: {  	_ =	swait.ge [sflag:s30], $0x2000  }
0x74: {  	[sflag:s30] =	ssyncset.done $0x0  }
0x75: {  	[sflag:s30] =	ssyncadd.s32 $0xFFFFE000  }
0x76: {  	[spmem:s1] =	stream.indirect.scatter.add.f32 [tilespmem:s21], [sflag:$0x5], $0x80, s23, s24, $0xb8;
	v63 =	vld [tilespmem:$0x0]  }
0x77: {  	s25 =	simm.s32 $0x180  }
0x78: {  	[tilespmem:s0], [sflag:$0x4] =	stream.indirect.gather [hbm4b:s4+s24], $0x80, s25, s24, $0xb8;
	v63 =	vld [tilespmem:$0x0]  }
0x79: {  	_ =	swait.ge [sflag:s3], $0x2000  }
0x7a: {  	[sflag:s3] =	ssyncset.done $0x0  }
0x7b: {  	s28 =	simm.s32 $0x2080;
	[sflag:s3] =	ssyncadd.s32 $0xFFFFE000  }
0x7c: {  	[spmem:s1] =	stream.indirect.scatter.add.f32 [tilespmem:s26], [sflag:$0x6], $0x80, s28, s24, $0xb8;
	v63 =	vld [tilespmem:$0x0]  }
0x7d: {  	_ =	swait.ge [sflag:s7], $0x2000  }
0x7e: {  	[sflag:s7] =	ssyncset.done $0x0  }
0x7f: {  	s31 =	simm.s32 $0x200;
	[sflag:s7] =	ssyncadd.s32 $0xFFFFE000  }
0x80: {  	[tilespmem:s21], [sflag:$0x1] =	stream.indirect.gather [hbm4b:s4+s24], $0x80, s31, s24, $0xb8;
	v63 =	vld [tilespmem:$0x0]  }
0x81: {  	_ =	swait.ge [sflag:s10], $0x2000  }
0x82: {  	[sflag:s10] =	ssyncset.done $0x0  }
0x83: {  	[sflag:s10] =	ssyncadd.s32 $0xFFFFE000  }
0x84: {  	[spmem:s1] =	stream.indirect.scatter.add.f32 [tilespmem:s29], [sflag:$0x7], $0x80, s11, s24, $0xb8;
	v63 =	vld [tilespmem:$0x0]  }
0x85: {  	_ =	swait.ge [sflag:s12], $0x2000  }
0x86: {  	[sflag:s12] =	ssyncset.done $0x0  }
0x87: {  	[sflag:s12] =	ssyncadd.s32 $0xFFFFE000  }
0x88: {  	[tilespmem:s26], [sflag:$0x2] =	stream.indirect.gather [hbm4b:s4+s24], $0x80, s13, s24, $0xb8;
	v63 =	vld [tilespmem:$0x0]  }
0x89: {  	_ =	swait.ge [sflag:s14], $0x2000  }
0x8a: {  	[sflag:s14] =	ssyncset.done $0x0  }
0x8b: {  	[sflag:s14] =	ssyncadd.s32 $0xFFFFE000  }
0x8c: {  	[spmem:s1] =	stream.indirect.scatter.add.f32 [tilespmem:s0], [sflag:$0x8], $0x80, s15, s24, $0xb8;
	v63 =	vld [tilespmem:$0x0]  }
0x8d: {  	_ =	swait.ge [sflag:s16], $0x2000  }
0x8e: {  	[sflag:s16] =	ssyncset.done $0x0  }
0x8f: {  	[sflag:s16] =	ssyncadd.s32 $0xFFFFE000  }
0x90: {  	[tilespmem:s29], [sflag:$0x3] =	stream.indirect.gather [hbm4b:s4+s24], $0x80, s17, s24, $0xb8;
	v63 =	vld [tilespmem:$0x0]  }
.LBB2_3:
0x91: {  	_ =	swait.ge [sflag:s30], $0x2000  }
0x92: {  	s25 =	sshra.s32 s20, $0x2;
	[sflag:s30] =	ssyncset.done $0x0  }
0x93: {  	s28 =	sadd.s32 $0x2200, s25;
	[sflag:s30] =	ssyncadd.s32 $0xFFFFE000  }
0x94: {  	[spmem:s1] =	stream.indirect.scatter.add.f32 [tilespmem:s21], [sflag:$0x5], $0x80, s28, s24, $0xb8;
	v63 =	vld [tilespmem:$0x0]  }
0x95: {  	_ =	swait.ge [sflag:s19], $0x2000  }
0x96: {  	[sflag:s19] =	ssyncset.done $0x0  }
0x97: {  	s2 =	sadd.s32 $0x380, s25;
	[sflag:s19] =	ssyncadd.s32 $0xFFFFE000  }
0x98: {  	[tilespmem:s0], [sflag:$0x4] =	stream.indirect.gather [hbm4b:s4+s24], $0x80, s2, s24, $0xb8;
	v63 =	vld [tilespmem:$0x0]  }
0x99: {  	_ =	swait.ge [sflag:s3], $0x2000  }
0x9a: {  	p0 =	seq.s32 s20, $0x7000;
	[sflag:s3] =	ssyncset.done $0x0  }
0x9b: {  	s9 =	sadd.s32 $0x2280, s25;
	s28 =	simm.s32 @p0 $0x3;
	[sflag:s3] =	ssyncadd.s32 $0xFFFFE000  }
0x9c: {  	[spmem:s1] =	stream.indirect.scatter.add.f32 [tilespmem:s26], [sflag:$0x6], $0x80, s9, s24, $0xb8;
	v63 =	vld [tilespmem:$0x0]  }
0x9d: {  	_ =	swait.ge @p0 [sflag:s28], $0x2000  }
0x9e: {  	[sflag:s28] =	ssyncset.done @p0 $0x0  }
0x9f: {  	[sflag:s28] =	ssyncadd.s32 @p0 $0xFFFFE000;
	s28 =	sshra.s32 @p0 s20, $0x2  }
0xa0: {  	s31 =	simm.s32 @p0 $0x40;
	s2 =	simm.s32 @p0 $0x8000;
	s28 =	sadd.s32 @p0 $0x2300, s28  }
0xa1: {  	[spmem:s1] =	stream.indirect.scatter.add.f32 @p0 [tilespmem:s2], [sflag:$0x7], $0x80, s28, s31, $0xb8;
	v63 =	vld [tilespmem:$0x0]  }
0xa2: {  	s2 =	simm.s32 @!p0 $0x5  }
0xa3: {  	_ =	swait.ge @!p0 [sflag:s2], $0x2000  }
0xa4: {  	[sflag:s2] =	ssyncset.done @!p0 $0x0  }
0xa5: {  	[sflag:s2] =	ssyncadd.s32 @!p0 $0xFFFFE000;
	s2 =	sshra.s32 @!p0 s20, $0x2  }
0xa6: {  	s9 =	simm.s32 @!p0 $0x4000;
	s31 =	simm.s32 @!p0 $0x40;
	s28 =	sadd.s32 @!p0 $0x400, s2  }
0xa7: {  	[tilespmem:s9], [sflag:$0x1] =	stream.indirect.gather @!p0 [hbm4b:s4+s31], $0x80, s28, s31, $0xb8;
	v63 =	vld [tilespmem:$0x0]  }
0xa8: {  	s9 =	simm.s32 @!p0 $0x3  }
0xa9: {  	_ =	swait.ge @!p0 [sflag:s9], $0x2000  }
0xaa: {  	[sflag:s9] =	ssyncset.done @!p0 $0x0  }
0xab: {  	s28 =	simm.s32 @!p0 $0x8000;
	[sflag:s9] =	ssyncadd.s32 @!p0 $0xFFFFE000;
	s9 =	sadd.s32 @!p0 $0x2300, s2  }
0xac: {  	[spmem:s1] =	stream.indirect.scatter.add.f32 @!p0 [tilespmem:s28], [sflag:$0x7], $0x80, s9, s31, $0xb8;
	v63 =	vld [tilespmem:$0x0]  }
0xad: {  	s9 =	simm.s32 @!p0 $0x6  }
0xae: {  	_ =	swait.ge @!p0 [sflag:s9], $0x2000  }
0xaf: {  	[sflag:s9] =	ssyncset.done @!p0 $0x0  }
0xb0: {  	s2 =	sadd.s32 @!p0 $0x480, s2;
	[sflag:s9] =	ssyncadd.s32 @!p0 $0xFFFFE000;
	s9 =	simm.s32 @!p0 $0x6000  }
0xb1: {  	[tilespmem:s9], [sflag:$0x2] =	stream.indirect.gather @!p0 [hbm4b:s4+s31], $0x80, s2, s31, $0xb8;
	v63 =	vld [tilespmem:$0x0]  }
.Ltmp4:
0xb2: {  	_ = 	snop;
	(pc) =	sbr.rel @p0 .LBB2_5-.Ltmp4, $4  }
0xb3: {  	_ =	swait.ge [sflag:s14], $0x2000  }
0xb4: {  	[sflag:s14] =	ssyncset.done $0x0  }
0xb5: {  	s31 =	sadd.s32 $0x2380, s25;
	[sflag:s14] =	ssyncadd.s32 $0xFFFFE000  }
0xb6: {  	[spmem:s1] =	stream.indirect.scatter.add.f32 [tilespmem:s0], [sflag:$0x8], $0x80, s31, s24, $0xb8;
	v63 =	vld [tilespmem:$0x0]  }
.Ltmp5:
0xb7: {  	(pc) =	sbr.rel .LBB2_3-.Ltmp5, $4  }
0xb8: {  	_ =	swait.ge [sflag:s16], $0x2000  }
0xb9: {  	[sflag:s16] =	ssyncset.done $0x0  }
0xba: {  	s2 =	sadd.s32 $0x500, s25;
	s20 =	sadd.s32 $0x800, s20;
	[sflag:s16] =	ssyncadd.s32 $0xFFFFE000  }
0xbb: {  	[tilespmem:s29], [sflag:$0x3] =	stream.indirect.gather [hbm4b:s4+s24], $0x80, s2, s24, $0xb8;
	v63 =	vld [tilespmem:$0x0]  }
.LBB2_7:
0xbc: {  	_ =	sfence.sel $0x180000  }
0xbd: {  	[bflag:$0x0] =	sbarrier.arrive $0xFFFF  }
0xbe: {  	_ =	strace $0x9000004A  }
0xbf: {  	s0 =	stileid.u32;
	[bflag:$0x2] =	sbarrier.arrive $0xFFFF  }
0xc0: {  	p0 =	sne.s32 s0, $0x0;
	s0 =	rddreg [dreg:$0x2]  }
0xc1: {  	s0 =	sadd.s32 @!p0 $0x100000, s0  }
0xc2: {  	[sflag:s0] =	ssyncadd.tile.s32 @!p0 $0x1;
	_ =	shalt  }
.Lfunc_end2:
_tile_overlayer_lowered:
.L_overlay_start_2:
0xc3: {  	(tag) =	ssettag $0x2  }
0xc4: {  	s0 =	rddreg [dreg:$0x0];
	s2 =	stileid.u32  }
0xc5: {  	s1 =	rddreg [dreg:$0x1];
	p0 =	sne.s32 s2, $0x0  }
0xc6: {  	s3 =	rddreg [dreg:$0x2];
	[bflag:$0x3] =	sbarrier.arrive $0xFFFF;
	s2 =	simm.s32 @!p0 $0x1C09  }
0xc7: {  	[timem:s3], [sflag:s2] =	dma.local @!p0 [hbm:s0], s1  }
0xc8: {  	s0 =	simm.s32 @!p0 $0x9  }
0xc9: {  	_ =	swait.ge @!p0 [sflag:s0], s1  }
0xca: {  	s1 =	ssub.s32 @!p0 $0x0, s1;
	[sflag:s0] =	ssyncset.done @!p0 $0x0  }
0xcb: {  	[sflag:s0] =	ssyncadd.s32 @!p0 s1  }
0xcc: {  	[bflag:$0x3] =	sbarrier.arrive $0xFFFF  }
0xcd: {  	_ =	shalt  }

// kernel: kernel.19.cloned.1.call-start
scs
__scs_entry_jumppad:
0x0: {  	(pc) =	sbr.rel $0x88, $3  }
0x1: {  	(tag) =	ssettag $0x0;
	lr =	simm.s32 $0x1  }
0x2: {  	[smem:$0x3F7C] =	sst lr;
	_ =	strace $0xD0000000  }
0x3: {  	_ = 	snop  }
0x4: {  	_ = 	snop  }
0x5: {  	_ = 	snop  }
0x6: {  	_ = 	snop  }
0x7: {  	_ = 	snop  }
__scs_overlays_trampoline_lowered:
0x8: {  	[smem:$0x3F8B] =	sst s0  }
0x9: {  	[smem:$0x3F8C] =	sst s1  }
0xa: {  	[smem:$0x3F8D] =	sst s2  }
0xb: {  	[smem:$0x3F8E] =	sst s3  }
0xc: {  	[smem:$0x3F8F] =	sst s4  }
0xd: {  	[smem:$0x3F90] =	sst s5  }
0xe: {  	[smem:$0x3F91] =	sst s6  }
0xf: {  	[smem:$0x3F92] =	sst s7  }
0x10: {  	[smem:$0x3F93] =	sst s8  }
0x11: {  	[smem:$0x3F94] =	sst s9;
	s0 =	simm.s32 @!p0 $0x0  }
0x12: {  	s1 =	sld [smem:$0x3F7A];
	s0 =	simm.s32 @p0 $0x1  }
0x13: {  	[smem:$0x3F95] =	sst s0;
	s0 =	simm.s32 @!p1 $0x0  }
0x14: {  	s2 =	sld [smem:$0x3F79];
	s0 =	simm.s32 @p1 $0x1  }
0x15: {  	[smem:$0x3F96] =	sst s0;
	s0 =	simm.s32 @!p2 $0x0  }
0x16: {  	s3 =	sld [smem:$0x3FDB];
	s0 =	simm.s32 @p2 $0x1  }
0x17: {  	s4 =	simm.s32 $0x1BF5;
	[smem:$0x3F98] =	sst s0  }
0x18: {  	s0 =	sld [smem:$0x3F7B];
	_ =	swait.ge [sflag:s4], $0x0  }
0x19: {  	s7 =	sld [smem:$0x3F7C]  }
0x1a: {  	s8 =	sadd.s32 $0xFFFFE003, lr  }
0x1b: {  	s9 =	sadd.s32 $0xFFFFFEF7, lr;
	s5 =	simm.s32 $0xFFFFFFFF;
	p2 =	slt.u32 s8, $0xFFFFF086  }
0x1c: {  	p1 =	slt.u32 s9, $0xF7A;
	s5 =	simm.s32 @!p2 $0x0  }
0x1d: {  	s5 =	simm.s32 @p1 $0x1;
	p0 =	seq.s32 s7, s2  }
0x1e: {  	s7 =	smul.u32 @!p0 $0xF7A, s2;
	p2 =	seq.s32 @!p0 s5, $0x0  }
0x1f: {  	s9 =	smul.u32 $0xF7A, s1;
	s8 =	simm.s32 @!p0 $0x1BF5;
	p2 =	por !p2, p0  }
0x20: {  	[sflag:s8] =	ssyncset.s32 @!p0 $0xFFFFF086;
	s6 =	sadd.s32 @!p0 s3, s7;
	s7 =	simm.s32 @!p0 $0x108  }
0x21: {  	s3 =	sadd.s32 s3, s9;
	s6 =	sadd.s32 @!p0 $0x88, s6;
	s7 =	simm.s32 @p2 $0x1082  }
0x22: {  	[simem:s7], [sflag:s8] =	dma.local @!p0 [hbm:s6], $0xF7A  }
0x23: {  	s9 =	sor.u32 $0xD0000000, s2;
	s6 =	simm.s32 $0x108;
	_ =	swait.ge @!p0 [sflag:s8], $0x0  }
0x24: {  	s3 =	sadd.s32 $0x88, s3;
	s6 =	simm.s32 @!p1 $0x1082;
	[sflag:s4] =	ssyncset.s32 $0xFFFFF086  }
0x25: {  	[simem:s6], [sflag:s4] =	dma.local [hbm:s3], $0xF7A  }
0x26: {  	[smem:$0x3F7C] =	sst s1;
	(tag) =	ssettag s2;
	_ =	strace s9  }
0x27: {  	s1 =	sld [smem:$0x3F8C]  }
0x28: {  	s2 =	sld [smem:$0x3F8D]  }
0x29: {  	s4 =	sld [smem:$0x3F8F]  }
0x2a: {  	p0 =	seq.s32 s5, $0x0;
	s5 =	sld [smem:$0x3F90]  }
0x2b: {  	s6 =	sld [smem:$0x3F91]  }
0x2c: {  	s7 =	sld [smem:$0x3F92]  }
0x2d: {  	s3 =	simm.s32 $0x108;
	s8 =	sld [smem:$0x3F93]  }
0x2e: {  	s3 =	simm.s32 @!p0 $0x1082;
	s9 =	sld [smem:$0x3F94]  }
0x2f: {  	lr =	sadd.s32 s0, s3;
	s0 =	sld [smem:$0x3F8B]  }
0x30: {  	s3 =	sld [smem:$0x3F8E]  }
0x31: {  	[smem:$0x3F97] =	sst s10  }
0x32: {  	s10 =	sld [smem:$0x3F95];
	_ =	sdelay $0x3  }
0x33: {  	p0 =	seq.s32 s10, $0x1;
	s10 =	sld [smem:$0x3F97];
	_ =	sdelay $0x3  }
0x34: {  	[smem:$0x3F97] =	sst s10  }
0x35: {  	s10 =	sld [smem:$0x3F96];
	_ =	sdelay $0x3  }
0x36: {  	p1 =	seq.s32 s10, $0x1;
	s10 =	sld [smem:$0x3F97];
	_ =	sdelay $0x3  }
0x37: {  	[smem:$0x3F97] =	sst s10  }
0x38: {  	s10 =	sld [smem:$0x3F98]  }
0x39: {  	_ = 	snop;
	(pc) =	sbr.ind lr, $3  }
0x3a: {  	_ = 	snop  }
0x3b: {  	_ = 	snop  }
0x3c: {  	p2 =	seq.s32 s10, $0x1;
	s10 =	sld [smem:$0x3F97]  }
0x3d: {  	_ =	shalt  }
0x3e: {  	_ =	shalt  }
0x3f: {  	_ =	shalt  }
0x40: {  	_ =	shalt  }
0x41: {  	_ =	shalt  }
0x42: {  	_ =	shalt  }
0x43: {  	_ =	shalt  }
0x44: {  	_ =	shalt  }
0x45: {  	_ =	shalt  }
0x46: {  	_ =	shalt  }
0x47: {  	_ =	shalt  }
0x48: {  	_ =	shalt  }
0x49: {  	_ =	shalt  }
0x4a: {  	_ =	shalt  }
0x4b: {  	_ =	shalt  }
0x4c: {  	_ =	shalt  }
0x4d: {  	_ =	shalt  }
0x4e: {  	_ =	shalt  }
0x4f: {  	_ =	shalt  }
0x50: {  	_ =	shalt  }
0x51: {  	_ =	shalt  }
0x52: {  	_ =	shalt  }
0x53: {  	_ =	shalt  }
0x54: {  	_ =	shalt  }
0x55: {  	_ =	shalt  }
0x56: {  	_ =	shalt  }
0x57: {  	_ =	shalt  }
0x58: {  	_ =	shalt  }
0x59: {  	_ =	shalt  }
0x5a: {  	_ =	shalt  }
0x5b: {  	_ =	shalt  }
0x5c: {  	_ =	shalt  }
0x5d: {  	_ =	shalt  }
0x5e: {  	_ =	shalt  }
0x5f: {  	_ =	shalt  }
0x60: {  	_ =	shalt  }
0x61: {  	_ =	shalt  }
0x62: {  	_ =	shalt  }
0x63: {  	_ =	shalt  }
0x64: {  	_ =	shalt  }
0x65: {  	_ =	shalt  }
0x66: {  	_ =	shalt  }
0x67: {  	_ =	shalt  }
0x68: {  	_ =	shalt  }
0x69: {  	_ =	shalt  }
0x6a: {  	_ =	shalt  }
0x6b: {  	_ =	shalt  }
0x6c: {  	_ =	shalt  }
0x6d: {  	_ =	shalt  }
0x6e: {  	_ =	shalt  }
0x6f: {  	_ =	shalt  }
0x70: {  	_ =	shalt  }
0x71: {  	_ =	shalt  }
0x72: {  	_ =	shalt  }
0x73: {  	_ =	shalt  }
0x74: {  	_ =	shalt  }
0x75: {  	_ =	shalt  }
0x76: {  	_ =	shalt  }
0x77: {  	_ =	shalt  }
0x78: {  	_ =	shalt  }
0x79: {  	_ =	shalt  }
0x7a: {  	_ =	shalt  }
0x7b: {  	_ =	shalt  }
0x7c: {  	_ =	shalt  }
0x7d: {  	_ =	shalt  }
0x7e: {  	_ =	shalt  }
0x7f: {  	_ =	shalt  }
0x80: {  	_ =	shalt  }
0x81: {  	_ =	shalt  }
0x82: {  	_ =	shalt  }
0x83: {  	_ =	shalt  }
0x84: {  	_ =	shalt  }
0x85: {  	_ =	shalt  }
0x86: {  	_ =	shalt  }
0x87: {  	_ =	shalt  }
.Lfunc_end0:
.L_simem_size_0:
called_computation.2_lowered:
.L_overlay_start_0:
0x88: {  	s2 =	sld [smem:$0x3FD9]  }
0x89: {  	s3 =	sld [smem:$0x3FFE];
	_ =	sdelay $0x1  }
0x8a: {  	s1 =	srdreg.scid  }
0x8b: {  	s0 =	sand.u32 $0x1, s1  }
0x8c: {  	s16 =	sshll.u32 s0, $0xA;
	s2 =	sadd.s32 s3, s2  }
0x8d: {  	s2 =	sadd.s32 s2, s16  }
0x8e: {  	[smem:$0x3FA3] =	sst s2  }
0x8f: {  	_ = 	snop  }
0x90: {  	(tm) =	ssettm $0x1  }
0x91: {  	s17 =	sld [smem:$0x3FFB];
	_ =	sdelay $0x3  }
0x92: {  	_ =	strace s17  }
0x93: {  	s2 =	sld [smem:$0x3FFC];
	_ =	sdelay $0x3  }
0x94: {  	_ =	strace s2  }
0x95: {  	s2 =	sld [smem:$0x3FFD];
	_ =	sdelay $0x3  }
0x96: {  	_ =	strace s2  }
0x97: {  	_ =	strace $0x8FFFFFFF  }
0x98: {  	s18 =	sld [smem:$0x3FDB];
	_ =	sdelay $0x1  }
0x99: {  	s19 =	simm.s32 $_scs_section_size  }
0x9a: {  	s4 =	simm.s32 $_size__tile_overlayer_lowered;
	s5 =	simm.s32 $_tile_overlayer_lowered  }
0x9b: {  	s22 =	simm.s32 $0x1BFF;
	s21 =	sshll.u32 s5, $0x1;
	s2 =	sadd.s32 s19, s18  }
0x9c: {  	s6 =	simm.s32 $0x0;
	s20 =	sshll.u32 s4, $0x1;
	s4 =	sadd.s32 s21, s2  }
0x9d: {  	[timem:s6], [sflag:s22] =	dma.local [hbm:s4], s20  }
0x9e: {  	_ =	swait.ge [sflag:s22], s20  }
0x9f: {  	s3 =	ssub.s32 $0x0, s20;
	[sflag:s22] =	ssyncset.done $0x0  }
0xa0: {  	[sflag:s22] =	ssyncadd.s32 s3;
	_ =	sdelay $0x1  }
0xa1: {  	s23 =	simm.s32 $0x1B8B  }
0xa2: {  	_ =	swait.ge [sflag:s23], $0x1  }
0xa3: {  	[sflag:s23] =	ssyncset.done $0x0  }
0xa4: {  	s25 =	simm.s32 $0x1B8E;
	s24 =	sld [smem:$0x3FFE];
	[sflag:s23] =	ssyncadd.s32 $0xFFFFFFFF  }
0xa5: {  	s26 =	simm.s32 $execute0_lowered;
	[smem:$0x3FD2] =	sst s25  }
0xa6: {  	s4 =	sshll.u32 s26, $0x1;
	_ =	strace $0x8000004C;
	[dreg:$0x1] =	wrdreg $0xFFFFFFFF  }
0xa7: {  	s28 =	simm.s32 $_size_execute0_lowered;
	s2 =	sadd.s32 s2, s4;
	[dreg:$0x0] =	wrdreg $0x0  }
0xa8: {  	s4 =	sshll.u32 s28, $0x1;
	[dreg:$0x2] =	wrdreg s2  }
0xa9: {  	[dreg:$0x3] =	wrdreg s4  }
0xaa: {  	[dreg:$0x4] =	wrdreg $0xC0  }
0xab: {  	_ =	task [dreg:s6], $0x5FFFF  }
0xac: {  	[dreg:$0x1] =	wrdreg $0xFFFFFFFF  }
0xad: {  	[dreg:$0x0] =	wrdreg $0x60  }
0xae: {  	[dreg:$0x2] =	wrdreg s24  }
0xaf: {  	[dreg:$0x3] =	wrdreg $0xC0000  }
0xb0: {  	[dreg:$0x4] =	wrdreg $0x9  }
0xb1: {  	_ =	task.clear_ibuf [dreg:s6], $0x5FFFF;
	_ =	strace $0x9000004C  }
0xb2: {  	s29 =	simm.s32 $0x9;
	_ =	strace $0x8000004E  }
0xb3: {  	_ =	swait.ge [sflag:s29], $0x1  }
0xb4: {  	[sflag:s29] =	ssyncadd.s32 $0xFFFFFFFF  }
0xb5: {  	_ =	strace $0x9000004E  }
0xb6: {  	_ =	sfence  }
0xb7: {  	s30 =	sld [smem:$0x0];
	_ =	sdelay $0x2  }
0xb8: {  	s31 =	sshll.u32 s1, $0xD;
	s1 =	sshrl.u32 s1, $0x2  }
0xb9: {  	s3 =	sand.u32 $0x4000, s31;
	s1 =	sadd.s32 s1, s30  }
0xba: {  	s0 =	sor.u32 s3, s0;
	s1 =	sshll.u32 s1, $0x11  }
0xbb: {  	s0 =	sor.u32 s1, s0  }
0xbc: {  	s0 =	sadd.s32 $0x8F2B, s0  }
0xbd: {  	[sflag:s0] =	ssyncadd.remote.s32 $0x1  }
0xbe: {  	_ =	sfence.sel $0xFFFF  }
0xbf: {  	[dreg:$0x0] =	wrdreg $0xFFFFFFFF;
	(pc) =	sbr.abs _section_cstart, $3  }
0xc0: {  	[dreg:$0x1] =	wrdreg $0xFFFFFFFF  }
0xc1: {  	_ =	task.clear_ibuf [dreg:s6], $0x2FFFF;
	_ =	strace $0x9FFFFFFF  }
0xc2: {  	(tm) =	ssettm $0x7FFFFFFF  }
0xc3: {  	_ =	shalt  }
tec
execute0_lowered:
.L_overlay_start_1:
0x0: {  	(tag) =	ssettag $0x1  }
0x1: {  	s0 =	rddreg [dreg:$0x0]  }
0x2: {  	s1 =	rddreg [dreg:$0x1]  }
0x3: {  	s2 =	srdreg.scid;
	s4 =	simm.s32 $0x0;
	s9 =	stileid.u32  }
0x4: {  	s29 =	simm.s32 $0x8000;
	s30 =	simm.s32 $0x1;
	s10 =	simm.s32 $0x3  }
0x5: {  	s11 =	simm.s32 $0x2100;
	s12 =	simm.s32 $0x6;
	s13 =	simm.s32 $0x280  }
0x6: {  	s14 =	simm.s32 $0x4;
	s15 =	simm.s32 $0x2180;
	s16 =	simm.s32 $0x7  }
0x7: {  	s2 =	sand.u32 $0x1, s2;
	[smem:$0x7FF] =	sst s4;
	s7 =	smul.u32 $0x50000, s9  }
0x8: {  	s6 =	smul.u32 $0x14000, s9;
	s4 =	sadd.s32 $0xA600, s0;
	s5 =	sadd.s32 $0xD2A00, s0  }
0x9: {  	s8 =	sadd.s32 $0x5A600, s0;
	s3 =	smul.u32 $0x140000, s2;
	s7 =	sshrl.u32 s7, $0x2  }
0xa: {  	_ =	strace $0x8000004D;
	[dreg:$0x3] =	wrdreg s8;
	s20 =	sadd.s32 s7, s1  }
0xb: {  	s17 =	ssub.s32 $0x2, s2;
	s7 =	sadd.s32 $0x2000, s20;
	[dreg:$0x4] =	wrdreg s20  }
0xc: {  	s2 =	sshll.u32 s2, $0x4;
	s19 =	sadd.s32 $0x4000, s20;
	[dreg:$0x5] =	wrdreg s7  }
0xd: {  	s8 =	simm.s32 $0x0;
	s21 =	sadd.s32 $0x6000, s20;
	[dreg:$0x6] =	wrdreg s19  }
0xe: {  	s18 =	sshrl.u32 s17, $0x1;
	s22 =	sadd.s32 $0x8000, s20;
	[dreg:$0x7] =	wrdreg s21  }
0xf: {  	s2 =	sor.u32 s9, s2;
	s23 =	sadd.s32 $0xA000, s20;
	[dreg:$0x8] =	wrdreg s22  }
0x10: {  	s3 =	sadd.s32 s6, s3;
	s24 =	sadd.s32 $0xC000, s20;
	[dreg:$0x9] =	wrdreg s23  }
0x11: {  	s6 =	sadd.s32 $0xAAA00, s0;
	s25 =	sadd.s32 $0xE000, s20;
	[dreg:$0xa] =	wrdreg s24  }
0x12: {  	s3 =	sshrl.u32 s3, $0x3;
	s26 =	sadd.s32 $0x10000, s20;
	[dreg:$0xb] =	wrdreg s25  }
0x13: {  	s28 =	sadd.s32 $0x12000, s20;
	s0 =	sadd.s32 s3, s0;
	[dreg:$0xc] =	wrdreg s26  }
0x14: {  	s3 =	ssub.s32 s17, s18;
	[dreg:$0xd] =	wrdreg s28;
	s18 =	smul.u32 $0xA000, s2  }
.Ltmp0:
0x15: {  	s21 =	simm.s32 $0x4000;
	s22 =	simm.s32 $0x9;
	(pc) =	sbr.rel .LBB2_1-.Ltmp0, $4  }
0x16: {  	s23 =	simm.s32 $0x2000;
	s24 =	simm.s32 $0x40;
	s26 =	simm.s32 $0x6000  }
0x17: {  	s7 =	simm.s32 $0x5;
	s17 =	simm.s32 $0x300;
	s0 =	sadd.s32 $0x5AA00, s0  }
0x18: {  	s19 =	simm.s32 $0x8;
	s31 =	smax.u32 s3, $0x1;
	[dreg:$0xe] =	wrdreg s0  }
0x19: {  	s3 =	simm.s32 $0x2;
	[dreg:$0xf] =	wrdreg s31;
	s0 =	simm.s32 $0xA000  }
.LBB2_6:
0x1a: {  	s2 =	stileid.u32;
	[bflag:$0x0] =	sbarrier.arrive $0xFFFF  }
0x1b: {  	s2 =	sshll.u32 s2, $0x6;
	s20 =	rddreg [dreg:$0x4]  }
0x1c: {  	s9 =	rddreg [dreg:$0xe];
	s2 =	sor.u32 $0x1C09, s2;
	s8 =	sshrl.u32 s20, $0x3  }
0x1d: {  	[hbm:s9], [sflag:s2] =	dma.local [spmem:s8], $0x2800  }
0x1e: {  	_ =	swait.ge [sflag:s22], $0x2800  }
0x1f: {  	s28 =	rddreg [dreg:$0x10]  }
0x20: {  	s31 =	rddreg [dreg:$0xf];
	s8 =	sadd.s32 $0x1, s28  }
0x21: {  	p0 =	sne.s32 s8, s31  }
.Ltmp1:
0x22: {  	_ = 	snop;
	(pc) =	sbr.rel @!p0 .LBB2_7-.Ltmp1, $3  }
0x23: {  	_ =	sdelay $0x1  }
0x24: {  	[sflag:s22] =	ssyncset.done $0x0  }
0x25: {  	[sflag:s22] =	ssyncadd.s32 $0xFFFFD800  }
.LBB2_1:
0x26: {  	[dreg:$0x10] =	wrdreg s8  }
0x27: {  	s2 =	simm.s32 $0x0;
	s9 =	rddreg [dreg:$0x3]  }
0x28: {  	[tilespmem:s21], [sflag:$0x9] =	stream.linear.gather [hbm4b:s9+s2], $0x2000, $0x38;
	v63 =	vld [tilespmem:$0x0]  }
0x29: {  	_ =	swait.ge [sflag:s22], $0x2000  }
0x2a: {  	[sflag:s22] =	ssyncset.done $0x0  }
0x2b: {  	[sflag:s22] =	ssyncadd.s32 $0xFFFFE000  }
0x2c: {  	[spmem:s20] =	stream.linear.scatter [tilespmem:s21], [sflag:$0x9], $0x2000, $0x38;
	v63 =	vld [tilespmem:$0x0]  }
0x2d: {  	_ =	swait.ge [sflag:s22], $0x2000  }
0x2e: {  	[sflag:s22] =	ssyncset.done $0x0  }
0x2f: {  	s25 =	rddreg [dreg:$0x5];
	[sflag:s22] =	ssyncadd.s32 $0xFFFFE000  }
0x30: {  	[spmem:s25] =	stream.linear.scatter [tilespmem:s21], [sflag:$0x9], $0x2000, $0x38;
	v63 =	vld [tilespmem:$0x0]  }
0x31: {  	_ =	swait.ge [sflag:s22], $0x2000  }
0x32: {  	[sflag:s22] =	ssyncset.done $0x0  }
0x33: {  	s28 =	rddreg [dreg:$0x6];
	[sflag:s22] =	ssyncadd.s32 $0xFFFFE000  }
0x34: {  	[spmem:s28] =	stream.linear.scatter [tilespmem:s21], [sflag:$0x9], $0x2000, $0x38;
	v63 =	vld [tilespmem:$0x0]  }
0x35: {  	_ =	swait.ge [sflag:s22], $0x2000  }
0x36: {  	[sflag:s22] =	ssyncset.done $0x0  }
0x37: {  	s31 =	rddreg [dreg:$0x7];
	[sflag:s22] =	ssyncadd.s32 $0xFFFFE000  }
0x38: {  	[spmem:s31] =	stream.linear.scatter [tilespmem:s21], [sflag:$0x9], $0x2000, $0x38;
	v63 =	vld [tilespmem:$0x0]  }
0x39: {  	_ =	swait.ge [sflag:s22], $0x2000  }
0x3a: {  	[sflag:s22] =	ssyncset.done $0x0  }
0x3b: {  	s8 =	rddreg [dreg:$0x8];
	[sflag:s22] =	ssyncadd.s32 $0xFFFFE000  }
0x3c: {  	[spmem:s8] =	stream.linear.scatter [tilespmem:s21], [sflag:$0x9], $0x2000, $0x38;
	v63 =	vld [tilespmem:$0x0]  }
0x3d: {  	_ =	swait.ge [sflag:s22], $0x2000  }
0x3e: {  	[sflag:s22] =	ssyncset.done $0x0  }
0x3f: {  	s9 =	rddreg [dreg:$0x9];
	[sflag:s22] =	ssyncadd.s32 $0xFFFFE000  }
0x40: {  	[spmem:s9] =	stream.linear.scatter [tilespmem:s21], [sflag:$0x9], $0x2000, $0x38;
	v63 =	vld [tilespmem:$0x0]  }
0x41: {  	_ =	swait.ge [sflag:s22], $0x2000  }
0x42: {  	[sflag:s22] =	ssyncset.done $0x0  }
0x43: {  	s20 =	rddreg [dreg:$0xa];
	[sflag:s22] =	ssyncadd.s32 $0xFFFFE000  }
0x44: {  	[spmem:s20] =	stream.linear.scatter [tilespmem:s21], [sflag:$0x9], $0x2000, $0x38;
	v63 =	vld [tilespmem:$0x0]  }
0x45: {  	_ =	swait.ge [sflag:s22], $0x2000  }
0x46: {  	[sflag:s22] =	ssyncset.done $0x0  }
0x47: {  	s25 =	rddreg [dreg:$0xb];
	[sflag:s22] =	ssyncadd.s32 $0xFFFFE000  }
0x48: {  	[spmem:s25] =	stream.linear.scatter [tilespmem:s21], [sflag:$0x9], $0x2000, $0x38;
	v63 =	vld [tilespmem:$0x0]  }
0x49: {  	_ =	swait.ge [sflag:s22], $0x2000  }
0x4a: {  	[sflag:s22] =	ssyncset.done $0x0  }
0x4b: {  	s28 =	rddreg [dreg:$0xc];
	[sflag:s22] =	ssyncadd.s32 $0xFFFFE000  }
0x4c: {  	[spmem:s28] =	stream.linear.scatter [tilespmem:s21], [sflag:$0x9], $0x2000, $0x38;
	v63 =	vld [tilespmem:$0x0]  }
0x4d: {  	_ =	swait.ge [sflag:s22], $0x2000  }
0x4e: {  	[sflag:s22] =	ssyncset.done $0x0  }
0x4f: {  	s31 =	rddreg [dreg:$0xd];
	[sflag:s22] =	ssyncadd.s32 $0xFFFFE000  }
0x50: {  	[spmem:s31] =	stream.linear.scatter [tilespmem:s21], [sflag:$0x9], $0x2000, $0x38;
	v63 =	vld [tilespmem:$0x0]  }
.Ltmp2:
0x51: {  	_ =	swait.ge [sflag:s22], $0x2000;
	(pc) =	sbr.rel .LBB2_2-.Ltmp2, $4  }
0x52: {  	[sflag:s22] =	ssyncset.done $0x0  }
0x53: {  	[sflag:s22] =	ssyncadd.s32 $0xFFFFE000  }
0x54: {  	[bflag:$0x0] =	sbarrier.arrive $0xFFFF  }
0x55: {  	s8 =	simm.s32 $0x0  }
.LBB2_5:
0x56: {  	_ =	swait.ge [sflag:s7], $0x2000  }
0x57: {  	[sflag:s7] =	ssyncset.done $0x0  }
0x58: {  	[sflag:s7] =	ssyncadd.s32 $0xFFFFE000  }
0x59: {  	_ =	swait.ge [sflag:s12], $0x2000  }
0x5a: {  	[sflag:s12] =	ssyncset.done $0x0  }
0x5b: {  	s8 =	sadd.s32 $0x1, s8;
	[sflag:s12] =	ssyncadd.s32 $0xFFFFE000  }
0x5c: {  	p0 =	sne.s32 s8, $0x5;
	_ =	swait.ge [sflag:s16], $0x2000  }
.Ltmp3:
0x5d: {  	[sflag:s16] =	ssyncset.done $0x0;
	(pc) =	sbr.rel @!p0 .LBB2_6-.Ltmp3, $4  }
0x5e: {  	[sflag:s16] =	ssyncadd.s32 $0xFFFFE000  }
0x5f: {  	_ =	swait.ge [sflag:s19], $0x2000  }
0x60: {  	[sflag:s19] =	ssyncset.done $0x0  }
0x61: {  	[sflag:s19] =	ssyncadd.s32 $0xFFFFE000  }
.LBB2_2:
0x62: {  	s20 =	sshll.u32 s8, $0xD  }
0x63: {  	s20 =	sadd.s32 s18, s20  }
0x64: {  	s25 =	sshrl.u32 s20, $0x3  }
0x65: {  	s20 =	simm.s32 $0x0;
	s28 =	sadd.s32 s5, s25  }
0x66: {  	[tilespmem:s20], [sflag:$0x9] =	stream.linear.gather [hbm4b:s28+s20], $0x2000, $0x38;
	v63 =	vld [tilespmem:$0x0]  }
0x67: {  	_ =	swait.ge [sflag:s22], $0x2000  }
0x68: {  	[sflag:s22] =	ssyncset.done $0x0  }
0x69: {  	s25 =	sadd.s32 s6, s25;
	[sflag:s22] =	ssyncadd.s32 $0xFFFFE000  }
0x6a: {  	[tilespmem:s23], [sflag:$0x9] =	stream.linear.gather [hbm4b:s25+s20], $0x2000, $0x38;
	v63 =	vld [tilespmem:$0x0]  }
0x6b: {  	_ =	swait.ge [sflag:s22], $0x2000  }
0x6c: {  	[sflag:s22] =	ssyncset.done $0x0  }
0x6d: {  	[sflag:s22] =	ssyncadd.s32 $0xFFFFE000  }
0x6e: {  	[tilespmem:s21], [sflag:$0x1] =	stream.indirect.gather [hbm4b:s4+s24], $0x80, s20, s24, $0xb8;
	v63 =	vld [tilespmem:$0x0]  }
0x6f: {  	s2 =	simm.s32 $0x80  }
0x70: {  	[tilespmem:s26], [sflag:$0x2] =	stream.indirect.gather [hbm4b:s4+s24], $0x80, s2, s24, $0xb8;
	v63 =	vld [tilespmem:$0x0]  }
0x71: {  	s9 =	simm.s32 $0x100  }
0x72: {  	[tilespmem:s29], [sflag:$0x3] =	stream.indirect.gather [hbm4b:s4+s24], $0x80, s9, s24, $0xb8;
	v63 =	vld [tilespmem:$0x0]  }
0x73: {  	_ =	swait.ge [sflag:s30], $0x2000  }
0x74: {  	[sflag:s30] =	ssyncset.done $0x0  }
0x75: {  	[sflag:s30] =	ssyncadd.s32 $0xFFFFE000  }
0x76: {  	[spmem:s1] =	stream.indirect.scatter.add.f32 [tilespmem:s21], [sflag:$0x5], $0x80, s23, s24, $0xb8;
	v63 =	vld [tilespmem:$0x0]  }
0x77: {  	s25 =	simm.s32 $0x180  }
0x78: {  	[tilespmem:s0], [sflag:$0x4] =	stream.indirect.gather [hbm4b:s4+s24], $0x80, s25, s24, $0xb8;
	v63 =	vld [tilespmem:$0x0]  }
0x79: {  	_ =	swait.ge [sflag:s3], $0x2000  }
0x7a: {  	[sflag:s3] =	ssyncset.done $0x0  }
0x7b: {  	s28 =	simm.s32 $0x2080;
	[sflag:s3] =	ssyncadd.s32 $0xFFFFE000  }
0x7c: {  	[spmem:s1] =	stream.indirect.scatter.add.f32 [tilespmem:s26], [sflag:$0x6], $0x80, s28, s24, $0xb8;
	v63 =	vld [tilespmem:$0x0]  }
0x7d: {  	_ =	swait.ge [sflag:s7], $0x2000  }
0x7e: {  	[sflag:s7] =	ssyncset.done $0x0  }
0x7f: {  	s31 =	simm.s32 $0x200;
	[sflag:s7] =	ssyncadd.s32 $0xFFFFE000  }
0x80: {  	[tilespmem:s21], [sflag:$0x1] =	stream.indirect.gather [hbm4b:s4+s24], $0x80, s31, s24, $0xb8;
	v63 =	vld [tilespmem:$0x0]  }
0x81: {  	_ =	swait.ge [sflag:s10], $0x2000  }
0x82: {  	[sflag:s10] =	ssyncset.done $0x0  }
0x83: {  	[sflag:s10] =	ssyncadd.s32 $0xFFFFE000  }
0x84: {  	[spmem:s1] =	stream.indirect.scatter.add.f32 [tilespmem:s29], [sflag:$0x7], $0x80, s11, s24, $0xb8;
	v63 =	vld [tilespmem:$0x0]  }
0x85: {  	_ =	swait.ge [sflag:s12], $0x2000  }
0x86: {  	[sflag:s12] =	ssyncset.done $0x0  }
0x87: {  	[sflag:s12] =	ssyncadd.s32 $0xFFFFE000  }
0x88: {  	[tilespmem:s26], [sflag:$0x2] =	stream.indirect.gather [hbm4b:s4+s24], $0x80, s13, s24, $0xb8;
	v63 =	vld [tilespmem:$0x0]  }
0x89: {  	_ =	swait.ge [sflag:s14], $0x2000  }
0x8a: {  	[sflag:s14] =	ssyncset.done $0x0  }
0x8b: {  	[sflag:s14] =	ssyncadd.s32 $0xFFFFE000  }
0x8c: {  	[spmem:s1] =	stream.indirect.scatter.add.f32 [tilespmem:s0], [sflag:$0x8], $0x80, s15, s24, $0xb8;
	v63 =	vld [tilespmem:$0x0]  }
0x8d: {  	_ =	swait.ge [sflag:s16], $0x2000  }
0x8e: {  	[sflag:s16] =	ssyncset.done $0x0  }
0x8f: {  	[sflag:s16] =	ssyncadd.s32 $0xFFFFE000  }
0x90: {  	[tilespmem:s29], [sflag:$0x3] =	stream.indirect.gather [hbm4b:s4+s24], $0x80, s17, s24, $0xb8;
	v63 =	vld [tilespmem:$0x0]  }
.LBB2_3:
0x91: {  	_ =	swait.ge [sflag:s30], $0x2000  }
0x92: {  	s25 =	sshra.s32 s20, $0x2;
	[sflag:s30] =	ssyncset.done $0x0  }
0x93: {  	s28 =	sadd.s32 $0x2200, s25;
	[sflag:s30] =	ssyncadd.s32 $0xFFFFE000  }
0x94: {  	[spmem:s1] =	stream.indirect.scatter.add.f32 [tilespmem:s21], [sflag:$0x5], $0x80, s28, s24, $0xb8;
	v63 =	vld [tilespmem:$0x0]  }
0x95: {  	_ =	swait.ge [sflag:s19], $0x2000  }
0x96: {  	[sflag:s19] =	ssyncset.done $0x0  }
0x97: {  	s2 =	sadd.s32 $0x380, s25;
	[sflag:s19] =	ssyncadd.s32 $0xFFFFE000  }
0x98: {  	[tilespmem:s0], [sflag:$0x4] =	stream.indirect.gather [hbm4b:s4+s24], $0x80, s2, s24, $0xb8;
	v63 =	vld [tilespmem:$0x0]  }
0x99: {  	_ =	swait.ge [sflag:s3], $0x2000  }
0x9a: {  	p0 =	seq.s32 s20, $0x7000;
	[sflag:s3] =	ssyncset.done $0x0  }
0x9b: {  	s9 =	sadd.s32 $0x2280, s25;
	s28 =	simm.s32 @p0 $0x3;
	[sflag:s3] =	ssyncadd.s32 $0xFFFFE000  }
0x9c: {  	[spmem:s1] =	stream.indirect.scatter.add.f32 [tilespmem:s26], [sflag:$0x6], $0x80, s9, s24, $0xb8;
	v63 =	vld [tilespmem:$0x0]  }
0x9d: {  	_ =	swait.ge @p0 [sflag:s28], $0x2000  }
0x9e: {  	[sflag:s28] =	ssyncset.done @p0 $0x0  }
0x9f: {  	[sflag:s28] =	ssyncadd.s32 @p0 $0xFFFFE000;
	s28 =	sshra.s32 @p0 s20, $0x2  }
0xa0: {  	s31 =	simm.s32 @p0 $0x40;
	s2 =	simm.s32 @p0 $0x8000;
	s28 =	sadd.s32 @p0 $0x2300, s28  }
0xa1: {  	[spmem:s1] =	stream.indirect.scatter.add.f32 @p0 [tilespmem:s2], [sflag:$0x7], $0x80, s28, s31, $0xb8;
	v63 =	vld [tilespmem:$0x0]  }
0xa2: {  	s2 =	simm.s32 @!p0 $0x5  }
0xa3: {  	_ =	swait.ge @!p0 [sflag:s2], $0x2000  }
0xa4: {  	[sflag:s2] =	ssyncset.done @!p0 $0x0  }
0xa5: {  	[sflag:s2] =	ssyncadd.s32 @!p0 $0xFFFFE000;
	s2 =	sshra.s32 @!p0 s20, $0x2  }
0xa6: {  	s9 =	simm.s32 @!p0 $0x4000;
	s31 =	simm.s32 @!p0 $0x40;
	s28 =	sadd.s32 @!p0 $0x400, s2  }
0xa7: {  	[tilespmem:s9], [sflag:$0x1] =	stream.indirect.gather @!p0 [hbm4b:s4+s31], $0x80, s28, s31, $0xb8;
	v63 =	vld [tilespmem:$0x0]  }
0xa8: {  	s9 =	simm.s32 @!p0 $0x3  }
0xa9: {  	_ =	swait.ge @!p0 [sflag:s9], $0x2000  }
0xaa: {  	[sflag:s9] =	ssyncset.done @!p0 $0x0  }
0xab: {  	s28 =	simm.s32 @!p0 $0x8000;
	[sflag:s9] =	ssyncadd.s32 @!p0 $0xFFFFE000;
	s9 =	sadd.s32 @!p0 $0x2300, s2  }
0xac: {  	[spmem:s1] =	stream.indirect.scatter.add.f32 @!p0 [tilespmem:s28], [sflag:$0x7], $0x80, s9, s31, $0xb8;
	v63 =	vld [tilespmem:$0x0]  }
0xad: {  	s9 =	simm.s32 @!p0 $0x6  }
0xae: {  	_ =	swait.ge @!p0 [sflag:s9], $0x2000  }
0xaf: {  	[sflag:s9] =	ssyncset.done @!p0 $0x0  }
0xb0: {  	s2 =	sadd.s32 @!p0 $0x480, s2;
	[sflag:s9] =	ssyncadd.s32 @!p0 $0xFFFFE000;
	s9 =	simm.s32 @!p0 $0x6000  }
0xb1: {  	[tilespmem:s9], [sflag:$0x2] =	stream.indirect.gather @!p0 [hbm4b:s4+s31], $0x80, s2, s31, $0xb8;
	v63 =	vld [tilespmem:$0x0]  }
.Ltmp4:
0xb2: {  	_ = 	snop;
	(pc) =	sbr.rel @p0 .LBB2_5-.Ltmp4, $4  }
0xb3: {  	_ =	swait.ge [sflag:s14], $0x2000  }
0xb4: {  	[sflag:s14] =	ssyncset.done $0x0  }
0xb5: {  	s31 =	sadd.s32 $0x2380, s25;
	[sflag:s14] =	ssyncadd.s32 $0xFFFFE000  }
0xb6: {  	[spmem:s1] =	stream.indirect.scatter.add.f32 [tilespmem:s0], [sflag:$0x8], $0x80, s31, s24, $0xb8;
	v63 =	vld [tilespmem:$0x0]  }
.Ltmp5:
0xb7: {  	(pc) =	sbr.rel .LBB2_3-.Ltmp5, $4  }
0xb8: {  	_ =	swait.ge [sflag:s16], $0x2000  }
0xb9: {  	[sflag:s16] =	ssyncset.done $0x0  }
0xba: {  	s2 =	sadd.s32 $0x500, s25;
	s20 =	sadd.s32 $0x800, s20;
	[sflag:s16] =	ssyncadd.s32 $0xFFFFE000  }
0xbb: {  	[tilespmem:s29], [sflag:$0x3] =	stream.indirect.gather [hbm4b:s4+s24], $0x80, s2, s24, $0xb8;
	v63 =	vld [tilespmem:$0x0]  }
.LBB2_7:
0xbc: {  	_ =	sfence.sel $0x180000  }
0xbd: {  	[bflag:$0x0] =	sbarrier.arrive $0xFFFF  }
0xbe: {  	_ =	strace $0x9000004D  }
0xbf: {  	s0 =	stileid.u32;
	[bflag:$0x2] =	sbarrier.arrive $0xFFFF  }
0xc0: {  	p0 =	sne.s32 s0, $0x0;
	s0 =	rddreg [dreg:$0x2]  }
0xc1: {  	s0 =	sadd.s32 @!p0 $0x100000, s0  }
0xc2: {  	[sflag:s0] =	ssyncadd.tile.s32 @!p0 $0x1;
	_ =	shalt  }
.Lfunc_end2:
_tile_overlayer_lowered:
.L_overlay_start_2:
0xc3: {  	(tag) =	ssettag $0x2  }
0xc4: {  	s0 =	rddreg [dreg:$0x0];
	s2 =	stileid.u32  }
0xc5: {  	s1 =	rddreg [dreg:$0x1];
	p0 =	sne.s32 s2, $0x0  }
0xc6: {  	s3 =	rddreg [dreg:$0x2];
	[bflag:$0x3] =	sbarrier.arrive $0xFFFF;
	s2 =	simm.s32 @!p0 $0x1C09  }
0xc7: {  	[timem:s3], [sflag:s2] =	dma.local @!p0 [hbm:s0], s1  }
0xc8: {  	s0 =	simm.s32 @!p0 $0x9  }
0xc9: {  	_ =	swait.ge @!p0 [sflag:s0], s1  }
0xca: {  	s1 =	ssub.s32 @!p0 $0x0, s1;
	[sflag:s0] =	ssyncset.done @!p0 $0x0  }
0xcb: {  	[sflag:s0] =	ssyncadd.s32 @!p0 s1  }
0xcc: {  	[bflag:$0x3] =	sbarrier.arrive $0xFFFF  }
0xcd: {  	_ =	shalt  }

// kernel: kernel.22.cloned.1.call-start
scs
__scs_entry_jumppad:
0x0: {  	(pc) =	sbr.rel $0x88, $3  }
0x1: {  	(tag) =	ssettag $0x0;
	lr =	simm.s32 $0x1  }
0x2: {  	[smem:$0x3F7C] =	sst lr;
	_ =	strace $0xD0000000  }
0x3: {  	_ = 	snop  }
0x4: {  	_ = 	snop  }
0x5: {  	_ = 	snop  }
0x6: {  	_ = 	snop  }
0x7: {  	_ = 	snop  }
__scs_overlays_trampoline_lowered:
0x8: {  	[smem:$0x3F8B] =	sst s0  }
0x9: {  	[smem:$0x3F8C] =	sst s1  }
0xa: {  	[smem:$0x3F8D] =	sst s2  }
0xb: {  	[smem:$0x3F8E] =	sst s3  }
0xc: {  	[smem:$0x3F8F] =	sst s4  }
0xd: {  	[smem:$0x3F90] =	sst s5  }
0xe: {  	[smem:$0x3F91] =	sst s6  }
0xf: {  	[smem:$0x3F92] =	sst s7  }
0x10: {  	[smem:$0x3F93] =	sst s8  }
0x11: {  	[smem:$0x3F94] =	sst s9;
	s0 =	simm.s32 @!p0 $0x0  }
0x12: {  	s1 =	sld [smem:$0x3F7A];
	s0 =	simm.s32 @p0 $0x1  }
0x13: {  	[smem:$0x3F95] =	sst s0;
	s0 =	simm.s32 @!p1 $0x0  }
0x14: {  	s2 =	sld [smem:$0x3F79];
	s0 =	simm.s32 @p1 $0x1  }
0x15: {  	[smem:$0x3F96] =	sst s0;
	s0 =	simm.s32 @!p2 $0x0  }
0x16: {  	s3 =	sld [smem:$0x3FDB];
	s0 =	simm.s32 @p2 $0x1  }
0x17: {  	s4 =	simm.s32 $0x1BF5;
	[smem:$0x3F98] =	sst s0  }
0x18: {  	s0 =	sld [smem:$0x3F7B];
	_ =	swait.ge [sflag:s4], $0x0  }
0x19: {  	s7 =	sld [smem:$0x3F7C]  }
0x1a: {  	s8 =	sadd.s32 $0xFFFFE003, lr  }
0x1b: {  	s9 =	sadd.s32 $0xFFFFFEF7, lr;
	s5 =	simm.s32 $0xFFFFFFFF;
	p2 =	slt.u32 s8, $0xFFFFF086  }
0x1c: {  	p1 =	slt.u32 s9, $0xF7A;
	s5 =	simm.s32 @!p2 $0x0  }
0x1d: {  	s5 =	simm.s32 @p1 $0x1;
	p0 =	seq.s32 s7, s2  }
0x1e: {  	s7 =	smul.u32 @!p0 $0xF7A, s2;
	p2 =	seq.s32 @!p0 s5, $0x0  }
0x1f: {  	s9 =	smul.u32 $0xF7A, s1;
	s8 =	simm.s32 @!p0 $0x1BF5;
	p2 =	por !p2, p0  }
0x20: {  	[sflag:s8] =	ssyncset.s32 @!p0 $0xFFFFF086;
	s6 =	sadd.s32 @!p0 s3, s7;
	s7 =	simm.s32 @!p0 $0x108  }
0x21: {  	s3 =	sadd.s32 s3, s9;
	s6 =	sadd.s32 @!p0 $0x88, s6;
	s7 =	simm.s32 @p2 $0x1082  }
0x22: {  	[simem:s7], [sflag:s8] =	dma.local @!p0 [hbm:s6], $0xF7A  }
0x23: {  	s9 =	sor.u32 $0xD0000000, s2;
	s6 =	simm.s32 $0x108;
	_ =	swait.ge @!p0 [sflag:s8], $0x0  }
0x24: {  	s3 =	sadd.s32 $0x88, s3;
	s6 =	simm.s32 @!p1 $0x1082;
	[sflag:s4] =	ssyncset.s32 $0xFFFFF086  }
0x25: {  	[simem:s6], [sflag:s4] =	dma.local [hbm:s3], $0xF7A  }
0x26: {  	[smem:$0x3F7C] =	sst s1;
	(tag) =	ssettag s2;
	_ =	strace s9  }
0x27: {  	s1 =	sld [smem:$0x3F8C]  }
0x28: {  	s2 =	sld [smem:$0x3F8D]  }
0x29: {  	s4 =	sld [smem:$0x3F8F]  }
0x2a: {  	p0 =	seq.s32 s5, $0x0;
	s5 =	sld [smem:$0x3F90]  }
0x2b: {  	s6 =	sld [smem:$0x3F91]  }
0x2c: {  	s7 =	sld [smem:$0x3F92]  }
0x2d: {  	s3 =	simm.s32 $0x108;
	s8 =	sld [smem:$0x3F93]  }
0x2e: {  	s3 =	simm.s32 @!p0 $0x1082;
	s9 =	sld [smem:$0x3F94]  }
0x2f: {  	lr =	sadd.s32 s0, s3;
	s0 =	sld [smem:$0x3F8B]  }
0x30: {  	s3 =	sld [smem:$0x3F8E]  }
0x31: {  	[smem:$0x3F97] =	sst s10  }
0x32: {  	s10 =	sld [smem:$0x3F95];
	_ =	sdelay $0x3  }
0x33: {  	p0 =	seq.s32 s10, $0x1;
	s10 =	sld [smem:$0x3F97];
	_ =	sdelay $0x3  }
0x34: {  	[smem:$0x3F97] =	sst s10  }
0x35: {  	s10 =	sld [smem:$0x3F96];
	_ =	sdelay $0x3  }
0x36: {  	p1 =	seq.s32 s10, $0x1;
	s10 =	sld [smem:$0x3F97];
	_ =	sdelay $0x3  }
0x37: {  	[smem:$0x3F97] =	sst s10  }
0x38: {  	s10 =	sld [smem:$0x3F98]  }
0x39: {  	_ = 	snop;
	(pc) =	sbr.ind lr, $3  }
0x3a: {  	_ = 	snop  }
0x3b: {  	_ = 	snop  }
0x3c: {  	p2 =	seq.s32 s10, $0x1;
	s10 =	sld [smem:$0x3F97]  }
0x3d: {  	_ =	shalt  }
0x3e: {  	_ =	shalt  }
0x3f: {  	_ =	shalt  }
0x40: {  	_ =	shalt  }
0x41: {  	_ =	shalt  }
0x42: {  	_ =	shalt  }
0x43: {  	_ =	shalt  }
0x44: {  	_ =	shalt  }
0x45: {  	_ =	shalt  }
0x46: {  	_ =	shalt  }
0x47: {  	_ =	shalt  }
0x48: {  	_ =	shalt  }
0x49: {  	_ =	shalt  }
0x4a: {  	_ =	shalt  }
0x4b: {  	_ =	shalt  }
0x4c: {  	_ =	shalt  }
0x4d: {  	_ =	shalt  }
0x4e: {  	_ =	shalt  }
0x4f: {  	_ =	shalt  }
0x50: {  	_ =	shalt  }
0x51: {  	_ =	shalt  }
0x52: {  	_ =	shalt  }
0x53: {  	_ =	shalt  }
0x54: {  	_ =	shalt  }
0x55: {  	_ =	shalt  }
0x56: {  	_ =	shalt  }
0x57: {  	_ =	shalt  }
0x58: {  	_ =	shalt  }
0x59: {  	_ =	shalt  }
0x5a: {  	_ =	shalt  }
0x5b: {  	_ =	shalt  }
0x5c: {  	_ =	shalt  }
0x5d: {  	_ =	shalt  }
0x5e: {  	_ =	shalt  }
0x5f: {  	_ =	shalt  }
0x60: {  	_ =	shalt  }
0x61: {  	_ =	shalt  }
0x62: {  	_ =	shalt  }
0x63: {  	_ =	shalt  }
0x64: {  	_ =	shalt  }
0x65: {  	_ =	shalt  }
0x66: {  	_ =	shalt  }
0x67: {  	_ =	shalt  }
0x68: {  	_ =	shalt  }
0x69: {  	_ =	shalt  }
0x6a: {  	_ =	shalt  }
0x6b: {  	_ =	shalt  }
0x6c: {  	_ =	shalt  }
0x6d: {  	_ =	shalt  }
0x6e: {  	_ =	shalt  }
0x6f: {  	_ =	shalt  }
0x70: {  	_ =	shalt  }
0x71: {  	_ =	shalt  }
0x72: {  	_ =	shalt  }
0x73: {  	_ =	shalt  }
0x74: {  	_ =	shalt  }
0x75: {  	_ =	shalt  }
0x76: {  	_ =	shalt  }
0x77: {  	_ =	shalt  }
0x78: {  	_ =	shalt  }
0x79: {  	_ =	shalt  }
0x7a: {  	_ =	shalt  }
0x7b: {  	_ =	shalt  }
0x7c: {  	_ =	shalt  }
0x7d: {  	_ =	shalt  }
0x7e: {  	_ =	shalt  }
0x7f: {  	_ =	shalt  }
0x80: {  	_ =	shalt  }
0x81: {  	_ =	shalt  }
0x82: {  	_ =	shalt  }
0x83: {  	_ =	shalt  }
0x84: {  	_ =	shalt  }
0x85: {  	_ =	shalt  }
0x86: {  	_ =	shalt  }
0x87: {  	_ =	shalt  }
.Lfunc_end0:
.L_simem_size_0:
called_computation.3_lowered:
.L_overlay_start_0:
0x88: {  	s2 =	sld [smem:$0x3FD9]  }
0x89: {  	s3 =	sld [smem:$0x3FFE];
	_ =	sdelay $0x1  }
0x8a: {  	s1 =	srdreg.scid  }
0x8b: {  	s0 =	sand.u32 $0x1, s1  }
0x8c: {  	s16 =	sshll.u32 s0, $0xA;
	s2 =	sadd.s32 s3, s2  }
0x8d: {  	s2 =	sadd.s32 s2, s16  }
0x8e: {  	[smem:$0x3FA3] =	sst s2  }
0x8f: {  	_ = 	snop  }
0x90: {  	(tm) =	ssettm $0x1  }
0x91: {  	s17 =	sld [smem:$0x3FFB];
	_ =	sdelay $0x3  }
0x92: {  	_ =	strace s17  }
0x93: {  	s2 =	sld [smem:$0x3FFC];
	_ =	sdelay $0x3  }
0x94: {  	_ =	strace s2  }
0x95: {  	s2 =	sld [smem:$0x3FFD];
	_ =	sdelay $0x3  }
0x96: {  	_ =	strace s2  }
0x97: {  	_ =	strace $0x8FFFFFFF  }
0x98: {  	s18 =	sld [smem:$0x3FDB];
	_ =	sdelay $0x1  }
0x99: {  	s19 =	simm.s32 $_scs_section_size  }
0x9a: {  	s4 =	simm.s32 $_size__tile_overlayer_lowered;
	s5 =	simm.s32 $_tile_overlayer_lowered  }
0x9b: {  	s22 =	simm.s32 $0x1BFF;
	s21 =	sshll.u32 s5, $0x1;
	s2 =	sadd.s32 s19, s18  }
0x9c: {  	s6 =	simm.s32 $0x0;
	s20 =	sshll.u32 s4, $0x1;
	s4 =	sadd.s32 s21, s2  }
0x9d: {  	[timem:s6], [sflag:s22] =	dma.local [hbm:s4], s20  }
0x9e: {  	_ =	swait.ge [sflag:s22], s20  }
0x9f: {  	s3 =	ssub.s32 $0x0, s20;
	[sflag:s22] =	ssyncset.done $0x0  }
0xa0: {  	[sflag:s22] =	ssyncadd.s32 s3;
	_ =	sdelay $0x1  }
0xa1: {  	s23 =	simm.s32 $0x1B8B  }
0xa2: {  	_ =	swait.ge [sflag:s23], $0x1  }
0xa3: {  	[sflag:s23] =	ssyncset.done $0x0  }
0xa4: {  	s25 =	simm.s32 $0x1B8E;
	s24 =	sld [smem:$0x3FFE];
	[sflag:s23] =	ssyncadd.s32 $0xFFFFFFFF  }
0xa5: {  	s26 =	simm.s32 $execute0_lowered;
	[smem:$0x3FD2] =	sst s25  }
0xa6: {  	s4 =	sshll.u32 s26, $0x1;
	_ =	strace $0x8000004F;
	[dreg:$0x1] =	wrdreg $0xFFFFFFFF  }
0xa7: {  	s28 =	simm.s32 $_size_execute0_lowered;
	s2 =	sadd.s32 s2, s4;
	[dreg:$0x0] =	wrdreg $0x0  }
0xa8: {  	s4 =	sshll.u32 s28, $0x1;
	[dreg:$0x2] =	wrdreg s2  }
0xa9: {  	[dreg:$0x3] =	wrdreg s4  }
0xaa: {  	[dreg:$0x4] =	wrdreg $0xC0  }
0xab: {  	_ =	task [dreg:s6], $0x5FFFF  }
0xac: {  	[dreg:$0x1] =	wrdreg $0xFFFFFFFF  }
0xad: {  	[dreg:$0x0] =	wrdreg $0x60  }
0xae: {  	[dreg:$0x2] =	wrdreg s24  }
0xaf: {  	[dreg:$0x3] =	wrdreg $0xC0000  }
0xb0: {  	[dreg:$0x4] =	wrdreg $0x9  }
0xb1: {  	_ =	task.clear_ibuf [dreg:s6], $0x5FFFF;
	_ =	strace $0x9000004F  }
0xb2: {  	s29 =	simm.s32 $0x9;
	_ =	strace $0x80000051  }
0xb3: {  	_ =	swait.ge [sflag:s29], $0x1  }
0xb4: {  	[sflag:s29] =	ssyncadd.s32 $0xFFFFFFFF  }
0xb5: {  	_ =	strace $0x90000051  }
0xb6: {  	_ =	sfence  }
0xb7: {  	s30 =	sld [smem:$0x0];
	_ =	sdelay $0x2  }
0xb8: {  	s31 =	sshll.u32 s1, $0xD;
	s1 =	sshrl.u32 s1, $0x2  }
0xb9: {  	s3 =	sand.u32 $0x4000, s31;
	s1 =	sadd.s32 s1, s30  }
0xba: {  	s0 =	sor.u32 s3, s0;
	s1 =	sshll.u32 s1, $0x11  }
0xbb: {  	s0 =	sor.u32 s1, s0  }
0xbc: {  	s0 =	sadd.s32 $0x8F2B, s0  }
0xbd: {  	[sflag:s0] =	ssyncadd.remote.s32 $0x1  }
0xbe: {  	_ =	sfence.sel $0xFFFF  }
0xbf: {  	[dreg:$0x0] =	wrdreg $0xFFFFFFFF;
	(pc) =	sbr.abs _section_cstart, $3  }
0xc0: {  	[dreg:$0x1] =	wrdreg $0xFFFFFFFF  }
0xc1: {  	_ =	task.clear_ibuf [dreg:s6], $0x2FFFF;
	_ =	strace $0x9FFFFFFF  }
0xc2: {  	(tm) =	ssettm $0x7FFFFFFF  }
0xc3: {  	_ =	shalt  }
tec
execute0_lowered:
.L_overlay_start_1:
0x0: {  	(tag) =	ssettag $0x1  }
0x1: {  	s0 =	rddreg [dreg:$0x0]  }
0x2: {  	s1 =	rddreg [dreg:$0x1]  }
0x3: {  	s2 =	srdreg.scid;
	s4 =	simm.s32 $0x0;
	s9 =	stileid.u32  }
0x4: {  	s29 =	simm.s32 $0x8000;
	s30 =	simm.s32 $0x1;
	s10 =	simm.s32 $0x3  }
0x5: {  	s11 =	simm.s32 $0x2100;
	s12 =	simm.s32 $0x6;
	s13 =	simm.s32 $0x280  }
0x6: {  	s14 =	simm.s32 $0x4;
	s15 =	simm.s32 $0x2180;
	s16 =	simm.s32 $0x7  }
0x7: {  	s2 =	sand.u32 $0x1, s2;
	[smem:$0x7FF] =	sst s4;
	s7 =	smul.u32 $0x50000, s9  }
0x8: {  	s6 =	smul.u32 $0x14000, s9;
	s4 =	sadd.s32 $0xA600, s0;
	s5 =	sadd.s32 $0xD2A00, s0  }
0x9: {  	s8 =	sadd.s32 $0x5A600, s0;
	s3 =	smul.u32 $0x140000, s2;
	s7 =	sshrl.u32 s7, $0x2  }
0xa: {  	_ =	strace $0x80000050;
	[dreg:$0x3] =	wrdreg s8;
	s20 =	sadd.s32 s7, s1  }
0xb: {  	s17 =	ssub.s32 $0x2, s2;
	s7 =	sadd.s32 $0x2000, s20;
	[dreg:$0x4] =	wrdreg s20  }
0xc: {  	s2 =	sshll.u32 s2, $0x4;
	s19 =	sadd.s32 $0x4000, s20;
	[dreg:$0x5] =	wrdreg s7  }
0xd: {  	s8 =	simm.s32 $0x0;
	s21 =	sadd.s32 $0x6000, s20;
	[dreg:$0x6] =	wrdreg s19  }
0xe: {  	s18 =	sshrl.u32 s17, $0x1;
	s22 =	sadd.s32 $0x8000, s20;
	[dreg:$0x7] =	wrdreg s21  }
0xf: {  	s2 =	sor.u32 s9, s2;
	s23 =	sadd.s32 $0xA000, s20;
	[dreg:$0x8] =	wrdreg s22  }
0x10: {  	s3 =	sadd.s32 s6, s3;
	s24 =	sadd.s32 $0xC000, s20;
	[dreg:$0x9] =	wrdreg s23  }
0x11: {  	s6 =	sadd.s32 $0xAAA00, s0;
	s25 =	sadd.s32 $0xE000, s20;
	[dreg:$0xa] =	wrdreg s24  }
0x12: {  	s3 =	sshrl.u32 s3, $0x3;
	s26 =	sadd.s32 $0x10000, s20;
	[dreg:$0xb] =	wrdreg s25  }
0x13: {  	s28 =	sadd.s32 $0x12000, s20;
	s0 =	sadd.s32 s3, s0;
	[dreg:$0xc] =	wrdreg s26  }
0x14: {  	s3 =	ssub.s32 s17, s18;
	[dreg:$0xd] =	wrdreg s28;
	s18 =	smul.u32 $0xA000, s2  }
.Ltmp0:
0x15: {  	s21 =	simm.s32 $0x4000;
	s22 =	simm.s32 $0x9;
	(pc) =	sbr.rel .LBB2_1-.Ltmp0, $4  }
0x16: {  	s23 =	simm.s32 $0x2000;
	s24 =	simm.s32 $0x40;
	s26 =	simm.s32 $0x6000  }
0x17: {  	s7 =	simm.s32 $0x5;
	s17 =	simm.s32 $0x300;
	s0 =	sadd.s32 $0x5AA00, s0  }
0x18: {  	s19 =	simm.s32 $0x8;
	s31 =	smax.u32 s3, $0x1;
	[dreg:$0xe] =	wrdreg s0  }
0x19: {  	s3 =	simm.s32 $0x2;
	[dreg:$0xf] =	wrdreg s31;
	s0 =	simm.s32 $0xA000  }
.LBB2_6:
0x1a: {  	s2 =	stileid.u32;
	[bflag:$0x0] =	sbarrier.arrive $0xFFFF  }
0x1b: {  	s2 =	sshll.u32 s2, $0x6;
	s20 =	rddreg [dreg:$0x4]  }
0x1c: {  	s9 =	rddreg [dreg:$0xe];
	s2 =	sor.u32 $0x1C09, s2;
	s8 =	sshrl.u32 s20, $0x3  }
0x1d: {  	[hbm:s9], [sflag:s2] =	dma.local [spmem:s8], $0x2800  }
0x1e: {  	_ =	swait.ge [sflag:s22], $0x2800  }
0x1f: {  	s28 =	rddreg [dreg:$0x10]  }
0x20: {  	s31 =	rddreg [dreg:$0xf];
	s8 =	sadd.s32 $0x1, s28  }
0x21: {  	p0 =	sne.s32 s8, s31  }
.Ltmp1:
0x22: {  	_ = 	snop;
	(pc) =	sbr.rel @!p0 .LBB2_7-.Ltmp1, $3  }
0x23: {  	_ =	sdelay $0x1  }
0x24: {  	[sflag:s22] =	ssyncset.done $0x0  }
0x25: {  	[sflag:s22] =	ssyncadd.s32 $0xFFFFD800  }
.LBB2_1:
0x26: {  	[dreg:$0x10] =	wrdreg s8  }
0x27: {  	s2 =	simm.s32 $0x0;
	s9 =	rddreg [dreg:$0x3]  }
0x28: {  	[tilespmem:s21], [sflag:$0x9] =	stream.linear.gather [hbm4b:s9+s2], $0x2000, $0x38;
	v63 =	vld [tilespmem:$0x0]  }
0x29: {  	_ =	swait.ge [sflag:s22], $0x2000  }
0x2a: {  	[sflag:s22] =	ssyncset.done $0x0  }
0x2b: {  	[sflag:s22] =	ssyncadd.s32 $0xFFFFE000  }
0x2c: {  	[spmem:s20] =	stream.linear.scatter [tilespmem:s21], [sflag:$0x9], $0x2000, $0x38;
	v63 =	vld [tilespmem:$0x0]  }
0x2d: {  	_ =	swait.ge [sflag:s22], $0x2000  }
0x2e: {  	[sflag:s22] =	ssyncset.done $0x0  }
0x2f: {  	s25 =	rddreg [dreg:$0x5];
	[sflag:s22] =	ssyncadd.s32 $0xFFFFE000  }
0x30: {  	[spmem:s25] =	stream.linear.scatter [tilespmem:s21], [sflag:$0x9], $0x2000, $0x38;
	v63 =	vld [tilespmem:$0x0]  }
0x31: {  	_ =	swait.ge [sflag:s22], $0x2000  }
0x32: {  	[sflag:s22] =	ssyncset.done $0x0  }
0x33: {  	s28 =	rddreg [dreg:$0x6];
	[sflag:s22] =	ssyncadd.s32 $0xFFFFE000  }
0x34: {  	[spmem:s28] =	stream.linear.scatter [tilespmem:s21], [sflag:$0x9], $0x2000, $0x38;
	v63 =	vld [tilespmem:$0x0]  }
0x35: {  	_ =	swait.ge [sflag:s22], $0x2000  }
0x36: {  	[sflag:s22] =	ssyncset.done $0x0  }
0x37: {  	s31 =	rddreg [dreg:$0x7];
	[sflag:s22] =	ssyncadd.s32 $0xFFFFE000  }
0x38: {  	[spmem:s31] =	stream.linear.scatter [tilespmem:s21], [sflag:$0x9], $0x2000, $0x38;
	v63 =	vld [tilespmem:$0x0]  }
0x39: {  	_ =	swait.ge [sflag:s22], $0x2000  }
0x3a: {  	[sflag:s22] =	ssyncset.done $0x0  }
0x3b: {  	s8 =	rddreg [dreg:$0x8];
	[sflag:s22] =	ssyncadd.s32 $0xFFFFE000  }
0x3c: {  	[spmem:s8] =	stream.linear.scatter [tilespmem:s21], [sflag:$0x9], $0x2000, $0x38;
	v63 =	vld [tilespmem:$0x0]  }
0x3d: {  	_ =	swait.ge [sflag:s22], $0x2000  }
0x3e: {  	[sflag:s22] =	ssyncset.done $0x0  }
0x3f: {  	s9 =	rddreg [dreg:$0x9];
	[sflag:s22] =	ssyncadd.s32 $0xFFFFE000  }
0x40: {  	[spmem:s9] =	stream.linear.scatter [tilespmem:s21], [sflag:$0x9], $0x2000, $0x38;
	v63 =	vld [tilespmem:$0x0]  }
0x41: {  	_ =	swait.ge [sflag:s22], $0x2000  }
0x42: {  	[sflag:s22] =	ssyncset.done $0x0  }
0x43: {  	s20 =	rddreg [dreg:$0xa];
	[sflag:s22] =	ssyncadd.s32 $0xFFFFE000  }
0x44: {  	[spmem:s20] =	stream.linear.scatter [tilespmem:s21], [sflag:$0x9], $0x2000, $0x38;
	v63 =	vld [tilespmem:$0x0]  }
0x45: {  	_ =	swait.ge [sflag:s22], $0x2000  }
0x46: {  	[sflag:s22] =	ssyncset.done $0x0  }
0x47: {  	s25 =	rddreg [dreg:$0xb];
	[sflag:s22] =	ssyncadd.s32 $0xFFFFE000  }
0x48: {  	[spmem:s25] =	stream.linear.scatter [tilespmem:s21], [sflag:$0x9], $0x2000, $0x38;
	v63 =	vld [tilespmem:$0x0]  }
0x49: {  	_ =	swait.ge [sflag:s22], $0x2000  }
0x4a: {  	[sflag:s22] =	ssyncset.done $0x0  }
0x4b: {  	s28 =	rddreg [dreg:$0xc];
	[sflag:s22] =	ssyncadd.s32 $0xFFFFE000  }
0x4c: {  	[spmem:s28] =	stream.linear.scatter [tilespmem:s21], [sflag:$0x9], $0x2000, $0x38;
	v63 =	vld [tilespmem:$0x0]  }
0x4d: {  	_ =	swait.ge [sflag:s22], $0x2000  }
0x4e: {  	[sflag:s22] =	ssyncset.done $0x0  }
0x4f: {  	s31 =	rddreg [dreg:$0xd];
	[sflag:s22] =	ssyncadd.s32 $0xFFFFE000  }
0x50: {  	[spmem:s31] =	stream.linear.scatter [tilespmem:s21], [sflag:$0x9], $0x2000, $0x38;
	v63 =	vld [tilespmem:$0x0]  }
.Ltmp2:
0x51: {  	_ =	swait.ge [sflag:s22], $0x2000;
	(pc) =	sbr.rel .LBB2_2-.Ltmp2, $4  }
0x52: {  	[sflag:s22] =	ssyncset.done $0x0  }
0x53: {  	[sflag:s22] =	ssyncadd.s32 $0xFFFFE000  }
0x54: {  	[bflag:$0x0] =	sbarrier.arrive $0xFFFF  }
0x55: {  	s8 =	simm.s32 $0x0  }
.LBB2_5:
0x56: {  	_ =	swait.ge [sflag:s7], $0x2000  }
0x57: {  	[sflag:s7] =	ssyncset.done $0x0  }
0x58: {  	[sflag:s7] =	ssyncadd.s32 $0xFFFFE000  }
0x59: {  	_ =	swait.ge [sflag:s12], $0x2000  }
0x5a: {  	[sflag:s12] =	ssyncset.done $0x0  }
0x5b: {  	s8 =	sadd.s32 $0x1, s8;
	[sflag:s12] =	ssyncadd.s32 $0xFFFFE000  }
0x5c: {  	p0 =	sne.s32 s8, $0x5;
	_ =	swait.ge [sflag:s16], $0x2000  }
.Ltmp3:
0x5d: {  	[sflag:s16] =	ssyncset.done $0x0;
	(pc) =	sbr.rel @!p0 .LBB2_6-.Ltmp3, $4  }
0x5e: {  	[sflag:s16] =	ssyncadd.s32 $0xFFFFE000  }
0x5f: {  	_ =	swait.ge [sflag:s19], $0x2000  }
0x60: {  	[sflag:s19] =	ssyncset.done $0x0  }
0x61: {  	[sflag:s19] =	ssyncadd.s32 $0xFFFFE000  }
.LBB2_2:
0x62: {  	s20 =	sshll.u32 s8, $0xD  }
0x63: {  	s20 =	sadd.s32 s18, s20  }
0x64: {  	s25 =	sshrl.u32 s20, $0x3  }
0x65: {  	s20 =	simm.s32 $0x0;
	s28 =	sadd.s32 s5, s25  }
0x66: {  	[tilespmem:s20], [sflag:$0x9] =	stream.linear.gather [hbm4b:s28+s20], $0x2000, $0x38;
	v63 =	vld [tilespmem:$0x0]  }
0x67: {  	_ =	swait.ge [sflag:s22], $0x2000  }
0x68: {  	[sflag:s22] =	ssyncset.done $0x0  }
0x69: {  	s25 =	sadd.s32 s6, s25;
	[sflag:s22] =	ssyncadd.s32 $0xFFFFE000  }
0x6a: {  	[tilespmem:s23], [sflag:$0x9] =	stream.linear.gather [hbm4b:s25+s20], $0x2000, $0x38;
	v63 =	vld [tilespmem:$0x0]  }
0x6b: {  	_ =	swait.ge [sflag:s22], $0x2000  }
0x6c: {  	[sflag:s22] =	ssyncset.done $0x0  }
0x6d: {  	[sflag:s22] =	ssyncadd.s32 $0xFFFFE000  }
0x6e: {  	[tilespmem:s21], [sflag:$0x1] =	stream.indirect.gather [hbm4b:s4+s24], $0x80, s20, s24, $0xb8;
	v63 =	vld [tilespmem:$0x0]  }
0x6f: {  	s2 =	simm.s32 $0x80  }
0x70: {  	[tilespmem:s26], [sflag:$0x2] =	stream.indirect.gather [hbm4b:s4+s24], $0x80, s2, s24, $0xb8;
	v63 =	vld [tilespmem:$0x0]  }
0x71: {  	s9 =	simm.s32 $0x100  }
0x72: {  	[tilespmem:s29], [sflag:$0x3] =	stream.indirect.gather [hbm4b:s4+s24], $0x80, s9, s24, $0xb8;
	v63 =	vld [tilespmem:$0x0]  }
0x73: {  	_ =	swait.ge [sflag:s30], $0x2000  }
0x74: {  	[sflag:s30] =	ssyncset.done $0x0  }
0x75: {  	[sflag:s30] =	ssyncadd.s32 $0xFFFFE000  }
0x76: {  	[spmem:s1] =	stream.indirect.scatter.add.f32 [tilespmem:s21], [sflag:$0x5], $0x80, s23, s24, $0xb8;
	v63 =	vld [tilespmem:$0x0]  }
0x77: {  	s25 =	simm.s32 $0x180  }
0x78: {  	[tilespmem:s0], [sflag:$0x4] =	stream.indirect.gather [hbm4b:s4+s24], $0x80, s25, s24, $0xb8;
	v63 =	vld [tilespmem:$0x0]  }
0x79: {  	_ =	swait.ge [sflag:s3], $0x2000  }
0x7a: {  	[sflag:s3] =	ssyncset.done $0x0  }
0x7b: {  	s28 =	simm.s32 $0x2080;
	[sflag:s3] =	ssyncadd.s32 $0xFFFFE000  }
0x7c: {  	[spmem:s1] =	stream.indirect.scatter.add.f32 [tilespmem:s26], [sflag:$0x6], $0x80, s28, s24, $0xb8;
	v63 =	vld [tilespmem:$0x0]  }
0x7d: {  	_ =	swait.ge [sflag:s7], $0x2000  }
0x7e: {  	[sflag:s7] =	ssyncset.done $0x0  }
0x7f: {  	s31 =	simm.s32 $0x200;
	[sflag:s7] =	ssyncadd.s32 $0xFFFFE000  }
0x80: {  	[tilespmem:s21], [sflag:$0x1] =	stream.indirect.gather [hbm4b:s4+s24], $0x80, s31, s24, $0xb8;
	v63 =	vld [tilespmem:$0x0]  }
0x81: {  	_ =	swait.ge [sflag:s10], $0x2000  }
0x82: {  	[sflag:s10] =	ssyncset.done $0x0  }
0x83: {  	[sflag:s10] =	ssyncadd.s32 $0xFFFFE000  }
0x84: {  	[spmem:s1] =	stream.indirect.scatter.add.f32 [tilespmem:s29], [sflag:$0x7], $0x80, s11, s24, $0xb8;
	v63 =	vld [tilespmem:$0x0]  }
0x85: {  	_ =	swait.ge [sflag:s12], $0x2000  }
0x86: {  	[sflag:s12] =	ssyncset.done $0x0  }
0x87: {  	[sflag:s12] =	ssyncadd.s32 $0xFFFFE000  }
0x88: {  	[tilespmem:s26], [sflag:$0x2] =	stream.indirect.gather [hbm4b:s4+s24], $0x80, s13, s24, $0xb8;
	v63 =	vld [tilespmem:$0x0]  }
0x89: {  	_ =	swait.ge [sflag:s14], $0x2000  }
0x8a: {  	[sflag:s14] =	ssyncset.done $0x0  }
0x8b: {  	[sflag:s14] =	ssyncadd.s32 $0xFFFFE000  }
0x8c: {  	[spmem:s1] =	stream.indirect.scatter.add.f32 [tilespmem:s0], [sflag:$0x8], $0x80, s15, s24, $0xb8;
	v63 =	vld [tilespmem:$0x0]  }
0x8d: {  	_ =	swait.ge [sflag:s16], $0x2000  }
0x8e: {  	[sflag:s16] =	ssyncset.done $0x0  }
0x8f: {  	[sflag:s16] =	ssyncadd.s32 $0xFFFFE000  }
0x90: {  	[tilespmem:s29], [sflag:$0x3] =	stream.indirect.gather [hbm4b:s4+s24], $0x80, s17, s24, $0xb8;
	v63 =	vld [tilespmem:$0x0]  }
.LBB2_3:
0x91: {  	_ =	swait.ge [sflag:s30], $0x2000  }
0x92: {  	s25 =	sshra.s32 s20, $0x2;
	[sflag:s30] =	ssyncset.done $0x0  }
0x93: {  	s28 =	sadd.s32 $0x2200, s25;
	[sflag:s30] =	ssyncadd.s32 $0xFFFFE000  }
0x94: {  	[spmem:s1] =	stream.indirect.scatter.add.f32 [tilespmem:s21], [sflag:$0x5], $0x80, s28, s24, $0xb8;
	v63 =	vld [tilespmem:$0x0]  }
0x95: {  	_ =	swait.ge [sflag:s19], $0x2000  }
0x96: {  	[sflag:s19] =	ssyncset.done $0x0  }
0x97: {  	s2 =	sadd.s32 $0x380, s25;
	[sflag:s19] =	ssyncadd.s32 $0xFFFFE000  }
0x98: {  	[tilespmem:s0], [sflag:$0x4] =	stream.indirect.gather [hbm4b:s4+s24], $0x80, s2, s24, $0xb8;
	v63 =	vld [tilespmem:$0x0]  }
0x99: {  	_ =	swait.ge [sflag:s3], $0x2000  }
0x9a: {  	p0 =	seq.s32 s20, $0x7000;
	[sflag:s3] =	ssyncset.done $0x0  }
0x9b: {  	s9 =	sadd.s32 $0x2280, s25;
	s28 =	simm.s32 @p0 $0x3;
	[sflag:s3] =	ssyncadd.s32 $0xFFFFE000  }
0x9c: {  	[spmem:s1] =	stream.indirect.scatter.add.f32 [tilespmem:s26], [sflag:$0x6], $0x80, s9, s24, $0xb8;
	v63 =	vld [tilespmem:$0x0]  }
0x9d: {  	_ =	swait.ge @p0 [sflag:s28], $0x2000  }
0x9e: {  	[sflag:s28] =	ssyncset.done @p0 $0x0  }
0x9f: {  	[sflag:s28] =	ssyncadd.s32 @p0 $0xFFFFE000;
	s28 =	sshra.s32 @p0 s20, $0x2  }
0xa0: {  	s31 =	simm.s32 @p0 $0x40;
	s2 =	simm.s32 @p0 $0x8000;
	s28 =	sadd.s32 @p0 $0x2300, s28  }
0xa1: {  	[spmem:s1] =	stream.indirect.scatter.add.f32 @p0 [tilespmem:s2], [sflag:$0x7], $0x80, s28, s31, $0xb8;
	v63 =	vld [tilespmem:$0x0]  }
0xa2: {  	s2 =	simm.s32 @!p0 $0x5  }
0xa3: {  	_ =	swait.ge @!p0 [sflag:s2], $0x2000  }
0xa4: {  	[sflag:s2] =	ssyncset.done @!p0 $0x0  }
0xa5: {  	[sflag:s2] =	ssyncadd.s32 @!p0 $0xFFFFE000;
	s2 =	sshra.s32 @!p0 s20, $0x2  }
0xa6: {  	s9 =	simm.s32 @!p0 $0x4000;
	s31 =	simm.s32 @!p0 $0x40;
	s28 =	sadd.s32 @!p0 $0x400, s2  }
0xa7: {  	[tilespmem:s9], [sflag:$0x1] =	stream.indirect.gather @!p0 [hbm4b:s4+s31], $0x80, s28, s31, $0xb8;
	v63 =	vld [tilespmem:$0x0]  }
0xa8: {  	s9 =	simm.s32 @!p0 $0x3  }
0xa9: {  	_ =	swait.ge @!p0 [sflag:s9], $0x2000  }
0xaa: {  	[sflag:s9] =	ssyncset.done @!p0 $0x0  }
0xab: {  	s28 =	simm.s32 @!p0 $0x8000;
	[sflag:s9] =	ssyncadd.s32 @!p0 $0xFFFFE000;
	s9 =	sadd.s32 @!p0 $0x2300, s2  }
0xac: {  	[spmem:s1] =	stream.indirect.scatter.add.f32 @!p0 [tilespmem:s28], [sflag:$0x7], $0x80, s9, s31, $0xb8;
	v63 =	vld [tilespmem:$0x0]  }
0xad: {  	s9 =	simm.s32 @!p0 $0x6  }
0xae: {  	_ =	swait.ge @!p0 [sflag:s9], $0x2000  }
0xaf: {  	[sflag:s9] =	ssyncset.done @!p0 $0x0  }
0xb0: {  	s2 =	sadd.s32 @!p0 $0x480, s2;
	[sflag:s9] =	ssyncadd.s32 @!p0 $0xFFFFE000;
	s9 =	simm.s32 @!p0 $0x6000  }
0xb1: {  	[tilespmem:s9], [sflag:$0x2] =	stream.indirect.gather @!p0 [hbm4b:s4+s31], $0x80, s2, s31, $0xb8;
	v63 =	vld [tilespmem:$0x0]  }
.Ltmp4:
0xb2: {  	_ = 	snop;
	(pc) =	sbr.rel @p0 .LBB2_5-.Ltmp4, $4  }
0xb3: {  	_ =	swait.ge [sflag:s14], $0x2000  }
0xb4: {  	[sflag:s14] =	ssyncset.done $0x0  }
0xb5: {  	s31 =	sadd.s32 $0x2380, s25;
	[sflag:s14] =	ssyncadd.s32 $0xFFFFE000  }
0xb6: {  	[spmem:s1] =	stream.indirect.scatter.add.f32 [tilespmem:s0], [sflag:$0x8], $0x80, s31, s24, $0xb8;
	v63 =	vld [tilespmem:$0x0]  }
.Ltmp5:
0xb7: {  	(pc) =	sbr.rel .LBB2_3-.Ltmp5, $4  }
0xb8: {  	_ =	swait.ge [sflag:s16], $0x2000  }
0xb9: {  	[sflag:s16] =	ssyncset.done $0x0  }
0xba: {  	s2 =	sadd.s32 $0x500, s25;
	s20 =	sadd.s32 $0x800, s20;
	[sflag:s16] =	ssyncadd.s32 $0xFFFFE000  }
0xbb: {  	[tilespmem:s29], [sflag:$0x3] =	stream.indirect.gather [hbm4b:s4+s24], $0x80, s2, s24, $0xb8;
	v63 =	vld [tilespmem:$0x0]  }
.LBB2_7:
0xbc: {  	_ =	sfence.sel $0x180000  }
0xbd: {  	[bflag:$0x0] =	sbarrier.arrive $0xFFFF  }
0xbe: {  	_ =	strace $0x90000050  }
0xbf: {  	s0 =	stileid.u32;
	[bflag:$0x2] =	sbarrier.arrive $0xFFFF  }
0xc0: {  	p0 =	sne.s32 s0, $0x0;
	s0 =	rddreg [dreg:$0x2]  }
0xc1: {  	s0 =	sadd.s32 @!p0 $0x100000, s0  }
0xc2: {  	[sflag:s0] =	ssyncadd.tile.s32 @!p0 $0x1;
	_ =	shalt  }
.Lfunc_end2:
_tile_overlayer_lowered:
.L_overlay_start_2:
0xc3: {  	(tag) =	ssettag $0x2  }
0xc4: {  	s0 =	rddreg [dreg:$0x0];
	s2 =	stileid.u32  }
0xc5: {  	s1 =	rddreg [dreg:$0x1];
	p0 =	sne.s32 s2, $0x0  }
0xc6: {  	s3 =	rddreg [dreg:$0x2];
	[bflag:$0x3] =	sbarrier.arrive $0xFFFF;
	s2 =	simm.s32 @!p0 $0x1C09  }
0xc7: {  	[timem:s3], [sflag:s2] =	dma.local @!p0 [hbm:s0], s1  }
0xc8: {  	s0 =	simm.s32 @!p0 $0x9  }
0xc9: {  	_ =	swait.ge @!p0 [sflag:s0], s1  }
0xca: {  	s1 =	ssub.s32 @!p0 $0x0, s1;
	[sflag:s0] =	ssyncset.done @!p0 $0x0  }
0xcb: {  	[sflag:s0] =	ssyncadd.s32 @!p0 s1  }
0xcc: {  	[bflag:$0x3] =	sbarrier.arrive $0xFFFF  }
0xcd: {  	_ =	shalt  }

// kernel: kernel.25.cloned.1.call-start
scs
__scs_entry_jumppad:
0x0: {  	(pc) =	sbr.rel $0x88, $3  }
0x1: {  	(tag) =	ssettag $0x0;
	lr =	simm.s32 $0x1  }
0x2: {  	[smem:$0x3F7C] =	sst lr;
	_ =	strace $0xD0000000  }
0x3: {  	_ = 	snop  }
0x4: {  	_ = 	snop  }
0x5: {  	_ = 	snop  }
0x6: {  	_ = 	snop  }
0x7: {  	_ = 	snop  }
__scs_overlays_trampoline_lowered:
0x8: {  	[smem:$0x3F8B] =	sst s0  }
0x9: {  	[smem:$0x3F8C] =	sst s1  }
0xa: {  	[smem:$0x3F8D] =	sst s2  }
0xb: {  	[smem:$0x3F8E] =	sst s3  }
0xc: {  	[smem:$0x3F8F] =	sst s4  }
0xd: {  	[smem:$0x3F90] =	sst s5  }
0xe: {  	[smem:$0x3F91] =	sst s6  }
0xf: {  	[smem:$0x3F92] =	sst s7  }
0x10: {  	[smem:$0x3F93] =	sst s8  }
0x11: {  	[smem:$0x3F94] =	sst s9;
	s0 =	simm.s32 @!p0 $0x0  }
0x12: {  	s1 =	sld [smem:$0x3F7A];
	s0 =	simm.s32 @p0 $0x1  }
0x13: {  	[smem:$0x3F95] =	sst s0;
	s0 =	simm.s32 @!p1 $0x0  }
0x14: {  	s2 =	sld [smem:$0x3F79];
	s0 =	simm.s32 @p1 $0x1  }
0x15: {  	[smem:$0x3F96] =	sst s0;
	s0 =	simm.s32 @!p2 $0x0  }
0x16: {  	s3 =	sld [smem:$0x3FDB];
	s0 =	simm.s32 @p2 $0x1  }
0x17: {  	s4 =	simm.s32 $0x1BF5;
	[smem:$0x3F98] =	sst s0  }
0x18: {  	s0 =	sld [smem:$0x3F7B];
	_ =	swait.ge [sflag:s4], $0x0  }
0x19: {  	s7 =	sld [smem:$0x3F7C]  }
0x1a: {  	s8 =	sadd.s32 $0xFFFFE003, lr  }
0x1b: {  	s9 =	sadd.s32 $0xFFFFFEF7, lr;
	s5 =	simm.s32 $0xFFFFFFFF;
	p2 =	slt.u32 s8, $0xFFFFF086  }
0x1c: {  	p1 =	slt.u32 s9, $0xF7A;
	s5 =	simm.s32 @!p2 $0x0  }
0x1d: {  	s5 =	simm.s32 @p1 $0x1;
	p0 =	seq.s32 s7, s2  }
0x1e: {  	s7 =	smul.u32 @!p0 $0xF7A, s2;
	p2 =	seq.s32 @!p0 s5, $0x0  }
0x1f: {  	s9 =	smul.u32 $0xF7A, s1;
	s8 =	simm.s32 @!p0 $0x1BF5;
	p2 =	por !p2, p0  }
0x20: {  	[sflag:s8] =	ssyncset.s32 @!p0 $0xFFFFF086;
	s6 =	sadd.s32 @!p0 s3, s7;
	s7 =	simm.s32 @!p0 $0x108  }
0x21: {  	s3 =	sadd.s32 s3, s9;
	s6 =	sadd.s32 @!p0 $0x88, s6;
	s7 =	simm.s32 @p2 $0x1082  }
0x22: {  	[simem:s7], [sflag:s8] =	dma.local @!p0 [hbm:s6], $0xF7A  }
0x23: {  	s9 =	sor.u32 $0xD0000000, s2;
	s6 =	simm.s32 $0x108;
	_ =	swait.ge @!p0 [sflag:s8], $0x0  }
0x24: {  	s3 =	sadd.s32 $0x88, s3;
	s6 =	simm.s32 @!p1 $0x1082;
	[sflag:s4] =	ssyncset.s32 $0xFFFFF086  }
0x25: {  	[simem:s6], [sflag:s4] =	dma.local [hbm:s3], $0xF7A  }
0x26: {  	[smem:$0x3F7C] =	sst s1;
	(tag) =	ssettag s2;
	_ =	strace s9  }
0x27: {  	s1 =	sld [smem:$0x3F8C]  }
0x28: {  	s2 =	sld [smem:$0x3F8D]  }
0x29: {  	s4 =	sld [smem:$0x3F8F]  }
0x2a: {  	p0 =	seq.s32 s5, $0x0;
	s5 =	sld [smem:$0x3F90]  }
0x2b: {  	s6 =	sld [smem:$0x3F91]  }
0x2c: {  	s7 =	sld [smem:$0x3F92]  }
0x2d: {  	s3 =	simm.s32 $0x108;
	s8 =	sld [smem:$0x3F93]  }
0x2e: {  	s3 =	simm.s32 @!p0 $0x1082;
	s9 =	sld [smem:$0x3F94]  }
0x2f: {  	lr =	sadd.s32 s0, s3;
	s0 =	sld [smem:$0x3F8B]  }
0x30: {  	s3 =	sld [smem:$0x3F8E]  }
0x31: {  	[smem:$0x3F97] =	sst s10  }
0x32: {  	s10 =	sld [smem:$0x3F95];
	_ =	sdelay $0x3  }
0x33: {  	p0 =	seq.s32 s10, $0x1;
	s10 =	sld [smem:$0x3F97];
	_ =	sdelay $0x3  }
0x34: {  	[smem:$0x3F97] =	sst s10  }
0x35: {  	s10 =	sld [smem:$0x3F96];
	_ =	sdelay $0x3  }
0x36: {  	p1 =	seq.s32 s10, $0x1;
	s10 =	sld [smem:$0x3F97];
	_ =	sdelay $0x3  }
0x37: {  	[smem:$0x3F97] =	sst s10  }
0x38: {  	s10 =	sld [smem:$0x3F98]  }
0x39: {  	_ = 	snop;
	(pc) =	sbr.ind lr, $3  }
0x3a: {  	_ = 	snop  }
0x3b: {  	_ = 	snop  }
0x3c: {  	p2 =	seq.s32 s10, $0x1;
	s10 =	sld [smem:$0x3F97]  }
0x3d: {  	_ =	shalt  }
0x3e: {  	_ =	shalt  }
0x3f: {  	_ =	shalt  }
0x40: {  	_ =	shalt  }
0x41: {  	_ =	shalt  }
0x42: {  	_ =	shalt  }
0x43: {  	_ =	shalt  }
0x44: {  	_ =	shalt  }
0x45: {  	_ =	shalt  }
0x46: {  	_ =	shalt  }
0x47: {  	_ =	shalt  }
0x48: {  	_ =	shalt  }
0x49: {  	_ =	shalt  }
0x4a: {  	_ =	shalt  }
0x4b: {  	_ =	shalt  }
0x4c: {  	_ =	shalt  }
0x4d: {  	_ =	shalt  }
0x4e: {  	_ =	shalt  }
0x4f: {  	_ =	shalt  }
0x50: {  	_ =	shalt  }
0x51: {  	_ =	shalt  }
0x52: {  	_ =	shalt  }
0x53: {  	_ =	shalt  }
0x54: {  	_ =	shalt  }
0x55: {  	_ =	shalt  }
0x56: {  	_ =	shalt  }
0x57: {  	_ =	shalt  }
0x58: {  	_ =	shalt  }
0x59: {  	_ =	shalt  }
0x5a: {  	_ =	shalt  }
0x5b: {  	_ =	shalt  }
0x5c: {  	_ =	shalt  }
0x5d: {  	_ =	shalt  }
0x5e: {  	_ =	shalt  }
0x5f: {  	_ =	shalt  }
0x60: {  	_ =	shalt  }
0x61: {  	_ =	shalt  }
0x62: {  	_ =	shalt  }
0x63: {  	_ =	shalt  }
0x64: {  	_ =	shalt  }
0x65: {  	_ =	shalt  }
0x66: {  	_ =	shalt  }
0x67: {  	_ =	shalt  }
0x68: {  	_ =	shalt  }
0x69: {  	_ =	shalt  }
0x6a: {  	_ =	shalt  }
0x6b: {  	_ =	shalt  }
0x6c: {  	_ =	shalt  }
0x6d: {  	_ =	shalt  }
0x6e: {  	_ =	shalt  }
0x6f: {  	_ =	shalt  }
0x70: {  	_ =	shalt  }
0x71: {  	_ =	shalt  }
0x72: {  	_ =	shalt  }
0x73: {  	_ =	shalt  }
0x74: {  	_ =	shalt  }
0x75: {  	_ =	shalt  }
0x76: {  	_ =	shalt  }
0x77: {  	_ =	shalt  }
0x78: {  	_ =	shalt  }
0x79: {  	_ =	shalt  }
0x7a: {  	_ =	shalt  }
0x7b: {  	_ =	shalt  }
0x7c: {  	_ =	shalt  }
0x7d: {  	_ =	shalt  }
0x7e: {  	_ =	shalt  }
0x7f: {  	_ =	shalt  }
0x80: {  	_ =	shalt  }
0x81: {  	_ =	shalt  }
0x82: {  	_ =	shalt  }
0x83: {  	_ =	shalt  }
0x84: {  	_ =	shalt  }
0x85: {  	_ =	shalt  }
0x86: {  	_ =	shalt  }
0x87: {  	_ =	shalt  }
.Lfunc_end0:
.L_simem_size_0:
called_computation.4_lowered:
.L_overlay_start_0:
0x88: {  	s2 =	sld [smem:$0x3FD9]  }
0x89: {  	s3 =	sld [smem:$0x3FFE];
	_ =	sdelay $0x1  }
0x8a: {  	s1 =	srdreg.scid  }
0x8b: {  	s0 =	sand.u32 $0x1, s1  }
0x8c: {  	s16 =	sshll.u32 s0, $0xA;
	s2 =	sadd.s32 s3, s2  }
0x8d: {  	s2 =	sadd.s32 s2, s16  }
0x8e: {  	[smem:$0x3FA3] =	sst s2  }
0x8f: {  	_ = 	snop  }
0x90: {  	(tm) =	ssettm $0x1  }
0x91: {  	s17 =	sld [smem:$0x3FFB];
	_ =	sdelay $0x3  }
0x92: {  	_ =	strace s17  }
0x93: {  	s2 =	sld [smem:$0x3FFC];
	_ =	sdelay $0x3  }
0x94: {  	_ =	strace s2  }
0x95: {  	s2 =	sld [smem:$0x3FFD];
	_ =	sdelay $0x3  }
0x96: {  	_ =	strace s2  }
0x97: {  	_ =	strace $0x8FFFFFFF  }
0x98: {  	s18 =	sld [smem:$0x3FDB];
	_ =	sdelay $0x1  }
0x99: {  	s19 =	simm.s32 $_scs_section_size  }
0x9a: {  	s4 =	simm.s32 $_size__tile_overlayer_lowered;
	s5 =	simm.s32 $_tile_overlayer_lowered  }
0x9b: {  	s22 =	simm.s32 $0x1BFF;
	s21 =	sshll.u32 s5, $0x1;
	s2 =	sadd.s32 s19, s18  }
0x9c: {  	s6 =	simm.s32 $0x0;
	s20 =	sshll.u32 s4, $0x1;
	s4 =	sadd.s32 s21, s2  }
0x9d: {  	[timem:s6], [sflag:s22] =	dma.local [hbm:s4], s20  }
0x9e: {  	_ =	swait.ge [sflag:s22], s20  }
0x9f: {  	s3 =	ssub.s32 $0x0, s20;
	[sflag:s22] =	ssyncset.done $0x0  }
0xa0: {  	[sflag:s22] =	ssyncadd.s32 s3;
	_ =	sdelay $0x1  }
0xa1: {  	s23 =	simm.s32 $0x1B8B  }
0xa2: {  	_ =	swait.ge [sflag:s23], $0x1  }
0xa3: {  	[sflag:s23] =	ssyncset.done $0x0  }
0xa4: {  	s25 =	simm.s32 $0x1B8E;
	s24 =	sld [smem:$0x3FFE];
	[sflag:s23] =	ssyncadd.s32 $0xFFFFFFFF  }
0xa5: {  	s26 =	simm.s32 $execute0_lowered;
	[smem:$0x3FD2] =	sst s25  }
0xa6: {  	s4 =	sshll.u32 s26, $0x1;
	_ =	strace $0x80000052;
	[dreg:$0x1] =	wrdreg $0xFFFFFFFF  }
0xa7: {  	s28 =	simm.s32 $_size_execute0_lowered;
	s2 =	sadd.s32 s2, s4;
	[dreg:$0x0] =	wrdreg $0x0  }
0xa8: {  	s4 =	sshll.u32 s28, $0x1;
	[dreg:$0x2] =	wrdreg s2  }
0xa9: {  	[dreg:$0x3] =	wrdreg s4  }
0xaa: {  	[dreg:$0x4] =	wrdreg $0xC0  }
0xab: {  	_ =	task [dreg:s6], $0x5FFFF  }
0xac: {  	[dreg:$0x1] =	wrdreg $0xFFFFFFFF  }
0xad: {  	[dreg:$0x0] =	wrdreg $0x60  }
0xae: {  	[dreg:$0x2] =	wrdreg s24  }
0xaf: {  	[dreg:$0x3] =	wrdreg $0xC0000  }
0xb0: {  	[dreg:$0x4] =	wrdreg $0x9  }
0xb1: {  	_ =	task.clear_ibuf [dreg:s6], $0x5FFFF;
	_ =	strace $0x90000052  }
0xb2: {  	s29 =	simm.s32 $0x9;
	_ =	strace $0x80000054  }
0xb3: {  	_ =	swait.ge [sflag:s29], $0x1  }
0xb4: {  	[sflag:s29] =	ssyncadd.s32 $0xFFFFFFFF  }
0xb5: {  	_ =	strace $0x90000054  }
0xb6: {  	_ =	sfence  }
0xb7: {  	s30 =	sld [smem:$0x0];
	_ =	sdelay $0x2  }
0xb8: {  	s31 =	sshll.u32 s1, $0xD;
	s1 =	sshrl.u32 s1, $0x2  }
0xb9: {  	s3 =	sand.u32 $0x4000, s31;
	s1 =	sadd.s32 s1, s30  }
0xba: {  	s0 =	sor.u32 s3, s0;
	s1 =	sshll.u32 s1, $0x11  }
0xbb: {  	s0 =	sor.u32 s1, s0  }
0xbc: {  	s0 =	sadd.s32 $0x8F2B, s0  }
0xbd: {  	[sflag:s0] =	ssyncadd.remote.s32 $0x1  }
0xbe: {  	_ =	sfence.sel $0xFFFF  }
0xbf: {  	[dreg:$0x0] =	wrdreg $0xFFFFFFFF;
	(pc) =	sbr.abs _section_cstart, $3  }
0xc0: {  	[dreg:$0x1] =	wrdreg $0xFFFFFFFF  }
0xc1: {  	_ =	task.clear_ibuf [dreg:s6], $0x2FFFF;
	_ =	strace $0x9FFFFFFF  }
0xc2: {  	(tm) =	ssettm $0x7FFFFFFF  }
0xc3: {  	_ =	shalt  }
tec
execute0_lowered:
.L_overlay_start_1:
0x0: {  	(tag) =	ssettag $0x1  }
0x1: {  	s0 =	rddreg [dreg:$0x0]  }
0x2: {  	s1 =	rddreg [dreg:$0x1]  }
0x3: {  	s2 =	srdreg.scid;
	s4 =	simm.s32 $0x0;
	s9 =	stileid.u32  }
0x4: {  	s29 =	simm.s32 $0x8000;
	s30 =	simm.s32 $0x1;
	s10 =	simm.s32 $0x3  }
0x5: {  	s11 =	simm.s32 $0x2100;
	s12 =	simm.s32 $0x6;
	s13 =	simm.s32 $0x280  }
0x6: {  	s14 =	simm.s32 $0x4;
	s15 =	simm.s32 $0x2180;
	s16 =	simm.s32 $0x7  }
0x7: {  	s2 =	sand.u32 $0x1, s2;
	[smem:$0x7FF] =	sst s4;
	s7 =	smul.u32 $0x50000, s9  }
0x8: {  	s6 =	smul.u32 $0x14000, s9;
	s4 =	sadd.s32 $0xA600, s0;
	s5 =	sadd.s32 $0xD2A00, s0  }
0x9: {  	s8 =	sadd.s32 $0x5A600, s0;
	s3 =	smul.u32 $0x140000, s2;
	s7 =	sshrl.u32 s7, $0x2  }
0xa: {  	_ =	strace $0x80000053;
	[dreg:$0x3] =	wrdreg s8;
	s20 =	sadd.s32 s7, s1  }
0xb: {  	s17 =	ssub.s32 $0x2, s2;
	s7 =	sadd.s32 $0x2000, s20;
	[dreg:$0x4] =	wrdreg s20  }
0xc: {  	s2 =	sshll.u32 s2, $0x4;
	s19 =	sadd.s32 $0x4000, s20;
	[dreg:$0x5] =	wrdreg s7  }
0xd: {  	s8 =	simm.s32 $0x0;
	s21 =	sadd.s32 $0x6000, s20;
	[dreg:$0x6] =	wrdreg s19  }
0xe: {  	s18 =	sshrl.u32 s17, $0x1;
	s22 =	sadd.s32 $0x8000, s20;
	[dreg:$0x7] =	wrdreg s21  }
0xf: {  	s2 =	sor.u32 s9, s2;
	s23 =	sadd.s32 $0xA000, s20;
	[dreg:$0x8] =	wrdreg s22  }
0x10: {  	s3 =	sadd.s32 s6, s3;
	s24 =	sadd.s32 $0xC000, s20;
	[dreg:$0x9] =	wrdreg s23  }
0x11: {  	s6 =	sadd.s32 $0xAAA00, s0;
	s25 =	sadd.s32 $0xE000, s20;
	[dreg:$0xa] =	wrdreg s24  }
0x12: {  	s3 =	sshrl.u32 s3, $0x3;
	s26 =	sadd.s32 $0x10000, s20;
	[dreg:$0xb] =	wrdreg s25  }
0x13: {  	s28 =	sadd.s32 $0x12000, s20;
	s0 =	sadd.s32 s3, s0;
	[dreg:$0xc] =	wrdreg s26  }
0x14: {  	s3 =	ssub.s32 s17, s18;
	[dreg:$0xd] =	wrdreg s28;
	s18 =	smul.u32 $0xA000, s2  }
.Ltmp0:
0x15: {  	s21 =	simm.s32 $0x4000;
	s22 =	simm.s32 $0x9;
	(pc) =	sbr.rel .LBB2_1-.Ltmp0, $4  }
0x16: {  	s23 =	simm.s32 $0x2000;
	s24 =	simm.s32 $0x40;
	s26 =	simm.s32 $0x6000  }
0x17: {  	s7 =	simm.s32 $0x5;
	s17 =	simm.s32 $0x300;
	s0 =	sadd.s32 $0x5AA00, s0  }
0x18: {  	s19 =	simm.s32 $0x8;
	s31 =	smax.u32 s3, $0x1;
	[dreg:$0xe] =	wrdreg s0  }
0x19: {  	s3 =	simm.s32 $0x2;
	[dreg:$0xf] =	wrdreg s31;
	s0 =	simm.s32 $0xA000  }
.LBB2_6:
0x1a: {  	s2 =	stileid.u32;
	[bflag:$0x0] =	sbarrier.arrive $0xFFFF  }
0x1b: {  	s2 =	sshll.u32 s2, $0x6;
	s20 =	rddreg [dreg:$0x4]  }
0x1c: {  	s9 =	rddreg [dreg:$0xe];
	s2 =	sor.u32 $0x1C09, s2;
	s8 =	sshrl.u32 s20, $0x3  }
0x1d: {  	[hbm:s9], [sflag:s2] =	dma.local [spmem:s8], $0x2800  }
0x1e: {  	_ =	swait.ge [sflag:s22], $0x2800  }
0x1f: {  	s28 =	rddreg [dreg:$0x10]  }
0x20: {  	s31 =	rddreg [dreg:$0xf];
	s8 =	sadd.s32 $0x1, s28  }
0x21: {  	p0 =	sne.s32 s8, s31  }
.Ltmp1:
0x22: {  	_ = 	snop;
	(pc) =	sbr.rel @!p0 .LBB2_7-.Ltmp1, $3  }
0x23: {  	_ =	sdelay $0x1  }
0x24: {  	[sflag:s22] =	ssyncset.done $0x0  }
0x25: {  	[sflag:s22] =	ssyncadd.s32 $0xFFFFD800  }
.LBB2_1:
0x26: {  	[dreg:$0x10] =	wrdreg s8  }
0x27: {  	s2 =	simm.s32 $0x0;
	s9 =	rddreg [dreg:$0x3]  }
0x28: {  	[tilespmem:s21], [sflag:$0x9] =	stream.linear.gather [hbm4b:s9+s2], $0x2000, $0x38;
	v63 =	vld [tilespmem:$0x0]  }
0x29: {  	_ =	swait.ge [sflag:s22], $0x2000  }
0x2a: {  	[sflag:s22] =	ssyncset.done $0x0  }
0x2b: {  	[sflag:s22] =	ssyncadd.s32 $0xFFFFE000  }
0x2c: {  	[spmem:s20] =	stream.linear.scatter [tilespmem:s21], [sflag:$0x9], $0x2000, $0x38;
	v63 =	vld [tilespmem:$0x0]  }
0x2d: {  	_ =	swait.ge [sflag:s22], $0x2000  }
0x2e: {  	[sflag:s22] =	ssyncset.done $0x0  }
0x2f: {  	s25 =	rddreg [dreg:$0x5];
	[sflag:s22] =	ssyncadd.s32 $0xFFFFE000  }
0x30: {  	[spmem:s25] =	stream.linear.scatter [tilespmem:s21], [sflag:$0x9], $0x2000, $0x38;
	v63 =	vld [tilespmem:$0x0]  }
0x31: {  	_ =	swait.ge [sflag:s22], $0x2000  }
0x32: {  	[sflag:s22] =	ssyncset.done $0x0  }
0x33: {  	s28 =	rddreg [dreg:$0x6];
	[sflag:s22] =	ssyncadd.s32 $0xFFFFE000  }
0x34: {  	[spmem:s28] =	stream.linear.scatter [tilespmem:s21], [sflag:$0x9], $0x2000, $0x38;
	v63 =	vld [tilespmem:$0x0]  }
0x35: {  	_ =	swait.ge [sflag:s22], $0x2000  }
0x36: {  	[sflag:s22] =	ssyncset.done $0x0  }
0x37: {  	s31 =	rddreg [dreg:$0x7];
	[sflag:s22] =	ssyncadd.s32 $0xFFFFE000  }
0x38: {  	[spmem:s31] =	stream.linear.scatter [tilespmem:s21], [sflag:$0x9], $0x2000, $0x38;
	v63 =	vld [tilespmem:$0x0]  }
0x39: {  	_ =	swait.ge [sflag:s22], $0x2000  }
0x3a: {  	[sflag:s22] =	ssyncset.done $0x0  }
0x3b: {  	s8 =	rddreg [dreg:$0x8];
	[sflag:s22] =	ssyncadd.s32 $0xFFFFE000  }
0x3c: {  	[spmem:s8] =	stream.linear.scatter [tilespmem:s21], [sflag:$0x9], $0x2000, $0x38;
	v63 =	vld [tilespmem:$0x0]  }
0x3d: {  	_ =	swait.ge [sflag:s22], $0x2000  }
0x3e: {  	[sflag:s22] =	ssyncset.done $0x0  }
0x3f: {  	s9 =	rddreg [dreg:$0x9];
	[sflag:s22] =	ssyncadd.s32 $0xFFFFE000  }
0x40: {  	[spmem:s9] =	stream.linear.scatter [tilespmem:s21], [sflag:$0x9], $0x2000, $0x38;
	v63 =	vld [tilespmem:$0x0]  }
0x41: {  	_ =	swait.ge [sflag:s22], $0x2000  }
0x42: {  	[sflag:s22] =	ssyncset.done $0x0  }
0x43: {  	s20 =	rddreg [dreg:$0xa];
	[sflag:s22] =	ssyncadd.s32 $0xFFFFE000  }
0x44: {  	[spmem:s20] =	stream.linear.scatter [tilespmem:s21], [sflag:$0x9], $0x2000, $0x38;
	v63 =	vld [tilespmem:$0x0]  }
0x45: {  	_ =	swait.ge [sflag:s22], $0x2000  }
0x46: {  	[sflag:s22] =	ssyncset.done $0x0  }
0x47: {  	s25 =	rddreg [dreg:$0xb];
	[sflag:s22] =	ssyncadd.s32 $0xFFFFE000  }
0x48: {  	[spmem:s25] =	stream.linear.scatter [tilespmem:s21], [sflag:$0x9], $0x2000, $0x38;
	v63 =	vld [tilespmem:$0x0]  }
0x49: {  	_ =	swait.ge [sflag:s22], $0x2000  }
0x4a: {  	[sflag:s22] =	ssyncset.done $0x0  }
0x4b: {  	s28 =	rddreg [dreg:$0xc];
	[sflag:s22] =	ssyncadd.s32 $0xFFFFE000  }
0x4c: {  	[spmem:s28] =	stream.linear.scatter [tilespmem:s21], [sflag:$0x9], $0x2000, $0x38;
	v63 =	vld [tilespmem:$0x0]  }
0x4d: {  	_ =	swait.ge [sflag:s22], $0x2000  }
0x4e: {  	[sflag:s22] =	ssyncset.done $0x0  }
0x4f: {  	s31 =	rddreg [dreg:$0xd];
	[sflag:s22] =	ssyncadd.s32 $0xFFFFE000  }
0x50: {  	[spmem:s31] =	stream.linear.scatter [tilespmem:s21], [sflag:$0x9], $0x2000, $0x38;
	v63 =	vld [tilespmem:$0x0]  }
.Ltmp2:
0x51: {  	_ =	swait.ge [sflag:s22], $0x2000;
	(pc) =	sbr.rel .LBB2_2-.Ltmp2, $4  }
0x52: {  	[sflag:s22] =	ssyncset.done $0x0  }
0x53: {  	[sflag:s22] =	ssyncadd.s32 $0xFFFFE000  }
0x54: {  	[bflag:$0x0] =	sbarrier.arrive $0xFFFF  }
0x55: {  	s8 =	simm.s32 $0x0  }
.LBB2_5:
0x56: {  	_ =	swait.ge [sflag:s7], $0x2000  }
0x57: {  	[sflag:s7] =	ssyncset.done $0x0  }
0x58: {  	[sflag:s7] =	ssyncadd.s32 $0xFFFFE000  }
0x59: {  	_ =	swait.ge [sflag:s12], $0x2000  }
0x5a: {  	[sflag:s12] =	ssyncset.done $0x0  }
0x5b: {  	s8 =	sadd.s32 $0x1, s8;
	[sflag:s12] =	ssyncadd.s32 $0xFFFFE000  }
0x5c: {  	p0 =	sne.s32 s8, $0x5;
	_ =	swait.ge [sflag:s16], $0x2000  }
.Ltmp3:
0x5d: {  	[sflag:s16] =	ssyncset.done $0x0;
	(pc) =	sbr.rel @!p0 .LBB2_6-.Ltmp3, $4  }
0x5e: {  	[sflag:s16] =	ssyncadd.s32 $0xFFFFE000  }
0x5f: {  	_ =	swait.ge [sflag:s19], $0x2000  }
0x60: {  	[sflag:s19] =	ssyncset.done $0x0  }
0x61: {  	[sflag:s19] =	ssyncadd.s32 $0xFFFFE000  }
.LBB2_2:
0x62: {  	s20 =	sshll.u32 s8, $0xD  }
0x63: {  	s20 =	sadd.s32 s18, s20  }
0x64: {  	s25 =	sshrl.u32 s20, $0x3  }
0x65: {  	s20 =	simm.s32 $0x0;
	s28 =	sadd.s32 s5, s25  }
0x66: {  	[tilespmem:s20], [sflag:$0x9] =	stream.linear.gather [hbm4b:s28+s20], $0x2000, $0x38;
	v63 =	vld [tilespmem:$0x0]  }
0x67: {  	_ =	swait.ge [sflag:s22], $0x2000  }
0x68: {  	[sflag:s22] =	ssyncset.done $0x0  }
0x69: {  	s25 =	sadd.s32 s6, s25;
	[sflag:s22] =	ssyncadd.s32 $0xFFFFE000  }
0x6a: {  	[tilespmem:s23], [sflag:$0x9] =	stream.linear.gather [hbm4b:s25+s20], $0x2000, $0x38;
	v63 =	vld [tilespmem:$0x0]  }
0x6b: {  	_ =	swait.ge [sflag:s22], $0x2000  }
0x6c: {  	[sflag:s22] =	ssyncset.done $0x0  }
0x6d: {  	[sflag:s22] =	ssyncadd.s32 $0xFFFFE000  }
0x6e: {  	[tilespmem:s21], [sflag:$0x1] =	stream.indirect.gather [hbm4b:s4+s24], $0x80, s20, s24, $0xb8;
	v63 =	vld [tilespmem:$0x0]  }
0x6f: {  	s2 =	simm.s32 $0x80  }
0x70: {  	[tilespmem:s26], [sflag:$0x2] =	stream.indirect.gather [hbm4b:s4+s24], $0x80, s2, s24, $0xb8;
	v63 =	vld [tilespmem:$0x0]  }
0x71: {  	s9 =	simm.s32 $0x100  }
0x72: {  	[tilespmem:s29], [sflag:$0x3] =	stream.indirect.gather [hbm4b:s4+s24], $0x80, s9, s24, $0xb8;
	v63 =	vld [tilespmem:$0x0]  }
0x73: {  	_ =	swait.ge [sflag:s30], $0x2000  }
0x74: {  	[sflag:s30] =	ssyncset.done $0x0  }
0x75: {  	[sflag:s30] =	ssyncadd.s32 $0xFFFFE000  }
0x76: {  	[spmem:s1] =	stream.indirect.scatter.add.f32 [tilespmem:s21], [sflag:$0x5], $0x80, s23, s24, $0xb8;
	v63 =	vld [tilespmem:$0x0]  }
0x77: {  	s25 =	simm.s32 $0x180  }
0x78: {  	[tilespmem:s0], [sflag:$0x4] =	stream.indirect.gather [hbm4b:s4+s24], $0x80, s25, s24, $0xb8;
	v63 =	vld [tilespmem:$0x0]  }
0x79: {  	_ =	swait.ge [sflag:s3], $0x2000  }
0x7a: {  	[sflag:s3] =	ssyncset.done $0x0  }
0x7b: {  	s28 =	simm.s32 $0x2080;
	[sflag:s3] =	ssyncadd.s32 $0xFFFFE000  }
0x7c: {  	[spmem:s1] =	stream.indirect.scatter.add.f32 [tilespmem:s26], [sflag:$0x6], $0x80, s28, s24, $0xb8;
	v63 =	vld [tilespmem:$0x0]  }
0x7d: {  	_ =	swait.ge [sflag:s7], $0x2000  }
0x7e: {  	[sflag:s7] =	ssyncset.done $0x0  }
0x7f: {  	s31 =	simm.s32 $0x200;
	[sflag:s7] =	ssyncadd.s32 $0xFFFFE000  }
0x80: {  	[tilespmem:s21], [sflag:$0x1] =	stream.indirect.gather [hbm4b:s4+s24], $0x80, s31, s24, $0xb8;
	v63 =	vld [tilespmem:$0x0]  }
0x81: {  	_ =	swait.ge [sflag:s10], $0x2000  }
0x82: {  	[sflag:s10] =	ssyncset.done $0x0  }
0x83: {  	[sflag:s10] =	ssyncadd.s32 $0xFFFFE000  }
0x84: {  	[spmem:s1] =	stream.indirect.scatter.add.f32 [tilespmem:s29], [sflag:$0x7], $0x80, s11, s24, $0xb8;
	v63 =	vld [tilespmem:$0x0]  }
0x85: {  	_ =	swait.ge [sflag:s12], $0x2000  }
0x86: {  	[sflag:s12] =	ssyncset.done $0x0  }
0x87: {  	[sflag:s12] =	ssyncadd.s32 $0xFFFFE000  }
0x88: {  	[tilespmem:s26], [sflag:$0x2] =	stream.indirect.gather [hbm4b:s4+s24], $0x80, s13, s24, $0xb8;
	v63 =	vld [tilespmem:$0x0]  }
0x89: {  	_ =	swait.ge [sflag:s14], $0x2000  }
0x8a: {  	[sflag:s14] =	ssyncset.done $0x0  }
0x8b: {  	[sflag:s14] =	ssyncadd.s32 $0xFFFFE000  }
0x8c: {  	[spmem:s1] =	stream.indirect.scatter.add.f32 [tilespmem:s0], [sflag:$0x8], $0x80, s15, s24, $0xb8;
	v63 =	vld [tilespmem:$0x0]  }
0x8d: {  	_ =	swait.ge [sflag:s16], $0x2000  }
0x8e: {  	[sflag:s16] =	ssyncset.done $0x0  }
0x8f: {  	[sflag:s16] =	ssyncadd.s32 $0xFFFFE000  }
0x90: {  	[tilespmem:s29], [sflag:$0x3] =	stream.indirect.gather [hbm4b:s4+s24], $0x80, s17, s24, $0xb8;
	v63 =	vld [tilespmem:$0x0]  }
.LBB2_3:
0x91: {  	_ =	swait.ge [sflag:s30], $0x2000  }
0x92: {  	s25 =	sshra.s32 s20, $0x2;
	[sflag:s30] =	ssyncset.done $0x0  }
0x93: {  	s28 =	sadd.s32 $0x2200, s25;
	[sflag:s30] =	ssyncadd.s32 $0xFFFFE000  }
0x94: {  	[spmem:s1] =	stream.indirect.scatter.add.f32 [tilespmem:s21], [sflag:$0x5], $0x80, s28, s24, $0xb8;
	v63 =	vld [tilespmem:$0x0]  }
0x95: {  	_ =	swait.ge [sflag:s19], $0x2000  }
0x96: {  	[sflag:s19] =	ssyncset.done $0x0  }
0x97: {  	s2 =	sadd.s32 $0x380, s25;
	[sflag:s19] =	ssyncadd.s32 $0xFFFFE000  }
0x98: {  	[tilespmem:s0], [sflag:$0x4] =	stream.indirect.gather [hbm4b:s4+s24], $0x80, s2, s24, $0xb8;
	v63 =	vld [tilespmem:$0x0]  }
0x99: {  	_ =	swait.ge [sflag:s3], $0x2000  }
0x9a: {  	p0 =	seq.s32 s20, $0x7000;
	[sflag:s3] =	ssyncset.done $0x0  }
0x9b: {  	s9 =	sadd.s32 $0x2280, s25;
	s28 =	simm.s32 @p0 $0x3;
	[sflag:s3] =	ssyncadd.s32 $0xFFFFE000  }
0x9c: {  	[spmem:s1] =	stream.indirect.scatter.add.f32 [tilespmem:s26], [sflag:$0x6], $0x80, s9, s24, $0xb8;
	v63 =	vld [tilespmem:$0x0]  }
0x9d: {  	_ =	swait.ge @p0 [sflag:s28], $0x2000  }
0x9e: {  	[sflag:s28] =	ssyncset.done @p0 $0x0  }
0x9f: {  	[sflag:s28] =	ssyncadd.s32 @p0 $0xFFFFE000;
	s28 =	sshra.s32 @p0 s20, $0x2  }
0xa0: {  	s31 =	simm.s32 @p0 $0x40;
	s2 =	simm.s32 @p0 $0x8000;
	s28 =	sadd.s32 @p0 $0x2300, s28  }
0xa1: {  	[spmem:s1] =	stream.indirect.scatter.add.f32 @p0 [tilespmem:s2], [sflag:$0x7], $0x80, s28, s31, $0xb8;
	v63 =	vld [tilespmem:$0x0]  }
0xa2: {  	s2 =	simm.s32 @!p0 $0x5  }
0xa3: {  	_ =	swait.ge @!p0 [sflag:s2], $0x2000  }
0xa4: {  	[sflag:s2] =	ssyncset.done @!p0 $0x0  }
0xa5: {  	[sflag:s2] =	ssyncadd.s32 @!p0 $0xFFFFE000;
	s2 =	sshra.s32 @!p0 s20, $0x2  }
0xa6: {  	s9 =	simm.s32 @!p0 $0x4000;
	s31 =	simm.s32 @!p0 $0x40;
	s28 =	sadd.s32 @!p0 $0x400, s2  }
0xa7: {  	[tilespmem:s9], [sflag:$0x1] =	stream.indirect.gather @!p0 [hbm4b:s4+s31], $0x80, s28, s31, $0xb8;
	v63 =	vld [tilespmem:$0x0]  }
0xa8: {  	s9 =	simm.s32 @!p0 $0x3  }
0xa9: {  	_ =	swait.ge @!p0 [sflag:s9], $0x2000  }
0xaa: {  	[sflag:s9] =	ssyncset.done @!p0 $0x0  }
0xab: {  	s28 =	simm.s32 @!p0 $0x8000;
	[sflag:s9] =	ssyncadd.s32 @!p0 $0xFFFFE000;
	s9 =	sadd.s32 @!p0 $0x2300, s2  }
0xac: {  	[spmem:s1] =	stream.indirect.scatter.add.f32 @!p0 [tilespmem:s28], [sflag:$0x7], $0x80, s9, s31, $0xb8;
	v63 =	vld [tilespmem:$0x0]  }
0xad: {  	s9 =	simm.s32 @!p0 $0x6  }
0xae: {  	_ =	swait.ge @!p0 [sflag:s9], $0x2000  }
0xaf: {  	[sflag:s9] =	ssyncset.done @!p0 $0x0  }
0xb0: {  	s2 =	sadd.s32 @!p0 $0x480, s2;
	[sflag:s9] =	ssyncadd.s32 @!p0 $0xFFFFE000;
	s9 =	simm.s32 @!p0 $0x6000  }
0xb1: {  	[tilespmem:s9], [sflag:$0x2] =	stream.indirect.gather @!p0 [hbm4b:s4+s31], $0x80, s2, s31, $0xb8;
	v63 =	vld [tilespmem:$0x0]  }
.Ltmp4:
0xb2: {  	_ = 	snop;
	(pc) =	sbr.rel @p0 .LBB2_5-.Ltmp4, $4  }
0xb3: {  	_ =	swait.ge [sflag:s14], $0x2000  }
0xb4: {  	[sflag:s14] =	ssyncset.done $0x0  }
0xb5: {  	s31 =	sadd.s32 $0x2380, s25;
	[sflag:s14] =	ssyncadd.s32 $0xFFFFE000  }
0xb6: {  	[spmem:s1] =	stream.indirect.scatter.add.f32 [tilespmem:s0], [sflag:$0x8], $0x80, s31, s24, $0xb8;
	v63 =	vld [tilespmem:$0x0]  }
.Ltmp5:
0xb7: {  	(pc) =	sbr.rel .LBB2_3-.Ltmp5, $4  }
0xb8: {  	_ =	swait.ge [sflag:s16], $0x2000  }
0xb9: {  	[sflag:s16] =	ssyncset.done $0x0  }
0xba: {  	s2 =	sadd.s32 $0x500, s25;
	s20 =	sadd.s32 $0x800, s20;
	[sflag:s16] =	ssyncadd.s32 $0xFFFFE000  }
0xbb: {  	[tilespmem:s29], [sflag:$0x3] =	stream.indirect.gather [hbm4b:s4+s24], $0x80, s2, s24, $0xb8;
	v63 =	vld [tilespmem:$0x0]  }
.LBB2_7:
0xbc: {  	_ =	sfence.sel $0x180000  }
0xbd: {  	[bflag:$0x0] =	sbarrier.arrive $0xFFFF  }
0xbe: {  	_ =	strace $0x90000053  }
0xbf: {  	s0 =	stileid.u32;
	[bflag:$0x2] =	sbarrier.arrive $0xFFFF  }
0xc0: {  	p0 =	sne.s32 s0, $0x0;
	s0 =	rddreg [dreg:$0x2]  }
0xc1: {  	s0 =	sadd.s32 @!p0 $0x100000, s0  }
0xc2: {  	[sflag:s0] =	ssyncadd.tile.s32 @!p0 $0x1;
	_ =	shalt  }
.Lfunc_end2:
_tile_overlayer_lowered:
.L_overlay_start_2:
0xc3: {  	(tag) =	ssettag $0x2  }
0xc4: {  	s0 =	rddreg [dreg:$0x0];
	s2 =	stileid.u32  }
0xc5: {  	s1 =	rddreg [dreg:$0x1];
	p0 =	sne.s32 s2, $0x0  }
0xc6: {  	s3 =	rddreg [dreg:$0x2];
	[bflag:$0x3] =	sbarrier.arrive $0xFFFF;
	s2 =	simm.s32 @!p0 $0x1C09  }
0xc7: {  	[timem:s3], [sflag:s2] =	dma.local @!p0 [hbm:s0], s1  }
0xc8: {  	s0 =	simm.s32 @!p0 $0x9  }
0xc9: {  	_ =	swait.ge @!p0 [sflag:s0], s1  }
0xca: {  	s1 =	ssub.s32 @!p0 $0x0, s1;
	[sflag:s0] =	ssyncset.done @!p0 $0x0  }
0xcb: {  	[sflag:s0] =	ssyncadd.s32 @!p0 s1  }
0xcc: {  	[bflag:$0x3] =	sbarrier.arrive $0xFFFF  }
0xcd: {  	_ =	shalt  }

</sc_bundles>
